<compile_context>
chip_gen: v7x
topology: tpu7x:2x2x1
jax: 0.10.2.dev20260603
libtpu: 0.0.44.dev20260713+nightly
codegen_flags: <defaults>
</compile_context>

<pallas_src>
import functools

import jax
import jax.numpy as jnp
from jax import lax
from jax.experimental import pallas as pl
from jax.experimental.pallas import tpu as pltpu
from jax.experimental.pallas import tpu_sc as plsc

N = 10000
E = 320000
D = 128
H = 64

NC = 2
NS = 16
NW = NC * NS
WIN = 256
NROWS = E // WIN
NWIN = NROWS // NW
NXTRA = NROWS - NWIN * NW
N_PAD = 10016
RPT = N_PAD // NS
F2 = 8
FD = 16

_MESH = plsc.VectorSubcoreMesh(
    core_axis_name="c", subcore_axis_name="s", num_cores=NC, num_subcores=NS)


def _make_agg(F, nbuf, sub, name):

  LW = WIN // sub
  NL = NWIN * sub

  @functools.partial(
      pl.kernel,
      out_type=jax.ShapeDtypeStruct((NC, N_PAD, F), jnp.float32),
      mesh=_MESH,
      scratch_types=[
          pltpu.VMEM((NWIN + 1, WIN), jnp.int32),
          pltpu.VMEM((NWIN + 1, WIN), jnp.int32),
          [pltpu.VMEM((LW, F), jnp.float32)] * nbuf,
          pltpu.VMEM_SHARED((N_PAD, F), jnp.float32),
          [pltpu.SemaphoreType.DMA] * nbuf,
          [pltpu.SemaphoreType.DMA] * nbuf,
      ],
      compiler_params=pltpu.CompilerParams(use_tc_tiling_on_sc=False),
      name=name,
  )
  def agg(y_hbm, ei_hbm, z_hbm, out_hbm, src_i, dst_i, rows,
          acc_sh, gsem, ssem):
    c = lax.axis_index("c")
    s = lax.axis_index("s")
    wid = c * NS + s
    wbase = wid * NWIN
    srcw_hbm = ei_hbm.at[0]
    dstw_hbm = ei_hbm.at[1]
    pltpu.sync_copy(srcw_hbm.at[pl.ds(wbase, NWIN)], src_i.at[pl.ds(0, NWIN)])
    pltpu.sync_copy(dstw_hbm.at[pl.ds(wbase, NWIN)], dst_i.at[pl.ds(0, NWIN)])

    @pl.when(wid < NXTRA)
    def _():
      xrow = NWIN * NW + wid
      pltpu.sync_copy(srcw_hbm.at[pl.ds(xrow, 1)], src_i.at[pl.ds(NWIN, 1)])
      pltpu.sync_copy(dstw_hbm.at[pl.ds(xrow, 1)], dst_i.at[pl.ds(NWIN, 1)])

    pltpu.sync_copy(z_hbm, acc_sh.at[pl.ds(s * RPT, RPT)])
    plsc.subcore_barrier()

    def sidx(ref, lw):
      return ref.at[lw // sub].at[pl.ds((lw % sub) * LW, LW)]

    for b in range(nbuf):
      pltpu.async_copy(y_hbm.at[sidx(src_i, b)], rows[b], gsem[b])

    ngrp = -(-NL // nbuf)

    def grp(i, carry):
      w = nbuf * i
      for b in range(nbuf):

        @pl.when(w + b < NL)
        def _():
          pltpu.make_async_copy(y_hbm.at[sidx(src_i, w + b)], rows[b],
                                gsem[b]).wait()
          pltpu.async_copy(rows[b], acc_sh.at[sidx(dst_i, w + b)], ssem[b],
                           add=True)

      for b in range(nbuf):
        wn = w + nbuf + b

        @pl.when(wn < NL)
        def _():
          pltpu.make_async_copy(rows[b], acc_sh.at[sidx(dst_i, 0)],
                                ssem[b]).wait()
          pltpu.async_copy(y_hbm.at[sidx(src_i, wn)], rows[b], gsem[b])

      return carry

    lax.fori_loop(0, ngrp, grp, 0)
    for b in range(nbuf):

      @pl.when(b < NL)
      def _():
        pltpu.make_async_copy(rows[b], acc_sh.at[sidx(dst_i, 0)],
                              ssem[b]).wait()

    @pl.when(wid < NXTRA)
    def _():
      for x in range(sub):
        pltpu.sync_copy(y_hbm.at[sidx(src_i, NWIN * sub + x)], rows[0])
        pltpu.sync_copy(rows[0], acc_sh.at[sidx(dst_i, NWIN * sub + x)],
                        add=True)

    plsc.subcore_barrier()
    pltpu.sync_copy(acc_sh.at[pl.ds(s * RPT, RPT)],
                    out_hbm.at[c].at[pl.ds(s * RPT, RPT)])

  return agg


_DEG_NBUF = 8


@functools.partial(
    pl.kernel,
    out_type=jax.ShapeDtypeStruct((NC, N_PAD, F2), jnp.float32),
    mesh=_MESH,
    scratch_types=[
        pltpu.VMEM((NWIN + 1, WIN), jnp.int32),
        pltpu.VMEM((WIN, F2), jnp.float32),
        pltpu.VMEM_SHARED((N_PAD, F2), jnp.float32),
        pltpu.SemaphoreType.DMA,
    ],
    compiler_params=pltpu.CompilerParams(use_tc_tiling_on_sc=False),
    name="gcn_deg_sc",
)
def _deg_sc(ei_hbm, ones_hbm, z_hbm, out_hbm, dst_i, ones_v, acc_sh, sem):
  c = lax.axis_index("c")
  s = lax.axis_index("s")
  wid = c * NS + s
  dstw_hbm = ei_hbm.at[1]
  pltpu.sync_copy(dstw_hbm.at[pl.ds(wid * NWIN, NWIN)],
                  dst_i.at[pl.ds(0, NWIN)])

  @pl.when(wid < NXTRA)
  def _():
    pltpu.sync_copy(dstw_hbm.at[pl.ds(NWIN * NW + wid, 1)],
                    dst_i.at[pl.ds(NWIN, 1)])

  pltpu.sync_copy(ones_hbm, ones_v)
  pltpu.sync_copy(z_hbm, acc_sh.at[pl.ds(s * RPT, RPT)])
  plsc.subcore_barrier()

  def grp(g, carry):
    base = g * _DEG_NBUF
    for j in range(_DEG_NBUF):

      @pl.when(base + j < NWIN)
      def _():
        pltpu.async_copy(ones_v, acc_sh.at[dst_i.at[base + j]], sem, add=True)

    for j in range(_DEG_NBUF):

      @pl.when(base + j < NWIN)
      def _():
        pltpu.make_async_copy(ones_v, acc_sh.at[dst_i.at[base + j]],
                              sem).wait()

    return carry

  lax.fori_loop(0, -(-NWIN // _DEG_NBUF), grp, 0)

  @pl.when(wid < NXTRA)
  def _():
    pltpu.sync_copy(ones_v, acc_sh.at[dst_i.at[NWIN]], add=True)

  plsc.subcore_barrier()
  pltpu.sync_copy(acc_sh.at[pl.ds(s * RPT, RPT)],
                  out_hbm.at[c].at[pl.ds(s * RPT, RPT)])


_agg64 = _make_agg(H, 6, 2, "gcn_agg64_sc")
_agg8 = _make_agg(F2, 8, 1, "gcn_agg8_sc")

_RB = 5000
_GRID = (N // _RB,)


def _tcmm1_body(x_ref, w1_ref, xw_ref):
  xw_ref[...] = jnp.dot(x_ref[...], w1_ref[...],
                        preferred_element_type=jnp.float32)


_tcmm1 = pl.pallas_call(
    _tcmm1_body,
    grid=_GRID,
    in_specs=[
        pl.BlockSpec((_RB, D), lambda i: (i, 0)),
        pl.BlockSpec((D, H), lambda i: (0, 0)),
    ],
    out_specs=pl.BlockSpec((_RB, H), lambda i: (i, 0)),
    out_shape=jax.ShapeDtypeStruct((N, H), jnp.float32),
)


def _tc1_body(xw_ref, dp_ref, y1_ref, dinv_ref):
  deg = 1.0 + dp_ref[0] + dp_ref[1]
  dinv = lax.rsqrt(deg)
  d0 = dinv[:, 0:1]
  y1_ref[...] = xw_ref[...] * d0
  dinv_ref[...] = jnp.concatenate([dinv, dinv], axis=1)


_tc1 = pl.pallas_call(
    _tc1_body,
    grid=_GRID,
    in_specs=[
        pl.BlockSpec((_RB, H), lambda i: (i, 0)),
        pl.BlockSpec((NC, _RB, F2), lambda i: (0, i, 0)),
    ],
    out_specs=[
        pl.BlockSpec((_RB, H), lambda i: (i, 0)),
        pl.BlockSpec((_RB, FD), lambda i: (i, 0)),
    ],
    out_shape=[
        jax.ShapeDtypeStruct((N, H), jnp.float32),
        jax.ShapeDtypeStruct((N, FD), jnp.float32),
    ],
)


def _tc2_body(a1_ref, xw_ref, dinv_ref, b1_ref, w2_ref, hw2_ref, y2_ref):
  d0 = dinv_ref[:, 0:1]
  agg = a1_ref[0] + a1_ref[1]
  out1 = d0 * agg + (d0 * d0) * xw_ref[...] + b1_ref[...]
  h = jnp.maximum(out1, 0.0)
  hw2 = jnp.dot(h, w2_ref[...], preferred_element_type=jnp.float32)
  hw2_ref[...] = hw2
  y2_ref[...] = hw2 * d0


_tc2 = pl.pallas_call(
    _tc2_body,
    grid=_GRID,
    in_specs=[
        pl.BlockSpec((NC, _RB, H), lambda i: (0, i, 0)),
        pl.BlockSpec((_RB, H), lambda i: (i, 0)),
        pl.BlockSpec((_RB, FD), lambda i: (i, 0)),
        pl.BlockSpec((1, H), lambda i: (0, 0)),
        pl.BlockSpec((H, F2), lambda i: (0, 0)),
    ],
    out_specs=[
        pl.BlockSpec((_RB, F2), lambda i: (i, 0)),
        pl.BlockSpec((_RB, F2), lambda i: (i, 0)),
    ],
    out_shape=[
        jax.ShapeDtypeStruct((N, F2), jnp.float32),
        jax.ShapeDtypeStruct((N, F2), jnp.float32),
    ],
)


def _tc3_body(a2_ref, hw2_ref, dinv_ref, b2_ref, out_ref):
  d0 = dinv_ref[:, 0:1]
  agg = a2_ref[0] + a2_ref[1]
  full = d0 * agg + (d0 * d0) * hw2_ref[...] + b2_ref[...]
  out_ref[...] = full[:, :2]


_tc3 = pl.pallas_call(
    _tc3_body,
    grid=_GRID,
    in_specs=[
        pl.BlockSpec((NC, _RB, F2), lambda i: (0, i, 0)),
        pl.BlockSpec((_RB, F2), lambda i: (i, 0)),
        pl.BlockSpec((_RB, FD), lambda i: (i, 0)),
        pl.BlockSpec((1, F2), lambda i: (0, 0)),
    ],
    out_specs=pl.BlockSpec((_RB, 2), lambda i: (i, 0)),
    out_shape=jax.ShapeDtypeStruct((N, 2), jnp.float32),
)


def kernel(x, edge_index, W1, b1, W2, b2):
  ei3 = edge_index.astype(jnp.int32).reshape(2, NROWS, WIN)

  ones_w = jnp.ones((WIN, F2), jnp.float32)
  z8 = jnp.zeros((RPT, F2), jnp.float32)
  z64 = jnp.zeros((RPT, H), jnp.float32)

  dp = _deg_sc(ei3, ones_w, z8)
  xw = _tcmm1(x, W1)
  y1, dinv = _tc1(xw, dp)
  a1 = _agg64(y1, ei3, z64)
  b1r = b1.reshape(1, H)
  w2p = jnp.zeros((H, F2), jnp.float32).at[:, :2].set(W2)
  hw2, y2 = _tc2(a1, xw, dinv, b1r, w2p)
  a2 = _agg8(y2, ei3, z8)
  b2p = jnp.zeros((1, F2), jnp.float32).at[0, :2].set(b2)
  return _tc3(a2, hw2, dinv, b2p)

# --- scband reference (transcript-rebuilt; emitter-appended) ---
"""Pipeline reference for scband-gcn-2585570312415 (READ-ONLY COPY).

The authoritative reference and input builder live on the scoring server;
editing this copy changes nothing except your own understanding.
"""

import jax, jax.numpy as jnp
import numpy as np

N_NODES = 10000
N_EDGES = 320000
D_FEAT = 128
HIDDEN = 64
N_CLASSES = 2


def setup_inputs(seed: int = 0) -> dict:
    key = jax.random.key(seed)
    k1, k2, k3, k4, k5, k6 = jax.random.split(key, 6)
    x = jax.random.normal(k1, (N_NODES, D_FEAT), dtype=jnp.float32)
    edge_index = jax.random.randint(k2, (2, N_EDGES), 0, N_NODES, dtype=jnp.int64)
    # GCNConv parameters (glorot-style scale)
    W1 = jax.random.normal(k3, (D_FEAT, HIDDEN), dtype=jnp.float32) * (1.0 / np.sqrt(D_FEAT))
    b1 = jnp.zeros((HIDDEN,), dtype=jnp.float32)
    W2 = jax.random.normal(k4, (HIDDEN, N_CLASSES), dtype=jnp.float32) * (1.0 / np.sqrt(HIDDEN))
    b2 = jnp.zeros((N_CLASSES,), dtype=jnp.float32)
    return {"x": x, "edge_index": edge_index, "W1": W1, "b1": b1, "W2": W2, "b2": b2}


def _gcn_conv(x, edge_index, W, b, num_nodes):
    # GCNConv: x' = D^{-1/2} (A + I) D^{-1/2} X W + b
    src = edge_index[0]
    dst = edge_index[1]
    loop = jnp.arange(num_nodes, dtype=src.dtype)
    src = jnp.concatenate([src, loop])
    dst = jnp.concatenate([dst, loop])
    xw = x @ W
    deg = jnp.zeros((num_nodes,), dtype=x.dtype).at[dst].add(1.0)
    dinv = 1.0 / jnp.sqrt(jnp.clip(deg, 1.0, None))
    norm = dinv[src] * dinv[dst]
    msg = jnp.take(xw, src, axis=0) * norm[:, None]
    out = jax.ops.segment_sum(msg, dst, num_segments=num_nodes)
    return out + b


def reference(x, edge_index, W1, b1, W2, b2):
    h = _gcn_conv(x, edge_index, W1, b1, N_NODES)
    h = jax.nn.relu(h)
    # dropout p=0.5 is identity in eval mode (training=False)
    out = _gcn_conv(h, edge_index, W2, b2, N_NODES)
    return out

if __name__ == "__main__":
    import jax
    _d = setup_inputs()
    print(jax.jit(kernel)(*tuple(_d.values())))

</pallas_src>

<mosaic_0001>
#map = affine_map<(d0, d1) -> (0, 0)>
#map1 = affine_map<(d0, d1) -> (0, 0, 0)>
module attributes {stable_mosaic.version = 14 : i64} {
  func.func @gcn_agg64_sc(%arg0: i32, %arg1: i32, %arg2: memref<10000x64xf32, #tpu.memory_space<hbm>>, %arg3: memref<2x1250x256xi32, #tpu.memory_space<hbm>>, %arg4: memref<626x64xf32, #tpu.memory_space<hbm>>, %arg5: memref<2x10016x64xf32, #tpu.memory_space<hbm>>, %arg6: memref<40x256xi32, #tpu.memory_space<vmem>>, %arg7: memref<40x256xi32, #tpu.memory_space<vmem>>, %arg8: memref<128x64xf32, #tpu.memory_space<vmem>>, %arg9: memref<128x64xf32, #tpu.memory_space<vmem>>, %arg10: memref<128x64xf32, #tpu.memory_space<vmem>>, %arg11: memref<128x64xf32, #tpu.memory_space<vmem>>, %arg12: memref<128x64xf32, #tpu.memory_space<vmem>>, %arg13: memref<128x64xf32, #tpu.memory_space<vmem>>, %arg14: memref<10016x64xf32, #tpu.memory_space<vmem_shared>>, %arg15: memref<!tpu.dma_semaphore, #tpu.memory_space<semaphore_mem>>, %arg16: memref<!tpu.dma_semaphore, #tpu.memory_space<semaphore_mem>>, %arg17: memref<!tpu.dma_semaphore, #tpu.memory_space<semaphore_mem>>, %arg18: memref<!tpu.dma_semaphore, #tpu.memory_space<semaphore_mem>>, %arg19: memref<!tpu.dma_semaphore, #tpu.memory_space<semaphore_mem>>, %arg20: memref<!tpu.dma_semaphore, #tpu.memory_space<semaphore_mem>>, %arg21: memref<!tpu.dma_semaphore, #tpu.memory_space<semaphore_mem>>, %arg22: memref<!tpu.dma_semaphore, #tpu.memory_space<semaphore_mem>>, %arg23: memref<!tpu.dma_semaphore, #tpu.memory_space<semaphore_mem>>, %arg24: memref<!tpu.dma_semaphore, #tpu.memory_space<semaphore_mem>>, %arg25: memref<!tpu.dma_semaphore, #tpu.memory_space<semaphore_mem>>, %arg26: memref<!tpu.dma_semaphore, #tpu.memory_space<semaphore_mem>>) attributes {dimension_semantics = [#tpu.dimension_semantics<core_parallel>, #tpu.dimension_semantics<subcore_parallel>], iteration_bounds = array<i64: 2, 16>, scalar_prefetch = 0 : i64, scratch_operands = 21 : i64, tpu.core_type = #tpu.core_type<sc_vector_subcore>, window_params = [{transform_indices = #map}, {transform_indices = #map1}, {transform_indices = #map}, {transform_indices = #map1}]} {
    %mul3A = arith.constant 16 : i32
    %mul3A_0 = arith.muli %arg0, %mul3A : i32
    %add3A = arith.addi %mul3A_0, %arg1 : i32
    %mul3A_1 = arith.constant 39 : i32
    %mul3A_2 = arith.muli %add3A, %mul3A_1 : i32
    %run_scoped3A = arith.constant 0 : i32
    "tpu.region"() ({
      %run_scoped3A_131 = tpu.sem_alloc : memref<!tpu.dma_semaphore, #tpu.memory_space<semaphore_mem>>
      %dma_start3A_132 = arith.constant 0 : i32
      %dma_start3A_133 = arith.constant 0 : i32
      %dma_start3A_134 = tpu.memref_slice %arg6[%dma_start3A_132, %dma_start3A_133] : memref<40x256xi32, #tpu.memory_space<vmem>> -> memref<39x256xi32, #tpu.memory_space<vmem>>
      %dma_start3A_135 = arith.constant 0 : i32
      %dma_start3A_136 = arith.constant 0 : i32
      %dma_start3A_137 = tpu.memref_slice %arg3[%run_scoped3A, %dma_start3A_135, %dma_start3A_136] : memref<2x1250x256xi32, #tpu.memory_space<hbm>> -> memref<1x1250x256xi32, #tpu.memory_space<hbm>>
      %dma_start3A_138 = tpu.memref_squeeze %dma_start3A_137 : memref<1x1250x256xi32, #tpu.memory_space<hbm>> -> memref<1250x256xi32, #tpu.memory_space<hbm>>
      %dma_start3A_139 = arith.constant 0 : i32
      %dma_start3A_140 = tpu.memref_slice %dma_start3A_138[%mul3A_2, %dma_start3A_139] : memref<1250x256xi32, #tpu.memory_space<hbm>> -> memref<39x256xi32, #tpu.memory_space<hbm>>
      %dma_start3A_141 = arith.constant 0 : i32
      %dma_start3A_142 = arith.constant 0 : i32
      %dma_start3A_143 = tpu.memref_slice %arg6[%dma_start3A_141, %dma_start3A_142] : memref<40x256xi32, #tpu.memory_space<vmem>> -> memref<39x256xi32, #tpu.memory_space<vmem>>
      %dma_start3A_144 = arith.constant 0 : i32
      %dma_start3A_145 = arith.constant 0 : i32
      %dma_start3A_146 = tpu.memref_slice %arg3[%run_scoped3A, %dma_start3A_144, %dma_start3A_145] : memref<2x1250x256xi32, #tpu.memory_space<hbm>> -> memref<1x1250x256xi32, #tpu.memory_space<hbm>>
      %dma_start3A_147 = tpu.memref_squeeze %dma_start3A_146 : memref<1x1250x256xi32, #tpu.memory_space<hbm>> -> memref<1250x256xi32, #tpu.memory_space<hbm>>
      %dma_start3A_148 = arith.constant 0 : i32
      %dma_start3A_149 = tpu.memref_slice %dma_start3A_147[%mul3A_2, %dma_start3A_148] : memref<1250x256xi32, #tpu.memory_space<hbm>> -> memref<39x256xi32, #tpu.memory_space<hbm>>
      tpu.enqueue_dma source(%dma_start3A_149 : memref<39x256xi32, #tpu.memory_space<hbm>>) target(%dma_start3A_143 : memref<39x256xi32, #tpu.memory_space<vmem>>) target_semaphore(%run_scoped3A_131 : memref<!tpu.dma_semaphore, #tpu.memory_space<semaphore_mem>>)
      %dma_wait3A_150 = arith.constant 0 : i32
      %dma_wait3A_151 = arith.constant 0 : i32
      %dma_wait3A_152 = tpu.memref_slice %arg6[%dma_wait3A_150, %dma_wait3A_151] : memref<40x256xi32, #tpu.memory_space<vmem>> -> memref<39x256xi32, #tpu.memory_space<vmem>>
      %dma_wait3A_153 = arith.constant 0 : i32
      %dma_wait3A_154 = arith.constant 0 : i32
      %dma_wait3A_155 = tpu.memref_slice %arg3[%run_scoped3A, %dma_wait3A_153, %dma_wait3A_154] : memref<2x1250x256xi32, #tpu.memory_space<hbm>> -> memref<1x1250x256xi32, #tpu.memory_space<hbm>>
      %dma_wait3A_156 = tpu.memref_squeeze %dma_wait3A_155 : memref<1x1250x256xi32, #tpu.memory_space<hbm>> -> memref<1250x256xi32, #tpu.memory_space<hbm>>
      %dma_wait3A_157 = arith.constant 0 : i32
      %dma_wait3A_158 = tpu.memref_slice %dma_wait3A_156[%mul3A_2, %dma_wait3A_157] : memref<1250x256xi32, #tpu.memory_space<hbm>> -> memref<39x256xi32, #tpu.memory_space<hbm>>
      %dma_wait3A_159 = arith.constant 0 : i32
      %dma_wait3A_160 = arith.constant 0 : i32
      %dma_wait3A_161 = tpu.memref_slice %arg6[%dma_wait3A_159, %dma_wait3A_160] : memref<40x256xi32, #tpu.memory_space<vmem>> -> memref<39x256xi32, #tpu.memory_space<vmem>>
      %dma_wait3A_162 = arith.constant 0 : i32
      %dma_wait3A_163 = arith.constant 0 : i32
      %dma_wait3A_164 = tpu.memref_slice %arg3[%run_scoped3A, %dma_wait3A_162, %dma_wait3A_163] : memref<2x1250x256xi32, #tpu.memory_space<hbm>> -> memref<1x1250x256xi32, #tpu.memory_space<hbm>>
      %dma_wait3A_165 = tpu.memref_squeeze %dma_wait3A_164 : memref<1x1250x256xi32, #tpu.memory_space<hbm>> -> memref<1250x256xi32, #tpu.memory_space<hbm>>
      %dma_wait3A_166 = arith.constant 0 : i32
      %dma_wait3A_167 = tpu.memref_slice %dma_wait3A_165[%mul3A_2, %dma_wait3A_166] : memref<1250x256xi32, #tpu.memory_space<hbm>> -> memref<39x256xi32, #tpu.memory_space<hbm>>
      tpu.wait_dma2 semaphore(%run_scoped3A_131 : memref<!tpu.dma_semaphore, #tpu.memory_space<semaphore_mem>>) src(%dma_wait3A_167 : memref<39x256xi32, #tpu.memory_space<hbm>>) dst(%dma_wait3A_161 : memref<39x256xi32, #tpu.memory_space<vmem>>)
      tpu.yield
    }) : () -> ()
    %run_scoped3A_3 = arith.constant 1 : i32
    "tpu.region"() ({
      %run_scoped3A_131 = tpu.sem_alloc : memref<!tpu.dma_semaphore, #tpu.memory_space<semaphore_mem>>
      %dma_start3A_132 = arith.constant 0 : i32
      %dma_start3A_133 = arith.constant 0 : i32
      %dma_start3A_134 = tpu.memref_slice %arg7[%dma_start3A_132, %dma_start3A_133] : memref<40x256xi32, #tpu.memory_space<vmem>> -> memref<39x256xi32, #tpu.memory_space<vmem>>
      %dma_start3A_135 = arith.constant 0 : i32
      %dma_start3A_136 = arith.constant 0 : i32
      %dma_start3A_137 = tpu.memref_slice %arg3[%run_scoped3A_3, %dma_start3A_135, %dma_start3A_136] : memref<2x1250x256xi32, #tpu.memory_space<hbm>> -> memref<1x1250x256xi32, #tpu.memory_space<hbm>>
      %dma_start3A_138 = tpu.memref_squeeze %dma_start3A_137 : memref<1x1250x256xi32, #tpu.memory_space<hbm>> -> memref<1250x256xi32, #tpu.memory_space<hbm>>
      %dma_start3A_139 = arith.constant 0 : i32
      %dma_start3A_140 = tpu.memref_slice %dma_start3A_138[%mul3A_2, %dma_start3A_139] : memref<1250x256xi32, #tpu.memory_space<hbm>> -> memref<39x256xi32, #tpu.memory_space<hbm>>
      %dma_start3A_141 = arith.constant 0 : i32
      %dma_start3A_142 = arith.constant 0 : i32
      %dma_start3A_143 = tpu.memref_slice %arg7[%dma_start3A_141, %dma_start3A_142] : memref<40x256xi32, #tpu.memory_space<vmem>> -> memref<39x256xi32, #tpu.memory_space<vmem>>
      %dma_start3A_144 = arith.constant 0 : i32
      %dma_start3A_145 = arith.constant 0 : i32
      %dma_start3A_146 = tpu.memref_slice %arg3[%run_scoped3A_3, %dma_start3A_144, %dma_start3A_145] : memref<2x1250x256xi32, #tpu.memory_space<hbm>> -> memref<1x1250x256xi32, #tpu.memory_space<hbm>>
      %dma_start3A_147 = tpu.memref_squeeze %dma_start3A_146 : memref<1x1250x256xi32, #tpu.memory_space<hbm>> -> memref<1250x256xi32, #tpu.memory_space<hbm>>
      %dma_start3A_148 = arith.constant 0 : i32
      %dma_start3A_149 = tpu.memref_slice %dma_start3A_147[%mul3A_2, %dma_start3A_148] : memref<1250x256xi32, #tpu.memory_space<hbm>> -> memref<39x256xi32, #tpu.memory_space<hbm>>
      tpu.enqueue_dma source(%dma_start3A_149 : memref<39x256xi32, #tpu.memory_space<hbm>>) target(%dma_start3A_143 : memref<39x256xi32, #tpu.memory_space<vmem>>) target_semaphore(%run_scoped3A_131 : memref<!tpu.dma_semaphore, #tpu.memory_space<semaphore_mem>>)
      %dma_wait3A_150 = arith.constant 0 : i32
      %dma_wait3A_151 = arith.constant 0 : i32
      %dma_wait3A_152 = tpu.memref_slice %arg7[%dma_wait3A_150, %dma_wait3A_151] : memref<40x256xi32, #tpu.memory_space<vmem>> -> memref<39x256xi32, #tpu.memory_space<vmem>>
      %dma_wait3A_153 = arith.constant 0 : i32
      %dma_wait3A_154 = arith.constant 0 : i32
      %dma_wait3A_155 = tpu.memref_slice %arg3[%run_scoped3A_3, %dma_wait3A_153, %dma_wait3A_154] : memref<2x1250x256xi32, #tpu.memory_space<hbm>> -> memref<1x1250x256xi32, #tpu.memory_space<hbm>>
      %dma_wait3A_156 = tpu.memref_squeeze %dma_wait3A_155 : memref<1x1250x256xi32, #tpu.memory_space<hbm>> -> memref<1250x256xi32, #tpu.memory_space<hbm>>
      %dma_wait3A_157 = arith.constant 0 : i32
      %dma_wait3A_158 = tpu.memref_slice %dma_wait3A_156[%mul3A_2, %dma_wait3A_157] : memref<1250x256xi32, #tpu.memory_space<hbm>> -> memref<39x256xi32, #tpu.memory_space<hbm>>
      %dma_wait3A_159 = arith.constant 0 : i32
      %dma_wait3A_160 = arith.constant 0 : i32
      %dma_wait3A_161 = tpu.memref_slice %arg7[%dma_wait3A_159, %dma_wait3A_160] : memref<40x256xi32, #tpu.memory_space<vmem>> -> memref<39x256xi32, #tpu.memory_space<vmem>>
      %dma_wait3A_162 = arith.constant 0 : i32
      %dma_wait3A_163 = arith.constant 0 : i32
      %dma_wait3A_164 = tpu.memref_slice %arg3[%run_scoped3A_3, %dma_wait3A_162, %dma_wait3A_163] : memref<2x1250x256xi32, #tpu.memory_space<hbm>> -> memref<1x1250x256xi32, #tpu.memory_space<hbm>>
      %dma_wait3A_165 = tpu.memref_squeeze %dma_wait3A_164 : memref<1x1250x256xi32, #tpu.memory_space<hbm>> -> memref<1250x256xi32, #tpu.memory_space<hbm>>
      %dma_wait3A_166 = arith.constant 0 : i32
      %dma_wait3A_167 = tpu.memref_slice %dma_wait3A_165[%mul3A_2, %dma_wait3A_166] : memref<1250x256xi32, #tpu.memory_space<hbm>> -> memref<39x256xi32, #tpu.memory_space<hbm>>
      tpu.wait_dma2 semaphore(%run_scoped3A_131 : memref<!tpu.dma_semaphore, #tpu.memory_space<semaphore_mem>>) src(%dma_wait3A_167 : memref<39x256xi32, #tpu.memory_space<hbm>>) dst(%dma_wait3A_161 : memref<39x256xi32, #tpu.memory_space<vmem>>)
      tpu.yield
    }) : () -> ()
    %lt3A = arith.constant 2 : i32
    %lt3A_4 = arith.cmpi slt, %add3A, %lt3A : i32
    %convert_element_type3A = arith.extui %lt3A_4 : i1 to i32
    %cond3A = arith.constant 0 : i32
    %cond3A_5 = arith.constant 1 : i32
    %cond3A_6 = arith.constant 0 : i32
    %cond3A_7 = arith.cmpi ne, %convert_element_type3A, %cond3A_6 : i32
    scf.if %cond3A_7 {
      %add3A_131 = arith.constant 1248 : i32
      %add3A_132 = arith.addi %add3A_131, %add3A : i32
      "tpu.region"() ({
        %run_scoped3A_133 = tpu.sem_alloc : memref<!tpu.dma_semaphore, #tpu.memory_space<semaphore_mem>>
        %dma_start3A_134 = arith.constant 39 : i32
        %dma_start3A_135 = arith.constant 0 : i32
        %dma_start3A_136 = tpu.memref_slice %arg6[%dma_start3A_134, %dma_start3A_135] : memref<40x256xi32, #tpu.memory_space<vmem>> -> memref<1x256xi32, #tpu.memory_space<vmem>>
        %dma_start3A_137 = arith.constant 0 : i32
        %dma_start3A_138 = arith.constant 0 : i32
        %dma_start3A_139 = tpu.memref_slice %arg3[%cond3A, %dma_start3A_137, %dma_start3A_138] : memref<2x1250x256xi32, #tpu.memory_space<hbm>> -> memref<1x1250x256xi32, #tpu.memory_space<hbm>>
        %dma_start3A_140 = tpu.memref_squeeze %dma_start3A_139 : memref<1x1250x256xi32, #tpu.memory_space<hbm>> -> memref<1250x256xi32, #tpu.memory_space<hbm>>
        %dma_start3A_141 = arith.constant 0 : i32
        %dma_start3A_142 = tpu.memref_slice %dma_start3A_140[%add3A_132, %dma_start3A_141] : memref<1250x256xi32, #tpu.memory_space<hbm>> -> memref<1x256xi32, #tpu.memory_space<hbm>>
        %dma_start3A_143 = arith.constant 39 : i32
        %dma_start3A_144 = arith.constant 0 : i32
        %dma_start3A_145 = tpu.memref_slice %arg6[%dma_start3A_143, %dma_start3A_144] : memref<40x256xi32, #tpu.memory_space<vmem>> -> memref<1x256xi32, #tpu.memory_space<vmem>>
        %dma_start3A_146 = arith.constant 0 : i32
        %dma_start3A_147 = arith.constant 0 : i32
        %dma_start3A_148 = tpu.memref_slice %arg3[%cond3A, %dma_start3A_146, %dma_start3A_147] : memref<2x1250x256xi32, #tpu.memory_space<hbm>> -> memref<1x1250x256xi32, #tpu.memory_space<hbm>>
        %dma_start3A_149 = tpu.memref_squeeze %dma_start3A_148 : memref<1x1250x256xi32, #tpu.memory_space<hbm>> -> memref<1250x256xi32, #tpu.memory_space<hbm>>
        %dma_start3A_150 = arith.constant 0 : i32
        %dma_start3A_151 = tpu.memref_slice %dma_start3A_149[%add3A_132, %dma_start3A_150] : memref<1250x256xi32, #tpu.memory_space<hbm>> -> memref<1x256xi32, #tpu.memory_space<hbm>>
        tpu.enqueue_dma source(%dma_start3A_151 : memref<1x256xi32, #tpu.memory_space<hbm>>) target(%dma_start3A_145 : memref<1x256xi32, #tpu.memory_space<vmem>>) target_semaphore(%run_scoped3A_133 : memref<!tpu.dma_semaphore, #tpu.memory_space<semaphore_mem>>)
        %dma_wait3A_152 = arith.constant 39 : i32
        %dma_wait3A_153 = arith.constant 0 : i32
        %dma_wait3A_154 = tpu.memref_slice %arg6[%dma_wait3A_152, %dma_wait3A_153] : memref<40x256xi32, #tpu.memory_space<vmem>> -> memref<1x256xi32, #tpu.memory_space<vmem>>
        %dma_wait3A_155 = arith.constant 0 : i32
        %dma_wait3A_156 = arith.constant 0 : i32
        %dma_wait3A_157 = tpu.memref_slice %arg3[%cond3A, %dma_wait3A_155, %dma_wait3A_156] : memref<2x1250x256xi32, #tpu.memory_space<hbm>> -> memref<1x1250x256xi32, #tpu.memory_space<hbm>>
        %dma_wait3A_158 = tpu.memref_squeeze %dma_wait3A_157 : memref<1x1250x256xi32, #tpu.memory_space<hbm>> -> memref<1250x256xi32, #tpu.memory_space<hbm>>
        %dma_wait3A_159 = arith.constant 0 : i32
        %dma_wait3A_160 = tpu.memref_slice %dma_wait3A_158[%add3A_132, %dma_wait3A_159] : memref<1250x256xi32, #tpu.memory_space<hbm>> -> memref<1x256xi32, #tpu.memory_space<hbm>>
        %dma_wait3A_161 = arith.constant 39 : i32
        %dma_wait3A_162 = arith.constant 0 : i32
        %dma_wait3A_163 = tpu.memref_slice %arg6[%dma_wait3A_161, %dma_wait3A_162] : memref<40x256xi32, #tpu.memory_space<vmem>> -> memref<1x256xi32, #tpu.memory_space<vmem>>
        %dma_wait3A_164 = arith.constant 0 : i32
        %dma_wait3A_165 = arith.constant 0 : i32
        %dma_wait3A_166 = tpu.memref_slice %arg3[%cond3A, %dma_wait3A_164, %dma_wait3A_165] : memref<2x1250x256xi32, #tpu.memory_space<hbm>> -> memref<1x1250x256xi32, #tpu.memory_space<hbm>>
        %dma_wait3A_167 = tpu.memref_squeeze %dma_wait3A_166 : memref<1x1250x256xi32, #tpu.memory_space<hbm>> -> memref<1250x256xi32, #tpu.memory_space<hbm>>
        %dma_wait3A_168 = arith.constant 0 : i32
        %dma_wait3A_169 = tpu.memref_slice %dma_wait3A_167[%add3A_132, %dma_wait3A_168] : memref<1250x256xi32, #tpu.memory_space<hbm>> -> memref<1x256xi32, #tpu.memory_space<hbm>>
        tpu.wait_dma2 semaphore(%run_scoped3A_133 : memref<!tpu.dma_semaphore, #tpu.memory_space<semaphore_mem>>) src(%dma_wait3A_169 : memref<1x256xi32, #tpu.memory_space<hbm>>) dst(%dma_wait3A_163 : memref<1x256xi32, #tpu.memory_space<vmem>>)
        tpu.yield
      }) : () -> ()
      "tpu.region"() ({
        %run_scoped3A_133 = tpu.sem_alloc : memref<!tpu.dma_semaphore, #tpu.memory_space<semaphore_mem>>
        %dma_start3A_134 = arith.constant 39 : i32
        %dma_start3A_135 = arith.constant 0 : i32
        %dma_start3A_136 = tpu.memref_slice %arg7[%dma_start3A_134, %dma_start3A_135] : memref<40x256xi32, #tpu.memory_space<vmem>> -> memref<1x256xi32, #tpu.memory_space<vmem>>
        %dma_start3A_137 = arith.constant 0 : i32
        %dma_start3A_138 = arith.constant 0 : i32
        %dma_start3A_139 = tpu.memref_slice %arg3[%cond3A_5, %dma_start3A_137, %dma_start3A_138] : memref<2x1250x256xi32, #tpu.memory_space<hbm>> -> memref<1x1250x256xi32, #tpu.memory_space<hbm>>
        %dma_start3A_140 = tpu.memref_squeeze %dma_start3A_139 : memref<1x1250x256xi32, #tpu.memory_space<hbm>> -> memref<1250x256xi32, #tpu.memory_space<hbm>>
        %dma_start3A_141 = arith.constant 0 : i32
        %dma_start3A_142 = tpu.memref_slice %dma_start3A_140[%add3A_132, %dma_start3A_141] : memref<1250x256xi32, #tpu.memory_space<hbm>> -> memref<1x256xi32, #tpu.memory_space<hbm>>
        %dma_start3A_143 = arith.constant 39 : i32
        %dma_start3A_144 = arith.constant 0 : i32
        %dma_start3A_145 = tpu.memref_slice %arg7[%dma_start3A_143, %dma_start3A_144] : memref<40x256xi32, #tpu.memory_space<vmem>> -> memref<1x256xi32, #tpu.memory_space<vmem>>
        %dma_start3A_146 = arith.constant 0 : i32
        %dma_start3A_147 = arith.constant 0 : i32
        %dma_start3A_148 = tpu.memref_slice %arg3[%cond3A_5, %dma_start3A_146, %dma_start3A_147] : memref<2x1250x256xi32, #tpu.memory_space<hbm>> -> memref<1x1250x256xi32, #tpu.memory_space<hbm>>
        %dma_start3A_149 = tpu.memref_squeeze %dma_start3A_148 : memref<1x1250x256xi32, #tpu.memory_space<hbm>> -> memref<1250x256xi32, #tpu.memory_space<hbm>>
        %dma_start3A_150 = arith.constant 0 : i32
        %dma_start3A_151 = tpu.memref_slice %dma_start3A_149[%add3A_132, %dma_start3A_150] : memref<1250x256xi32, #tpu.memory_space<hbm>> -> memref<1x256xi32, #tpu.memory_space<hbm>>
        tpu.enqueue_dma source(%dma_start3A_151 : memref<1x256xi32, #tpu.memory_space<hbm>>) target(%dma_start3A_145 : memref<1x256xi32, #tpu.memory_space<vmem>>) target_semaphore(%run_scoped3A_133 : memref<!tpu.dma_semaphore, #tpu.memory_space<semaphore_mem>>)
        %dma_wait3A_152 = arith.constant 39 : i32
        %dma_wait3A_153 = arith.constant 0 : i32
        %dma_wait3A_154 = tpu.memref_slice %arg7[%dma_wait3A_152, %dma_wait3A_153] : memref<40x256xi32, #tpu.memory_space<vmem>> -> memref<1x256xi32, #tpu.memory_space<vmem>>
        %dma_wait3A_155 = arith.constant 0 : i32
        %dma_wait3A_156 = arith.constant 0 : i32
        %dma_wait3A_157 = tpu.memref_slice %arg3[%cond3A_5, %dma_wait3A_155, %dma_wait3A_156] : memref<2x1250x256xi32, #tpu.memory_space<hbm>> -> memref<1x1250x256xi32, #tpu.memory_space<hbm>>
        %dma_wait3A_158 = tpu.memref_squeeze %dma_wait3A_157 : memref<1x1250x256xi32, #tpu.memory_space<hbm>> -> memref<1250x256xi32, #tpu.memory_space<hbm>>
        %dma_wait3A_159 = arith.constant 0 : i32
        %dma_wait3A_160 = tpu.memref_slice %dma_wait3A_158[%add3A_132, %dma_wait3A_159] : memref<1250x256xi32, #tpu.memory_space<hbm>> -> memref<1x256xi32, #tpu.memory_space<hbm>>
        %dma_wait3A_161 = arith.constant 39 : i32
        %dma_wait3A_162 = arith.constant 0 : i32
        %dma_wait3A_163 = tpu.memref_slice %arg7[%dma_wait3A_161, %dma_wait3A_162] : memref<40x256xi32, #tpu.memory_space<vmem>> -> memref<1x256xi32, #tpu.memory_space<vmem>>
        %dma_wait3A_164 = arith.constant 0 : i32
        %dma_wait3A_165 = arith.constant 0 : i32
        %dma_wait3A_166 = tpu.memref_slice %arg3[%cond3A_5, %dma_wait3A_164, %dma_wait3A_165] : memref<2x1250x256xi32, #tpu.memory_space<hbm>> -> memref<1x1250x256xi32, #tpu.memory_space<hbm>>
        %dma_wait3A_167 = tpu.memref_squeeze %dma_wait3A_166 : memref<1x1250x256xi32, #tpu.memory_space<hbm>> -> memref<1250x256xi32, #tpu.memory_space<hbm>>
        %dma_wait3A_168 = arith.constant 0 : i32
        %dma_wait3A_169 = tpu.memref_slice %dma_wait3A_167[%add3A_132, %dma_wait3A_168] : memref<1250x256xi32, #tpu.memory_space<hbm>> -> memref<1x256xi32, #tpu.memory_space<hbm>>
        tpu.wait_dma2 semaphore(%run_scoped3A_133 : memref<!tpu.dma_semaphore, #tpu.memory_space<semaphore_mem>>) src(%dma_wait3A_169 : memref<1x256xi32, #tpu.memory_space<hbm>>) dst(%dma_wait3A_163 : memref<1x256xi32, #tpu.memory_space<vmem>>)
        tpu.yield
      }) : () -> ()
    } else {
    }
    %mul3A_8 = arith.constant 626 : i32
    %mul3A_9 = arith.muli %arg1, %mul3A_8 : i32
    "tpu.region"() ({
      %run_scoped3A_131 = tpu.sem_alloc : memref<!tpu.dma_semaphore, #tpu.memory_space<semaphore_mem>>
      %dma_start3A_132 = arith.constant 0 : i32
      %dma_start3A_133 = tpu.memref_slice %arg14[%mul3A_9, %dma_start3A_132] : memref<10016x64xf32, #tpu.memory_space<vmem_shared>> -> memref<626x64xf32, #tpu.memory_space<vmem_shared>>
      tpu.enqueue_dma source(%arg4 : memref<626x64xf32, #tpu.memory_space<hbm>>) target(%dma_start3A_133 : memref<626x64xf32, #tpu.memory_space<vmem_shared>>) target_semaphore(%run_scoped3A_131 : memref<!tpu.dma_semaphore, #tpu.memory_space<semaphore_mem>>)
      %dma_wait3A_134 = arith.constant 0 : i32
      %dma_wait3A_135 = tpu.memref_slice %arg14[%mul3A_9, %dma_wait3A_134] : memref<10016x64xf32, #tpu.memory_space<vmem_shared>> -> memref<626x64xf32, #tpu.memory_space<vmem_shared>>
      tpu.wait_dma2 semaphore(%run_scoped3A_131 : memref<!tpu.dma_semaphore, #tpu.memory_space<semaphore_mem>>) src(%arg4 : memref<626x64xf32, #tpu.memory_space<hbm>>) dst(%dma_wait3A_135 : memref<626x64xf32, #tpu.memory_space<vmem_shared>>)
      tpu.yield
    }) : () -> ()
    %barrier3A = arith.constant 0 : index
    tpu.barrier barrier_id(%barrier3A)
    %dma_start3A = arith.constant 0 : i32
    %dma_start3A_10 = arith.constant 0 : i32
    %dma_start3A_11 = tpu.memref_slice %arg6[%dma_start3A, %dma_start3A_10] : memref<40x256xi32, #tpu.memory_space<vmem>> -> memref<1x256xi32, #tpu.memory_space<vmem>>
    %dma_start3A_12 = tpu.memref_squeeze %dma_start3A_11 : memref<1x256xi32, #tpu.memory_space<vmem>> -> memref<256xi32, #tpu.memory_space<vmem>>
    %dma_start3A_13 = arith.constant 0 : i32
    %dma_start3A_14 = tpu.memref_slice %dma_start3A_12[%dma_start3A_13] : memref<256xi32, #tpu.memory_space<vmem>> -> memref<128xi32, #tpu.memory_space<vmem>>
    %dma_start3A_15 = arith.constant 0 : i32
    %dma_start3A_16 = arith.constant 0 : i32
    %dma_start3A_17 = tpu.memref_slice %arg2[%dma_start3A_15, %dma_start3A_16] : memref<10000x64xf32, #tpu.memory_space<hbm>> -> memref<10000x64xf32, #tpu.memory_space<hbm>>
    tpu.enqueue_indirect_dma source(%dma_start3A_17 : memref<10000x64xf32, #tpu.memory_space<hbm>>) target(%arg8 : memref<128x64xf32, #tpu.memory_space<vmem>>) offsets(%dma_start3A_14 : memref<128xi32, #tpu.memory_space<vmem>>) semaphore(%arg15 : memref<!tpu.dma_semaphore, #tpu.memory_space<semaphore_mem>>)
    %dma_start3A_18 = arith.constant 0 : i32
    %dma_start3A_19 = arith.constant 0 : i32
    %dma_start3A_20 = tpu.memref_slice %arg6[%dma_start3A_18, %dma_start3A_19] : memref<40x256xi32, #tpu.memory_space<vmem>> -> memref<1x256xi32, #tpu.memory_space<vmem>>
    %dma_start3A_21 = tpu.memref_squeeze %dma_start3A_20 : memref<1x256xi32, #tpu.memory_space<vmem>> -> memref<256xi32, #tpu.memory_space<vmem>>
    %dma_start3A_22 = arith.constant 128 : i32
    %dma_start3A_23 = tpu.memref_slice %dma_start3A_21[%dma_start3A_22] : memref<256xi32, #tpu.memory_space<vmem>> -> memref<128xi32, #tpu.memory_space<vmem>>
    %dma_start3A_24 = arith.constant 0 : i32
    %dma_start3A_25 = arith.constant 0 : i32
    %dma_start3A_26 = tpu.memref_slice %arg2[%dma_start3A_24, %dma_start3A_25] : memref<10000x64xf32, #tpu.memory_space<hbm>> -> memref<10000x64xf32, #tpu.memory_space<hbm>>
    tpu.enqueue_indirect_dma source(%dma_start3A_26 : memref<10000x64xf32, #tpu.memory_space<hbm>>) target(%arg9 : memref<128x64xf32, #tpu.memory_space<vmem>>) offsets(%dma_start3A_23 : memref<128xi32, #tpu.memory_space<vmem>>) semaphore(%arg16 : memref<!tpu.dma_semaphore, #tpu.memory_space<semaphore_mem>>)
    %dma_start3A_27 = arith.constant 1 : i32
    %dma_start3A_28 = arith.constant 0 : i32
    %dma_start3A_29 = tpu.memref_slice %arg6[%dma_start3A_27, %dma_start3A_28] : memref<40x256xi32, #tpu.memory_space<vmem>> -> memref<1x256xi32, #tpu.memory_space<vmem>>
    %dma_start3A_30 = tpu.memref_squeeze %dma_start3A_29 : memref<1x256xi32, #tpu.memory_space<vmem>> -> memref<256xi32, #tpu.memory_space<vmem>>
    %dma_start3A_31 = arith.constant 0 : i32
    %dma_start3A_32 = tpu.memref_slice %dma_start3A_30[%dma_start3A_31] : memref<256xi32, #tpu.memory_space<vmem>> -> memref<128xi32, #tpu.memory_space<vmem>>
    %dma_start3A_33 = arith.constant 0 : i32
    %dma_start3A_34 = arith.constant 0 : i32
    %dma_start3A_35 = tpu.memref_slice %arg2[%dma_start3A_33, %dma_start3A_34] : memref<10000x64xf32, #tpu.memory_space<hbm>> -> memref<10000x64xf32, #tpu.memory_space<hbm>>
    tpu.enqueue_indirect_dma source(%dma_start3A_35 : memref<10000x64xf32, #tpu.memory_space<hbm>>) target(%arg10 : memref<128x64xf32, #tpu.memory_space<vmem>>) offsets(%dma_start3A_32 : memref<128xi32, #tpu.memory_space<vmem>>) semaphore(%arg17 : memref<!tpu.dma_semaphore, #tpu.memory_space<semaphore_mem>>)
    %dma_start3A_36 = arith.constant 1 : i32
    %dma_start3A_37 = arith.constant 0 : i32
    %dma_start3A_38 = tpu.memref_slice %arg6[%dma_start3A_36, %dma_start3A_37] : memref<40x256xi32, #tpu.memory_space<vmem>> -> memref<1x256xi32, #tpu.memory_space<vmem>>
    %dma_start3A_39 = tpu.memref_squeeze %dma_start3A_38 : memref<1x256xi32, #tpu.memory_space<vmem>> -> memref<256xi32, #tpu.memory_space<vmem>>
    %dma_start3A_40 = arith.constant 128 : i32
    %dma_start3A_41 = tpu.memref_slice %dma_start3A_39[%dma_start3A_40] : memref<256xi32, #tpu.memory_space<vmem>> -> memref<128xi32, #tpu.memory_space<vmem>>
    %dma_start3A_42 = arith.constant 0 : i32
    %dma_start3A_43 = arith.constant 0 : i32
    %dma_start3A_44 = tpu.memref_slice %arg2[%dma_start3A_42, %dma_start3A_43] : memref<10000x64xf32, #tpu.memory_space<hbm>> -> memref<10000x64xf32, #tpu.memory_space<hbm>>
    tpu.enqueue_indirect_dma source(%dma_start3A_44 : memref<10000x64xf32, #tpu.memory_space<hbm>>) target(%arg11 : memref<128x64xf32, #tpu.memory_space<vmem>>) offsets(%dma_start3A_41 : memref<128xi32, #tpu.memory_space<vmem>>) semaphore(%arg18 : memref<!tpu.dma_semaphore, #tpu.memory_space<semaphore_mem>>)
    %dma_start3A_45 = arith.constant 2 : i32
    %dma_start3A_46 = arith.constant 0 : i32
    %dma_start3A_47 = tpu.memref_slice %arg6[%dma_start3A_45, %dma_start3A_46] : memref<40x256xi32, #tpu.memory_space<vmem>> -> memref<1x256xi32, #tpu.memory_space<vmem>>
    %dma_start3A_48 = tpu.memref_squeeze %dma_start3A_47 : memref<1x256xi32, #tpu.memory_space<vmem>> -> memref<256xi32, #tpu.memory_space<vmem>>
    %dma_start3A_49 = arith.constant 0 : i32
    %dma_start3A_50 = tpu.memref_slice %dma_start3A_48[%dma_start3A_49] : memref<256xi32, #tpu.memory_space<vmem>> -> memref<128xi32, #tpu.memory_space<vmem>>
    %dma_start3A_51 = arith.constant 0 : i32
    %dma_start3A_52 = arith.constant 0 : i32
    %dma_start3A_53 = tpu.memref_slice %arg2[%dma_start3A_51, %dma_start3A_52] : memref<10000x64xf32, #tpu.memory_space<hbm>> -> memref<10000x64xf32, #tpu.memory_space<hbm>>
    tpu.enqueue_indirect_dma source(%dma_start3A_53 : memref<10000x64xf32, #tpu.memory_space<hbm>>) target(%arg12 : memref<128x64xf32, #tpu.memory_space<vmem>>) offsets(%dma_start3A_50 : memref<128xi32, #tpu.memory_space<vmem>>) semaphore(%arg19 : memref<!tpu.dma_semaphore, #tpu.memory_space<semaphore_mem>>)
    %dma_start3A_54 = arith.constant 2 : i32
    %dma_start3A_55 = arith.constant 0 : i32
    %dma_start3A_56 = tpu.memref_slice %arg6[%dma_start3A_54, %dma_start3A_55] : memref<40x256xi32, #tpu.memory_space<vmem>> -> memref<1x256xi32, #tpu.memory_space<vmem>>
    %dma_start3A_57 = tpu.memref_squeeze %dma_start3A_56 : memref<1x256xi32, #tpu.memory_space<vmem>> -> memref<256xi32, #tpu.memory_space<vmem>>
    %dma_start3A_58 = arith.constant 128 : i32
    %dma_start3A_59 = tpu.memref_slice %dma_start3A_57[%dma_start3A_58] : memref<256xi32, #tpu.memory_space<vmem>> -> memref<128xi32, #tpu.memory_space<vmem>>
    %dma_start3A_60 = arith.constant 0 : i32
    %dma_start3A_61 = arith.constant 0 : i32
    %dma_start3A_62 = tpu.memref_slice %arg2[%dma_start3A_60, %dma_start3A_61] : memref<10000x64xf32, #tpu.memory_space<hbm>> -> memref<10000x64xf32, #tpu.memory_space<hbm>>
    tpu.enqueue_indirect_dma source(%dma_start3A_62 : memref<10000x64xf32, #tpu.memory_space<hbm>>) target(%arg13 : memref<128x64xf32, #tpu.memory_space<vmem>>) offsets(%dma_start3A_59 : memref<128xi32, #tpu.memory_space<vmem>>) semaphore(%arg20 : memref<!tpu.dma_semaphore, #tpu.memory_space<semaphore_mem>>)
    %scan3A = arith.constant 0 : i32
    %scan3A_63 = arith.constant 0 : i32
    %scan3A_64 = arith.constant 13 : i32
    %scan3A_65 = arith.addi %scan3A_63, %scan3A_64 : i32
    %scan3A_66 = arith.constant 1 : i32
    scf.for %scan3A_131 = %scan3A_63 to %scan3A_65 step %scan3A_66  : i32 {
      %mul3A_132 = arith.constant 6 : i32
      %mul3A_133 = arith.muli %mul3A_132, %scan3A_131 : i32
      %add3A_134 = arith.constant 0 : i32
      %add3A_135 = arith.addi %mul3A_133, %add3A_134 : i32
      %lt3A_136 = arith.constant 78 : i32
      %lt3A_137 = arith.cmpi slt, %add3A_135, %lt3A_136 : i32
      %convert_element_type3A_138 = arith.extui %lt3A_137 : i1 to i32
      %cond3A_139 = arith.constant 0 : i32
      %cond3A_140 = arith.cmpi ne, %convert_element_type3A_138, %cond3A_139 : i32
      scf.if %cond3A_140 {
        %add3A_230 = arith.constant 0 : i32
        %add3A_231 = arith.addi %mul3A_133, %add3A_230 : i32
        %jit3A = arith.constant 2 : i32
        %div3A = arith.divsi %add3A_231, %jit3A : i32
        %sign3A = arith.constant 0 : i32
        %sign3A_232 = arith.cmpi sgt, %add3A_231, %sign3A : i32
        %sign3A_233 = arith.extui %sign3A_232 : i1 to i32
        %sign3A_234 = arith.constant 0 : i32
        %sign3A_235 = arith.cmpi slt, %add3A_231, %sign3A_234 : i32
        %sign3A_236 = arith.extui %sign3A_235 : i1 to i32
        %sign3A_237 = arith.subi %sign3A_233, %sign3A_236 : i32
        %sign3A_238 = arith.constant 0 : i32
        %sign3A_239 = arith.cmpi sgt, %jit3A, %sign3A_238 : i32
        %sign3A_240 = arith.extui %sign3A_239 : i1 to i32
        %sign3A_241 = arith.constant 0 : i32
        %sign3A_242 = arith.cmpi slt, %jit3A, %sign3A_241 : i32
        %sign3A_243 = arith.extui %sign3A_242 : i1 to i32
        %sign3A_244 = arith.subi %sign3A_240, %sign3A_243 : i32
        %ne3A = arith.cmpi ne, %sign3A_237, %sign3A_244 : i32
        %rem3A = arith.remsi %add3A_231, %jit3A : i32
        %ne3A_245 = arith.constant 0 : i32
        %ne3A_246 = arith.cmpi ne, %rem3A, %ne3A_245 : i32
        %and3A = arith.andi %ne3A, %ne3A_246 : i1
        %sub3A = arith.constant 1 : i32
        %sub3A_247 = arith.subi %div3A, %sub3A : i32
        %select_n3A = arith.select %and3A, %sub3A_247, %div3A : i32
        %jit3A_248 = arith.constant 2 : i32
        %eq3A = arith.constant 0 : i32
        %eq3A_249 = arith.cmpi eq, %jit3A_248, %eq3A : i32
        %jit3A_250 = arith.constant 1 : i32
        %select_n3A_251 = arith.select %eq3A_249, %jit3A_250, %jit3A_248 : i32
        %rem3A_252 = arith.remsi %add3A_231, %select_n3A_251 : i32
        %ne3A_253 = arith.constant 0 : i32
        %ne3A_254 = arith.cmpi ne, %rem3A_252, %ne3A_253 : i32
        %lt3A_255 = arith.constant 0 : i32
        %lt3A_256 = arith.cmpi slt, %rem3A_252, %lt3A_255 : i32
        %lt3A_257 = arith.constant 0 : i32
        %lt3A_258 = arith.cmpi slt, %select_n3A_251, %lt3A_257 : i32
        %ne3A_259 = arith.xori %lt3A_256, %lt3A_258 : i1
        %and3A_260 = arith.andi %ne3A_259, %ne3A_254 : i1
        %add3A_261 = arith.addi %rem3A_252, %select_n3A_251 : i32
        %select_n3A_262 = arith.select %and3A_260, %add3A_261, %rem3A_252 : i32
        %mul3A_263 = arith.constant 128 : i32
        %mul3A_264 = arith.muli %select_n3A_262, %mul3A_263 : i32
        %dma_wait3A_265 = arith.constant 0 : i32
        %dma_wait3A_266 = tpu.memref_slice %arg6[%select_n3A, %dma_wait3A_265] : memref<40x256xi32, #tpu.memory_space<vmem>> -> memref<1x256xi32, #tpu.memory_space<vmem>>
        %dma_wait3A_267 = tpu.memref_squeeze %dma_wait3A_266 : memref<1x256xi32, #tpu.memory_space<vmem>> -> memref<256xi32, #tpu.memory_space<vmem>>
        %dma_wait3A_268 = tpu.memref_slice %dma_wait3A_267[%mul3A_264] : memref<256xi32, #tpu.memory_space<vmem>> -> memref<128xi32, #tpu.memory_space<vmem>>
        %dma_wait3A_269 = arith.constant 0 : i32
        %dma_wait3A_270 = arith.constant 0 : i32
        %dma_wait3A_271 = tpu.memref_slice %arg2[%dma_wait3A_269, %dma_wait3A_270] : memref<10000x64xf32, #tpu.memory_space<hbm>> -> memref<10000x64xf32, #tpu.memory_space<hbm>>
        tpu.wait_indirect_dma semaphore(%arg15 : memref<!tpu.dma_semaphore, #tpu.memory_space<semaphore_mem>>) src(%dma_wait3A_271 : memref<10000x64xf32, #tpu.memory_space<hbm>>) dst(%arg8 : memref<128x64xf32, #tpu.memory_space<vmem>>)
        %add3A_272 = arith.constant 0 : i32
        %add3A_273 = arith.addi %mul3A_133, %add3A_272 : i32
        %jit3A_274 = arith.constant 2 : i32
        %div3A_275 = arith.divsi %add3A_273, %jit3A_274 : i32
        %sign3A_276 = arith.constant 0 : i32
        %sign3A_277 = arith.cmpi sgt, %add3A_273, %sign3A_276 : i32
        %sign3A_278 = arith.extui %sign3A_277 : i1 to i32
        %sign3A_279 = arith.constant 0 : i32
        %sign3A_280 = arith.cmpi slt, %add3A_273, %sign3A_279 : i32
        %sign3A_281 = arith.extui %sign3A_280 : i1 to i32
        %sign3A_282 = arith.subi %sign3A_278, %sign3A_281 : i32
        %sign3A_283 = arith.constant 0 : i32
        %sign3A_284 = arith.cmpi sgt, %jit3A_274, %sign3A_283 : i32
        %sign3A_285 = arith.extui %sign3A_284 : i1 to i32
        %sign3A_286 = arith.constant 0 : i32
        %sign3A_287 = arith.cmpi slt, %jit3A_274, %sign3A_286 : i32
        %sign3A_288 = arith.extui %sign3A_287 : i1 to i32
        %sign3A_289 = arith.subi %sign3A_285, %sign3A_288 : i32
        %ne3A_290 = arith.cmpi ne, %sign3A_282, %sign3A_289 : i32
        %rem3A_291 = arith.remsi %add3A_273, %jit3A_274 : i32
        %ne3A_292 = arith.constant 0 : i32
        %ne3A_293 = arith.cmpi ne, %rem3A_291, %ne3A_292 : i32
        %and3A_294 = arith.andi %ne3A_290, %ne3A_293 : i1
        %sub3A_295 = arith.constant 1 : i32
        %sub3A_296 = arith.subi %div3A_275, %sub3A_295 : i32
        %select_n3A_297 = arith.select %and3A_294, %sub3A_296, %div3A_275 : i32
        %jit3A_298 = arith.constant 2 : i32
        %eq3A_299 = arith.constant 0 : i32
        %eq3A_300 = arith.cmpi eq, %jit3A_298, %eq3A_299 : i32
        %jit3A_301 = arith.constant 1 : i32
        %select_n3A_302 = arith.select %eq3A_300, %jit3A_301, %jit3A_298 : i32
        %rem3A_303 = arith.remsi %add3A_273, %select_n3A_302 : i32
        %ne3A_304 = arith.constant 0 : i32
        %ne3A_305 = arith.cmpi ne, %rem3A_303, %ne3A_304 : i32
        %lt3A_306 = arith.constant 0 : i32
        %lt3A_307 = arith.cmpi slt, %rem3A_303, %lt3A_306 : i32
        %lt3A_308 = arith.constant 0 : i32
        %lt3A_309 = arith.cmpi slt, %select_n3A_302, %lt3A_308 : i32
        %ne3A_310 = arith.xori %lt3A_307, %lt3A_309 : i1
        %and3A_311 = arith.andi %ne3A_310, %ne3A_305 : i1
        %add3A_312 = arith.addi %rem3A_303, %select_n3A_302 : i32
        %select_n3A_313 = arith.select %and3A_311, %add3A_312, %rem3A_303 : i32
        %mul3A_314 = arith.constant 128 : i32
        %mul3A_315 = arith.muli %select_n3A_313, %mul3A_314 : i32
        %dma_start3A_316 = arith.constant 0 : i32
        %dma_start3A_317 = tpu.memref_slice %arg7[%select_n3A_297, %dma_start3A_316] : memref<40x256xi32, #tpu.memory_space<vmem>> -> memref<1x256xi32, #tpu.memory_space<vmem>>
        %dma_start3A_318 = tpu.memref_squeeze %dma_start3A_317 : memref<1x256xi32, #tpu.memory_space<vmem>> -> memref<256xi32, #tpu.memory_space<vmem>>
        %dma_start3A_319 = tpu.memref_slice %dma_start3A_318[%mul3A_315] : memref<256xi32, #tpu.memory_space<vmem>> -> memref<128xi32, #tpu.memory_space<vmem>>
        %dma_start3A_320 = arith.constant 0 : i32
        %dma_start3A_321 = arith.constant 0 : i32
        %dma_start3A_322 = tpu.memref_slice %arg14[%dma_start3A_320, %dma_start3A_321] : memref<10016x64xf32, #tpu.memory_space<vmem_shared>> -> memref<10016x64xf32, #tpu.memory_space<vmem_shared>>
        tpu.enqueue_indirect_dma source(%arg8 : memref<128x64xf32, #tpu.memory_space<vmem>>) target(%dma_start3A_322 : memref<10016x64xf32, #tpu.memory_space<vmem_shared>>) offsets(%dma_start3A_319 : memref<128xi32, #tpu.memory_space<vmem>>) semaphore(%arg21 : memref<!tpu.dma_semaphore, #tpu.memory_space<semaphore_mem>>) {add = true}
      } else {
      }
      %add3A_141 = arith.constant 1 : i32
      %add3A_142 = arith.addi %mul3A_133, %add3A_141 : i32
      %lt3A_143 = arith.constant 78 : i32
      %lt3A_144 = arith.cmpi slt, %add3A_142, %lt3A_143 : i32
      %convert_element_type3A_145 = arith.extui %lt3A_144 : i1 to i32
      %cond3A_146 = arith.constant 0 : i32
      %cond3A_147 = arith.cmpi ne, %convert_element_type3A_145, %cond3A_146 : i32
      scf.if %cond3A_147 {
        %add3A_230 = arith.constant 1 : i32
        %add3A_231 = arith.addi %mul3A_133, %add3A_230 : i32
        %jit3A = arith.constant 2 : i32
        %div3A = arith.divsi %add3A_231, %jit3A : i32
        %sign3A = arith.constant 0 : i32
        %sign3A_232 = arith.cmpi sgt, %add3A_231, %sign3A : i32
        %sign3A_233 = arith.extui %sign3A_232 : i1 to i32
        %sign3A_234 = arith.constant 0 : i32
        %sign3A_235 = arith.cmpi slt, %add3A_231, %sign3A_234 : i32
        %sign3A_236 = arith.extui %sign3A_235 : i1 to i32
        %sign3A_237 = arith.subi %sign3A_233, %sign3A_236 : i32
        %sign3A_238 = arith.constant 0 : i32
        %sign3A_239 = arith.cmpi sgt, %jit3A, %sign3A_238 : i32
        %sign3A_240 = arith.extui %sign3A_239 : i1 to i32
        %sign3A_241 = arith.constant 0 : i32
        %sign3A_242 = arith.cmpi slt, %jit3A, %sign3A_241 : i32
        %sign3A_243 = arith.extui %sign3A_242 : i1 to i32
        %sign3A_244 = arith.subi %sign3A_240, %sign3A_243 : i32
        %ne3A = arith.cmpi ne, %sign3A_237, %sign3A_244 : i32
        %rem3A = arith.remsi %add3A_231, %jit3A : i32
        %ne3A_245 = arith.constant 0 : i32
        %ne3A_246 = arith.cmpi ne, %rem3A, %ne3A_245 : i32
        %and3A = arith.andi %ne3A, %ne3A_246 : i1
        %sub3A = arith.constant 1 : i32
        %sub3A_247 = arith.subi %div3A, %sub3A : i32
        %select_n3A = arith.select %and3A, %sub3A_247, %div3A : i32
        %jit3A_248 = arith.constant 2 : i32
        %eq3A = arith.constant 0 : i32
        %eq3A_249 = arith.cmpi eq, %jit3A_248, %eq3A : i32
        %jit3A_250 = arith.constant 1 : i32
        %select_n3A_251 = arith.select %eq3A_249, %jit3A_250, %jit3A_248 : i32
        %rem3A_252 = arith.remsi %add3A_231, %select_n3A_251 : i32
        %ne3A_253 = arith.constant 0 : i32
        %ne3A_254 = arith.cmpi ne, %rem3A_252, %ne3A_253 : i32
        %lt3A_255 = arith.constant 0 : i32
        %lt3A_256 = arith.cmpi slt, %rem3A_252, %lt3A_255 : i32
        %lt3A_257 = arith.constant 0 : i32
        %lt3A_258 = arith.cmpi slt, %select_n3A_251, %lt3A_257 : i32
        %ne3A_259 = arith.xori %lt3A_256, %lt3A_258 : i1
        %and3A_260 = arith.andi %ne3A_259, %ne3A_254 : i1
        %add3A_261 = arith.addi %rem3A_252, %select_n3A_251 : i32
        %select_n3A_262 = arith.select %and3A_260, %add3A_261, %rem3A_252 : i32
        %mul3A_263 = arith.constant 128 : i32
        %mul3A_264 = arith.muli %select_n3A_262, %mul3A_263 : i32
        %dma_wait3A_265 = arith.constant 0 : i32
        %dma_wait3A_266 = tpu.memref_slice %arg6[%select_n3A, %dma_wait3A_265] : memref<40x256xi32, #tpu.memory_space<vmem>> -> memref<1x256xi32, #tpu.memory_space<vmem>>
        %dma_wait3A_267 = tpu.memref_squeeze %dma_wait3A_266 : memref<1x256xi32, #tpu.memory_space<vmem>> -> memref<256xi32, #tpu.memory_space<vmem>>
        %dma_wait3A_268 = tpu.memref_slice %dma_wait3A_267[%mul3A_264] : memref<256xi32, #tpu.memory_space<vmem>> -> memref<128xi32, #tpu.memory_space<vmem>>
        %dma_wait3A_269 = arith.constant 0 : i32
        %dma_wait3A_270 = arith.constant 0 : i32
        %dma_wait3A_271 = tpu.memref_slice %arg2[%dma_wait3A_269, %dma_wait3A_270] : memref<10000x64xf32, #tpu.memory_space<hbm>> -> memref<10000x64xf32, #tpu.memory_space<hbm>>
        tpu.wait_indirect_dma semaphore(%arg16 : memref<!tpu.dma_semaphore, #tpu.memory_space<semaphore_mem>>) src(%dma_wait3A_271 : memref<10000x64xf32, #tpu.memory_space<hbm>>) dst(%arg9 : memref<128x64xf32, #tpu.memory_space<vmem>>)
        %add3A_272 = arith.constant 1 : i32
        %add3A_273 = arith.addi %mul3A_133, %add3A_272 : i32
        %jit3A_274 = arith.constant 2 : i32
        %div3A_275 = arith.divsi %add3A_273, %jit3A_274 : i32
        %sign3A_276 = arith.constant 0 : i32
        %sign3A_277 = arith.cmpi sgt, %add3A_273, %sign3A_276 : i32
        %sign3A_278 = arith.extui %sign3A_277 : i1 to i32
        %sign3A_279 = arith.constant 0 : i32
        %sign3A_280 = arith.cmpi slt, %add3A_273, %sign3A_279 : i32
        %sign3A_281 = arith.extui %sign3A_280 : i1 to i32
        %sign3A_282 = arith.subi %sign3A_278, %sign3A_281 : i32
        %sign3A_283 = arith.constant 0 : i32
        %sign3A_284 = arith.cmpi sgt, %jit3A_274, %sign3A_283 : i32
        %sign3A_285 = arith.extui %sign3A_284 : i1 to i32
        %sign3A_286 = arith.constant 0 : i32
        %sign3A_287 = arith.cmpi slt, %jit3A_274, %sign3A_286 : i32
        %sign3A_288 = arith.extui %sign3A_287 : i1 to i32
        %sign3A_289 = arith.subi %sign3A_285, %sign3A_288 : i32
        %ne3A_290 = arith.cmpi ne, %sign3A_282, %sign3A_289 : i32
        %rem3A_291 = arith.remsi %add3A_273, %jit3A_274 : i32
        %ne3A_292 = arith.constant 0 : i32
        %ne3A_293 = arith.cmpi ne, %rem3A_291, %ne3A_292 : i32
        %and3A_294 = arith.andi %ne3A_290, %ne3A_293 : i1
        %sub3A_295 = arith.constant 1 : i32
        %sub3A_296 = arith.subi %div3A_275, %sub3A_295 : i32
        %select_n3A_297 = arith.select %and3A_294, %sub3A_296, %div3A_275 : i32
        %jit3A_298 = arith.constant 2 : i32
        %eq3A_299 = arith.constant 0 : i32
        %eq3A_300 = arith.cmpi eq, %jit3A_298, %eq3A_299 : i32
        %jit3A_301 = arith.constant 1 : i32
        %select_n3A_302 = arith.select %eq3A_300, %jit3A_301, %jit3A_298 : i32
        %rem3A_303 = arith.remsi %add3A_273, %select_n3A_302 : i32
        %ne3A_304 = arith.constant 0 : i32
        %ne3A_305 = arith.cmpi ne, %rem3A_303, %ne3A_304 : i32
        %lt3A_306 = arith.constant 0 : i32
        %lt3A_307 = arith.cmpi slt, %rem3A_303, %lt3A_306 : i32
        %lt3A_308 = arith.constant 0 : i32
        %lt3A_309 = arith.cmpi slt, %select_n3A_302, %lt3A_308 : i32
        %ne3A_310 = arith.xori %lt3A_307, %lt3A_309 : i1
        %and3A_311 = arith.andi %ne3A_310, %ne3A_305 : i1
        %add3A_312 = arith.addi %rem3A_303, %select_n3A_302 : i32
        %select_n3A_313 = arith.select %and3A_311, %add3A_312, %rem3A_303 : i32
        %mul3A_314 = arith.constant 128 : i32
        %mul3A_315 = arith.muli %select_n3A_313, %mul3A_314 : i32
        %dma_start3A_316 = arith.constant 0 : i32
        %dma_start3A_317 = tpu.memref_slice %arg7[%select_n3A_297, %dma_start3A_316] : memref<40x256xi32, #tpu.memory_space<vmem>> -> memref<1x256xi32, #tpu.memory_space<vmem>>
        %dma_start3A_318 = tpu.memref_squeeze %dma_start3A_317 : memref<1x256xi32, #tpu.memory_space<vmem>> -> memref<256xi32, #tpu.memory_space<vmem>>
        %dma_start3A_319 = tpu.memref_slice %dma_start3A_318[%mul3A_315] : memref<256xi32, #tpu.memory_space<vmem>> -> memref<128xi32, #tpu.memory_space<vmem>>
        %dma_start3A_320 = arith.constant 0 : i32
        %dma_start3A_321 = arith.constant 0 : i32
        %dma_start3A_322 = tpu.memref_slice %arg14[%dma_start3A_320, %dma_start3A_321] : memref<10016x64xf32, #tpu.memory_space<vmem_shared>> -> memref<10016x64xf32, #tpu.memory_space<vmem_shared>>
        tpu.enqueue_indirect_dma source(%arg9 : memref<128x64xf32, #tpu.memory_space<vmem>>) target(%dma_start3A_322 : memref<10016x64xf32, #tpu.memory_space<vmem_shared>>) offsets(%dma_start3A_319 : memref<128xi32, #tpu.memory_space<vmem>>) semaphore(%arg22 : memref<!tpu.dma_semaphore, #tpu.memory_space<semaphore_mem>>) {add = true}
      } else {
      }
      %add3A_148 = arith.constant 2 : i32
      %add3A_149 = arith.addi %mul3A_133, %add3A_148 : i32
      %lt3A_150 = arith.constant 78 : i32
      %lt3A_151 = arith.cmpi slt, %add3A_149, %lt3A_150 : i32
      %convert_element_type3A_152 = arith.extui %lt3A_151 : i1 to i32
      %cond3A_153 = arith.constant 0 : i32
      %cond3A_154 = arith.cmpi ne, %convert_element_type3A_152, %cond3A_153 : i32
      scf.if %cond3A_154 {
        %add3A_230 = arith.constant 2 : i32
        %add3A_231 = arith.addi %mul3A_133, %add3A_230 : i32
        %jit3A = arith.constant 2 : i32
        %div3A = arith.divsi %add3A_231, %jit3A : i32
        %sign3A = arith.constant 0 : i32
        %sign3A_232 = arith.cmpi sgt, %add3A_231, %sign3A : i32
        %sign3A_233 = arith.extui %sign3A_232 : i1 to i32
        %sign3A_234 = arith.constant 0 : i32
        %sign3A_235 = arith.cmpi slt, %add3A_231, %sign3A_234 : i32
        %sign3A_236 = arith.extui %sign3A_235 : i1 to i32
        %sign3A_237 = arith.subi %sign3A_233, %sign3A_236 : i32
        %sign3A_238 = arith.constant 0 : i32
        %sign3A_239 = arith.cmpi sgt, %jit3A, %sign3A_238 : i32
        %sign3A_240 = arith.extui %sign3A_239 : i1 to i32
        %sign3A_241 = arith.constant 0 : i32
        %sign3A_242 = arith.cmpi slt, %jit3A, %sign3A_241 : i32
        %sign3A_243 = arith.extui %sign3A_242 : i1 to i32
        %sign3A_244 = arith.subi %sign3A_240, %sign3A_243 : i32
        %ne3A = arith.cmpi ne, %sign3A_237, %sign3A_244 : i32
        %rem3A = arith.remsi %add3A_231, %jit3A : i32
        %ne3A_245 = arith.constant 0 : i32
        %ne3A_246 = arith.cmpi ne, %rem3A, %ne3A_245 : i32
        %and3A = arith.andi %ne3A, %ne3A_246 : i1
        %sub3A = arith.constant 1 : i32
        %sub3A_247 = arith.subi %div3A, %sub3A : i32
        %select_n3A = arith.select %and3A, %sub3A_247, %div3A : i32
        %jit3A_248 = arith.constant 2 : i32
        %eq3A = arith.constant 0 : i32
        %eq3A_249 = arith.cmpi eq, %jit3A_248, %eq3A : i32
        %jit3A_250 = arith.constant 1 : i32
        %select_n3A_251 = arith.select %eq3A_249, %jit3A_250, %jit3A_248 : i32
        %rem3A_252 = arith.remsi %add3A_231, %select_n3A_251 : i32
        %ne3A_253 = arith.constant 0 : i32
        %ne3A_254 = arith.cmpi ne, %rem3A_252, %ne3A_253 : i32
        %lt3A_255 = arith.constant 0 : i32
        %lt3A_256 = arith.cmpi slt, %rem3A_252, %lt3A_255 : i32
        %lt3A_257 = arith.constant 0 : i32
        %lt3A_258 = arith.cmpi slt, %select_n3A_251, %lt3A_257 : i32
        %ne3A_259 = arith.xori %lt3A_256, %lt3A_258 : i1
        %and3A_260 = arith.andi %ne3A_259, %ne3A_254 : i1
        %add3A_261 = arith.addi %rem3A_252, %select_n3A_251 : i32
        %select_n3A_262 = arith.select %and3A_260, %add3A_261, %rem3A_252 : i32
        %mul3A_263 = arith.constant 128 : i32
        %mul3A_264 = arith.muli %select_n3A_262, %mul3A_263 : i32
        %dma_wait3A_265 = arith.constant 0 : i32
        %dma_wait3A_266 = tpu.memref_slice %arg6[%select_n3A, %dma_wait3A_265] : memref<40x256xi32, #tpu.memory_space<vmem>> -> memref<1x256xi32, #tpu.memory_space<vmem>>
        %dma_wait3A_267 = tpu.memref_squeeze %dma_wait3A_266 : memref<1x256xi32, #tpu.memory_space<vmem>> -> memref<256xi32, #tpu.memory_space<vmem>>
        %dma_wait3A_268 = tpu.memref_slice %dma_wait3A_267[%mul3A_264] : memref<256xi32, #tpu.memory_space<vmem>> -> memref<128xi32, #tpu.memory_space<vmem>>
        %dma_wait3A_269 = arith.constant 0 : i32
        %dma_wait3A_270 = arith.constant 0 : i32
        %dma_wait3A_271 = tpu.memref_slice %arg2[%dma_wait3A_269, %dma_wait3A_270] : memref<10000x64xf32, #tpu.memory_space<hbm>> -> memref<10000x64xf32, #tpu.memory_space<hbm>>
        tpu.wait_indirect_dma semaphore(%arg17 : memref<!tpu.dma_semaphore, #tpu.memory_space<semaphore_mem>>) src(%dma_wait3A_271 : memref<10000x64xf32, #tpu.memory_space<hbm>>) dst(%arg10 : memref<128x64xf32, #tpu.memory_space<vmem>>)
        %add3A_272 = arith.constant 2 : i32
        %add3A_273 = arith.addi %mul3A_133, %add3A_272 : i32
        %jit3A_274 = arith.constant 2 : i32
        %div3A_275 = arith.divsi %add3A_273, %jit3A_274 : i32
        %sign3A_276 = arith.constant 0 : i32
        %sign3A_277 = arith.cmpi sgt, %add3A_273, %sign3A_276 : i32
        %sign3A_278 = arith.extui %sign3A_277 : i1 to i32
        %sign3A_279 = arith.constant 0 : i32
        %sign3A_280 = arith.cmpi slt, %add3A_273, %sign3A_279 : i32
        %sign3A_281 = arith.extui %sign3A_280 : i1 to i32
        %sign3A_282 = arith.subi %sign3A_278, %sign3A_281 : i32
        %sign3A_283 = arith.constant 0 : i32
        %sign3A_284 = arith.cmpi sgt, %jit3A_274, %sign3A_283 : i32
        %sign3A_285 = arith.extui %sign3A_284 : i1 to i32
        %sign3A_286 = arith.constant 0 : i32
        %sign3A_287 = arith.cmpi slt, %jit3A_274, %sign3A_286 : i32
        %sign3A_288 = arith.extui %sign3A_287 : i1 to i32
        %sign3A_289 = arith.subi %sign3A_285, %sign3A_288 : i32
        %ne3A_290 = arith.cmpi ne, %sign3A_282, %sign3A_289 : i32
        %rem3A_291 = arith.remsi %add3A_273, %jit3A_274 : i32
        %ne3A_292 = arith.constant 0 : i32
        %ne3A_293 = arith.cmpi ne, %rem3A_291, %ne3A_292 : i32
        %and3A_294 = arith.andi %ne3A_290, %ne3A_293 : i1
        %sub3A_295 = arith.constant 1 : i32
        %sub3A_296 = arith.subi %div3A_275, %sub3A_295 : i32
        %select_n3A_297 = arith.select %and3A_294, %sub3A_296, %div3A_275 : i32
        %jit3A_298 = arith.constant 2 : i32
        %eq3A_299 = arith.constant 0 : i32
        %eq3A_300 = arith.cmpi eq, %jit3A_298, %eq3A_299 : i32
        %jit3A_301 = arith.constant 1 : i32
        %select_n3A_302 = arith.select %eq3A_300, %jit3A_301, %jit3A_298 : i32
        %rem3A_303 = arith.remsi %add3A_273, %select_n3A_302 : i32
        %ne3A_304 = arith.constant 0 : i32
        %ne3A_305 = arith.cmpi ne, %rem3A_303, %ne3A_304 : i32
        %lt3A_306 = arith.constant 0 : i32
        %lt3A_307 = arith.cmpi slt, %rem3A_303, %lt3A_306 : i32
        %lt3A_308 = arith.constant 0 : i32
        %lt3A_309 = arith.cmpi slt, %select_n3A_302, %lt3A_308 : i32
        %ne3A_310 = arith.xori %lt3A_307, %lt3A_309 : i1
        %and3A_311 = arith.andi %ne3A_310, %ne3A_305 : i1
        %add3A_312 = arith.addi %rem3A_303, %select_n3A_302 : i32
        %select_n3A_313 = arith.select %and3A_311, %add3A_312, %rem3A_303 : i32
        %mul3A_314 = arith.constant 128 : i32
        %mul3A_315 = arith.muli %select_n3A_313, %mul3A_314 : i32
        %dma_start3A_316 = arith.constant 0 : i32
        %dma_start3A_317 = tpu.memref_slice %arg7[%select_n3A_297, %dma_start3A_316] : memref<40x256xi32, #tpu.memory_space<vmem>> -> memref<1x256xi32, #tpu.memory_space<vmem>>
        %dma_start3A_318 = tpu.memref_squeeze %dma_start3A_317 : memref<1x256xi32, #tpu.memory_space<vmem>> -> memref<256xi32, #tpu.memory_space<vmem>>
        %dma_start3A_319 = tpu.memref_slice %dma_start3A_318[%mul3A_315] : memref<256xi32, #tpu.memory_space<vmem>> -> memref<128xi32, #tpu.memory_space<vmem>>
        %dma_start3A_320 = arith.constant 0 : i32
        %dma_start3A_321 = arith.constant 0 : i32
        %dma_start3A_322 = tpu.memref_slice %arg14[%dma_start3A_320, %dma_start3A_321] : memref<10016x64xf32, #tpu.memory_space<vmem_shared>> -> memref<10016x64xf32, #tpu.memory_space<vmem_shared>>
        tpu.enqueue_indirect_dma source(%arg10 : memref<128x64xf32, #tpu.memory_space<vmem>>) target(%dma_start3A_322 : memref<10016x64xf32, #tpu.memory_space<vmem_shared>>) offsets(%dma_start3A_319 : memref<128xi32, #tpu.memory_space<vmem>>) semaphore(%arg23 : memref<!tpu.dma_semaphore, #tpu.memory_space<semaphore_mem>>) {add = true}
      } else {
      }
      %add3A_155 = arith.constant 3 : i32
      %add3A_156 = arith.addi %mul3A_133, %add3A_155 : i32
      %lt3A_157 = arith.constant 78 : i32
      %lt3A_158 = arith.cmpi slt, %add3A_156, %lt3A_157 : i32
      %convert_element_type3A_159 = arith.extui %lt3A_158 : i1 to i32
      %cond3A_160 = arith.constant 0 : i32
      %cond3A_161 = arith.cmpi ne, %convert_element_type3A_159, %cond3A_160 : i32
      scf.if %cond3A_161 {
        %add3A_230 = arith.constant 3 : i32
        %add3A_231 = arith.addi %mul3A_133, %add3A_230 : i32
        %jit3A = arith.constant 2 : i32
        %div3A = arith.divsi %add3A_231, %jit3A : i32
        %sign3A = arith.constant 0 : i32
        %sign3A_232 = arith.cmpi sgt, %add3A_231, %sign3A : i32
        %sign3A_233 = arith.extui %sign3A_232 : i1 to i32
        %sign3A_234 = arith.constant 0 : i32
        %sign3A_235 = arith.cmpi slt, %add3A_231, %sign3A_234 : i32
        %sign3A_236 = arith.extui %sign3A_235 : i1 to i32
        %sign3A_237 = arith.subi %sign3A_233, %sign3A_236 : i32
        %sign3A_238 = arith.constant 0 : i32
        %sign3A_239 = arith.cmpi sgt, %jit3A, %sign3A_238 : i32
        %sign3A_240 = arith.extui %sign3A_239 : i1 to i32
        %sign3A_241 = arith.constant 0 : i32
        %sign3A_242 = arith.cmpi slt, %jit3A, %sign3A_241 : i32
        %sign3A_243 = arith.extui %sign3A_242 : i1 to i32
        %sign3A_244 = arith.subi %sign3A_240, %sign3A_243 : i32
        %ne3A = arith.cmpi ne, %sign3A_237, %sign3A_244 : i32
        %rem3A = arith.remsi %add3A_231, %jit3A : i32
        %ne3A_245 = arith.constant 0 : i32
        %ne3A_246 = arith.cmpi ne, %rem3A, %ne3A_245 : i32
        %and3A = arith.andi %ne3A, %ne3A_246 : i1
        %sub3A = arith.constant 1 : i32
        %sub3A_247 = arith.subi %div3A, %sub3A : i32
        %select_n3A = arith.select %and3A, %sub3A_247, %div3A : i32
        %jit3A_248 = arith.constant 2 : i32
        %eq3A = arith.constant 0 : i32
        %eq3A_249 = arith.cmpi eq, %jit3A_248, %eq3A : i32
        %jit3A_250 = arith.constant 1 : i32
        %select_n3A_251 = arith.select %eq3A_249, %jit3A_250, %jit3A_248 : i32
        %rem3A_252 = arith.remsi %add3A_231, %select_n3A_251 : i32
        %ne3A_253 = arith.constant 0 : i32
        %ne3A_254 = arith.cmpi ne, %rem3A_252, %ne3A_253 : i32
        %lt3A_255 = arith.constant 0 : i32
        %lt3A_256 = arith.cmpi slt, %rem3A_252, %lt3A_255 : i32
        %lt3A_257 = arith.constant 0 : i32
        %lt3A_258 = arith.cmpi slt, %select_n3A_251, %lt3A_257 : i32
        %ne3A_259 = arith.xori %lt3A_256, %lt3A_258 : i1
        %and3A_260 = arith.andi %ne3A_259, %ne3A_254 : i1
        %add3A_261 = arith.addi %rem3A_252, %select_n3A_251 : i32
        %select_n3A_262 = arith.select %and3A_260, %add3A_261, %rem3A_252 : i32
        %mul3A_263 = arith.constant 128 : i32
        %mul3A_264 = arith.muli %select_n3A_262, %mul3A_263 : i32
        %dma_wait3A_265 = arith.constant 0 : i32
        %dma_wait3A_266 = tpu.memref_slice %arg6[%select_n3A, %dma_wait3A_265] : memref<40x256xi32, #tpu.memory_space<vmem>> -> memref<1x256xi32, #tpu.memory_space<vmem>>
        %dma_wait3A_267 = tpu.memref_squeeze %dma_wait3A_266 : memref<1x256xi32, #tpu.memory_space<vmem>> -> memref<256xi32, #tpu.memory_space<vmem>>
        %dma_wait3A_268 = tpu.memref_slice %dma_wait3A_267[%mul3A_264] : memref<256xi32, #tpu.memory_space<vmem>> -> memref<128xi32, #tpu.memory_space<vmem>>
        %dma_wait3A_269 = arith.constant 0 : i32
        %dma_wait3A_270 = arith.constant 0 : i32
        %dma_wait3A_271 = tpu.memref_slice %arg2[%dma_wait3A_269, %dma_wait3A_270] : memref<10000x64xf32, #tpu.memory_space<hbm>> -> memref<10000x64xf32, #tpu.memory_space<hbm>>
        tpu.wait_indirect_dma semaphore(%arg18 : memref<!tpu.dma_semaphore, #tpu.memory_space<semaphore_mem>>) src(%dma_wait3A_271 : memref<10000x64xf32, #tpu.memory_space<hbm>>) dst(%arg11 : memref<128x64xf32, #tpu.memory_space<vmem>>)
        %add3A_272 = arith.constant 3 : i32
        %add3A_273 = arith.addi %mul3A_133, %add3A_272 : i32
        %jit3A_274 = arith.constant 2 : i32
        %div3A_275 = arith.divsi %add3A_273, %jit3A_274 : i32
        %sign3A_276 = arith.constant 0 : i32
        %sign3A_277 = arith.cmpi sgt, %add3A_273, %sign3A_276 : i32
        %sign3A_278 = arith.extui %sign3A_277 : i1 to i32
        %sign3A_279 = arith.constant 0 : i32
        %sign3A_280 = arith.cmpi slt, %add3A_273, %sign3A_279 : i32
        %sign3A_281 = arith.extui %sign3A_280 : i1 to i32
        %sign3A_282 = arith.subi %sign3A_278, %sign3A_281 : i32
        %sign3A_283 = arith.constant 0 : i32
        %sign3A_284 = arith.cmpi sgt, %jit3A_274, %sign3A_283 : i32
        %sign3A_285 = arith.extui %sign3A_284 : i1 to i32
        %sign3A_286 = arith.constant 0 : i32
        %sign3A_287 = arith.cmpi slt, %jit3A_274, %sign3A_286 : i32
        %sign3A_288 = arith.extui %sign3A_287 : i1 to i32
        %sign3A_289 = arith.subi %sign3A_285, %sign3A_288 : i32
        %ne3A_290 = arith.cmpi ne, %sign3A_282, %sign3A_289 : i32
        %rem3A_291 = arith.remsi %add3A_273, %jit3A_274 : i32
        %ne3A_292 = arith.constant 0 : i32
        %ne3A_293 = arith.cmpi ne, %rem3A_291, %ne3A_292 : i32
        %and3A_294 = arith.andi %ne3A_290, %ne3A_293 : i1
        %sub3A_295 = arith.constant 1 : i32
        %sub3A_296 = arith.subi %div3A_275, %sub3A_295 : i32
        %select_n3A_297 = arith.select %and3A_294, %sub3A_296, %div3A_275 : i32
        %jit3A_298 = arith.constant 2 : i32
        %eq3A_299 = arith.constant 0 : i32
        %eq3A_300 = arith.cmpi eq, %jit3A_298, %eq3A_299 : i32
        %jit3A_301 = arith.constant 1 : i32
        %select_n3A_302 = arith.select %eq3A_300, %jit3A_301, %jit3A_298 : i32
        %rem3A_303 = arith.remsi %add3A_273, %select_n3A_302 : i32
        %ne3A_304 = arith.constant 0 : i32
        %ne3A_305 = arith.cmpi ne, %rem3A_303, %ne3A_304 : i32
        %lt3A_306 = arith.constant 0 : i32
        %lt3A_307 = arith.cmpi slt, %rem3A_303, %lt3A_306 : i32
        %lt3A_308 = arith.constant 0 : i32
        %lt3A_309 = arith.cmpi slt, %select_n3A_302, %lt3A_308 : i32
        %ne3A_310 = arith.xori %lt3A_307, %lt3A_309 : i1
        %and3A_311 = arith.andi %ne3A_310, %ne3A_305 : i1
        %add3A_312 = arith.addi %rem3A_303, %select_n3A_302 : i32
        %select_n3A_313 = arith.select %and3A_311, %add3A_312, %rem3A_303 : i32
        %mul3A_314 = arith.constant 128 : i32
        %mul3A_315 = arith.muli %select_n3A_313, %mul3A_314 : i32
        %dma_start3A_316 = arith.constant 0 : i32
        %dma_start3A_317 = tpu.memref_slice %arg7[%select_n3A_297, %dma_start3A_316] : memref<40x256xi32, #tpu.memory_space<vmem>> -> memref<1x256xi32, #tpu.memory_space<vmem>>
        %dma_start3A_318 = tpu.memref_squeeze %dma_start3A_317 : memref<1x256xi32, #tpu.memory_space<vmem>> -> memref<256xi32, #tpu.memory_space<vmem>>
        %dma_start3A_319 = tpu.memref_slice %dma_start3A_318[%mul3A_315] : memref<256xi32, #tpu.memory_space<vmem>> -> memref<128xi32, #tpu.memory_space<vmem>>
        %dma_start3A_320 = arith.constant 0 : i32
        %dma_start3A_321 = arith.constant 0 : i32
        %dma_start3A_322 = tpu.memref_slice %arg14[%dma_start3A_320, %dma_start3A_321] : memref<10016x64xf32, #tpu.memory_space<vmem_shared>> -> memref<10016x64xf32, #tpu.memory_space<vmem_shared>>
        tpu.enqueue_indirect_dma source(%arg11 : memref<128x64xf32, #tpu.memory_space<vmem>>) target(%dma_start3A_322 : memref<10016x64xf32, #tpu.memory_space<vmem_shared>>) offsets(%dma_start3A_319 : memref<128xi32, #tpu.memory_space<vmem>>) semaphore(%arg24 : memref<!tpu.dma_semaphore, #tpu.memory_space<semaphore_mem>>) {add = true}
      } else {
      }
      %add3A_162 = arith.constant 4 : i32
      %add3A_163 = arith.addi %mul3A_133, %add3A_162 : i32
      %lt3A_164 = arith.constant 78 : i32
      %lt3A_165 = arith.cmpi slt, %add3A_163, %lt3A_164 : i32
      %convert_element_type3A_166 = arith.extui %lt3A_165 : i1 to i32
      %cond3A_167 = arith.constant 0 : i32
      %cond3A_168 = arith.cmpi ne, %convert_element_type3A_166, %cond3A_167 : i32
      scf.if %cond3A_168 {
        %add3A_230 = arith.constant 4 : i32
        %add3A_231 = arith.addi %mul3A_133, %add3A_230 : i32
        %jit3A = arith.constant 2 : i32
        %div3A = arith.divsi %add3A_231, %jit3A : i32
        %sign3A = arith.constant 0 : i32
        %sign3A_232 = arith.cmpi sgt, %add3A_231, %sign3A : i32
        %sign3A_233 = arith.extui %sign3A_232 : i1 to i32
        %sign3A_234 = arith.constant 0 : i32
        %sign3A_235 = arith.cmpi slt, %add3A_231, %sign3A_234 : i32
        %sign3A_236 = arith.extui %sign3A_235 : i1 to i32
        %sign3A_237 = arith.subi %sign3A_233, %sign3A_236 : i32
        %sign3A_238 = arith.constant 0 : i32
        %sign3A_239 = arith.cmpi sgt, %jit3A, %sign3A_238 : i32
        %sign3A_240 = arith.extui %sign3A_239 : i1 to i32
        %sign3A_241 = arith.constant 0 : i32
        %sign3A_242 = arith.cmpi slt, %jit3A, %sign3A_241 : i32
        %sign3A_243 = arith.extui %sign3A_242 : i1 to i32
        %sign3A_244 = arith.subi %sign3A_240, %sign3A_243 : i32
        %ne3A = arith.cmpi ne, %sign3A_237, %sign3A_244 : i32
        %rem3A = arith.remsi %add3A_231, %jit3A : i32
        %ne3A_245 = arith.constant 0 : i32
        %ne3A_246 = arith.cmpi ne, %rem3A, %ne3A_245 : i32
        %and3A = arith.andi %ne3A, %ne3A_246 : i1
        %sub3A = arith.constant 1 : i32
        %sub3A_247 = arith.subi %div3A, %sub3A : i32
        %select_n3A = arith.select %and3A, %sub3A_247, %div3A : i32
        %jit3A_248 = arith.constant 2 : i32
        %eq3A = arith.constant 0 : i32
        %eq3A_249 = arith.cmpi eq, %jit3A_248, %eq3A : i32
        %jit3A_250 = arith.constant 1 : i32
        %select_n3A_251 = arith.select %eq3A_249, %jit3A_250, %jit3A_248 : i32
        %rem3A_252 = arith.remsi %add3A_231, %select_n3A_251 : i32
        %ne3A_253 = arith.constant 0 : i32
        %ne3A_254 = arith.cmpi ne, %rem3A_252, %ne3A_253 : i32
        %lt3A_255 = arith.constant 0 : i32
        %lt3A_256 = arith.cmpi slt, %rem3A_252, %lt3A_255 : i32
        %lt3A_257 = arith.constant 0 : i32
        %lt3A_258 = arith.cmpi slt, %select_n3A_251, %lt3A_257 : i32
        %ne3A_259 = arith.xori %lt3A_256, %lt3A_258 : i1
        %and3A_260 = arith.andi %ne3A_259, %ne3A_254 : i1
        %add3A_261 = arith.addi %rem3A_252, %select_n3A_251 : i32
        %select_n3A_262 = arith.select %and3A_260, %add3A_261, %rem3A_252 : i32
        %mul3A_263 = arith.constant 128 : i32
        %mul3A_264 = arith.muli %select_n3A_262, %mul3A_263 : i32
        %dma_wait3A_265 = arith.constant 0 : i32
        %dma_wait3A_266 = tpu.memref_slice %arg6[%select_n3A, %dma_wait3A_265] : memref<40x256xi32, #tpu.memory_space<vmem>> -> memref<1x256xi32, #tpu.memory_space<vmem>>
        %dma_wait3A_267 = tpu.memref_squeeze %dma_wait3A_266 : memref<1x256xi32, #tpu.memory_space<vmem>> -> memref<256xi32, #tpu.memory_space<vmem>>
        %dma_wait3A_268 = tpu.memref_slice %dma_wait3A_267[%mul3A_264] : memref<256xi32, #tpu.memory_space<vmem>> -> memref<128xi32, #tpu.memory_space<vmem>>
        %dma_wait3A_269 = arith.constant 0 : i32
        %dma_wait3A_270 = arith.constant 0 : i32
        %dma_wait3A_271 = tpu.memref_slice %arg2[%dma_wait3A_269, %dma_wait3A_270] : memref<10000x64xf32, #tpu.memory_space<hbm>> -> memref<10000x64xf32, #tpu.memory_space<hbm>>
        tpu.wait_indirect_dma semaphore(%arg19 : memref<!tpu.dma_semaphore, #tpu.memory_space<semaphore_mem>>) src(%dma_wait3A_271 : memref<10000x64xf32, #tpu.memory_space<hbm>>) dst(%arg12 : memref<128x64xf32, #tpu.memory_space<vmem>>)
        %add3A_272 = arith.constant 4 : i32
        %add3A_273 = arith.addi %mul3A_133, %add3A_272 : i32
        %jit3A_274 = arith.constant 2 : i32
        %div3A_275 = arith.divsi %add3A_273, %jit3A_274 : i32
        %sign3A_276 = arith.constant 0 : i32
        %sign3A_277 = arith.cmpi sgt, %add3A_273, %sign3A_276 : i32
        %sign3A_278 = arith.extui %sign3A_277 : i1 to i32
        %sign3A_279 = arith.constant 0 : i32
        %sign3A_280 = arith.cmpi slt, %add3A_273, %sign3A_279 : i32
        %sign3A_281 = arith.extui %sign3A_280 : i1 to i32
        %sign3A_282 = arith.subi %sign3A_278, %sign3A_281 : i32
        %sign3A_283 = arith.constant 0 : i32
        %sign3A_284 = arith.cmpi sgt, %jit3A_274, %sign3A_283 : i32
        %sign3A_285 = arith.extui %sign3A_284 : i1 to i32
        %sign3A_286 = arith.constant 0 : i32
        %sign3A_287 = arith.cmpi slt, %jit3A_274, %sign3A_286 : i32
        %sign3A_288 = arith.extui %sign3A_287 : i1 to i32
        %sign3A_289 = arith.subi %sign3A_285, %sign3A_288 : i32
        %ne3A_290 = arith.cmpi ne, %sign3A_282, %sign3A_289 : i32
        %rem3A_291 = arith.remsi %add3A_273, %jit3A_274 : i32
        %ne3A_292 = arith.constant 0 : i32
        %ne3A_293 = arith.cmpi ne, %rem3A_291, %ne3A_292 : i32
        %and3A_294 = arith.andi %ne3A_290, %ne3A_293 : i1
        %sub3A_295 = arith.constant 1 : i32
        %sub3A_296 = arith.subi %div3A_275, %sub3A_295 : i32
        %select_n3A_297 = arith.select %and3A_294, %sub3A_296, %div3A_275 : i32
        %jit3A_298 = arith.constant 2 : i32
        %eq3A_299 = arith.constant 0 : i32
        %eq3A_300 = arith.cmpi eq, %jit3A_298, %eq3A_299 : i32
        %jit3A_301 = arith.constant 1 : i32
        %select_n3A_302 = arith.select %eq3A_300, %jit3A_301, %jit3A_298 : i32
        %rem3A_303 = arith.remsi %add3A_273, %select_n3A_302 : i32
        %ne3A_304 = arith.constant 0 : i32
        %ne3A_305 = arith.cmpi ne, %rem3A_303, %ne3A_304 : i32
        %lt3A_306 = arith.constant 0 : i32
        %lt3A_307 = arith.cmpi slt, %rem3A_303, %lt3A_306 : i32
        %lt3A_308 = arith.constant 0 : i32
        %lt3A_309 = arith.cmpi slt, %select_n3A_302, %lt3A_308 : i32
        %ne3A_310 = arith.xori %lt3A_307, %lt3A_309 : i1
        %and3A_311 = arith.andi %ne3A_310, %ne3A_305 : i1
        %add3A_312 = arith.addi %rem3A_303, %select_n3A_302 : i32
        %select_n3A_313 = arith.select %and3A_311, %add3A_312, %rem3A_303 : i32
        %mul3A_314 = arith.constant 128 : i32
        %mul3A_315 = arith.muli %select_n3A_313, %mul3A_314 : i32
        %dma_start3A_316 = arith.constant 0 : i32
        %dma_start3A_317 = tpu.memref_slice %arg7[%select_n3A_297, %dma_start3A_316] : memref<40x256xi32, #tpu.memory_space<vmem>> -> memref<1x256xi32, #tpu.memory_space<vmem>>
        %dma_start3A_318 = tpu.memref_squeeze %dma_start3A_317 : memref<1x256xi32, #tpu.memory_space<vmem>> -> memref<256xi32, #tpu.memory_space<vmem>>
        %dma_start3A_319 = tpu.memref_slice %dma_start3A_318[%mul3A_315] : memref<256xi32, #tpu.memory_space<vmem>> -> memref<128xi32, #tpu.memory_space<vmem>>
        %dma_start3A_320 = arith.constant 0 : i32
        %dma_start3A_321 = arith.constant 0 : i32
        %dma_start3A_322 = tpu.memref_slice %arg14[%dma_start3A_320, %dma_start3A_321] : memref<10016x64xf32, #tpu.memory_space<vmem_shared>> -> memref<10016x64xf32, #tpu.memory_space<vmem_shared>>
        tpu.enqueue_indirect_dma source(%arg12 : memref<128x64xf32, #tpu.memory_space<vmem>>) target(%dma_start3A_322 : memref<10016x64xf32, #tpu.memory_space<vmem_shared>>) offsets(%dma_start3A_319 : memref<128xi32, #tpu.memory_space<vmem>>) semaphore(%arg25 : memref<!tpu.dma_semaphore, #tpu.memory_space<semaphore_mem>>) {add = true}
      } else {
      }
      %add3A_169 = arith.constant 5 : i32
      %add3A_170 = arith.addi %mul3A_133, %add3A_169 : i32
      %lt3A_171 = arith.constant 78 : i32
      %lt3A_172 = arith.cmpi slt, %add3A_170, %lt3A_171 : i32
      %convert_element_type3A_173 = arith.extui %lt3A_172 : i1 to i32
      %cond3A_174 = arith.constant 0 : i32
      %cond3A_175 = arith.cmpi ne, %convert_element_type3A_173, %cond3A_174 : i32
      scf.if %cond3A_175 {
        %add3A_230 = arith.constant 5 : i32
        %add3A_231 = arith.addi %mul3A_133, %add3A_230 : i32
        %jit3A = arith.constant 2 : i32
        %div3A = arith.divsi %add3A_231, %jit3A : i32
        %sign3A = arith.constant 0 : i32
        %sign3A_232 = arith.cmpi sgt, %add3A_231, %sign3A : i32
        %sign3A_233 = arith.extui %sign3A_232 : i1 to i32
        %sign3A_234 = arith.constant 0 : i32
        %sign3A_235 = arith.cmpi slt, %add3A_231, %sign3A_234 : i32
        %sign3A_236 = arith.extui %sign3A_235 : i1 to i32
        %sign3A_237 = arith.subi %sign3A_233, %sign3A_236 : i32
        %sign3A_238 = arith.constant 0 : i32
        %sign3A_239 = arith.cmpi sgt, %jit3A, %sign3A_238 : i32
        %sign3A_240 = arith.extui %sign3A_239 : i1 to i32
        %sign3A_241 = arith.constant 0 : i32
        %sign3A_242 = arith.cmpi slt, %jit3A, %sign3A_241 : i32
        %sign3A_243 = arith.extui %sign3A_242 : i1 to i32
        %sign3A_244 = arith.subi %sign3A_240, %sign3A_243 : i32
        %ne3A = arith.cmpi ne, %sign3A_237, %sign3A_244 : i32
        %rem3A = arith.remsi %add3A_231, %jit3A : i32
        %ne3A_245 = arith.constant 0 : i32
        %ne3A_246 = arith.cmpi ne, %rem3A, %ne3A_245 : i32
        %and3A = arith.andi %ne3A, %ne3A_246 : i1
        %sub3A = arith.constant 1 : i32
        %sub3A_247 = arith.subi %div3A, %sub3A : i32
        %select_n3A = arith.select %and3A, %sub3A_247, %div3A : i32
        %jit3A_248 = arith.constant 2 : i32
        %eq3A = arith.constant 0 : i32
        %eq3A_249 = arith.cmpi eq, %jit3A_248, %eq3A : i32
        %jit3A_250 = arith.constant 1 : i32
        %select_n3A_251 = arith.select %eq3A_249, %jit3A_250, %jit3A_248 : i32
        %rem3A_252 = arith.remsi %add3A_231, %select_n3A_251 : i32
        %ne3A_253 = arith.constant 0 : i32
        %ne3A_254 = arith.cmpi ne, %rem3A_252, %ne3A_253 : i32
        %lt3A_255 = arith.constant 0 : i32
        %lt3A_256 = arith.cmpi slt, %rem3A_252, %lt3A_255 : i32
        %lt3A_257 = arith.constant 0 : i32
        %lt3A_258 = arith.cmpi slt, %select_n3A_251, %lt3A_257 : i32
        %ne3A_259 = arith.xori %lt3A_256, %lt3A_258 : i1
        %and3A_260 = arith.andi %ne3A_259, %ne3A_254 : i1
        %add3A_261 = arith.addi %rem3A_252, %select_n3A_251 : i32
        %select_n3A_262 = arith.select %and3A_260, %add3A_261, %rem3A_252 : i32
        %mul3A_263 = arith.constant 128 : i32
        %mul3A_264 = arith.muli %select_n3A_262, %mul3A_263 : i32
        %dma_wait3A_265 = arith.constant 0 : i32
        %dma_wait3A_266 = tpu.memref_slice %arg6[%select_n3A, %dma_wait3A_265] : memref<40x256xi32, #tpu.memory_space<vmem>> -> memref<1x256xi32, #tpu.memory_space<vmem>>
        %dma_wait3A_267 = tpu.memref_squeeze %dma_wait3A_266 : memref<1x256xi32, #tpu.memory_space<vmem>> -> memref<256xi32, #tpu.memory_space<vmem>>
        %dma_wait3A_268 = tpu.memref_slice %dma_wait3A_267[%mul3A_264] : memref<256xi32, #tpu.memory_space<vmem>> -> memref<128xi32, #tpu.memory_space<vmem>>
        %dma_wait3A_269 = arith.constant 0 : i32
        %dma_wait3A_270 = arith.constant 0 : i32
        %dma_wait3A_271 = tpu.memref_slice %arg2[%dma_wait3A_269, %dma_wait3A_270] : memref<10000x64xf32, #tpu.memory_space<hbm>> -> memref<10000x64xf32, #tpu.memory_space<hbm>>
        tpu.wait_indirect_dma semaphore(%arg20 : memref<!tpu.dma_semaphore, #tpu.memory_space<semaphore_mem>>) src(%dma_wait3A_271 : memref<10000x64xf32, #tpu.memory_space<hbm>>) dst(%arg13 : memref<128x64xf32, #tpu.memory_space<vmem>>)
        %add3A_272 = arith.constant 5 : i32
        %add3A_273 = arith.addi %mul3A_133, %add3A_272 : i32
        %jit3A_274 = arith.constant 2 : i32
        %div3A_275 = arith.divsi %add3A_273, %jit3A_274 : i32
        %sign3A_276 = arith.constant 0 : i32
        %sign3A_277 = arith.cmpi sgt, %add3A_273, %sign3A_276 : i32
        %sign3A_278 = arith.extui %sign3A_277 : i1 to i32
        %sign3A_279 = arith.constant 0 : i32
        %sign3A_280 = arith.cmpi slt, %add3A_273, %sign3A_279 : i32
        %sign3A_281 = arith.extui %sign3A_280 : i1 to i32
        %sign3A_282 = arith.subi %sign3A_278, %sign3A_281 : i32
        %sign3A_283 = arith.constant 0 : i32
        %sign3A_284 = arith.cmpi sgt, %jit3A_274, %sign3A_283 : i32
        %sign3A_285 = arith.extui %sign3A_284 : i1 to i32
        %sign3A_286 = arith.constant 0 : i32
        %sign3A_287 = arith.cmpi slt, %jit3A_274, %sign3A_286 : i32
        %sign3A_288 = arith.extui %sign3A_287 : i1 to i32
        %sign3A_289 = arith.subi %sign3A_285, %sign3A_288 : i32
        %ne3A_290 = arith.cmpi ne, %sign3A_282, %sign3A_289 : i32
        %rem3A_291 = arith.remsi %add3A_273, %jit3A_274 : i32
        %ne3A_292 = arith.constant 0 : i32
        %ne3A_293 = arith.cmpi ne, %rem3A_291, %ne3A_292 : i32
        %and3A_294 = arith.andi %ne3A_290, %ne3A_293 : i1
        %sub3A_295 = arith.constant 1 : i32
        %sub3A_296 = arith.subi %div3A_275, %sub3A_295 : i32
        %select_n3A_297 = arith.select %and3A_294, %sub3A_296, %div3A_275 : i32
        %jit3A_298 = arith.constant 2 : i32
        %eq3A_299 = arith.constant 0 : i32
        %eq3A_300 = arith.cmpi eq, %jit3A_298, %eq3A_299 : i32
        %jit3A_301 = arith.constant 1 : i32
        %select_n3A_302 = arith.select %eq3A_300, %jit3A_301, %jit3A_298 : i32
        %rem3A_303 = arith.remsi %add3A_273, %select_n3A_302 : i32
        %ne3A_304 = arith.constant 0 : i32
        %ne3A_305 = arith.cmpi ne, %rem3A_303, %ne3A_304 : i32
        %lt3A_306 = arith.constant 0 : i32
        %lt3A_307 = arith.cmpi slt, %rem3A_303, %lt3A_306 : i32
        %lt3A_308 = arith.constant 0 : i32
        %lt3A_309 = arith.cmpi slt, %select_n3A_302, %lt3A_308 : i32
        %ne3A_310 = arith.xori %lt3A_307, %lt3A_309 : i1
        %and3A_311 = arith.andi %ne3A_310, %ne3A_305 : i1
        %add3A_312 = arith.addi %rem3A_303, %select_n3A_302 : i32
        %select_n3A_313 = arith.select %and3A_311, %add3A_312, %rem3A_303 : i32
        %mul3A_314 = arith.constant 128 : i32
        %mul3A_315 = arith.muli %select_n3A_313, %mul3A_314 : i32
        %dma_start3A_316 = arith.constant 0 : i32
        %dma_start3A_317 = tpu.memref_slice %arg7[%select_n3A_297, %dma_start3A_316] : memref<40x256xi32, #tpu.memory_space<vmem>> -> memref<1x256xi32, #tpu.memory_space<vmem>>
        %dma_start3A_318 = tpu.memref_squeeze %dma_start3A_317 : memref<1x256xi32, #tpu.memory_space<vmem>> -> memref<256xi32, #tpu.memory_space<vmem>>
        %dma_start3A_319 = tpu.memref_slice %dma_start3A_318[%mul3A_315] : memref<256xi32, #tpu.memory_space<vmem>> -> memref<128xi32, #tpu.memory_space<vmem>>
        %dma_start3A_320 = arith.constant 0 : i32
        %dma_start3A_321 = arith.constant 0 : i32
        %dma_start3A_322 = tpu.memref_slice %arg14[%dma_start3A_320, %dma_start3A_321] : memref<10016x64xf32, #tpu.memory_space<vmem_shared>> -> memref<10016x64xf32, #tpu.memory_space<vmem_shared>>
        tpu.enqueue_indirect_dma source(%arg13 : memref<128x64xf32, #tpu.memory_space<vmem>>) target(%dma_start3A_322 : memref<10016x64xf32, #tpu.memory_space<vmem_shared>>) offsets(%dma_start3A_319 : memref<128xi32, #tpu.memory_space<vmem>>) semaphore(%arg26 : memref<!tpu.dma_semaphore, #tpu.memory_space<semaphore_mem>>) {add = true}
      } else {
      }
      %add3A_176 = arith.constant 6 : i32
      %add3A_177 = arith.addi %mul3A_133, %add3A_176 : i32
      %add3A_178 = arith.constant 0 : i32
      %add3A_179 = arith.addi %add3A_177, %add3A_178 : i32
      %lt3A_180 = arith.constant 78 : i32
      %lt3A_181 = arith.cmpi slt, %add3A_179, %lt3A_180 : i32
      %convert_element_type3A_182 = arith.extui %lt3A_181 : i1 to i32
      %cond3A_183 = arith.constant 0 : i32
      %cond3A_184 = arith.cmpi ne, %convert_element_type3A_182, %cond3A_183 : i32
      scf.if %cond3A_184 {
        %dma_wait3A_230 = arith.constant 0 : i32
        %dma_wait3A_231 = arith.constant 0 : i32
        %dma_wait3A_232 = tpu.memref_slice %arg7[%dma_wait3A_230, %dma_wait3A_231] : memref<40x256xi32, #tpu.memory_space<vmem>> -> memref<1x256xi32, #tpu.memory_space<vmem>>
        %dma_wait3A_233 = tpu.memref_squeeze %dma_wait3A_232 : memref<1x256xi32, #tpu.memory_space<vmem>> -> memref<256xi32, #tpu.memory_space<vmem>>
        %dma_wait3A_234 = arith.constant 0 : i32
        %dma_wait3A_235 = tpu.memref_slice %dma_wait3A_233[%dma_wait3A_234] : memref<256xi32, #tpu.memory_space<vmem>> -> memref<128xi32, #tpu.memory_space<vmem>>
        %dma_wait3A_236 = arith.constant 0 : i32
        %dma_wait3A_237 = arith.constant 0 : i32
        %dma_wait3A_238 = tpu.memref_slice %arg14[%dma_wait3A_236, %dma_wait3A_237] : memref<10016x64xf32, #tpu.memory_space<vmem_shared>> -> memref<10016x64xf32, #tpu.memory_space<vmem_shared>>
        tpu.wait_indirect_dma semaphore(%arg21 : memref<!tpu.dma_semaphore, #tpu.memory_space<semaphore_mem>>) src(%arg8 : memref<128x64xf32, #tpu.memory_space<vmem>>) dst(%dma_wait3A_238 : memref<10016x64xf32, #tpu.memory_space<vmem_shared>>)
        %jit3A = arith.constant 2 : i32
        %div3A = arith.divsi %add3A_179, %jit3A : i32
        %sign3A = arith.constant 0 : i32
        %sign3A_239 = arith.cmpi sgt, %add3A_179, %sign3A : i32
        %sign3A_240 = arith.extui %sign3A_239 : i1 to i32
        %sign3A_241 = arith.constant 0 : i32
        %sign3A_242 = arith.cmpi slt, %add3A_179, %sign3A_241 : i32
        %sign3A_243 = arith.extui %sign3A_242 : i1 to i32
        %sign3A_244 = arith.subi %sign3A_240, %sign3A_243 : i32
        %sign3A_245 = arith.constant 0 : i32
        %sign3A_246 = arith.cmpi sgt, %jit3A, %sign3A_245 : i32
        %sign3A_247 = arith.extui %sign3A_246 : i1 to i32
        %sign3A_248 = arith.constant 0 : i32
        %sign3A_249 = arith.cmpi slt, %jit3A, %sign3A_248 : i32
        %sign3A_250 = arith.extui %sign3A_249 : i1 to i32
        %sign3A_251 = arith.subi %sign3A_247, %sign3A_250 : i32
        %ne3A = arith.cmpi ne, %sign3A_244, %sign3A_251 : i32
        %rem3A = arith.remsi %add3A_179, %jit3A : i32
        %ne3A_252 = arith.constant 0 : i32
        %ne3A_253 = arith.cmpi ne, %rem3A, %ne3A_252 : i32
        %and3A = arith.andi %ne3A, %ne3A_253 : i1
        %sub3A = arith.constant 1 : i32
        %sub3A_254 = arith.subi %div3A, %sub3A : i32
        %select_n3A = arith.select %and3A, %sub3A_254, %div3A : i32
        %jit3A_255 = arith.constant 2 : i32
        %eq3A = arith.constant 0 : i32
        %eq3A_256 = arith.cmpi eq, %jit3A_255, %eq3A : i32
        %jit3A_257 = arith.constant 1 : i32
        %select_n3A_258 = arith.select %eq3A_256, %jit3A_257, %jit3A_255 : i32
        %rem3A_259 = arith.remsi %add3A_179, %select_n3A_258 : i32
        %ne3A_260 = arith.constant 0 : i32
        %ne3A_261 = arith.cmpi ne, %rem3A_259, %ne3A_260 : i32
        %lt3A_262 = arith.constant 0 : i32
        %lt3A_263 = arith.cmpi slt, %rem3A_259, %lt3A_262 : i32
        %lt3A_264 = arith.constant 0 : i32
        %lt3A_265 = arith.cmpi slt, %select_n3A_258, %lt3A_264 : i32
        %ne3A_266 = arith.xori %lt3A_263, %lt3A_265 : i1
        %and3A_267 = arith.andi %ne3A_266, %ne3A_261 : i1
        %add3A_268 = arith.addi %rem3A_259, %select_n3A_258 : i32
        %select_n3A_269 = arith.select %and3A_267, %add3A_268, %rem3A_259 : i32
        %mul3A_270 = arith.constant 128 : i32
        %mul3A_271 = arith.muli %select_n3A_269, %mul3A_270 : i32
        %dma_start3A_272 = arith.constant 0 : i32
        %dma_start3A_273 = tpu.memref_slice %arg6[%select_n3A, %dma_start3A_272] : memref<40x256xi32, #tpu.memory_space<vmem>> -> memref<1x256xi32, #tpu.memory_space<vmem>>
        %dma_start3A_274 = tpu.memref_squeeze %dma_start3A_273 : memref<1x256xi32, #tpu.memory_space<vmem>> -> memref<256xi32, #tpu.memory_space<vmem>>
        %dma_start3A_275 = tpu.memref_slice %dma_start3A_274[%mul3A_271] : memref<256xi32, #tpu.memory_space<vmem>> -> memref<128xi32, #tpu.memory_space<vmem>>
        %dma_start3A_276 = arith.constant 0 : i32
        %dma_start3A_277 = arith.constant 0 : i32
        %dma_start3A_278 = tpu.memref_slice %arg2[%dma_start3A_276, %dma_start3A_277] : memref<10000x64xf32, #tpu.memory_space<hbm>> -> memref<10000x64xf32, #tpu.memory_space<hbm>>
        tpu.enqueue_indirect_dma source(%dma_start3A_278 : memref<10000x64xf32, #tpu.memory_space<hbm>>) target(%arg8 : memref<128x64xf32, #tpu.memory_space<vmem>>) offsets(%dma_start3A_275 : memref<128xi32, #tpu.memory_space<vmem>>) semaphore(%arg15 : memref<!tpu.dma_semaphore, #tpu.memory_space<semaphore_mem>>)
      } else {
      }
      %add3A_185 = arith.constant 6 : i32
      %add3A_186 = arith.addi %mul3A_133, %add3A_185 : i32
      %add3A_187 = arith.constant 1 : i32
      %add3A_188 = arith.addi %add3A_186, %add3A_187 : i32
      %lt3A_189 = arith.constant 78 : i32
      %lt3A_190 = arith.cmpi slt, %add3A_188, %lt3A_189 : i32
      %convert_element_type3A_191 = arith.extui %lt3A_190 : i1 to i32
      %cond3A_192 = arith.constant 0 : i32
      %cond3A_193 = arith.cmpi ne, %convert_element_type3A_191, %cond3A_192 : i32
      scf.if %cond3A_193 {
        %dma_wait3A_230 = arith.constant 0 : i32
        %dma_wait3A_231 = arith.constant 0 : i32
        %dma_wait3A_232 = tpu.memref_slice %arg7[%dma_wait3A_230, %dma_wait3A_231] : memref<40x256xi32, #tpu.memory_space<vmem>> -> memref<1x256xi32, #tpu.memory_space<vmem>>
        %dma_wait3A_233 = tpu.memref_squeeze %dma_wait3A_232 : memref<1x256xi32, #tpu.memory_space<vmem>> -> memref<256xi32, #tpu.memory_space<vmem>>
        %dma_wait3A_234 = arith.constant 0 : i32
        %dma_wait3A_235 = tpu.memref_slice %dma_wait3A_233[%dma_wait3A_234] : memref<256xi32, #tpu.memory_space<vmem>> -> memref<128xi32, #tpu.memory_space<vmem>>
        %dma_wait3A_236 = arith.constant 0 : i32
        %dma_wait3A_237 = arith.constant 0 : i32
        %dma_wait3A_238 = tpu.memref_slice %arg14[%dma_wait3A_236, %dma_wait3A_237] : memref<10016x64xf32, #tpu.memory_space<vmem_shared>> -> memref<10016x64xf32, #tpu.memory_space<vmem_shared>>
        tpu.wait_indirect_dma semaphore(%arg22 : memref<!tpu.dma_semaphore, #tpu.memory_space<semaphore_mem>>) src(%arg9 : memref<128x64xf32, #tpu.memory_space<vmem>>) dst(%dma_wait3A_238 : memref<10016x64xf32, #tpu.memory_space<vmem_shared>>)
        %jit3A = arith.constant 2 : i32
        %div3A = arith.divsi %add3A_188, %jit3A : i32
        %sign3A = arith.constant 0 : i32
        %sign3A_239 = arith.cmpi sgt, %add3A_188, %sign3A : i32
        %sign3A_240 = arith.extui %sign3A_239 : i1 to i32
        %sign3A_241 = arith.constant 0 : i32
        %sign3A_242 = arith.cmpi slt, %add3A_188, %sign3A_241 : i32
        %sign3A_243 = arith.extui %sign3A_242 : i1 to i32
        %sign3A_244 = arith.subi %sign3A_240, %sign3A_243 : i32
        %sign3A_245 = arith.constant 0 : i32
        %sign3A_246 = arith.cmpi sgt, %jit3A, %sign3A_245 : i32
        %sign3A_247 = arith.extui %sign3A_246 : i1 to i32
        %sign3A_248 = arith.constant 0 : i32
        %sign3A_249 = arith.cmpi slt, %jit3A, %sign3A_248 : i32
        %sign3A_250 = arith.extui %sign3A_249 : i1 to i32
        %sign3A_251 = arith.subi %sign3A_247, %sign3A_250 : i32
        %ne3A = arith.cmpi ne, %sign3A_244, %sign3A_251 : i32
        %rem3A = arith.remsi %add3A_188, %jit3A : i32
        %ne3A_252 = arith.constant 0 : i32
        %ne3A_253 = arith.cmpi ne, %rem3A, %ne3A_252 : i32
        %and3A = arith.andi %ne3A, %ne3A_253 : i1
        %sub3A = arith.constant 1 : i32
        %sub3A_254 = arith.subi %div3A, %sub3A : i32
        %select_n3A = arith.select %and3A, %sub3A_254, %div3A : i32
        %jit3A_255 = arith.constant 2 : i32
        %eq3A = arith.constant 0 : i32
        %eq3A_256 = arith.cmpi eq, %jit3A_255, %eq3A : i32
        %jit3A_257 = arith.constant 1 : i32
        %select_n3A_258 = arith.select %eq3A_256, %jit3A_257, %jit3A_255 : i32
        %rem3A_259 = arith.remsi %add3A_188, %select_n3A_258 : i32
        %ne3A_260 = arith.constant 0 : i32
        %ne3A_261 = arith.cmpi ne, %rem3A_259, %ne3A_260 : i32
        %lt3A_262 = arith.constant 0 : i32
        %lt3A_263 = arith.cmpi slt, %rem3A_259, %lt3A_262 : i32
        %lt3A_264 = arith.constant 0 : i32
        %lt3A_265 = arith.cmpi slt, %select_n3A_258, %lt3A_264 : i32
        %ne3A_266 = arith.xori %lt3A_263, %lt3A_265 : i1
        %and3A_267 = arith.andi %ne3A_266, %ne3A_261 : i1
        %add3A_268 = arith.addi %rem3A_259, %select_n3A_258 : i32
        %select_n3A_269 = arith.select %and3A_267, %add3A_268, %rem3A_259 : i32
        %mul3A_270 = arith.constant 128 : i32
        %mul3A_271 = arith.muli %select_n3A_269, %mul3A_270 : i32
        %dma_start3A_272 = arith.constant 0 : i32
        %dma_start3A_273 = tpu.memref_slice %arg6[%select_n3A, %dma_start3A_272] : memref<40x256xi32, #tpu.memory_space<vmem>> -> memref<1x256xi32, #tpu.memory_space<vmem>>
        %dma_start3A_274 = tpu.memref_squeeze %dma_start3A_273 : memref<1x256xi32, #tpu.memory_space<vmem>> -> memref<256xi32, #tpu.memory_space<vmem>>
        %dma_start3A_275 = tpu.memref_slice %dma_start3A_274[%mul3A_271] : memref<256xi32, #tpu.memory_space<vmem>> -> memref<128xi32, #tpu.memory_space<vmem>>
        %dma_start3A_276 = arith.constant 0 : i32
        %dma_start3A_277 = arith.constant 0 : i32
        %dma_start3A_278 = tpu.memref_slice %arg2[%dma_start3A_276, %dma_start3A_277] : memref<10000x64xf32, #tpu.memory_space<hbm>> -> memref<10000x64xf32, #tpu.memory_space<hbm>>
        tpu.enqueue_indirect_dma source(%dma_start3A_278 : memref<10000x64xf32, #tpu.memory_space<hbm>>) target(%arg9 : memref<128x64xf32, #tpu.memory_space<vmem>>) offsets(%dma_start3A_275 : memref<128xi32, #tpu.memory_space<vmem>>) semaphore(%arg16 : memref<!tpu.dma_semaphore, #tpu.memory_space<semaphore_mem>>)
      } else {
      }
      %add3A_194 = arith.constant 6 : i32
      %add3A_195 = arith.addi %mul3A_133, %add3A_194 : i32
      %add3A_196 = arith.constant 2 : i32
      %add3A_197 = arith.addi %add3A_195, %add3A_196 : i32
      %lt3A_198 = arith.constant 78 : i32
      %lt3A_199 = arith.cmpi slt, %add3A_197, %lt3A_198 : i32
      %convert_element_type3A_200 = arith.extui %lt3A_199 : i1 to i32
      %cond3A_201 = arith.constant 0 : i32
      %cond3A_202 = arith.cmpi ne, %convert_element_type3A_200, %cond3A_201 : i32
      scf.if %cond3A_202 {
        %dma_wait3A_230 = arith.constant 0 : i32
        %dma_wait3A_231 = arith.constant 0 : i32
        %dma_wait3A_232 = tpu.memref_slice %arg7[%dma_wait3A_230, %dma_wait3A_231] : memref<40x256xi32, #tpu.memory_space<vmem>> -> memref<1x256xi32, #tpu.memory_space<vmem>>
        %dma_wait3A_233 = tpu.memref_squeeze %dma_wait3A_232 : memref<1x256xi32, #tpu.memory_space<vmem>> -> memref<256xi32, #tpu.memory_space<vmem>>
        %dma_wait3A_234 = arith.constant 0 : i32
        %dma_wait3A_235 = tpu.memref_slice %dma_wait3A_233[%dma_wait3A_234] : memref<256xi32, #tpu.memory_space<vmem>> -> memref<128xi32, #tpu.memory_space<vmem>>
        %dma_wait3A_236 = arith.constant 0 : i32
        %dma_wait3A_237 = arith.constant 0 : i32
        %dma_wait3A_238 = tpu.memref_slice %arg14[%dma_wait3A_236, %dma_wait3A_237] : memref<10016x64xf32, #tpu.memory_space<vmem_shared>> -> memref<10016x64xf32, #tpu.memory_space<vmem_shared>>
        tpu.wait_indirect_dma semaphore(%arg23 : memref<!tpu.dma_semaphore, #tpu.memory_space<semaphore_mem>>) src(%arg10 : memref<128x64xf32, #tpu.memory_space<vmem>>) dst(%dma_wait3A_238 : memref<10016x64xf32, #tpu.memory_space<vmem_shared>>)
        %jit3A = arith.constant 2 : i32
        %div3A = arith.divsi %add3A_197, %jit3A : i32
        %sign3A = arith.constant 0 : i32
        %sign3A_239 = arith.cmpi sgt, %add3A_197, %sign3A : i32
        %sign3A_240 = arith.extui %sign3A_239 : i1 to i32
        %sign3A_241 = arith.constant 0 : i32
        %sign3A_242 = arith.cmpi slt, %add3A_197, %sign3A_241 : i32
        %sign3A_243 = arith.extui %sign3A_242 : i1 to i32
        %sign3A_244 = arith.subi %sign3A_240, %sign3A_243 : i32
        %sign3A_245 = arith.constant 0 : i32
        %sign3A_246 = arith.cmpi sgt, %jit3A, %sign3A_245 : i32
        %sign3A_247 = arith.extui %sign3A_246 : i1 to i32
        %sign3A_248 = arith.constant 0 : i32
        %sign3A_249 = arith.cmpi slt, %jit3A, %sign3A_248 : i32
        %sign3A_250 = arith.extui %sign3A_249 : i1 to i32
        %sign3A_251 = arith.subi %sign3A_247, %sign3A_250 : i32
        %ne3A = arith.cmpi ne, %sign3A_244, %sign3A_251 : i32
        %rem3A = arith.remsi %add3A_197, %jit3A : i32
        %ne3A_252 = arith.constant 0 : i32
        %ne3A_253 = arith.cmpi ne, %rem3A, %ne3A_252 : i32
        %and3A = arith.andi %ne3A, %ne3A_253 : i1
        %sub3A = arith.constant 1 : i32
        %sub3A_254 = arith.subi %div3A, %sub3A : i32
        %select_n3A = arith.select %and3A, %sub3A_254, %div3A : i32
        %jit3A_255 = arith.constant 2 : i32
        %eq3A = arith.constant 0 : i32
        %eq3A_256 = arith.cmpi eq, %jit3A_255, %eq3A : i32
        %jit3A_257 = arith.constant 1 : i32
        %select_n3A_258 = arith.select %eq3A_256, %jit3A_257, %jit3A_255 : i32
        %rem3A_259 = arith.remsi %add3A_197, %select_n3A_258 : i32
        %ne3A_260 = arith.constant 0 : i32
        %ne3A_261 = arith.cmpi ne, %rem3A_259, %ne3A_260 : i32
        %lt3A_262 = arith.constant 0 : i32
        %lt3A_263 = arith.cmpi slt, %rem3A_259, %lt3A_262 : i32
        %lt3A_264 = arith.constant 0 : i32
        %lt3A_265 = arith.cmpi slt, %select_n3A_258, %lt3A_264 : i32
        %ne3A_266 = arith.xori %lt3A_263, %lt3A_265 : i1
        %and3A_267 = arith.andi %ne3A_266, %ne3A_261 : i1
        %add3A_268 = arith.addi %rem3A_259, %select_n3A_258 : i32
        %select_n3A_269 = arith.select %and3A_267, %add3A_268, %rem3A_259 : i32
        %mul3A_270 = arith.constant 128 : i32
        %mul3A_271 = arith.muli %select_n3A_269, %mul3A_270 : i32
        %dma_start3A_272 = arith.constant 0 : i32
        %dma_start3A_273 = tpu.memref_slice %arg6[%select_n3A, %dma_start3A_272] : memref<40x256xi32, #tpu.memory_space<vmem>> -> memref<1x256xi32, #tpu.memory_space<vmem>>
        %dma_start3A_274 = tpu.memref_squeeze %dma_start3A_273 : memref<1x256xi32, #tpu.memory_space<vmem>> -> memref<256xi32, #tpu.memory_space<vmem>>
        %dma_start3A_275 = tpu.memref_slice %dma_start3A_274[%mul3A_271] : memref<256xi32, #tpu.memory_space<vmem>> -> memref<128xi32, #tpu.memory_space<vmem>>
        %dma_start3A_276 = arith.constant 0 : i32
        %dma_start3A_277 = arith.constant 0 : i32
        %dma_start3A_278 = tpu.memref_slice %arg2[%dma_start3A_276, %dma_start3A_277] : memref<10000x64xf32, #tpu.memory_space<hbm>> -> memref<10000x64xf32, #tpu.memory_space<hbm>>
        tpu.enqueue_indirect_dma source(%dma_start3A_278 : memref<10000x64xf32, #tpu.memory_space<hbm>>) target(%arg10 : memref<128x64xf32, #tpu.memory_space<vmem>>) offsets(%dma_start3A_275 : memref<128xi32, #tpu.memory_space<vmem>>) semaphore(%arg17 : memref<!tpu.dma_semaphore, #tpu.memory_space<semaphore_mem>>)
      } else {
      }
      %add3A_203 = arith.constant 6 : i32
      %add3A_204 = arith.addi %mul3A_133, %add3A_203 : i32
      %add3A_205 = arith.constant 3 : i32
      %add3A_206 = arith.addi %add3A_204, %add3A_205 : i32
      %lt3A_207 = arith.constant 78 : i32
      %lt3A_208 = arith.cmpi slt, %add3A_206, %lt3A_207 : i32
      %convert_element_type3A_209 = arith.extui %lt3A_208 : i1 to i32
      %cond3A_210 = arith.constant 0 : i32
      %cond3A_211 = arith.cmpi ne, %convert_element_type3A_209, %cond3A_210 : i32
      scf.if %cond3A_211 {
        %dma_wait3A_230 = arith.constant 0 : i32
        %dma_wait3A_231 = arith.constant 0 : i32
        %dma_wait3A_232 = tpu.memref_slice %arg7[%dma_wait3A_230, %dma_wait3A_231] : memref<40x256xi32, #tpu.memory_space<vmem>> -> memref<1x256xi32, #tpu.memory_space<vmem>>
        %dma_wait3A_233 = tpu.memref_squeeze %dma_wait3A_232 : memref<1x256xi32, #tpu.memory_space<vmem>> -> memref<256xi32, #tpu.memory_space<vmem>>
        %dma_wait3A_234 = arith.constant 0 : i32
        %dma_wait3A_235 = tpu.memref_slice %dma_wait3A_233[%dma_wait3A_234] : memref<256xi32, #tpu.memory_space<vmem>> -> memref<128xi32, #tpu.memory_space<vmem>>
        %dma_wait3A_236 = arith.constant 0 : i32
        %dma_wait3A_237 = arith.constant 0 : i32
        %dma_wait3A_238 = tpu.memref_slice %arg14[%dma_wait3A_236, %dma_wait3A_237] : memref<10016x64xf32, #tpu.memory_space<vmem_shared>> -> memref<10016x64xf32, #tpu.memory_space<vmem_shared>>
        tpu.wait_indirect_dma semaphore(%arg24 : memref<!tpu.dma_semaphore, #tpu.memory_space<semaphore_mem>>) src(%arg11 : memref<128x64xf32, #tpu.memory_space<vmem>>) dst(%dma_wait3A_238 : memref<10016x64xf32, #tpu.memory_space<vmem_shared>>)
        %jit3A = arith.constant 2 : i32
        %div3A = arith.divsi %add3A_206, %jit3A : i32
        %sign3A = arith.constant 0 : i32
        %sign3A_239 = arith.cmpi sgt, %add3A_206, %sign3A : i32
        %sign3A_240 = arith.extui %sign3A_239 : i1 to i32
        %sign3A_241 = arith.constant 0 : i32
        %sign3A_242 = arith.cmpi slt, %add3A_206, %sign3A_241 : i32
        %sign3A_243 = arith.extui %sign3A_242 : i1 to i32
        %sign3A_244 = arith.subi %sign3A_240, %sign3A_243 : i32
        %sign3A_245 = arith.constant 0 : i32
        %sign3A_246 = arith.cmpi sgt, %jit3A, %sign3A_245 : i32
        %sign3A_247 = arith.extui %sign3A_246 : i1 to i32
        %sign3A_248 = arith.constant 0 : i32
        %sign3A_249 = arith.cmpi slt, %jit3A, %sign3A_248 : i32
        %sign3A_250 = arith.extui %sign3A_249 : i1 to i32
        %sign3A_251 = arith.subi %sign3A_247, %sign3A_250 : i32
        %ne3A = arith.cmpi ne, %sign3A_244, %sign3A_251 : i32
        %rem3A = arith.remsi %add3A_206, %jit3A : i32
        %ne3A_252 = arith.constant 0 : i32
        %ne3A_253 = arith.cmpi ne, %rem3A, %ne3A_252 : i32
        %and3A = arith.andi %ne3A, %ne3A_253 : i1
        %sub3A = arith.constant 1 : i32
        %sub3A_254 = arith.subi %div3A, %sub3A : i32
        %select_n3A = arith.select %and3A, %sub3A_254, %div3A : i32
        %jit3A_255 = arith.constant 2 : i32
        %eq3A = arith.constant 0 : i32
        %eq3A_256 = arith.cmpi eq, %jit3A_255, %eq3A : i32
        %jit3A_257 = arith.constant 1 : i32
        %select_n3A_258 = arith.select %eq3A_256, %jit3A_257, %jit3A_255 : i32
        %rem3A_259 = arith.remsi %add3A_206, %select_n3A_258 : i32
        %ne3A_260 = arith.constant 0 : i32
        %ne3A_261 = arith.cmpi ne, %rem3A_259, %ne3A_260 : i32
        %lt3A_262 = arith.constant 0 : i32
        %lt3A_263 = arith.cmpi slt, %rem3A_259, %lt3A_262 : i32
        %lt3A_264 = arith.constant 0 : i32
        %lt3A_265 = arith.cmpi slt, %select_n3A_258, %lt3A_264 : i32
        %ne3A_266 = arith.xori %lt3A_263, %lt3A_265 : i1
        %and3A_267 = arith.andi %ne3A_266, %ne3A_261 : i1
        %add3A_268 = arith.addi %rem3A_259, %select_n3A_258 : i32
        %select_n3A_269 = arith.select %and3A_267, %add3A_268, %rem3A_259 : i32
        %mul3A_270 = arith.constant 128 : i32
        %mul3A_271 = arith.muli %select_n3A_269, %mul3A_270 : i32
        %dma_start3A_272 = arith.constant 0 : i32
        %dma_start3A_273 = tpu.memref_slice %arg6[%select_n3A, %dma_start3A_272] : memref<40x256xi32, #tpu.memory_space<vmem>> -> memref<1x256xi32, #tpu.memory_space<vmem>>
        %dma_start3A_274 = tpu.memref_squeeze %dma_start3A_273 : memref<1x256xi32, #tpu.memory_space<vmem>> -> memref<256xi32, #tpu.memory_space<vmem>>
        %dma_start3A_275 = tpu.memref_slice %dma_start3A_274[%mul3A_271] : memref<256xi32, #tpu.memory_space<vmem>> -> memref<128xi32, #tpu.memory_space<vmem>>
        %dma_start3A_276 = arith.constant 0 : i32
        %dma_start3A_277 = arith.constant 0 : i32
        %dma_start3A_278 = tpu.memref_slice %arg2[%dma_start3A_276, %dma_start3A_277] : memref<10000x64xf32, #tpu.memory_space<hbm>> -> memref<10000x64xf32, #tpu.memory_space<hbm>>
        tpu.enqueue_indirect_dma source(%dma_start3A_278 : memref<10000x64xf32, #tpu.memory_space<hbm>>) target(%arg11 : memref<128x64xf32, #tpu.memory_space<vmem>>) offsets(%dma_start3A_275 : memref<128xi32, #tpu.memory_space<vmem>>) semaphore(%arg18 : memref<!tpu.dma_semaphore, #tpu.memory_space<semaphore_mem>>)
      } else {
      }
      %add3A_212 = arith.constant 6 : i32
      %add3A_213 = arith.addi %mul3A_133, %add3A_212 : i32
      %add3A_214 = arith.constant 4 : i32
      %add3A_215 = arith.addi %add3A_213, %add3A_214 : i32
      %lt3A_216 = arith.constant 78 : i32
      %lt3A_217 = arith.cmpi slt, %add3A_215, %lt3A_216 : i32
      %convert_element_type3A_218 = arith.extui %lt3A_217 : i1 to i32
      %cond3A_219 = arith.constant 0 : i32
      %cond3A_220 = arith.cmpi ne, %convert_element_type3A_218, %cond3A_219 : i32
      scf.if %cond3A_220 {
        %dma_wait3A_230 = arith.constant 0 : i32
        %dma_wait3A_231 = arith.constant 0 : i32
        %dma_wait3A_232 = tpu.memref_slice %arg7[%dma_wait3A_230, %dma_wait3A_231] : memref<40x256xi32, #tpu.memory_space<vmem>> -> memref<1x256xi32, #tpu.memory_space<vmem>>
        %dma_wait3A_233 = tpu.memref_squeeze %dma_wait3A_232 : memref<1x256xi32, #tpu.memory_space<vmem>> -> memref<256xi32, #tpu.memory_space<vmem>>
        %dma_wait3A_234 = arith.constant 0 : i32
        %dma_wait3A_235 = tpu.memref_slice %dma_wait3A_233[%dma_wait3A_234] : memref<256xi32, #tpu.memory_space<vmem>> -> memref<128xi32, #tpu.memory_space<vmem>>
        %dma_wait3A_236 = arith.constant 0 : i32
        %dma_wait3A_237 = arith.constant 0 : i32
        %dma_wait3A_238 = tpu.memref_slice %arg14[%dma_wait3A_236, %dma_wait3A_237] : memref<10016x64xf32, #tpu.memory_space<vmem_shared>> -> memref<10016x64xf32, #tpu.memory_space<vmem_shared>>
        tpu.wait_indirect_dma semaphore(%arg25 : memref<!tpu.dma_semaphore, #tpu.memory_space<semaphore_mem>>) src(%arg12 : memref<128x64xf32, #tpu.memory_space<vmem>>) dst(%dma_wait3A_238 : memref<10016x64xf32, #tpu.memory_space<vmem_shared>>)
        %jit3A = arith.constant 2 : i32
        %div3A = arith.divsi %add3A_215, %jit3A : i32
        %sign3A = arith.constant 0 : i32
        %sign3A_239 = arith.cmpi sgt, %add3A_215, %sign3A : i32
        %sign3A_240 = arith.extui %sign3A_239 : i1 to i32
        %sign3A_241 = arith.constant 0 : i32
        %sign3A_242 = arith.cmpi slt, %add3A_215, %sign3A_241 : i32
        %sign3A_243 = arith.extui %sign3A_242 : i1 to i32
        %sign3A_244 = arith.subi %sign3A_240, %sign3A_243 : i32
        %sign3A_245 = arith.constant 0 : i32
        %sign3A_246 = arith.cmpi sgt, %jit3A, %sign3A_245 : i32
        %sign3A_247 = arith.extui %sign3A_246 : i1 to i32
        %sign3A_248 = arith.constant 0 : i32
        %sign3A_249 = arith.cmpi slt, %jit3A, %sign3A_248 : i32
        %sign3A_250 = arith.extui %sign3A_249 : i1 to i32
        %sign3A_251 = arith.subi %sign3A_247, %sign3A_250 : i32
        %ne3A = arith.cmpi ne, %sign3A_244, %sign3A_251 : i32
        %rem3A = arith.remsi %add3A_215, %jit3A : i32
        %ne3A_252 = arith.constant 0 : i32
        %ne3A_253 = arith.cmpi ne, %rem3A, %ne3A_252 : i32
        %and3A = arith.andi %ne3A, %ne3A_253 : i1
        %sub3A = arith.constant 1 : i32
        %sub3A_254 = arith.subi %div3A, %sub3A : i32
        %select_n3A = arith.select %and3A, %sub3A_254, %div3A : i32
        %jit3A_255 = arith.constant 2 : i32
        %eq3A = arith.constant 0 : i32
        %eq3A_256 = arith.cmpi eq, %jit3A_255, %eq3A : i32
        %jit3A_257 = arith.constant 1 : i32
        %select_n3A_258 = arith.select %eq3A_256, %jit3A_257, %jit3A_255 : i32
        %rem3A_259 = arith.remsi %add3A_215, %select_n3A_258 : i32
        %ne3A_260 = arith.constant 0 : i32
        %ne3A_261 = arith.cmpi ne, %rem3A_259, %ne3A_260 : i32
        %lt3A_262 = arith.constant 0 : i32
        %lt3A_263 = arith.cmpi slt, %rem3A_259, %lt3A_262 : i32
        %lt3A_264 = arith.constant 0 : i32
        %lt3A_265 = arith.cmpi slt, %select_n3A_258, %lt3A_264 : i32
        %ne3A_266 = arith.xori %lt3A_263, %lt3A_265 : i1
        %and3A_267 = arith.andi %ne3A_266, %ne3A_261 : i1
        %add3A_268 = arith.addi %rem3A_259, %select_n3A_258 : i32
        %select_n3A_269 = arith.select %and3A_267, %add3A_268, %rem3A_259 : i32
        %mul3A_270 = arith.constant 128 : i32
        %mul3A_271 = arith.muli %select_n3A_269, %mul3A_270 : i32
        %dma_start3A_272 = arith.constant 0 : i32
        %dma_start3A_273 = tpu.memref_slice %arg6[%select_n3A, %dma_start3A_272] : memref<40x256xi32, #tpu.memory_space<vmem>> -> memref<1x256xi32, #tpu.memory_space<vmem>>
        %dma_start3A_274 = tpu.memref_squeeze %dma_start3A_273 : memref<1x256xi32, #tpu.memory_space<vmem>> -> memref<256xi32, #tpu.memory_space<vmem>>
        %dma_start3A_275 = tpu.memref_slice %dma_start3A_274[%mul3A_271] : memref<256xi32, #tpu.memory_space<vmem>> -> memref<128xi32, #tpu.memory_space<vmem>>
        %dma_start3A_276 = arith.constant 0 : i32
        %dma_start3A_277 = arith.constant 0 : i32
        %dma_start3A_278 = tpu.memref_slice %arg2[%dma_start3A_276, %dma_start3A_277] : memref<10000x64xf32, #tpu.memory_space<hbm>> -> memref<10000x64xf32, #tpu.memory_space<hbm>>
        tpu.enqueue_indirect_dma source(%dma_start3A_278 : memref<10000x64xf32, #tpu.memory_space<hbm>>) target(%arg12 : memref<128x64xf32, #tpu.memory_space<vmem>>) offsets(%dma_start3A_275 : memref<128xi32, #tpu.memory_space<vmem>>) semaphore(%arg19 : memref<!tpu.dma_semaphore, #tpu.memory_space<semaphore_mem>>)
      } else {
      }
      %add3A_221 = arith.constant 6 : i32
      %add3A_222 = arith.addi %mul3A_133, %add3A_221 : i32
      %add3A_223 = arith.constant 5 : i32
      %add3A_224 = arith.addi %add3A_222, %add3A_223 : i32
      %lt3A_225 = arith.constant 78 : i32
      %lt3A_226 = arith.cmpi slt, %add3A_224, %lt3A_225 : i32
      %convert_element_type3A_227 = arith.extui %lt3A_226 : i1 to i32
      %cond3A_228 = arith.constant 0 : i32
      %cond3A_229 = arith.cmpi ne, %convert_element_type3A_227, %cond3A_228 : i32
      scf.if %cond3A_229 {
        %dma_wait3A_230 = arith.constant 0 : i32
        %dma_wait3A_231 = arith.constant 0 : i32
        %dma_wait3A_232 = tpu.memref_slice %arg7[%dma_wait3A_230, %dma_wait3A_231] : memref<40x256xi32, #tpu.memory_space<vmem>> -> memref<1x256xi32, #tpu.memory_space<vmem>>
        %dma_wait3A_233 = tpu.memref_squeeze %dma_wait3A_232 : memref<1x256xi32, #tpu.memory_space<vmem>> -> memref<256xi32, #tpu.memory_space<vmem>>
        %dma_wait3A_234 = arith.constant 0 : i32
        %dma_wait3A_235 = tpu.memref_slice %dma_wait3A_233[%dma_wait3A_234] : memref<256xi32, #tpu.memory_space<vmem>> -> memref<128xi32, #tpu.memory_space<vmem>>
        %dma_wait3A_236 = arith.constant 0 : i32
        %dma_wait3A_237 = arith.constant 0 : i32
        %dma_wait3A_238 = tpu.memref_slice %arg14[%dma_wait3A_236, %dma_wait3A_237] : memref<10016x64xf32, #tpu.memory_space<vmem_shared>> -> memref<10016x64xf32, #tpu.memory_space<vmem_shared>>
        tpu.wait_indirect_dma semaphore(%arg26 : memref<!tpu.dma_semaphore, #tpu.memory_space<semaphore_mem>>) src(%arg13 : memref<128x64xf32, #tpu.memory_space<vmem>>) dst(%dma_wait3A_238 : memref<10016x64xf32, #tpu.memory_space<vmem_shared>>)
        %jit3A = arith.constant 2 : i32
        %div3A = arith.divsi %add3A_224, %jit3A : i32
        %sign3A = arith.constant 0 : i32
        %sign3A_239 = arith.cmpi sgt, %add3A_224, %sign3A : i32
        %sign3A_240 = arith.extui %sign3A_239 : i1 to i32
        %sign3A_241 = arith.constant 0 : i32
        %sign3A_242 = arith.cmpi slt, %add3A_224, %sign3A_241 : i32
        %sign3A_243 = arith.extui %sign3A_242 : i1 to i32
        %sign3A_244 = arith.subi %sign3A_240, %sign3A_243 : i32
        %sign3A_245 = arith.constant 0 : i32
        %sign3A_246 = arith.cmpi sgt, %jit3A, %sign3A_245 : i32
        %sign3A_247 = arith.extui %sign3A_246 : i1 to i32
        %sign3A_248 = arith.constant 0 : i32
        %sign3A_249 = arith.cmpi slt, %jit3A, %sign3A_248 : i32
        %sign3A_250 = arith.extui %sign3A_249 : i1 to i32
        %sign3A_251 = arith.subi %sign3A_247, %sign3A_250 : i32
        %ne3A = arith.cmpi ne, %sign3A_244, %sign3A_251 : i32
        %rem3A = arith.remsi %add3A_224, %jit3A : i32
        %ne3A_252 = arith.constant 0 : i32
        %ne3A_253 = arith.cmpi ne, %rem3A, %ne3A_252 : i32
        %and3A = arith.andi %ne3A, %ne3A_253 : i1
        %sub3A = arith.constant 1 : i32
        %sub3A_254 = arith.subi %div3A, %sub3A : i32
        %select_n3A = arith.select %and3A, %sub3A_254, %div3A : i32
        %jit3A_255 = arith.constant 2 : i32
        %eq3A = arith.constant 0 : i32
        %eq3A_256 = arith.cmpi eq, %jit3A_255, %eq3A : i32
        %jit3A_257 = arith.constant 1 : i32
        %select_n3A_258 = arith.select %eq3A_256, %jit3A_257, %jit3A_255 : i32
        %rem3A_259 = arith.remsi %add3A_224, %select_n3A_258 : i32
        %ne3A_260 = arith.constant 0 : i32
        %ne3A_261 = arith.cmpi ne, %rem3A_259, %ne3A_260 : i32
        %lt3A_262 = arith.constant 0 : i32
        %lt3A_263 = arith.cmpi slt, %rem3A_259, %lt3A_262 : i32
        %lt3A_264 = arith.constant 0 : i32
        %lt3A_265 = arith.cmpi slt, %select_n3A_258, %lt3A_264 : i32
        %ne3A_266 = arith.xori %lt3A_263, %lt3A_265 : i1
        %and3A_267 = arith.andi %ne3A_266, %ne3A_261 : i1
        %add3A_268 = arith.addi %rem3A_259, %select_n3A_258 : i32
        %select_n3A_269 = arith.select %and3A_267, %add3A_268, %rem3A_259 : i32
        %mul3A_270 = arith.constant 128 : i32
        %mul3A_271 = arith.muli %select_n3A_269, %mul3A_270 : i32
        %dma_start3A_272 = arith.constant 0 : i32
        %dma_start3A_273 = tpu.memref_slice %arg6[%select_n3A, %dma_start3A_272] : memref<40x256xi32, #tpu.memory_space<vmem>> -> memref<1x256xi32, #tpu.memory_space<vmem>>
        %dma_start3A_274 = tpu.memref_squeeze %dma_start3A_273 : memref<1x256xi32, #tpu.memory_space<vmem>> -> memref<256xi32, #tpu.memory_space<vmem>>
        %dma_start3A_275 = tpu.memref_slice %dma_start3A_274[%mul3A_271] : memref<256xi32, #tpu.memory_space<vmem>> -> memref<128xi32, #tpu.memory_space<vmem>>
        %dma_start3A_276 = arith.constant 0 : i32
        %dma_start3A_277 = arith.constant 0 : i32
        %dma_start3A_278 = tpu.memref_slice %arg2[%dma_start3A_276, %dma_start3A_277] : memref<10000x64xf32, #tpu.memory_space<hbm>> -> memref<10000x64xf32, #tpu.memory_space<hbm>>
        tpu.enqueue_indirect_dma source(%dma_start3A_278 : memref<10000x64xf32, #tpu.memory_space<hbm>>) target(%arg13 : memref<128x64xf32, #tpu.memory_space<vmem>>) offsets(%dma_start3A_275 : memref<128xi32, #tpu.memory_space<vmem>>) semaphore(%arg20 : memref<!tpu.dma_semaphore, #tpu.memory_space<semaphore_mem>>)
      } else {
      }
    }
    %scan3A_67 = arith.constant 13 : i32
    %dma_wait3A = arith.constant 0 : i32
    %dma_wait3A_68 = arith.constant 0 : i32
    %dma_wait3A_69 = tpu.memref_slice %arg7[%dma_wait3A, %dma_wait3A_68] : memref<40x256xi32, #tpu.memory_space<vmem>> -> memref<1x256xi32, #tpu.memory_space<vmem>>
    %dma_wait3A_70 = tpu.memref_squeeze %dma_wait3A_69 : memref<1x256xi32, #tpu.memory_space<vmem>> -> memref<256xi32, #tpu.memory_space<vmem>>
    %dma_wait3A_71 = arith.constant 0 : i32
    %dma_wait3A_72 = tpu.memref_slice %dma_wait3A_70[%dma_wait3A_71] : memref<256xi32, #tpu.memory_space<vmem>> -> memref<128xi32, #tpu.memory_space<vmem>>
    %dma_wait3A_73 = arith.constant 0 : i32
    %dma_wait3A_74 = arith.constant 0 : i32
    %dma_wait3A_75 = tpu.memref_slice %arg14[%dma_wait3A_73, %dma_wait3A_74] : memref<10016x64xf32, #tpu.memory_space<vmem_shared>> -> memref<10016x64xf32, #tpu.memory_space<vmem_shared>>
    tpu.wait_indirect_dma semaphore(%arg21 : memref<!tpu.dma_semaphore, #tpu.memory_space<semaphore_mem>>) src(%arg8 : memref<128x64xf32, #tpu.memory_space<vmem>>) dst(%dma_wait3A_75 : memref<10016x64xf32, #tpu.memory_space<vmem_shared>>)
    %dma_wait3A_76 = arith.constant 0 : i32
    %dma_wait3A_77 = arith.constant 0 : i32
    %dma_wait3A_78 = tpu.memref_slice %arg7[%dma_wait3A_76, %dma_wait3A_77] : memref<40x256xi32, #tpu.memory_space<vmem>> -> memref<1x256xi32, #tpu.memory_space<vmem>>
    %dma_wait3A_79 = tpu.memref_squeeze %dma_wait3A_78 : memref<1x256xi32, #tpu.memory_space<vmem>> -> memref<256xi32, #tpu.memory_space<vmem>>
    %dma_wait3A_80 = arith.constant 0 : i32
    %dma_wait3A_81 = tpu.memref_slice %dma_wait3A_79[%dma_wait3A_80] : memref<256xi32, #tpu.memory_space<vmem>> -> memref<128xi32, #tpu.memory_space<vmem>>
    %dma_wait3A_82 = arith.constant 0 : i32
    %dma_wait3A_83 = arith.constant 0 : i32
    %dma_wait3A_84 = tpu.memref_slice %arg14[%dma_wait3A_82, %dma_wait3A_83] : memref<10016x64xf32, #tpu.memory_space<vmem_shared>> -> memref<10016x64xf32, #tpu.memory_space<vmem_shared>>
    tpu.wait_indirect_dma semaphore(%arg22 : memref<!tpu.dma_semaphore, #tpu.memory_space<semaphore_mem>>) src(%arg9 : memref<128x64xf32, #tpu.memory_space<vmem>>) dst(%dma_wait3A_84 : memref<10016x64xf32, #tpu.memory_space<vmem_shared>>)
    %dma_wait3A_85 = arith.constant 0 : i32
    %dma_wait3A_86 = arith.constant 0 : i32
    %dma_wait3A_87 = tpu.memref_slice %arg7[%dma_wait3A_85, %dma_wait3A_86] : memref<40x256xi32, #tpu.memory_space<vmem>> -> memref<1x256xi32, #tpu.memory_space<vmem>>
    %dma_wait3A_88 = tpu.memref_squeeze %dma_wait3A_87 : memref<1x256xi32, #tpu.memory_space<vmem>> -> memref<256xi32, #tpu.memory_space<vmem>>
    %dma_wait3A_89 = arith.constant 0 : i32
    %dma_wait3A_90 = tpu.memref_slice %dma_wait3A_88[%dma_wait3A_89] : memref<256xi32, #tpu.memory_space<vmem>> -> memref<128xi32, #tpu.memory_space<vmem>>
    %dma_wait3A_91 = arith.constant 0 : i32
    %dma_wait3A_92 = arith.constant 0 : i32
    %dma_wait3A_93 = tpu.memref_slice %arg14[%dma_wait3A_91, %dma_wait3A_92] : memref<10016x64xf32, #tpu.memory_space<vmem_shared>> -> memref<10016x64xf32, #tpu.memory_space<vmem_shared>>
    tpu.wait_indirect_dma semaphore(%arg23 : memref<!tpu.dma_semaphore, #tpu.memory_space<semaphore_mem>>) src(%arg10 : memref<128x64xf32, #tpu.memory_space<vmem>>) dst(%dma_wait3A_93 : memref<10016x64xf32, #tpu.memory_space<vmem_shared>>)
    %dma_wait3A_94 = arith.constant 0 : i32
    %dma_wait3A_95 = arith.constant 0 : i32
    %dma_wait3A_96 = tpu.memref_slice %arg7[%dma_wait3A_94, %dma_wait3A_95] : memref<40x256xi32, #tpu.memory_space<vmem>> -> memref<1x256xi32, #tpu.memory_space<vmem>>
    %dma_wait3A_97 = tpu.memref_squeeze %dma_wait3A_96 : memref<1x256xi32, #tpu.memory_space<vmem>> -> memref<256xi32, #tpu.memory_space<vmem>>
    %dma_wait3A_98 = arith.constant 0 : i32
    %dma_wait3A_99 = tpu.memref_slice %dma_wait3A_97[%dma_wait3A_98] : memref<256xi32, #tpu.memory_space<vmem>> -> memref<128xi32, #tpu.memory_space<vmem>>
    %dma_wait3A_100 = arith.constant 0 : i32
    %dma_wait3A_101 = arith.constant 0 : i32
    %dma_wait3A_102 = tpu.memref_slice %arg14[%dma_wait3A_100, %dma_wait3A_101] : memref<10016x64xf32, #tpu.memory_space<vmem_shared>> -> memref<10016x64xf32, #tpu.memory_space<vmem_shared>>
    tpu.wait_indirect_dma semaphore(%arg24 : memref<!tpu.dma_semaphore, #tpu.memory_space<semaphore_mem>>) src(%arg11 : memref<128x64xf32, #tpu.memory_space<vmem>>) dst(%dma_wait3A_102 : memref<10016x64xf32, #tpu.memory_space<vmem_shared>>)
    %dma_wait3A_103 = arith.constant 0 : i32
    %dma_wait3A_104 = arith.constant 0 : i32
    %dma_wait3A_105 = tpu.memref_slice %arg7[%dma_wait3A_103, %dma_wait3A_104] : memref<40x256xi32, #tpu.memory_space<vmem>> -> memref<1x256xi32, #tpu.memory_space<vmem>>
    %dma_wait3A_106 = tpu.memref_squeeze %dma_wait3A_105 : memref<1x256xi32, #tpu.memory_space<vmem>> -> memref<256xi32, #tpu.memory_space<vmem>>
    %dma_wait3A_107 = arith.constant 0 : i32
    %dma_wait3A_108 = tpu.memref_slice %dma_wait3A_106[%dma_wait3A_107] : memref<256xi32, #tpu.memory_space<vmem>> -> memref<128xi32, #tpu.memory_space<vmem>>
    %dma_wait3A_109 = arith.constant 0 : i32
    %dma_wait3A_110 = arith.constant 0 : i32
    %dma_wait3A_111 = tpu.memref_slice %arg14[%dma_wait3A_109, %dma_wait3A_110] : memref<10016x64xf32, #tpu.memory_space<vmem_shared>> -> memref<10016x64xf32, #tpu.memory_space<vmem_shared>>
    tpu.wait_indirect_dma semaphore(%arg25 : memref<!tpu.dma_semaphore, #tpu.memory_space<semaphore_mem>>) src(%arg12 : memref<128x64xf32, #tpu.memory_space<vmem>>) dst(%dma_wait3A_111 : memref<10016x64xf32, #tpu.memory_space<vmem_shared>>)
    %dma_wait3A_112 = arith.constant 0 : i32
    %dma_wait3A_113 = arith.constant 0 : i32
    %dma_wait3A_114 = tpu.memref_slice %arg7[%dma_wait3A_112, %dma_wait3A_113] : memref<40x256xi32, #tpu.memory_space<vmem>> -> memref<1x256xi32, #tpu.memory_space<vmem>>
    %dma_wait3A_115 = tpu.memref_squeeze %dma_wait3A_114 : memref<1x256xi32, #tpu.memory_space<vmem>> -> memref<256xi32, #tpu.memory_space<vmem>>
    %dma_wait3A_116 = arith.constant 0 : i32
    %dma_wait3A_117 = tpu.memref_slice %dma_wait3A_115[%dma_wait3A_116] : memref<256xi32, #tpu.memory_space<vmem>> -> memref<128xi32, #tpu.memory_space<vmem>>
    %dma_wait3A_118 = arith.constant 0 : i32
    %dma_wait3A_119 = arith.constant 0 : i32
    %dma_wait3A_120 = tpu.memref_slice %arg14[%dma_wait3A_118, %dma_wait3A_119] : memref<10016x64xf32, #tpu.memory_space<vmem_shared>> -> memref<10016x64xf32, #tpu.memory_space<vmem_shared>>
    tpu.wait_indirect_dma semaphore(%arg26 : memref<!tpu.dma_semaphore, #tpu.memory_space<semaphore_mem>>) src(%arg13 : memref<128x64xf32, #tpu.memory_space<vmem>>) dst(%dma_wait3A_120 : memref<10016x64xf32, #tpu.memory_space<vmem_shared>>)
    %lt3A_121 = arith.constant 2 : i32
    %lt3A_122 = arith.cmpi slt, %add3A, %lt3A_121 : i32
    %convert_element_type3A_123 = arith.extui %lt3A_122 : i1 to i32
    %cond3A_124 = arith.constant 0 : i32
    %cond3A_125 = arith.cmpi ne, %convert_element_type3A_123, %cond3A_124 : i32
    scf.if %cond3A_125 {
      %run_scoped3A_131 = arith.constant 39 : i32
      "tpu.region"() ({
        %run_scoped3A_135 = tpu.sem_alloc : memref<!tpu.dma_semaphore, #tpu.memory_space<semaphore_mem>>
        %dma_start3A_136 = arith.constant 0 : i32
        %dma_start3A_137 = tpu.memref_slice %arg6[%run_scoped3A_131, %dma_start3A_136] : memref<40x256xi32, #tpu.memory_space<vmem>> -> memref<1x256xi32, #tpu.memory_space<vmem>>
        %dma_start3A_138 = tpu.memref_squeeze %dma_start3A_137 : memref<1x256xi32, #tpu.memory_space<vmem>> -> memref<256xi32, #tpu.memory_space<vmem>>
        %dma_start3A_139 = arith.constant 0 : i32
        %dma_start3A_140 = tpu.memref_slice %dma_start3A_138[%dma_start3A_139] : memref<256xi32, #tpu.memory_space<vmem>> -> memref<128xi32, #tpu.memory_space<vmem>>
        %dma_start3A_141 = arith.constant 0 : i32
        %dma_start3A_142 = arith.constant 0 : i32
        %dma_start3A_143 = tpu.memref_slice %arg2[%dma_start3A_141, %dma_start3A_142] : memref<10000x64xf32, #tpu.memory_space<hbm>> -> memref<10000x64xf32, #tpu.memory_space<hbm>>
        tpu.enqueue_indirect_dma source(%dma_start3A_143 : memref<10000x64xf32, #tpu.memory_space<hbm>>) target(%arg8 : memref<128x64xf32, #tpu.memory_space<vmem>>) offsets(%dma_start3A_140 : memref<128xi32, #tpu.memory_space<vmem>>) semaphore(%run_scoped3A_135 : memref<!tpu.dma_semaphore, #tpu.memory_space<semaphore_mem>>)
        %dma_wait3A_144 = arith.constant 0 : i32
        %dma_wait3A_145 = tpu.memref_slice %arg6[%run_scoped3A_131, %dma_wait3A_144] : memref<40x256xi32, #tpu.memory_space<vmem>> -> memref<1x256xi32, #tpu.memory_space<vmem>>
        %dma_wait3A_146 = tpu.memref_squeeze %dma_wait3A_145 : memref<1x256xi32, #tpu.memory_space<vmem>> -> memref<256xi32, #tpu.memory_space<vmem>>
        %dma_wait3A_147 = arith.constant 0 : i32
        %dma_wait3A_148 = tpu.memref_slice %dma_wait3A_146[%dma_wait3A_147] : memref<256xi32, #tpu.memory_space<vmem>> -> memref<128xi32, #tpu.memory_space<vmem>>
        %dma_wait3A_149 = arith.constant 0 : i32
        %dma_wait3A_150 = arith.constant 0 : i32
        %dma_wait3A_151 = tpu.memref_slice %arg2[%dma_wait3A_149, %dma_wait3A_150] : memref<10000x64xf32, #tpu.memory_space<hbm>> -> memref<10000x64xf32, #tpu.memory_space<hbm>>
        tpu.wait_indirect_dma semaphore(%run_scoped3A_135 : memref<!tpu.dma_semaphore, #tpu.memory_space<semaphore_mem>>) src(%dma_wait3A_151 : memref<10000x64xf32, #tpu.memory_space<hbm>>) dst(%arg8 : memref<128x64xf32, #tpu.memory_space<vmem>>)
        tpu.yield
      }) : () -> ()
      %run_scoped3A_132 = arith.constant 39 : i32
      "tpu.region"() ({
        %run_scoped3A_135 = tpu.sem_alloc : memref<!tpu.dma_semaphore, #tpu.memory_space<semaphore_mem>>
        %dma_start3A_136 = arith.constant 0 : i32
        %dma_start3A_137 = tpu.memref_slice %arg7[%run_scoped3A_132, %dma_start3A_136] : memref<40x256xi32, #tpu.memory_space<vmem>> -> memref<1x256xi32, #tpu.memory_space<vmem>>
        %dma_start3A_138 = tpu.memref_squeeze %dma_start3A_137 : memref<1x256xi32, #tpu.memory_space<vmem>> -> memref<256xi32, #tpu.memory_space<vmem>>
        %dma_start3A_139 = arith.constant 0 : i32
        %dma_start3A_140 = tpu.memref_slice %dma_start3A_138[%dma_start3A_139] : memref<256xi32, #tpu.memory_space<vmem>> -> memref<128xi32, #tpu.memory_space<vmem>>
        %dma_start3A_141 = arith.constant 0 : i32
        %dma_start3A_142 = arith.constant 0 : i32
        %dma_start3A_143 = tpu.memref_slice %arg14[%dma_start3A_141, %dma_start3A_142] : memref<10016x64xf32, #tpu.memory_space<vmem_shared>> -> memref<10016x64xf32, #tpu.memory_space<vmem_shared>>
        tpu.enqueue_indirect_dma source(%arg8 : memref<128x64xf32, #tpu.memory_space<vmem>>) target(%dma_start3A_143 : memref<10016x64xf32, #tpu.memory_space<vmem_shared>>) offsets(%dma_start3A_140 : memref<128xi32, #tpu.memory_space<vmem>>) semaphore(%run_scoped3A_135 : memref<!tpu.dma_semaphore, #tpu.memory_space<semaphore_mem>>) {add = true}
        %dma_wait3A_144 = arith.constant 0 : i32
        %dma_wait3A_145 = tpu.memref_slice %arg7[%run_scoped3A_132, %dma_wait3A_144] : memref<40x256xi32, #tpu.memory_space<vmem>> -> memref<1x256xi32, #tpu.memory_space<vmem>>
        %dma_wait3A_146 = tpu.memref_squeeze %dma_wait3A_145 : memref<1x256xi32, #tpu.memory_space<vmem>> -> memref<256xi32, #tpu.memory_space<vmem>>
        %dma_wait3A_147 = arith.constant 0 : i32
        %dma_wait3A_148 = tpu.memref_slice %dma_wait3A_146[%dma_wait3A_147] : memref<256xi32, #tpu.memory_space<vmem>> -> memref<128xi32, #tpu.memory_space<vmem>>
        %dma_wait3A_149 = arith.constant 0 : i32
        %dma_wait3A_150 = arith.constant 0 : i32
        %dma_wait3A_151 = tpu.memref_slice %arg14[%dma_wait3A_149, %dma_wait3A_150] : memref<10016x64xf32, #tpu.memory_space<vmem_shared>> -> memref<10016x64xf32, #tpu.memory_space<vmem_shared>>
        tpu.wait_indirect_dma semaphore(%run_scoped3A_135 : memref<!tpu.dma_semaphore, #tpu.memory_space<semaphore_mem>>) src(%arg8 : memref<128x64xf32, #tpu.memory_space<vmem>>) dst(%dma_wait3A_151 : memref<10016x64xf32, #tpu.memory_space<vmem_shared>>)
        tpu.yield
      }) : () -> ()
      %run_scoped3A_133 = arith.constant 39 : i32
      "tpu.region"() ({
        %run_scoped3A_135 = tpu.sem_alloc : memref<!tpu.dma_semaphore, #tpu.memory_space<semaphore_mem>>
        %dma_start3A_136 = arith.constant 0 : i32
        %dma_start3A_137 = tpu.memref_slice %arg6[%run_scoped3A_133, %dma_start3A_136] : memref<40x256xi32, #tpu.memory_space<vmem>> -> memref<1x256xi32, #tpu.memory_space<vmem>>
        %dma_start3A_138 = tpu.memref_squeeze %dma_start3A_137 : memref<1x256xi32, #tpu.memory_space<vmem>> -> memref<256xi32, #tpu.memory_space<vmem>>
        %dma_start3A_139 = arith.constant 128 : i32
        %dma_start3A_140 = tpu.memref_slice %dma_start3A_138[%dma_start3A_139] : memref<256xi32, #tpu.memory_space<vmem>> -> memref<128xi32, #tpu.memory_space<vmem>>
        %dma_start3A_141 = arith.constant 0 : i32
        %dma_start3A_142 = arith.constant 0 : i32
        %dma_start3A_143 = tpu.memref_slice %arg2[%dma_start3A_141, %dma_start3A_142] : memref<10000x64xf32, #tpu.memory_space<hbm>> -> memref<10000x64xf32, #tpu.memory_space<hbm>>
        tpu.enqueue_indirect_dma source(%dma_start3A_143 : memref<10000x64xf32, #tpu.memory_space<hbm>>) target(%arg8 : memref<128x64xf32, #tpu.memory_space<vmem>>) offsets(%dma_start3A_140 : memref<128xi32, #tpu.memory_space<vmem>>) semaphore(%run_scoped3A_135 : memref<!tpu.dma_semaphore, #tpu.memory_space<semaphore_mem>>)
        %dma_wait3A_144 = arith.constant 0 : i32
        %dma_wait3A_145 = tpu.memref_slice %arg6[%run_scoped3A_133, %dma_wait3A_144] : memref<40x256xi32, #tpu.memory_space<vmem>> -> memref<1x256xi32, #tpu.memory_space<vmem>>
        %dma_wait3A_146 = tpu.memref_squeeze %dma_wait3A_145 : memref<1x256xi32, #tpu.memory_space<vmem>> -> memref<256xi32, #tpu.memory_space<vmem>>
        %dma_wait3A_147 = arith.constant 128 : i32
        %dma_wait3A_148 = tpu.memref_slice %dma_wait3A_146[%dma_wait3A_147] : memref<256xi32, #tpu.memory_space<vmem>> -> memref<128xi32, #tpu.memory_space<vmem>>
        %dma_wait3A_149 = arith.constant 0 : i32
        %dma_wait3A_150 = arith.constant 0 : i32
        %dma_wait3A_151 = tpu.memref_slice %arg2[%dma_wait3A_149, %dma_wait3A_150] : memref<10000x64xf32, #tpu.memory_space<hbm>> -> memref<10000x64xf32, #tpu.memory_space<hbm>>
        tpu.wait_indirect_dma semaphore(%run_scoped3A_135 : memref<!tpu.dma_semaphore, #tpu.memory_space<semaphore_mem>>) src(%dma_wait3A_151 : memref<10000x64xf32, #tpu.memory_space<hbm>>) dst(%arg8 : memref<128x64xf32, #tpu.memory_space<vmem>>)
        tpu.yield
      }) : () -> ()
      %run_scoped3A_134 = arith.constant 39 : i32
      "tpu.region"() ({
        %run_scoped3A_135 = tpu.sem_alloc : memref<!tpu.dma_semaphore, #tpu.memory_space<semaphore_mem>>
        %dma_start3A_136 = arith.constant 0 : i32
        %dma_start3A_137 = tpu.memref_slice %arg7[%run_scoped3A_134, %dma_start3A_136] : memref<40x256xi32, #tpu.memory_space<vmem>> -> memref<1x256xi32, #tpu.memory_space<vmem>>
        %dma_start3A_138 = tpu.memref_squeeze %dma_start3A_137 : memref<1x256xi32, #tpu.memory_space<vmem>> -> memref<256xi32, #tpu.memory_space<vmem>>
        %dma_start3A_139 = arith.constant 128 : i32
        %dma_start3A_140 = tpu.memref_slice %dma_start3A_138[%dma_start3A_139] : memref<256xi32, #tpu.memory_space<vmem>> -> memref<128xi32, #tpu.memory_space<vmem>>
        %dma_start3A_141 = arith.constant 0 : i32
        %dma_start3A_142 = arith.constant 0 : i32
        %dma_start3A_143 = tpu.memref_slice %arg14[%dma_start3A_141, %dma_start3A_142] : memref<10016x64xf32, #tpu.memory_space<vmem_shared>> -> memref<10016x64xf32, #tpu.memory_space<vmem_shared>>
        tpu.enqueue_indirect_dma source(%arg8 : memref<128x64xf32, #tpu.memory_space<vmem>>) target(%dma_start3A_143 : memref<10016x64xf32, #tpu.memory_space<vmem_shared>>) offsets(%dma_start3A_140 : memref<128xi32, #tpu.memory_space<vmem>>) semaphore(%run_scoped3A_135 : memref<!tpu.dma_semaphore, #tpu.memory_space<semaphore_mem>>) {add = true}
        %dma_wait3A_144 = arith.constant 0 : i32
        %dma_wait3A_145 = tpu.memref_slice %arg7[%run_scoped3A_134, %dma_wait3A_144] : memref<40x256xi32, #tpu.memory_space<vmem>> -> memref<1x256xi32, #tpu.memory_space<vmem>>
        %dma_wait3A_146 = tpu.memref_squeeze %dma_wait3A_145 : memref<1x256xi32, #tpu.memory_space<vmem>> -> memref<256xi32, #tpu.memory_space<vmem>>
        %dma_wait3A_147 = arith.constant 128 : i32
        %dma_wait3A_148 = tpu.memref_slice %dma_wait3A_146[%dma_wait3A_147] : memref<256xi32, #tpu.memory_space<vmem>> -> memref<128xi32, #tpu.memory_space<vmem>>
        %dma_wait3A_149 = arith.constant 0 : i32
        %dma_wait3A_150 = arith.constant 0 : i32
        %dma_wait3A_151 = tpu.memref_slice %arg14[%dma_wait3A_149, %dma_wait3A_150] : memref<10016x64xf32, #tpu.memory_space<vmem_shared>> -> memref<10016x64xf32, #tpu.memory_space<vmem_shared>>
        tpu.wait_indirect_dma semaphore(%run_scoped3A_135 : memref<!tpu.dma_semaphore, #tpu.memory_space<semaphore_mem>>) src(%arg8 : memref<128x64xf32, #tpu.memory_space<vmem>>) dst(%dma_wait3A_151 : memref<10016x64xf32, #tpu.memory_space<vmem_shared>>)
        tpu.yield
      }) : () -> ()
    } else {
    }
    %barrier3A_126 = arith.constant 0 : index
    tpu.barrier barrier_id(%barrier3A_126)
    %mul3A_127 = arith.constant 626 : i32
    %mul3A_128 = arith.muli %arg1, %mul3A_127 : i32
    %mul3A_129 = arith.constant 626 : i32
    %mul3A_130 = arith.muli %arg1, %mul3A_129 : i32
    "tpu.region"() ({
      %run_scoped3A_131 = tpu.sem_alloc : memref<!tpu.dma_semaphore, #tpu.memory_space<semaphore_mem>>
      %dma_start3A_132 = arith.constant 0 : i32
      %dma_start3A_133 = arith.constant 0 : i32
      %dma_start3A_134 = tpu.memref_slice %arg5[%arg0, %dma_start3A_132, %dma_start3A_133] : memref<2x10016x64xf32, #tpu.memory_space<hbm>> -> memref<1x10016x64xf32, #tpu.memory_space<hbm>>
      %dma_start3A_135 = tpu.memref_squeeze %dma_start3A_134 : memref<1x10016x64xf32, #tpu.memory_space<hbm>> -> memref<10016x64xf32, #tpu.memory_space<hbm>>
      %dma_start3A_136 = arith.constant 0 : i32
      %dma_start3A_137 = tpu.memref_slice %dma_start3A_135[%mul3A_130, %dma_start3A_136] : memref<10016x64xf32, #tpu.memory_space<hbm>> -> memref<626x64xf32, #tpu.memory_space<hbm>>
      %dma_start3A_138 = arith.constant 0 : i32
      %dma_start3A_139 = tpu.memref_slice %arg14[%mul3A_128, %dma_start3A_138] : memref<10016x64xf32, #tpu.memory_space<vmem_shared>> -> memref<626x64xf32, #tpu.memory_space<vmem_shared>>
      tpu.enqueue_dma source(%dma_start3A_139 : memref<626x64xf32, #tpu.memory_space<vmem_shared>>) target(%dma_start3A_137 : memref<626x64xf32, #tpu.memory_space<hbm>>) target_semaphore(%run_scoped3A_131 : memref<!tpu.dma_semaphore, #tpu.memory_space<semaphore_mem>>)
      %dma_wait3A_140 = arith.constant 0 : i32
      %dma_wait3A_141 = arith.constant 0 : i32
      %dma_wait3A_142 = tpu.memref_slice %arg5[%arg0, %dma_wait3A_140, %dma_wait3A_141] : memref<2x10016x64xf32, #tpu.memory_space<hbm>> -> memref<1x10016x64xf32, #tpu.memory_space<hbm>>
      %dma_wait3A_143 = tpu.memref_squeeze %dma_wait3A_142 : memref<1x10016x64xf32, #tpu.memory_space<hbm>> -> memref<10016x64xf32, #tpu.memory_space<hbm>>
      %dma_wait3A_144 = arith.constant 0 : i32
      %dma_wait3A_145 = tpu.memref_slice %dma_wait3A_143[%mul3A_130, %dma_wait3A_144] : memref<10016x64xf32, #tpu.memory_space<hbm>> -> memref<626x64xf32, #tpu.memory_space<hbm>>
      %dma_wait3A_146 = arith.constant 0 : i32
      %dma_wait3A_147 = tpu.memref_slice %arg14[%mul3A_128, %dma_wait3A_146] : memref<10016x64xf32, #tpu.memory_space<vmem_shared>> -> memref<626x64xf32, #tpu.memory_space<vmem_shared>>
      tpu.wait_dma2 semaphore(%run_scoped3A_131 : memref<!tpu.dma_semaphore, #tpu.memory_space<semaphore_mem>>) src(%dma_wait3A_147 : memref<626x64xf32, #tpu.memory_space<vmem_shared>>) dst(%dma_wait3A_145 : memref<626x64xf32, #tpu.memory_space<hbm>>)
      tpu.yield
    }) : () -> ()
    return
  }
}

#map = affine_map<(d0, d1) -> (0, 0)>
#map1 = affine_map<(d0, d1) -> (0, 0, 0)>
module attributes {stable_mosaic.version = 14 : i64} {
  func.func @gcn_agg8_sc(%arg0: i32, %arg1: i32, %arg2: memref<10000x8xf32, #tpu.memory_space<hbm>>, %arg3: memref<2x1250x256xi32, #tpu.memory_space<hbm>>, %arg4: memref<626x8xf32, #tpu.memory_space<hbm>>, %arg5: memref<2x10016x8xf32, #tpu.memory_space<hbm>>, %arg6: memref<40x256xi32, #tpu.memory_space<vmem>>, %arg7: memref<40x256xi32, #tpu.memory_space<vmem>>, %arg8: memref<256x8xf32, #tpu.memory_space<vmem>>, %arg9: memref<256x8xf32, #tpu.memory_space<vmem>>, %arg10: memref<256x8xf32, #tpu.memory_space<vmem>>, %arg11: memref<256x8xf32, #tpu.memory_space<vmem>>, %arg12: memref<256x8xf32, #tpu.memory_space<vmem>>, %arg13: memref<256x8xf32, #tpu.memory_space<vmem>>, %arg14: memref<256x8xf32, #tpu.memory_space<vmem>>, %arg15: memref<256x8xf32, #tpu.memory_space<vmem>>, %arg16: memref<10016x8xf32, #tpu.memory_space<vmem_shared>>, %arg17: memref<!tpu.dma_semaphore, #tpu.memory_space<semaphore_mem>>, %arg18: memref<!tpu.dma_semaphore, #tpu.memory_space<semaphore_mem>>, %arg19: memref<!tpu.dma_semaphore, #tpu.memory_space<semaphore_mem>>, %arg20: memref<!tpu.dma_semaphore, #tpu.memory_space<semaphore_mem>>, %arg21: memref<!tpu.dma_semaphore, #tpu.memory_space<semaphore_mem>>, %arg22: memref<!tpu.dma_semaphore, #tpu.memory_space<semaphore_mem>>, %arg23: memref<!tpu.dma_semaphore, #tpu.memory_space<semaphore_mem>>, %arg24: memref<!tpu.dma_semaphore, #tpu.memory_space<semaphore_mem>>, %arg25: memref<!tpu.dma_semaphore, #tpu.memory_space<semaphore_mem>>, %arg26: memref<!tpu.dma_semaphore, #tpu.memory_space<semaphore_mem>>, %arg27: memref<!tpu.dma_semaphore, #tpu.memory_space<semaphore_mem>>, %arg28: memref<!tpu.dma_semaphore, #tpu.memory_space<semaphore_mem>>, %arg29: memref<!tpu.dma_semaphore, #tpu.memory_space<semaphore_mem>>, %arg30: memref<!tpu.dma_semaphore, #tpu.memory_space<semaphore_mem>>, %arg31: memref<!tpu.dma_semaphore, #tpu.memory_space<semaphore_mem>>, %arg32: memref<!tpu.dma_semaphore, #tpu.memory_space<semaphore_mem>>) attributes {dimension_semantics = [#tpu.dimension_semantics<core_parallel>, #tpu.dimension_semantics<subcore_parallel>], iteration_bounds = array<i64: 2, 16>, scalar_prefetch = 0 : i64, scratch_operands = 27 : i64, tpu.core_type = #tpu.core_type<sc_vector_subcore>, window_params = [{transform_indices = #map}, {transform_indices = #map1}, {transform_indices = #map}, {transform_indices = #map1}]} {
    %mul3A = arith.constant 16 : i32
    %mul3A_0 = arith.muli %arg0, %mul3A : i32
    %add3A = arith.addi %mul3A_0, %arg1 : i32
    %mul3A_1 = arith.constant 39 : i32
    %mul3A_2 = arith.muli %add3A, %mul3A_1 : i32
    %run_scoped3A = arith.constant 0 : i32
    "tpu.region"() ({
      %run_scoped3A_167 = tpu.sem_alloc : memref<!tpu.dma_semaphore, #tpu.memory_space<semaphore_mem>>
      %dma_start3A_168 = arith.constant 0 : i32
      %dma_start3A_169 = arith.constant 0 : i32
      %dma_start3A_170 = tpu.memref_slice %arg6[%dma_start3A_168, %dma_start3A_169] : memref<40x256xi32, #tpu.memory_space<vmem>> -> memref<39x256xi32, #tpu.memory_space<vmem>>
      %dma_start3A_171 = arith.constant 0 : i32
      %dma_start3A_172 = arith.constant 0 : i32
      %dma_start3A_173 = tpu.memref_slice %arg3[%run_scoped3A, %dma_start3A_171, %dma_start3A_172] : memref<2x1250x256xi32, #tpu.memory_space<hbm>> -> memref<1x1250x256xi32, #tpu.memory_space<hbm>>
      %dma_start3A_174 = tpu.memref_squeeze %dma_start3A_173 : memref<1x1250x256xi32, #tpu.memory_space<hbm>> -> memref<1250x256xi32, #tpu.memory_space<hbm>>
      %dma_start3A_175 = arith.constant 0 : i32
      %dma_start3A_176 = tpu.memref_slice %dma_start3A_174[%mul3A_2, %dma_start3A_175] : memref<1250x256xi32, #tpu.memory_space<hbm>> -> memref<39x256xi32, #tpu.memory_space<hbm>>
      %dma_start3A_177 = arith.constant 0 : i32
      %dma_start3A_178 = arith.constant 0 : i32
      %dma_start3A_179 = tpu.memref_slice %arg6[%dma_start3A_177, %dma_start3A_178] : memref<40x256xi32, #tpu.memory_space<vmem>> -> memref<39x256xi32, #tpu.memory_space<vmem>>
      %dma_start3A_180 = arith.constant 0 : i32
      %dma_start3A_181 = arith.constant 0 : i32
      %dma_start3A_182 = tpu.memref_slice %arg3[%run_scoped3A, %dma_start3A_180, %dma_start3A_181] : memref<2x1250x256xi32, #tpu.memory_space<hbm>> -> memref<1x1250x256xi32, #tpu.memory_space<hbm>>
      %dma_start3A_183 = tpu.memref_squeeze %dma_start3A_182 : memref<1x1250x256xi32, #tpu.memory_space<hbm>> -> memref<1250x256xi32, #tpu.memory_space<hbm>>
      %dma_start3A_184 = arith.constant 0 : i32
      %dma_start3A_185 = tpu.memref_slice %dma_start3A_183[%mul3A_2, %dma_start3A_184] : memref<1250x256xi32, #tpu.memory_space<hbm>> -> memref<39x256xi32, #tpu.memory_space<hbm>>
      tpu.enqueue_dma source(%dma_start3A_185 : memref<39x256xi32, #tpu.memory_space<hbm>>) target(%dma_start3A_179 : memref<39x256xi32, #tpu.memory_space<vmem>>) target_semaphore(%run_scoped3A_167 : memref<!tpu.dma_semaphore, #tpu.memory_space<semaphore_mem>>)
      %dma_wait3A_186 = arith.constant 0 : i32
      %dma_wait3A_187 = arith.constant 0 : i32
      %dma_wait3A_188 = tpu.memref_slice %arg6[%dma_wait3A_186, %dma_wait3A_187] : memref<40x256xi32, #tpu.memory_space<vmem>> -> memref<39x256xi32, #tpu.memory_space<vmem>>
      %dma_wait3A_189 = arith.constant 0 : i32
      %dma_wait3A_190 = arith.constant 0 : i32
      %dma_wait3A_191 = tpu.memref_slice %arg3[%run_scoped3A, %dma_wait3A_189, %dma_wait3A_190] : memref<2x1250x256xi32, #tpu.memory_space<hbm>> -> memref<1x1250x256xi32, #tpu.memory_space<hbm>>
      %dma_wait3A_192 = tpu.memref_squeeze %dma_wait3A_191 : memref<1x1250x256xi32, #tpu.memory_space<hbm>> -> memref<1250x256xi32, #tpu.memory_space<hbm>>
      %dma_wait3A_193 = arith.constant 0 : i32
      %dma_wait3A_194 = tpu.memref_slice %dma_wait3A_192[%mul3A_2, %dma_wait3A_193] : memref<1250x256xi32, #tpu.memory_space<hbm>> -> memref<39x256xi32, #tpu.memory_space<hbm>>
      %dma_wait3A_195 = arith.constant 0 : i32
      %dma_wait3A_196 = arith.constant 0 : i32
      %dma_wait3A_197 = tpu.memref_slice %arg6[%dma_wait3A_195, %dma_wait3A_196] : memref<40x256xi32, #tpu.memory_space<vmem>> -> memref<39x256xi32, #tpu.memory_space<vmem>>
      %dma_wait3A_198 = arith.constant 0 : i32
      %dma_wait3A_199 = arith.constant 0 : i32
      %dma_wait3A_200 = tpu.memref_slice %arg3[%run_scoped3A, %dma_wait3A_198, %dma_wait3A_199] : memref<2x1250x256xi32, #tpu.memory_space<hbm>> -> memref<1x1250x256xi32, #tpu.memory_space<hbm>>
      %dma_wait3A_201 = tpu.memref_squeeze %dma_wait3A_200 : memref<1x1250x256xi32, #tpu.memory_space<hbm>> -> memref<1250x256xi32, #tpu.memory_space<hbm>>
      %dma_wait3A_202 = arith.constant 0 : i32
      %dma_wait3A_203 = tpu.memref_slice %dma_wait3A_201[%mul3A_2, %dma_wait3A_202] : memref<1250x256xi32, #tpu.memory_space<hbm>> -> memref<39x256xi32, #tpu.memory_space<hbm>>
      tpu.wait_dma2 semaphore(%run_scoped3A_167 : memref<!tpu.dma_semaphore, #tpu.memory_space<semaphore_mem>>) src(%dma_wait3A_203 : memref<39x256xi32, #tpu.memory_space<hbm>>) dst(%dma_wait3A_197 : memref<39x256xi32, #tpu.memory_space<vmem>>)
      tpu.yield
    }) : () -> ()
    %run_scoped3A_3 = arith.constant 1 : i32
    "tpu.region"() ({
      %run_scoped3A_167 = tpu.sem_alloc : memref<!tpu.dma_semaphore, #tpu.memory_space<semaphore_mem>>
      %dma_start3A_168 = arith.constant 0 : i32
      %dma_start3A_169 = arith.constant 0 : i32
      %dma_start3A_170 = tpu.memref_slice %arg7[%dma_start3A_168, %dma_start3A_169] : memref<40x256xi32, #tpu.memory_space<vmem>> -> memref<39x256xi32, #tpu.memory_space<vmem>>
      %dma_start3A_171 = arith.constant 0 : i32
      %dma_start3A_172 = arith.constant 0 : i32
      %dma_start3A_173 = tpu.memref_slice %arg3[%run_scoped3A_3, %dma_start3A_171, %dma_start3A_172] : memref<2x1250x256xi32, #tpu.memory_space<hbm>> -> memref<1x1250x256xi32, #tpu.memory_space<hbm>>
      %dma_start3A_174 = tpu.memref_squeeze %dma_start3A_173 : memref<1x1250x256xi32, #tpu.memory_space<hbm>> -> memref<1250x256xi32, #tpu.memory_space<hbm>>
      %dma_start3A_175 = arith.constant 0 : i32
      %dma_start3A_176 = tpu.memref_slice %dma_start3A_174[%mul3A_2, %dma_start3A_175] : memref<1250x256xi32, #tpu.memory_space<hbm>> -> memref<39x256xi32, #tpu.memory_space<hbm>>
      %dma_start3A_177 = arith.constant 0 : i32
      %dma_start3A_178 = arith.constant 0 : i32
      %dma_start3A_179 = tpu.memref_slice %arg7[%dma_start3A_177, %dma_start3A_178] : memref<40x256xi32, #tpu.memory_space<vmem>> -> memref<39x256xi32, #tpu.memory_space<vmem>>
      %dma_start3A_180 = arith.constant 0 : i32
      %dma_start3A_181 = arith.constant 0 : i32
      %dma_start3A_182 = tpu.memref_slice %arg3[%run_scoped3A_3, %dma_start3A_180, %dma_start3A_181] : memref<2x1250x256xi32, #tpu.memory_space<hbm>> -> memref<1x1250x256xi32, #tpu.memory_space<hbm>>
      %dma_start3A_183 = tpu.memref_squeeze %dma_start3A_182 : memref<1x1250x256xi32, #tpu.memory_space<hbm>> -> memref<1250x256xi32, #tpu.memory_space<hbm>>
      %dma_start3A_184 = arith.constant 0 : i32
      %dma_start3A_185 = tpu.memref_slice %dma_start3A_183[%mul3A_2, %dma_start3A_184] : memref<1250x256xi32, #tpu.memory_space<hbm>> -> memref<39x256xi32, #tpu.memory_space<hbm>>
      tpu.enqueue_dma source(%dma_start3A_185 : memref<39x256xi32, #tpu.memory_space<hbm>>) target(%dma_start3A_179 : memref<39x256xi32, #tpu.memory_space<vmem>>) target_semaphore(%run_scoped3A_167 : memref<!tpu.dma_semaphore, #tpu.memory_space<semaphore_mem>>)
      %dma_wait3A_186 = arith.constant 0 : i32
      %dma_wait3A_187 = arith.constant 0 : i32
      %dma_wait3A_188 = tpu.memref_slice %arg7[%dma_wait3A_186, %dma_wait3A_187] : memref<40x256xi32, #tpu.memory_space<vmem>> -> memref<39x256xi32, #tpu.memory_space<vmem>>
      %dma_wait3A_189 = arith.constant 0 : i32
      %dma_wait3A_190 = arith.constant 0 : i32
      %dma_wait3A_191 = tpu.memref_slice %arg3[%run_scoped3A_3, %dma_wait3A_189, %dma_wait3A_190] : memref<2x1250x256xi32, #tpu.memory_space<hbm>> -> memref<1x1250x256xi32, #tpu.memory_space<hbm>>
      %dma_wait3A_192 = tpu.memref_squeeze %dma_wait3A_191 : memref<1x1250x256xi32, #tpu.memory_space<hbm>> -> memref<1250x256xi32, #tpu.memory_space<hbm>>
      %dma_wait3A_193 = arith.constant 0 : i32
      %dma_wait3A_194 = tpu.memref_slice %dma_wait3A_192[%mul3A_2, %dma_wait3A_193] : memref<1250x256xi32, #tpu.memory_space<hbm>> -> memref<39x256xi32, #tpu.memory_space<hbm>>
      %dma_wait3A_195 = arith.constant 0 : i32
      %dma_wait3A_196 = arith.constant 0 : i32
      %dma_wait3A_197 = tpu.memref_slice %arg7[%dma_wait3A_195, %dma_wait3A_196] : memref<40x256xi32, #tpu.memory_space<vmem>> -> memref<39x256xi32, #tpu.memory_space<vmem>>
      %dma_wait3A_198 = arith.constant 0 : i32
      %dma_wait3A_199 = arith.constant 0 : i32
      %dma_wait3A_200 = tpu.memref_slice %arg3[%run_scoped3A_3, %dma_wait3A_198, %dma_wait3A_199] : memref<2x1250x256xi32, #tpu.memory_space<hbm>> -> memref<1x1250x256xi32, #tpu.memory_space<hbm>>
      %dma_wait3A_201 = tpu.memref_squeeze %dma_wait3A_200 : memref<1x1250x256xi32, #tpu.memory_space<hbm>> -> memref<1250x256xi32, #tpu.memory_space<hbm>>
      %dma_wait3A_202 = arith.constant 0 : i32
      %dma_wait3A_203 = tpu.memref_slice %dma_wait3A_201[%mul3A_2, %dma_wait3A_202] : memref<1250x256xi32, #tpu.memory_space<hbm>> -> memref<39x256xi32, #tpu.memory_space<hbm>>
      tpu.wait_dma2 semaphore(%run_scoped3A_167 : memref<!tpu.dma_semaphore, #tpu.memory_space<semaphore_mem>>) src(%dma_wait3A_203 : memref<39x256xi32, #tpu.memory_space<hbm>>) dst(%dma_wait3A_197 : memref<39x256xi32, #tpu.memory_space<vmem>>)
      tpu.yield
    }) : () -> ()
    %lt3A = arith.constant 2 : i32
    %lt3A_4 = arith.cmpi slt, %add3A, %lt3A : i32
    %convert_element_type3A = arith.extui %lt3A_4 : i1 to i32
    %cond3A = arith.constant 0 : i32
    %cond3A_5 = arith.constant 1 : i32
    %cond3A_6 = arith.constant 0 : i32
    %cond3A_7 = arith.cmpi ne, %convert_element_type3A, %cond3A_6 : i32
    scf.if %cond3A_7 {
      %add3A_167 = arith.constant 1248 : i32
      %add3A_168 = arith.addi %add3A_167, %add3A : i32
      "tpu.region"() ({
        %run_scoped3A_169 = tpu.sem_alloc : memref<!tpu.dma_semaphore, #tpu.memory_space<semaphore_mem>>
        %dma_start3A_170 = arith.constant 39 : i32
        %dma_start3A_171 = arith.constant 0 : i32
        %dma_start3A_172 = tpu.memref_slice %arg6[%dma_start3A_170, %dma_start3A_171] : memref<40x256xi32, #tpu.memory_space<vmem>> -> memref<1x256xi32, #tpu.memory_space<vmem>>
        %dma_start3A_173 = arith.constant 0 : i32
        %dma_start3A_174 = arith.constant 0 : i32
        %dma_start3A_175 = tpu.memref_slice %arg3[%cond3A, %dma_start3A_173, %dma_start3A_174] : memref<2x1250x256xi32, #tpu.memory_space<hbm>> -> memref<1x1250x256xi32, #tpu.memory_space<hbm>>
        %dma_start3A_176 = tpu.memref_squeeze %dma_start3A_175 : memref<1x1250x256xi32, #tpu.memory_space<hbm>> -> memref<1250x256xi32, #tpu.memory_space<hbm>>
        %dma_start3A_177 = arith.constant 0 : i32
        %dma_start3A_178 = tpu.memref_slice %dma_start3A_176[%add3A_168, %dma_start3A_177] : memref<1250x256xi32, #tpu.memory_space<hbm>> -> memref<1x256xi32, #tpu.memory_space<hbm>>
        %dma_start3A_179 = arith.constant 39 : i32
        %dma_start3A_180 = arith.constant 0 : i32
        %dma_start3A_181 = tpu.memref_slice %arg6[%dma_start3A_179, %dma_start3A_180] : memref<40x256xi32, #tpu.memory_space<vmem>> -> memref<1x256xi32, #tpu.memory_space<vmem>>
        %dma_start3A_182 = arith.constant 0 : i32
        %dma_start3A_183 = arith.constant 0 : i32
        %dma_start3A_184 = tpu.memref_slice %arg3[%cond3A, %dma_start3A_182, %dma_start3A_183] : memref<2x1250x256xi32, #tpu.memory_space<hbm>> -> memref<1x1250x256xi32, #tpu.memory_space<hbm>>
        %dma_start3A_185 = tpu.memref_squeeze %dma_start3A_184 : memref<1x1250x256xi32, #tpu.memory_space<hbm>> -> memref<1250x256xi32, #tpu.memory_space<hbm>>
        %dma_start3A_186 = arith.constant 0 : i32
        %dma_start3A_187 = tpu.memref_slice %dma_start3A_185[%add3A_168, %dma_start3A_186] : memref<1250x256xi32, #tpu.memory_space<hbm>> -> memref<1x256xi32, #tpu.memory_space<hbm>>
        tpu.enqueue_dma source(%dma_start3A_187 : memref<1x256xi32, #tpu.memory_space<hbm>>) target(%dma_start3A_181 : memref<1x256xi32, #tpu.memory_space<vmem>>) target_semaphore(%run_scoped3A_169 : memref<!tpu.dma_semaphore, #tpu.memory_space<semaphore_mem>>)
        %dma_wait3A_188 = arith.constant 39 : i32
        %dma_wait3A_189 = arith.constant 0 : i32
        %dma_wait3A_190 = tpu.memref_slice %arg6[%dma_wait3A_188, %dma_wait3A_189] : memref<40x256xi32, #tpu.memory_space<vmem>> -> memref<1x256xi32, #tpu.memory_space<vmem>>
        %dma_wait3A_191 = arith.constant 0 : i32
        %dma_wait3A_192 = arith.constant 0 : i32
        %dma_wait3A_193 = tpu.memref_slice %arg3[%cond3A, %dma_wait3A_191, %dma_wait3A_192] : memref<2x1250x256xi32, #tpu.memory_space<hbm>> -> memref<1x1250x256xi32, #tpu.memory_space<hbm>>
        %dma_wait3A_194 = tpu.memref_squeeze %dma_wait3A_193 : memref<1x1250x256xi32, #tpu.memory_space<hbm>> -> memref<1250x256xi32, #tpu.memory_space<hbm>>
        %dma_wait3A_195 = arith.constant 0 : i32
        %dma_wait3A_196 = tpu.memref_slice %dma_wait3A_194[%add3A_168, %dma_wait3A_195] : memref<1250x256xi32, #tpu.memory_space<hbm>> -> memref<1x256xi32, #tpu.memory_space<hbm>>
        %dma_wait3A_197 = arith.constant 39 : i32
        %dma_wait3A_198 = arith.constant 0 : i32
        %dma_wait3A_199 = tpu.memref_slice %arg6[%dma_wait3A_197, %dma_wait3A_198] : memref<40x256xi32, #tpu.memory_space<vmem>> -> memref<1x256xi32, #tpu.memory_space<vmem>>
        %dma_wait3A_200 = arith.constant 0 : i32
        %dma_wait3A_201 = arith.constant 0 : i32
        %dma_wait3A_202 = tpu.memref_slice %arg3[%cond3A, %dma_wait3A_200, %dma_wait3A_201] : memref<2x1250x256xi32, #tpu.memory_space<hbm>> -> memref<1x1250x256xi32, #tpu.memory_space<hbm>>
        %dma_wait3A_203 = tpu.memref_squeeze %dma_wait3A_202 : memref<1x1250x256xi32, #tpu.memory_space<hbm>> -> memref<1250x256xi32, #tpu.memory_space<hbm>>
        %dma_wait3A_204 = arith.constant 0 : i32
        %dma_wait3A_205 = tpu.memref_slice %dma_wait3A_203[%add3A_168, %dma_wait3A_204] : memref<1250x256xi32, #tpu.memory_space<hbm>> -> memref<1x256xi32, #tpu.memory_space<hbm>>
        tpu.wait_dma2 semaphore(%run_scoped3A_169 : memref<!tpu.dma_semaphore, #tpu.memory_space<semaphore_mem>>) src(%dma_wait3A_205 : memref<1x256xi32, #tpu.memory_space<hbm>>) dst(%dma_wait3A_199 : memref<1x256xi32, #tpu.memory_space<vmem>>)
        tpu.yield
      }) : () -> ()
      "tpu.region"() ({
        %run_scoped3A_169 = tpu.sem_alloc : memref<!tpu.dma_semaphore, #tpu.memory_space<semaphore_mem>>
        %dma_start3A_170 = arith.constant 39 : i32
        %dma_start3A_171 = arith.constant 0 : i32
        %dma_start3A_172 = tpu.memref_slice %arg7[%dma_start3A_170, %dma_start3A_171] : memref<40x256xi32, #tpu.memory_space<vmem>> -> memref<1x256xi32, #tpu.memory_space<vmem>>
        %dma_start3A_173 = arith.constant 0 : i32
        %dma_start3A_174 = arith.constant 0 : i32
        %dma_start3A_175 = tpu.memref_slice %arg3[%cond3A_5, %dma_start3A_173, %dma_start3A_174] : memref<2x1250x256xi32, #tpu.memory_space<hbm>> -> memref<1x1250x256xi32, #tpu.memory_space<hbm>>
        %dma_start3A_176 = tpu.memref_squeeze %dma_start3A_175 : memref<1x1250x256xi32, #tpu.memory_space<hbm>> -> memref<1250x256xi32, #tpu.memory_space<hbm>>
        %dma_start3A_177 = arith.constant 0 : i32
        %dma_start3A_178 = tpu.memref_slice %dma_start3A_176[%add3A_168, %dma_start3A_177] : memref<1250x256xi32, #tpu.memory_space<hbm>> -> memref<1x256xi32, #tpu.memory_space<hbm>>
        %dma_start3A_179 = arith.constant 39 : i32
        %dma_start3A_180 = arith.constant 0 : i32
        %dma_start3A_181 = tpu.memref_slice %arg7[%dma_start3A_179, %dma_start3A_180] : memref<40x256xi32, #tpu.memory_space<vmem>> -> memref<1x256xi32, #tpu.memory_space<vmem>>
        %dma_start3A_182 = arith.constant 0 : i32
        %dma_start3A_183 = arith.constant 0 : i32
        %dma_start3A_184 = tpu.memref_slice %arg3[%cond3A_5, %dma_start3A_182, %dma_start3A_183] : memref<2x1250x256xi32, #tpu.memory_space<hbm>> -> memref<1x1250x256xi32, #tpu.memory_space<hbm>>
        %dma_start3A_185 = tpu.memref_squeeze %dma_start3A_184 : memref<1x1250x256xi32, #tpu.memory_space<hbm>> -> memref<1250x256xi32, #tpu.memory_space<hbm>>
        %dma_start3A_186 = arith.constant 0 : i32
        %dma_start3A_187 = tpu.memref_slice %dma_start3A_185[%add3A_168, %dma_start3A_186] : memref<1250x256xi32, #tpu.memory_space<hbm>> -> memref<1x256xi32, #tpu.memory_space<hbm>>
        tpu.enqueue_dma source(%dma_start3A_187 : memref<1x256xi32, #tpu.memory_space<hbm>>) target(%dma_start3A_181 : memref<1x256xi32, #tpu.memory_space<vmem>>) target_semaphore(%run_scoped3A_169 : memref<!tpu.dma_semaphore, #tpu.memory_space<semaphore_mem>>)
        %dma_wait3A_188 = arith.constant 39 : i32
        %dma_wait3A_189 = arith.constant 0 : i32
        %dma_wait3A_190 = tpu.memref_slice %arg7[%dma_wait3A_188, %dma_wait3A_189] : memref<40x256xi32, #tpu.memory_space<vmem>> -> memref<1x256xi32, #tpu.memory_space<vmem>>
        %dma_wait3A_191 = arith.constant 0 : i32
        %dma_wait3A_192 = arith.constant 0 : i32
        %dma_wait3A_193 = tpu.memref_slice %arg3[%cond3A_5, %dma_wait3A_191, %dma_wait3A_192] : memref<2x1250x256xi32, #tpu.memory_space<hbm>> -> memref<1x1250x256xi32, #tpu.memory_space<hbm>>
        %dma_wait3A_194 = tpu.memref_squeeze %dma_wait3A_193 : memref<1x1250x256xi32, #tpu.memory_space<hbm>> -> memref<1250x256xi32, #tpu.memory_space<hbm>>
        %dma_wait3A_195 = arith.constant 0 : i32
        %dma_wait3A_196 = tpu.memref_slice %dma_wait3A_194[%add3A_168, %dma_wait3A_195] : memref<1250x256xi32, #tpu.memory_space<hbm>> -> memref<1x256xi32, #tpu.memory_space<hbm>>
        %dma_wait3A_197 = arith.constant 39 : i32
        %dma_wait3A_198 = arith.constant 0 : i32
        %dma_wait3A_199 = tpu.memref_slice %arg7[%dma_wait3A_197, %dma_wait3A_198] : memref<40x256xi32, #tpu.memory_space<vmem>> -> memref<1x256xi32, #tpu.memory_space<vmem>>
        %dma_wait3A_200 = arith.constant 0 : i32
        %dma_wait3A_201 = arith.constant 0 : i32
        %dma_wait3A_202 = tpu.memref_slice %arg3[%cond3A_5, %dma_wait3A_200, %dma_wait3A_201] : memref<2x1250x256xi32, #tpu.memory_space<hbm>> -> memref<1x1250x256xi32, #tpu.memory_space<hbm>>
        %dma_wait3A_203 = tpu.memref_squeeze %dma_wait3A_202 : memref<1x1250x256xi32, #tpu.memory_space<hbm>> -> memref<1250x256xi32, #tpu.memory_space<hbm>>
        %dma_wait3A_204 = arith.constant 0 : i32
        %dma_wait3A_205 = tpu.memref_slice %dma_wait3A_203[%add3A_168, %dma_wait3A_204] : memref<1250x256xi32, #tpu.memory_space<hbm>> -> memref<1x256xi32, #tpu.memory_space<hbm>>
        tpu.wait_dma2 semaphore(%run_scoped3A_169 : memref<!tpu.dma_semaphore, #tpu.memory_space<semaphore_mem>>) src(%dma_wait3A_205 : memref<1x256xi32, #tpu.memory_space<hbm>>) dst(%dma_wait3A_199 : memref<1x256xi32, #tpu.memory_space<vmem>>)
        tpu.yield
      }) : () -> ()
    } else {
    }
    %mul3A_8 = arith.constant 626 : i32
    %mul3A_9 = arith.muli %arg1, %mul3A_8 : i32
    "tpu.region"() ({
      %run_scoped3A_167 = tpu.sem_alloc : memref<!tpu.dma_semaphore, #tpu.memory_space<semaphore_mem>>
      %dma_start3A_168 = arith.constant 0 : i32
      %dma_start3A_169 = tpu.memref_slice %arg16[%mul3A_9, %dma_start3A_168] : memref<10016x8xf32, #tpu.memory_space<vmem_shared>> -> memref<626x8xf32, #tpu.memory_space<vmem_shared>>
      tpu.enqueue_dma source(%arg4 : memref<626x8xf32, #tpu.memory_space<hbm>>) target(%dma_start3A_169 : memref<626x8xf32, #tpu.memory_space<vmem_shared>>) target_semaphore(%run_scoped3A_167 : memref<!tpu.dma_semaphore, #tpu.memory_space<semaphore_mem>>)
      %dma_wait3A_170 = arith.constant 0 : i32
      %dma_wait3A_171 = tpu.memref_slice %arg16[%mul3A_9, %dma_wait3A_170] : memref<10016x8xf32, #tpu.memory_space<vmem_shared>> -> memref<626x8xf32, #tpu.memory_space<vmem_shared>>
      tpu.wait_dma2 semaphore(%run_scoped3A_167 : memref<!tpu.dma_semaphore, #tpu.memory_space<semaphore_mem>>) src(%arg4 : memref<626x8xf32, #tpu.memory_space<hbm>>) dst(%dma_wait3A_171 : memref<626x8xf32, #tpu.memory_space<vmem_shared>>)
      tpu.yield
    }) : () -> ()
    %barrier3A = arith.constant 0 : index
    tpu.barrier barrier_id(%barrier3A)
    %dma_start3A = arith.constant 0 : i32
    %dma_start3A_10 = arith.constant 0 : i32
    %dma_start3A_11 = tpu.memref_slice %arg6[%dma_start3A, %dma_start3A_10] : memref<40x256xi32, #tpu.memory_space<vmem>> -> memref<1x256xi32, #tpu.memory_space<vmem>>
    %dma_start3A_12 = tpu.memref_squeeze %dma_start3A_11 : memref<1x256xi32, #tpu.memory_space<vmem>> -> memref<256xi32, #tpu.memory_space<vmem>>
    %dma_start3A_13 = arith.constant 0 : i32
    %dma_start3A_14 = tpu.memref_slice %dma_start3A_12[%dma_start3A_13] : memref<256xi32, #tpu.memory_space<vmem>> -> memref<256xi32, #tpu.memory_space<vmem>>
    %dma_start3A_15 = arith.constant 0 : i32
    %dma_start3A_16 = arith.constant 0 : i32
    %dma_start3A_17 = tpu.memref_slice %arg2[%dma_start3A_15, %dma_start3A_16] : memref<10000x8xf32, #tpu.memory_space<hbm>> -> memref<10000x8xf32, #tpu.memory_space<hbm>>
    tpu.enqueue_indirect_dma source(%dma_start3A_17 : memref<10000x8xf32, #tpu.memory_space<hbm>>) target(%arg8 : memref<256x8xf32, #tpu.memory_space<vmem>>) offsets(%dma_start3A_14 : memref<256xi32, #tpu.memory_space<vmem>>) semaphore(%arg17 : memref<!tpu.dma_semaphore, #tpu.memory_space<semaphore_mem>>)
    %dma_start3A_18 = arith.constant 1 : i32
    %dma_start3A_19 = arith.constant 0 : i32
    %dma_start3A_20 = tpu.memref_slice %arg6[%dma_start3A_18, %dma_start3A_19] : memref<40x256xi32, #tpu.memory_space<vmem>> -> memref<1x256xi32, #tpu.memory_space<vmem>>
    %dma_start3A_21 = tpu.memref_squeeze %dma_start3A_20 : memref<1x256xi32, #tpu.memory_space<vmem>> -> memref<256xi32, #tpu.memory_space<vmem>>
    %dma_start3A_22 = arith.constant 0 : i32
    %dma_start3A_23 = tpu.memref_slice %dma_start3A_21[%dma_start3A_22] : memref<256xi32, #tpu.memory_space<vmem>> -> memref<256xi32, #tpu.memory_space<vmem>>
    %dma_start3A_24 = arith.constant 0 : i32
    %dma_start3A_25 = arith.constant 0 : i32
    %dma_start3A_26 = tpu.memref_slice %arg2[%dma_start3A_24, %dma_start3A_25] : memref<10000x8xf32, #tpu.memory_space<hbm>> -> memref<10000x8xf32, #tpu.memory_space<hbm>>
    tpu.enqueue_indirect_dma source(%dma_start3A_26 : memref<10000x8xf32, #tpu.memory_space<hbm>>) target(%arg9 : memref<256x8xf32, #tpu.memory_space<vmem>>) offsets(%dma_start3A_23 : memref<256xi32, #tpu.memory_space<vmem>>) semaphore(%arg18 : memref<!tpu.dma_semaphore, #tpu.memory_space<semaphore_mem>>)
    %dma_start3A_27 = arith.constant 2 : i32
    %dma_start3A_28 = arith.constant 0 : i32
    %dma_start3A_29 = tpu.memref_slice %arg6[%dma_start3A_27, %dma_start3A_28] : memref<40x256xi32, #tpu.memory_space<vmem>> -> memref<1x256xi32, #tpu.memory_space<vmem>>
    %dma_start3A_30 = tpu.memref_squeeze %dma_start3A_29 : memref<1x256xi32, #tpu.memory_space<vmem>> -> memref<256xi32, #tpu.memory_space<vmem>>
    %dma_start3A_31 = arith.constant 0 : i32
    %dma_start3A_32 = tpu.memref_slice %dma_start3A_30[%dma_start3A_31] : memref<256xi32, #tpu.memory_space<vmem>> -> memref<256xi32, #tpu.memory_space<vmem>>
    %dma_start3A_33 = arith.constant 0 : i32
    %dma_start3A_34 = arith.constant 0 : i32
    %dma_start3A_35 = tpu.memref_slice %arg2[%dma_start3A_33, %dma_start3A_34] : memref<10000x8xf32, #tpu.memory_space<hbm>> -> memref<10000x8xf32, #tpu.memory_space<hbm>>
    tpu.enqueue_indirect_dma source(%dma_start3A_35 : memref<10000x8xf32, #tpu.memory_space<hbm>>) target(%arg10 : memref<256x8xf32, #tpu.memory_space<vmem>>) offsets(%dma_start3A_32 : memref<256xi32, #tpu.memory_space<vmem>>) semaphore(%arg19 : memref<!tpu.dma_semaphore, #tpu.memory_space<semaphore_mem>>)
    %dma_start3A_36 = arith.constant 3 : i32
    %dma_start3A_37 = arith.constant 0 : i32
    %dma_start3A_38 = tpu.memref_slice %arg6[%dma_start3A_36, %dma_start3A_37] : memref<40x256xi32, #tpu.memory_space<vmem>> -> memref<1x256xi32, #tpu.memory_space<vmem>>
    %dma_start3A_39 = tpu.memref_squeeze %dma_start3A_38 : memref<1x256xi32, #tpu.memory_space<vmem>> -> memref<256xi32, #tpu.memory_space<vmem>>
    %dma_start3A_40 = arith.constant 0 : i32
    %dma_start3A_41 = tpu.memref_slice %dma_start3A_39[%dma_start3A_40] : memref<256xi32, #tpu.memory_space<vmem>> -> memref<256xi32, #tpu.memory_space<vmem>>
    %dma_start3A_42 = arith.constant 0 : i32
    %dma_start3A_43 = arith.constant 0 : i32
    %dma_start3A_44 = tpu.memref_slice %arg2[%dma_start3A_42, %dma_start3A_43] : memref<10000x8xf32, #tpu.memory_space<hbm>> -> memref<10000x8xf32, #tpu.memory_space<hbm>>
    tpu.enqueue_indirect_dma source(%dma_start3A_44 : memref<10000x8xf32, #tpu.memory_space<hbm>>) target(%arg11 : memref<256x8xf32, #tpu.memory_space<vmem>>) offsets(%dma_start3A_41 : memref<256xi32, #tpu.memory_space<vmem>>) semaphore(%arg20 : memref<!tpu.dma_semaphore, #tpu.memory_space<semaphore_mem>>)
    %dma_start3A_45 = arith.constant 4 : i32
    %dma_start3A_46 = arith.constant 0 : i32
    %dma_start3A_47 = tpu.memref_slice %arg6[%dma_start3A_45, %dma_start3A_46] : memref<40x256xi32, #tpu.memory_space<vmem>> -> memref<1x256xi32, #tpu.memory_space<vmem>>
    %dma_start3A_48 = tpu.memref_squeeze %dma_start3A_47 : memref<1x256xi32, #tpu.memory_space<vmem>> -> memref<256xi32, #tpu.memory_space<vmem>>
    %dma_start3A_49 = arith.constant 0 : i32
    %dma_start3A_50 = tpu.memref_slice %dma_start3A_48[%dma_start3A_49] : memref<256xi32, #tpu.memory_space<vmem>> -> memref<256xi32, #tpu.memory_space<vmem>>
    %dma_start3A_51 = arith.constant 0 : i32
    %dma_start3A_52 = arith.constant 0 : i32
    %dma_start3A_53 = tpu.memref_slice %arg2[%dma_start3A_51, %dma_start3A_52] : memref<10000x8xf32, #tpu.memory_space<hbm>> -> memref<10000x8xf32, #tpu.memory_space<hbm>>
    tpu.enqueue_indirect_dma source(%dma_start3A_53 : memref<10000x8xf32, #tpu.memory_space<hbm>>) target(%arg12 : memref<256x8xf32, #tpu.memory_space<vmem>>) offsets(%dma_start3A_50 : memref<256xi32, #tpu.memory_space<vmem>>) semaphore(%arg21 : memref<!tpu.dma_semaphore, #tpu.memory_space<semaphore_mem>>)
    %dma_start3A_54 = arith.constant 5 : i32
    %dma_start3A_55 = arith.constant 0 : i32
    %dma_start3A_56 = tpu.memref_slice %arg6[%dma_start3A_54, %dma_start3A_55] : memref<40x256xi32, #tpu.memory_space<vmem>> -> memref<1x256xi32, #tpu.memory_space<vmem>>
    %dma_start3A_57 = tpu.memref_squeeze %dma_start3A_56 : memref<1x256xi32, #tpu.memory_space<vmem>> -> memref<256xi32, #tpu.memory_space<vmem>>
    %dma_start3A_58 = arith.constant 0 : i32
    %dma_start3A_59 = tpu.memref_slice %dma_start3A_57[%dma_start3A_58] : memref<256xi32, #tpu.memory_space<vmem>> -> memref<256xi32, #tpu.memory_space<vmem>>
    %dma_start3A_60 = arith.constant 0 : i32
    %dma_start3A_61 = arith.constant 0 : i32
    %dma_start3A_62 = tpu.memref_slice %arg2[%dma_start3A_60, %dma_start3A_61] : memref<10000x8xf32, #tpu.memory_space<hbm>> -> memref<10000x8xf32, #tpu.memory_space<hbm>>
    tpu.enqueue_indirect_dma source(%dma_start3A_62 : memref<10000x8xf32, #tpu.memory_space<hbm>>) target(%arg13 : memref<256x8xf32, #tpu.memory_space<vmem>>) offsets(%dma_start3A_59 : memref<256xi32, #tpu.memory_space<vmem>>) semaphore(%arg22 : memref<!tpu.dma_semaphore, #tpu.memory_space<semaphore_mem>>)
    %dma_start3A_63 = arith.constant 6 : i32
    %dma_start3A_64 = arith.constant 0 : i32
    %dma_start3A_65 = tpu.memref_slice %arg6[%dma_start3A_63, %dma_start3A_64] : memref<40x256xi32, #tpu.memory_space<vmem>> -> memref<1x256xi32, #tpu.memory_space<vmem>>
    %dma_start3A_66 = tpu.memref_squeeze %dma_start3A_65 : memref<1x256xi32, #tpu.memory_space<vmem>> -> memref<256xi32, #tpu.memory_space<vmem>>
    %dma_start3A_67 = arith.constant 0 : i32
    %dma_start3A_68 = tpu.memref_slice %dma_start3A_66[%dma_start3A_67] : memref<256xi32, #tpu.memory_space<vmem>> -> memref<256xi32, #tpu.memory_space<vmem>>
    %dma_start3A_69 = arith.constant 0 : i32
    %dma_start3A_70 = arith.constant 0 : i32
    %dma_start3A_71 = tpu.memref_slice %arg2[%dma_start3A_69, %dma_start3A_70] : memref<10000x8xf32, #tpu.memory_space<hbm>> -> memref<10000x8xf32, #tpu.memory_space<hbm>>
    tpu.enqueue_indirect_dma source(%dma_start3A_71 : memref<10000x8xf32, #tpu.memory_space<hbm>>) target(%arg14 : memref<256x8xf32, #tpu.memory_space<vmem>>) offsets(%dma_start3A_68 : memref<256xi32, #tpu.memory_space<vmem>>) semaphore(%arg23 : memref<!tpu.dma_semaphore, #tpu.memory_space<semaphore_mem>>)
    %dma_start3A_72 = arith.constant 7 : i32
    %dma_start3A_73 = arith.constant 0 : i32
    %dma_start3A_74 = tpu.memref_slice %arg6[%dma_start3A_72, %dma_start3A_73] : memref<40x256xi32, #tpu.memory_space<vmem>> -> memref<1x256xi32, #tpu.memory_space<vmem>>
    %dma_start3A_75 = tpu.memref_squeeze %dma_start3A_74 : memref<1x256xi32, #tpu.memory_space<vmem>> -> memref<256xi32, #tpu.memory_space<vmem>>
    %dma_start3A_76 = arith.constant 0 : i32
    %dma_start3A_77 = tpu.memref_slice %dma_start3A_75[%dma_start3A_76] : memref<256xi32, #tpu.memory_space<vmem>> -> memref<256xi32, #tpu.memory_space<vmem>>
    %dma_start3A_78 = arith.constant 0 : i32
    %dma_start3A_79 = arith.constant 0 : i32
    %dma_start3A_80 = tpu.memref_slice %arg2[%dma_start3A_78, %dma_start3A_79] : memref<10000x8xf32, #tpu.memory_space<hbm>> -> memref<10000x8xf32, #tpu.memory_space<hbm>>
    tpu.enqueue_indirect_dma source(%dma_start3A_80 : memref<10000x8xf32, #tpu.memory_space<hbm>>) target(%arg15 : memref<256x8xf32, #tpu.memory_space<vmem>>) offsets(%dma_start3A_77 : memref<256xi32, #tpu.memory_space<vmem>>) semaphore(%arg24 : memref<!tpu.dma_semaphore, #tpu.memory_space<semaphore_mem>>)
    %scan3A = arith.constant 0 : i32
    %scan3A_81 = arith.constant 0 : i32
    %scan3A_82 = arith.constant 5 : i32
    %scan3A_83 = arith.addi %scan3A_81, %scan3A_82 : i32
    %scan3A_84 = arith.constant 1 : i32
    scf.for %scan3A_167 = %scan3A_81 to %scan3A_83 step %scan3A_84  : i32 {
      %mul3A_168 = arith.constant 8 : i32
      %mul3A_169 = arith.muli %mul3A_168, %scan3A_167 : i32
      %add3A_170 = arith.constant 0 : i32
      %add3A_171 = arith.addi %mul3A_169, %add3A_170 : i32
      %lt3A_172 = arith.constant 39 : i32
      %lt3A_173 = arith.cmpi slt, %add3A_171, %lt3A_172 : i32
      %convert_element_type3A_174 = arith.extui %lt3A_173 : i1 to i32
      %cond3A_175 = arith.constant 0 : i32
      %cond3A_176 = arith.cmpi ne, %convert_element_type3A_174, %cond3A_175 : i32
      scf.if %cond3A_176 {
        %add3A_298 = arith.constant 0 : i32
        %add3A_299 = arith.addi %mul3A_169, %add3A_298 : i32
        %jit3A = arith.constant 1 : i32
        %div3A = arith.divsi %add3A_299, %jit3A : i32
        %sign3A = arith.constant 0 : i32
        %sign3A_300 = arith.cmpi sgt, %add3A_299, %sign3A : i32
        %sign3A_301 = arith.extui %sign3A_300 : i1 to i32
        %sign3A_302 = arith.constant 0 : i32
        %sign3A_303 = arith.cmpi slt, %add3A_299, %sign3A_302 : i32
        %sign3A_304 = arith.extui %sign3A_303 : i1 to i32
        %sign3A_305 = arith.subi %sign3A_301, %sign3A_304 : i32
        %sign3A_306 = arith.constant 0 : i32
        %sign3A_307 = arith.cmpi sgt, %jit3A, %sign3A_306 : i32
        %sign3A_308 = arith.extui %sign3A_307 : i1 to i32
        %sign3A_309 = arith.constant 0 : i32
        %sign3A_310 = arith.cmpi slt, %jit3A, %sign3A_309 : i32
        %sign3A_311 = arith.extui %sign3A_310 : i1 to i32
        %sign3A_312 = arith.subi %sign3A_308, %sign3A_311 : i32
        %ne3A = arith.cmpi ne, %sign3A_305, %sign3A_312 : i32
        %rem3A = arith.remsi %add3A_299, %jit3A : i32
        %ne3A_313 = arith.constant 0 : i32
        %ne3A_314 = arith.cmpi ne, %rem3A, %ne3A_313 : i32
        %and3A = arith.andi %ne3A, %ne3A_314 : i1
        %sub3A = arith.constant 1 : i32
        %sub3A_315 = arith.subi %div3A, %sub3A : i32
        %select_n3A = arith.select %and3A, %sub3A_315, %div3A : i32
        %jit3A_316 = arith.constant 1 : i32
        %eq3A = arith.constant 0 : i32
        %eq3A_317 = arith.cmpi eq, %jit3A_316, %eq3A : i32
        %jit3A_318 = arith.constant 1 : i32
        %select_n3A_319 = arith.select %eq3A_317, %jit3A_318, %jit3A_316 : i32
        %rem3A_320 = arith.remsi %add3A_299, %select_n3A_319 : i32
        %ne3A_321 = arith.constant 0 : i32
        %ne3A_322 = arith.cmpi ne, %rem3A_320, %ne3A_321 : i32
        %lt3A_323 = arith.constant 0 : i32
        %lt3A_324 = arith.cmpi slt, %rem3A_320, %lt3A_323 : i32
        %lt3A_325 = arith.constant 0 : i32
        %lt3A_326 = arith.cmpi slt, %select_n3A_319, %lt3A_325 : i32
        %ne3A_327 = arith.xori %lt3A_324, %lt3A_326 : i1
        %and3A_328 = arith.andi %ne3A_327, %ne3A_322 : i1
        %add3A_329 = arith.addi %rem3A_320, %select_n3A_319 : i32
        %select_n3A_330 = arith.select %and3A_328, %add3A_329, %rem3A_320 : i32
        %mul3A_331 = arith.constant 256 : i32
        %mul3A_332 = arith.muli %select_n3A_330, %mul3A_331 : i32
        %dma_wait3A_333 = arith.constant 0 : i32
        %dma_wait3A_334 = tpu.memref_slice %arg6[%select_n3A, %dma_wait3A_333] : memref<40x256xi32, #tpu.memory_space<vmem>> -> memref<1x256xi32, #tpu.memory_space<vmem>>
        %dma_wait3A_335 = tpu.memref_squeeze %dma_wait3A_334 : memref<1x256xi32, #tpu.memory_space<vmem>> -> memref<256xi32, #tpu.memory_space<vmem>>
        %dma_wait3A_336 = tpu.memref_slice %dma_wait3A_335[%mul3A_332] : memref<256xi32, #tpu.memory_space<vmem>> -> memref<256xi32, #tpu.memory_space<vmem>>
        %dma_wait3A_337 = arith.constant 0 : i32
        %dma_wait3A_338 = arith.constant 0 : i32
        %dma_wait3A_339 = tpu.memref_slice %arg2[%dma_wait3A_337, %dma_wait3A_338] : memref<10000x8xf32, #tpu.memory_space<hbm>> -> memref<10000x8xf32, #tpu.memory_space<hbm>>
        tpu.wait_indirect_dma semaphore(%arg17 : memref<!tpu.dma_semaphore, #tpu.memory_space<semaphore_mem>>) src(%dma_wait3A_339 : memref<10000x8xf32, #tpu.memory_space<hbm>>) dst(%arg8 : memref<256x8xf32, #tpu.memory_space<vmem>>)
        %add3A_340 = arith.constant 0 : i32
        %add3A_341 = arith.addi %mul3A_169, %add3A_340 : i32
        %jit3A_342 = arith.constant 1 : i32
        %div3A_343 = arith.divsi %add3A_341, %jit3A_342 : i32
        %sign3A_344 = arith.constant 0 : i32
        %sign3A_345 = arith.cmpi sgt, %add3A_341, %sign3A_344 : i32
        %sign3A_346 = arith.extui %sign3A_345 : i1 to i32
        %sign3A_347 = arith.constant 0 : i32
        %sign3A_348 = arith.cmpi slt, %add3A_341, %sign3A_347 : i32
        %sign3A_349 = arith.extui %sign3A_348 : i1 to i32
        %sign3A_350 = arith.subi %sign3A_346, %sign3A_349 : i32
        %sign3A_351 = arith.constant 0 : i32
        %sign3A_352 = arith.cmpi sgt, %jit3A_342, %sign3A_351 : i32
        %sign3A_353 = arith.extui %sign3A_352 : i1 to i32
        %sign3A_354 = arith.constant 0 : i32
        %sign3A_355 = arith.cmpi slt, %jit3A_342, %sign3A_354 : i32
        %sign3A_356 = arith.extui %sign3A_355 : i1 to i32
        %sign3A_357 = arith.subi %sign3A_353, %sign3A_356 : i32
        %ne3A_358 = arith.cmpi ne, %sign3A_350, %sign3A_357 : i32
        %rem3A_359 = arith.remsi %add3A_341, %jit3A_342 : i32
        %ne3A_360 = arith.constant 0 : i32
        %ne3A_361 = arith.cmpi ne, %rem3A_359, %ne3A_360 : i32
        %and3A_362 = arith.andi %ne3A_358, %ne3A_361 : i1
        %sub3A_363 = arith.constant 1 : i32
        %sub3A_364 = arith.subi %div3A_343, %sub3A_363 : i32
        %select_n3A_365 = arith.select %and3A_362, %sub3A_364, %div3A_343 : i32
        %jit3A_366 = arith.constant 1 : i32
        %eq3A_367 = arith.constant 0 : i32
        %eq3A_368 = arith.cmpi eq, %jit3A_366, %eq3A_367 : i32
        %jit3A_369 = arith.constant 1 : i32
        %select_n3A_370 = arith.select %eq3A_368, %jit3A_369, %jit3A_366 : i32
        %rem3A_371 = arith.remsi %add3A_341, %select_n3A_370 : i32
        %ne3A_372 = arith.constant 0 : i32
        %ne3A_373 = arith.cmpi ne, %rem3A_371, %ne3A_372 : i32
        %lt3A_374 = arith.constant 0 : i32
        %lt3A_375 = arith.cmpi slt, %rem3A_371, %lt3A_374 : i32
        %lt3A_376 = arith.constant 0 : i32
        %lt3A_377 = arith.cmpi slt, %select_n3A_370, %lt3A_376 : i32
        %ne3A_378 = arith.xori %lt3A_375, %lt3A_377 : i1
        %and3A_379 = arith.andi %ne3A_378, %ne3A_373 : i1
        %add3A_380 = arith.addi %rem3A_371, %select_n3A_370 : i32
        %select_n3A_381 = arith.select %and3A_379, %add3A_380, %rem3A_371 : i32
        %mul3A_382 = arith.constant 256 : i32
        %mul3A_383 = arith.muli %select_n3A_381, %mul3A_382 : i32
        %dma_start3A_384 = arith.constant 0 : i32
        %dma_start3A_385 = tpu.memref_slice %arg7[%select_n3A_365, %dma_start3A_384] : memref<40x256xi32, #tpu.memory_space<vmem>> -> memref<1x256xi32, #tpu.memory_space<vmem>>
        %dma_start3A_386 = tpu.memref_squeeze %dma_start3A_385 : memref<1x256xi32, #tpu.memory_space<vmem>> -> memref<256xi32, #tpu.memory_space<vmem>>
        %dma_start3A_387 = tpu.memref_slice %dma_start3A_386[%mul3A_383] : memref<256xi32, #tpu.memory_space<vmem>> -> memref<256xi32, #tpu.memory_space<vmem>>
        %dma_start3A_388 = arith.constant 0 : i32
        %dma_start3A_389 = arith.constant 0 : i32
        %dma_start3A_390 = tpu.memref_slice %arg16[%dma_start3A_388, %dma_start3A_389] : memref<10016x8xf32, #tpu.memory_space<vmem_shared>> -> memref<10016x8xf32, #tpu.memory_space<vmem_shared>>
        tpu.enqueue_indirect_dma source(%arg8 : memref<256x8xf32, #tpu.memory_space<vmem>>) target(%dma_start3A_390 : memref<10016x8xf32, #tpu.memory_space<vmem_shared>>) offsets(%dma_start3A_387 : memref<256xi32, #tpu.memory_space<vmem>>) semaphore(%arg25 : memref<!tpu.dma_semaphore, #tpu.memory_space<semaphore_mem>>) {add = true}
      } else {
      }
      %add3A_177 = arith.constant 1 : i32
      %add3A_178 = arith.addi %mul3A_169, %add3A_177 : i32
      %lt3A_179 = arith.constant 39 : i32
      %lt3A_180 = arith.cmpi slt, %add3A_178, %lt3A_179 : i32
      %convert_element_type3A_181 = arith.extui %lt3A_180 : i1 to i32
      %cond3A_182 = arith.constant 0 : i32
      %cond3A_183 = arith.cmpi ne, %convert_element_type3A_181, %cond3A_182 : i32
      scf.if %cond3A_183 {
        %add3A_298 = arith.constant 1 : i32
        %add3A_299 = arith.addi %mul3A_169, %add3A_298 : i32
        %jit3A = arith.constant 1 : i32
        %div3A = arith.divsi %add3A_299, %jit3A : i32
        %sign3A = arith.constant 0 : i32
        %sign3A_300 = arith.cmpi sgt, %add3A_299, %sign3A : i32
        %sign3A_301 = arith.extui %sign3A_300 : i1 to i32
        %sign3A_302 = arith.constant 0 : i32
        %sign3A_303 = arith.cmpi slt, %add3A_299, %sign3A_302 : i32
        %sign3A_304 = arith.extui %sign3A_303 : i1 to i32
        %sign3A_305 = arith.subi %sign3A_301, %sign3A_304 : i32
        %sign3A_306 = arith.constant 0 : i32
        %sign3A_307 = arith.cmpi sgt, %jit3A, %sign3A_306 : i32
        %sign3A_308 = arith.extui %sign3A_307 : i1 to i32
        %sign3A_309 = arith.constant 0 : i32
        %sign3A_310 = arith.cmpi slt, %jit3A, %sign3A_309 : i32
        %sign3A_311 = arith.extui %sign3A_310 : i1 to i32
        %sign3A_312 = arith.subi %sign3A_308, %sign3A_311 : i32
        %ne3A = arith.cmpi ne, %sign3A_305, %sign3A_312 : i32
        %rem3A = arith.remsi %add3A_299, %jit3A : i32
        %ne3A_313 = arith.constant 0 : i32
        %ne3A_314 = arith.cmpi ne, %rem3A, %ne3A_313 : i32
        %and3A = arith.andi %ne3A, %ne3A_314 : i1
        %sub3A = arith.constant 1 : i32
        %sub3A_315 = arith.subi %div3A, %sub3A : i32
        %select_n3A = arith.select %and3A, %sub3A_315, %div3A : i32
        %jit3A_316 = arith.constant 1 : i32
        %eq3A = arith.constant 0 : i32
        %eq3A_317 = arith.cmpi eq, %jit3A_316, %eq3A : i32
        %jit3A_318 = arith.constant 1 : i32
        %select_n3A_319 = arith.select %eq3A_317, %jit3A_318, %jit3A_316 : i32
        %rem3A_320 = arith.remsi %add3A_299, %select_n3A_319 : i32
        %ne3A_321 = arith.constant 0 : i32
        %ne3A_322 = arith.cmpi ne, %rem3A_320, %ne3A_321 : i32
        %lt3A_323 = arith.constant 0 : i32
        %lt3A_324 = arith.cmpi slt, %rem3A_320, %lt3A_323 : i32
        %lt3A_325 = arith.constant 0 : i32
        %lt3A_326 = arith.cmpi slt, %select_n3A_319, %lt3A_325 : i32
        %ne3A_327 = arith.xori %lt3A_324, %lt3A_326 : i1
        %and3A_328 = arith.andi %ne3A_327, %ne3A_322 : i1
        %add3A_329 = arith.addi %rem3A_320, %select_n3A_319 : i32
        %select_n3A_330 = arith.select %and3A_328, %add3A_329, %rem3A_320 : i32
        %mul3A_331 = arith.constant 256 : i32
        %mul3A_332 = arith.muli %select_n3A_330, %mul3A_331 : i32
        %dma_wait3A_333 = arith.constant 0 : i32
        %dma_wait3A_334 = tpu.memref_slice %arg6[%select_n3A, %dma_wait3A_333] : memref<40x256xi32, #tpu.memory_space<vmem>> -> memref<1x256xi32, #tpu.memory_space<vmem>>
        %dma_wait3A_335 = tpu.memref_squeeze %dma_wait3A_334 : memref<1x256xi32, #tpu.memory_space<vmem>> -> memref<256xi32, #tpu.memory_space<vmem>>
        %dma_wait3A_336 = tpu.memref_slice %dma_wait3A_335[%mul3A_332] : memref<256xi32, #tpu.memory_space<vmem>> -> memref<256xi32, #tpu.memory_space<vmem>>
        %dma_wait3A_337 = arith.constant 0 : i32
        %dma_wait3A_338 = arith.constant 0 : i32
        %dma_wait3A_339 = tpu.memref_slice %arg2[%dma_wait3A_337, %dma_wait3A_338] : memref<10000x8xf32, #tpu.memory_space<hbm>> -> memref<10000x8xf32, #tpu.memory_space<hbm>>
        tpu.wait_indirect_dma semaphore(%arg18 : memref<!tpu.dma_semaphore, #tpu.memory_space<semaphore_mem>>) src(%dma_wait3A_339 : memref<10000x8xf32, #tpu.memory_space<hbm>>) dst(%arg9 : memref<256x8xf32, #tpu.memory_space<vmem>>)
        %add3A_340 = arith.constant 1 : i32
        %add3A_341 = arith.addi %mul3A_169, %add3A_340 : i32
        %jit3A_342 = arith.constant 1 : i32
        %div3A_343 = arith.divsi %add3A_341, %jit3A_342 : i32
        %sign3A_344 = arith.constant 0 : i32
        %sign3A_345 = arith.cmpi sgt, %add3A_341, %sign3A_344 : i32
        %sign3A_346 = arith.extui %sign3A_345 : i1 to i32
        %sign3A_347 = arith.constant 0 : i32
        %sign3A_348 = arith.cmpi slt, %add3A_341, %sign3A_347 : i32
        %sign3A_349 = arith.extui %sign3A_348 : i1 to i32
        %sign3A_350 = arith.subi %sign3A_346, %sign3A_349 : i32
        %sign3A_351 = arith.constant 0 : i32
        %sign3A_352 = arith.cmpi sgt, %jit3A_342, %sign3A_351 : i32
        %sign3A_353 = arith.extui %sign3A_352 : i1 to i32
        %sign3A_354 = arith.constant 0 : i32
        %sign3A_355 = arith.cmpi slt, %jit3A_342, %sign3A_354 : i32
        %sign3A_356 = arith.extui %sign3A_355 : i1 to i32
        %sign3A_357 = arith.subi %sign3A_353, %sign3A_356 : i32
        %ne3A_358 = arith.cmpi ne, %sign3A_350, %sign3A_357 : i32
        %rem3A_359 = arith.remsi %add3A_341, %jit3A_342 : i32
        %ne3A_360 = arith.constant 0 : i32
        %ne3A_361 = arith.cmpi ne, %rem3A_359, %ne3A_360 : i32
        %and3A_362 = arith.andi %ne3A_358, %ne3A_361 : i1
        %sub3A_363 = arith.constant 1 : i32
        %sub3A_364 = arith.subi %div3A_343, %sub3A_363 : i32
        %select_n3A_365 = arith.select %and3A_362, %sub3A_364, %div3A_343 : i32
        %jit3A_366 = arith.constant 1 : i32
        %eq3A_367 = arith.constant 0 : i32
        %eq3A_368 = arith.cmpi eq, %jit3A_366, %eq3A_367 : i32
        %jit3A_369 = arith.constant 1 : i32
        %select_n3A_370 = arith.select %eq3A_368, %jit3A_369, %jit3A_366 : i32
        %rem3A_371 = arith.remsi %add3A_341, %select_n3A_370 : i32
        %ne3A_372 = arith.constant 0 : i32
        %ne3A_373 = arith.cmpi ne, %rem3A_371, %ne3A_372 : i32
        %lt3A_374 = arith.constant 0 : i32
        %lt3A_375 = arith.cmpi slt, %rem3A_371, %lt3A_374 : i32
        %lt3A_376 = arith.constant 0 : i32
        %lt3A_377 = arith.cmpi slt, %select_n3A_370, %lt3A_376 : i32
        %ne3A_378 = arith.xori %lt3A_375, %lt3A_377 : i1
        %and3A_379 = arith.andi %ne3A_378, %ne3A_373 : i1
        %add3A_380 = arith.addi %rem3A_371, %select_n3A_370 : i32
        %select_n3A_381 = arith.select %and3A_379, %add3A_380, %rem3A_371 : i32
        %mul3A_382 = arith.constant 256 : i32
        %mul3A_383 = arith.muli %select_n3A_381, %mul3A_382 : i32
        %dma_start3A_384 = arith.constant 0 : i32
        %dma_start3A_385 = tpu.memref_slice %arg7[%select_n3A_365, %dma_start3A_384] : memref<40x256xi32, #tpu.memory_space<vmem>> -> memref<1x256xi32, #tpu.memory_space<vmem>>
        %dma_start3A_386 = tpu.memref_squeeze %dma_start3A_385 : memref<1x256xi32, #tpu.memory_space<vmem>> -> memref<256xi32, #tpu.memory_space<vmem>>
        %dma_start3A_387 = tpu.memref_slice %dma_start3A_386[%mul3A_383] : memref<256xi32, #tpu.memory_space<vmem>> -> memref<256xi32, #tpu.memory_space<vmem>>
        %dma_start3A_388 = arith.constant 0 : i32
        %dma_start3A_389 = arith.constant 0 : i32
        %dma_start3A_390 = tpu.memref_slice %arg16[%dma_start3A_388, %dma_start3A_389] : memref<10016x8xf32, #tpu.memory_space<vmem_shared>> -> memref<10016x8xf32, #tpu.memory_space<vmem_shared>>
        tpu.enqueue_indirect_dma source(%arg9 : memref<256x8xf32, #tpu.memory_space<vmem>>) target(%dma_start3A_390 : memref<10016x8xf32, #tpu.memory_space<vmem_shared>>) offsets(%dma_start3A_387 : memref<256xi32, #tpu.memory_space<vmem>>) semaphore(%arg26 : memref<!tpu.dma_semaphore, #tpu.memory_space<semaphore_mem>>) {add = true}
      } else {
      }
      %add3A_184 = arith.constant 2 : i32
      %add3A_185 = arith.addi %mul3A_169, %add3A_184 : i32
      %lt3A_186 = arith.constant 39 : i32
      %lt3A_187 = arith.cmpi slt, %add3A_185, %lt3A_186 : i32
      %convert_element_type3A_188 = arith.extui %lt3A_187 : i1 to i32
      %cond3A_189 = arith.constant 0 : i32
      %cond3A_190 = arith.cmpi ne, %convert_element_type3A_188, %cond3A_189 : i32
      scf.if %cond3A_190 {
        %add3A_298 = arith.constant 2 : i32
        %add3A_299 = arith.addi %mul3A_169, %add3A_298 : i32
        %jit3A = arith.constant 1 : i32
        %div3A = arith.divsi %add3A_299, %jit3A : i32
        %sign3A = arith.constant 0 : i32
        %sign3A_300 = arith.cmpi sgt, %add3A_299, %sign3A : i32
        %sign3A_301 = arith.extui %sign3A_300 : i1 to i32
        %sign3A_302 = arith.constant 0 : i32
        %sign3A_303 = arith.cmpi slt, %add3A_299, %sign3A_302 : i32
        %sign3A_304 = arith.extui %sign3A_303 : i1 to i32
        %sign3A_305 = arith.subi %sign3A_301, %sign3A_304 : i32
        %sign3A_306 = arith.constant 0 : i32
        %sign3A_307 = arith.cmpi sgt, %jit3A, %sign3A_306 : i32
        %sign3A_308 = arith.extui %sign3A_307 : i1 to i32
        %sign3A_309 = arith.constant 0 : i32
        %sign3A_310 = arith.cmpi slt, %jit3A, %sign3A_309 : i32
        %sign3A_311 = arith.extui %sign3A_310 : i1 to i32
        %sign3A_312 = arith.subi %sign3A_308, %sign3A_311 : i32
        %ne3A = arith.cmpi ne, %sign3A_305, %sign3A_312 : i32
        %rem3A = arith.remsi %add3A_299, %jit3A : i32
        %ne3A_313 = arith.constant 0 : i32
        %ne3A_314 = arith.cmpi ne, %rem3A, %ne3A_313 : i32
        %and3A = arith.andi %ne3A, %ne3A_314 : i1
        %sub3A = arith.constant 1 : i32
        %sub3A_315 = arith.subi %div3A, %sub3A : i32
        %select_n3A = arith.select %and3A, %sub3A_315, %div3A : i32
        %jit3A_316 = arith.constant 1 : i32
        %eq3A = arith.constant 0 : i32
        %eq3A_317 = arith.cmpi eq, %jit3A_316, %eq3A : i32
        %jit3A_318 = arith.constant 1 : i32
        %select_n3A_319 = arith.select %eq3A_317, %jit3A_318, %jit3A_316 : i32
        %rem3A_320 = arith.remsi %add3A_299, %select_n3A_319 : i32
        %ne3A_321 = arith.constant 0 : i32
        %ne3A_322 = arith.cmpi ne, %rem3A_320, %ne3A_321 : i32
        %lt3A_323 = arith.constant 0 : i32
        %lt3A_324 = arith.cmpi slt, %rem3A_320, %lt3A_323 : i32
        %lt3A_325 = arith.constant 0 : i32
        %lt3A_326 = arith.cmpi slt, %select_n3A_319, %lt3A_325 : i32
        %ne3A_327 = arith.xori %lt3A_324, %lt3A_326 : i1
        %and3A_328 = arith.andi %ne3A_327, %ne3A_322 : i1
        %add3A_329 = arith.addi %rem3A_320, %select_n3A_319 : i32
        %select_n3A_330 = arith.select %and3A_328, %add3A_329, %rem3A_320 : i32
        %mul3A_331 = arith.constant 256 : i32
        %mul3A_332 = arith.muli %select_n3A_330, %mul3A_331 : i32
        %dma_wait3A_333 = arith.constant 0 : i32
        %dma_wait3A_334 = tpu.memref_slice %arg6[%select_n3A, %dma_wait3A_333] : memref<40x256xi32, #tpu.memory_space<vmem>> -> memref<1x256xi32, #tpu.memory_space<vmem>>
        %dma_wait3A_335 = tpu.memref_squeeze %dma_wait3A_334 : memref<1x256xi32, #tpu.memory_space<vmem>> -> memref<256xi32, #tpu.memory_space<vmem>>
        %dma_wait3A_336 = tpu.memref_slice %dma_wait3A_335[%mul3A_332] : memref<256xi32, #tpu.memory_space<vmem>> -> memref<256xi32, #tpu.memory_space<vmem>>
        %dma_wait3A_337 = arith.constant 0 : i32
        %dma_wait3A_338 = arith.constant 0 : i32
        %dma_wait3A_339 = tpu.memref_slice %arg2[%dma_wait3A_337, %dma_wait3A_338] : memref<10000x8xf32, #tpu.memory_space<hbm>> -> memref<10000x8xf32, #tpu.memory_space<hbm>>
        tpu.wait_indirect_dma semaphore(%arg19 : memref<!tpu.dma_semaphore, #tpu.memory_space<semaphore_mem>>) src(%dma_wait3A_339 : memref<10000x8xf32, #tpu.memory_space<hbm>>) dst(%arg10 : memref<256x8xf32, #tpu.memory_space<vmem>>)
        %add3A_340 = arith.constant 2 : i32
        %add3A_341 = arith.addi %mul3A_169, %add3A_340 : i32
        %jit3A_342 = arith.constant 1 : i32
        %div3A_343 = arith.divsi %add3A_341, %jit3A_342 : i32
        %sign3A_344 = arith.constant 0 : i32
        %sign3A_345 = arith.cmpi sgt, %add3A_341, %sign3A_344 : i32
        %sign3A_346 = arith.extui %sign3A_345 : i1 to i32
        %sign3A_347 = arith.constant 0 : i32
        %sign3A_348 = arith.cmpi slt, %add3A_341, %sign3A_347 : i32
        %sign3A_349 = arith.extui %sign3A_348 : i1 to i32
        %sign3A_350 = arith.subi %sign3A_346, %sign3A_349 : i32
        %sign3A_351 = arith.constant 0 : i32
        %sign3A_352 = arith.cmpi sgt, %jit3A_342, %sign3A_351 : i32
        %sign3A_353 = arith.extui %sign3A_352 : i1 to i32
        %sign3A_354 = arith.constant 0 : i32
        %sign3A_355 = arith.cmpi slt, %jit3A_342, %sign3A_354 : i32
        %sign3A_356 = arith.extui %sign3A_355 : i1 to i32
        %sign3A_357 = arith.subi %sign3A_353, %sign3A_356 : i32
        %ne3A_358 = arith.cmpi ne, %sign3A_350, %sign3A_357 : i32
        %rem3A_359 = arith.remsi %add3A_341, %jit3A_342 : i32
        %ne3A_360 = arith.constant 0 : i32
        %ne3A_361 = arith.cmpi ne, %rem3A_359, %ne3A_360 : i32
        %and3A_362 = arith.andi %ne3A_358, %ne3A_361 : i1
        %sub3A_363 = arith.constant 1 : i32
        %sub3A_364 = arith.subi %div3A_343, %sub3A_363 : i32
        %select_n3A_365 = arith.select %and3A_362, %sub3A_364, %div3A_343 : i32
        %jit3A_366 = arith.constant 1 : i32
        %eq3A_367 = arith.constant 0 : i32
        %eq3A_368 = arith.cmpi eq, %jit3A_366, %eq3A_367 : i32
        %jit3A_369 = arith.constant 1 : i32
        %select_n3A_370 = arith.select %eq3A_368, %jit3A_369, %jit3A_366 : i32
        %rem3A_371 = arith.remsi %add3A_341, %select_n3A_370 : i32
        %ne3A_372 = arith.constant 0 : i32
        %ne3A_373 = arith.cmpi ne, %rem3A_371, %ne3A_372 : i32
        %lt3A_374 = arith.constant 0 : i32
        %lt3A_375 = arith.cmpi slt, %rem3A_371, %lt3A_374 : i32
        %lt3A_376 = arith.constant 0 : i32
        %lt3A_377 = arith.cmpi slt, %select_n3A_370, %lt3A_376 : i32
        %ne3A_378 = arith.xori %lt3A_375, %lt3A_377 : i1
        %and3A_379 = arith.andi %ne3A_378, %ne3A_373 : i1
        %add3A_380 = arith.addi %rem3A_371, %select_n3A_370 : i32
        %select_n3A_381 = arith.select %and3A_379, %add3A_380, %rem3A_371 : i32
        %mul3A_382 = arith.constant 256 : i32
        %mul3A_383 = arith.muli %select_n3A_381, %mul3A_382 : i32
        %dma_start3A_384 = arith.constant 0 : i32
        %dma_start3A_385 = tpu.memref_slice %arg7[%select_n3A_365, %dma_start3A_384] : memref<40x256xi32, #tpu.memory_space<vmem>> -> memref<1x256xi32, #tpu.memory_space<vmem>>
        %dma_start3A_386 = tpu.memref_squeeze %dma_start3A_385 : memref<1x256xi32, #tpu.memory_space<vmem>> -> memref<256xi32, #tpu.memory_space<vmem>>
        %dma_start3A_387 = tpu.memref_slice %dma_start3A_386[%mul3A_383] : memref<256xi32, #tpu.memory_space<vmem>> -> memref<256xi32, #tpu.memory_space<vmem>>
        %dma_start3A_388 = arith.constant 0 : i32
        %dma_start3A_389 = arith.constant 0 : i32
        %dma_start3A_390 = tpu.memref_slice %arg16[%dma_start3A_388, %dma_start3A_389] : memref<10016x8xf32, #tpu.memory_space<vmem_shared>> -> memref<10016x8xf32, #tpu.memory_space<vmem_shared>>
        tpu.enqueue_indirect_dma source(%arg10 : memref<256x8xf32, #tpu.memory_space<vmem>>) target(%dma_start3A_390 : memref<10016x8xf32, #tpu.memory_space<vmem_shared>>) offsets(%dma_start3A_387 : memref<256xi32, #tpu.memory_space<vmem>>) semaphore(%arg27 : memref<!tpu.dma_semaphore, #tpu.memory_space<semaphore_mem>>) {add = true}
      } else {
      }
      %add3A_191 = arith.constant 3 : i32
      %add3A_192 = arith.addi %mul3A_169, %add3A_191 : i32
      %lt3A_193 = arith.constant 39 : i32
      %lt3A_194 = arith.cmpi slt, %add3A_192, %lt3A_193 : i32
      %convert_element_type3A_195 = arith.extui %lt3A_194 : i1 to i32
      %cond3A_196 = arith.constant 0 : i32
      %cond3A_197 = arith.cmpi ne, %convert_element_type3A_195, %cond3A_196 : i32
      scf.if %cond3A_197 {
        %add3A_298 = arith.constant 3 : i32
        %add3A_299 = arith.addi %mul3A_169, %add3A_298 : i32
        %jit3A = arith.constant 1 : i32
        %div3A = arith.divsi %add3A_299, %jit3A : i32
        %sign3A = arith.constant 0 : i32
        %sign3A_300 = arith.cmpi sgt, %add3A_299, %sign3A : i32
        %sign3A_301 = arith.extui %sign3A_300 : i1 to i32
        %sign3A_302 = arith.constant 0 : i32
        %sign3A_303 = arith.cmpi slt, %add3A_299, %sign3A_302 : i32
        %sign3A_304 = arith.extui %sign3A_303 : i1 to i32
        %sign3A_305 = arith.subi %sign3A_301, %sign3A_304 : i32
        %sign3A_306 = arith.constant 0 : i32
        %sign3A_307 = arith.cmpi sgt, %jit3A, %sign3A_306 : i32
        %sign3A_308 = arith.extui %sign3A_307 : i1 to i32
        %sign3A_309 = arith.constant 0 : i32
        %sign3A_310 = arith.cmpi slt, %jit3A, %sign3A_309 : i32
        %sign3A_311 = arith.extui %sign3A_310 : i1 to i32
        %sign3A_312 = arith.subi %sign3A_308, %sign3A_311 : i32
        %ne3A = arith.cmpi ne, %sign3A_305, %sign3A_312 : i32
        %rem3A = arith.remsi %add3A_299, %jit3A : i32
        %ne3A_313 = arith.constant 0 : i32
        %ne3A_314 = arith.cmpi ne, %rem3A, %ne3A_313 : i32
        %and3A = arith.andi %ne3A, %ne3A_314 : i1
        %sub3A = arith.constant 1 : i32
        %sub3A_315 = arith.subi %div3A, %sub3A : i32
        %select_n3A = arith.select %and3A, %sub3A_315, %div3A : i32
        %jit3A_316 = arith.constant 1 : i32
        %eq3A = arith.constant 0 : i32
        %eq3A_317 = arith.cmpi eq, %jit3A_316, %eq3A : i32
        %jit3A_318 = arith.constant 1 : i32
        %select_n3A_319 = arith.select %eq3A_317, %jit3A_318, %jit3A_316 : i32
        %rem3A_320 = arith.remsi %add3A_299, %select_n3A_319 : i32
        %ne3A_321 = arith.constant 0 : i32
        %ne3A_322 = arith.cmpi ne, %rem3A_320, %ne3A_321 : i32
        %lt3A_323 = arith.constant 0 : i32
        %lt3A_324 = arith.cmpi slt, %rem3A_320, %lt3A_323 : i32
        %lt3A_325 = arith.constant 0 : i32
        %lt3A_326 = arith.cmpi slt, %select_n3A_319, %lt3A_325 : i32
        %ne3A_327 = arith.xori %lt3A_324, %lt3A_326 : i1
        %and3A_328 = arith.andi %ne3A_327, %ne3A_322 : i1
        %add3A_329 = arith.addi %rem3A_320, %select_n3A_319 : i32
        %select_n3A_330 = arith.select %and3A_328, %add3A_329, %rem3A_320 : i32
        %mul3A_331 = arith.constant 256 : i32
        %mul3A_332 = arith.muli %select_n3A_330, %mul3A_331 : i32
        %dma_wait3A_333 = arith.constant 0 : i32
        %dma_wait3A_334 = tpu.memref_slice %arg6[%select_n3A, %dma_wait3A_333] : memref<40x256xi32, #tpu.memory_space<vmem>> -> memref<1x256xi32, #tpu.memory_space<vmem>>
        %dma_wait3A_335 = tpu.memref_squeeze %dma_wait3A_334 : memref<1x256xi32, #tpu.memory_space<vmem>> -> memref<256xi32, #tpu.memory_space<vmem>>
        %dma_wait3A_336 = tpu.memref_slice %dma_wait3A_335[%mul3A_332] : memref<256xi32, #tpu.memory_space<vmem>> -> memref<256xi32, #tpu.memory_space<vmem>>
        %dma_wait3A_337 = arith.constant 0 : i32
        %dma_wait3A_338 = arith.constant 0 : i32
        %dma_wait3A_339 = tpu.memref_slice %arg2[%dma_wait3A_337, %dma_wait3A_338] : memref<10000x8xf32, #tpu.memory_space<hbm>> -> memref<10000x8xf32, #tpu.memory_space<hbm>>
        tpu.wait_indirect_dma semaphore(%arg20 : memref<!tpu.dma_semaphore, #tpu.memory_space<semaphore_mem>>) src(%dma_wait3A_339 : memref<10000x8xf32, #tpu.memory_space<hbm>>) dst(%arg11 : memref<256x8xf32, #tpu.memory_space<vmem>>)
        %add3A_340 = arith.constant 3 : i32
        %add3A_341 = arith.addi %mul3A_169, %add3A_340 : i32
        %jit3A_342 = arith.constant 1 : i32
        %div3A_343 = arith.divsi %add3A_341, %jit3A_342 : i32
        %sign3A_344 = arith.constant 0 : i32
        %sign3A_345 = arith.cmpi sgt, %add3A_341, %sign3A_344 : i32
        %sign3A_346 = arith.extui %sign3A_345 : i1 to i32
        %sign3A_347 = arith.constant 0 : i32
        %sign3A_348 = arith.cmpi slt, %add3A_341, %sign3A_347 : i32
        %sign3A_349 = arith.extui %sign3A_348 : i1 to i32
        %sign3A_350 = arith.subi %sign3A_346, %sign3A_349 : i32
        %sign3A_351 = arith.constant 0 : i32
        %sign3A_352 = arith.cmpi sgt, %jit3A_342, %sign3A_351 : i32
        %sign3A_353 = arith.extui %sign3A_352 : i1 to i32
        %sign3A_354 = arith.constant 0 : i32
        %sign3A_355 = arith.cmpi slt, %jit3A_342, %sign3A_354 : i32
        %sign3A_356 = arith.extui %sign3A_355 : i1 to i32
        %sign3A_357 = arith.subi %sign3A_353, %sign3A_356 : i32
        %ne3A_358 = arith.cmpi ne, %sign3A_350, %sign3A_357 : i32
        %rem3A_359 = arith.remsi %add3A_341, %jit3A_342 : i32
        %ne3A_360 = arith.constant 0 : i32
        %ne3A_361 = arith.cmpi ne, %rem3A_359, %ne3A_360 : i32
        %and3A_362 = arith.andi %ne3A_358, %ne3A_361 : i1
        %sub3A_363 = arith.constant 1 : i32
        %sub3A_364 = arith.subi %div3A_343, %sub3A_363 : i32
        %select_n3A_365 = arith.select %and3A_362, %sub3A_364, %div3A_343 : i32
        %jit3A_366 = arith.constant 1 : i32
        %eq3A_367 = arith.constant 0 : i32
        %eq3A_368 = arith.cmpi eq, %jit3A_366, %eq3A_367 : i32
        %jit3A_369 = arith.constant 1 : i32
        %select_n3A_370 = arith.select %eq3A_368, %jit3A_369, %jit3A_366 : i32
        %rem3A_371 = arith.remsi %add3A_341, %select_n3A_370 : i32
        %ne3A_372 = arith.constant 0 : i32
        %ne3A_373 = arith.cmpi ne, %rem3A_371, %ne3A_372 : i32
        %lt3A_374 = arith.constant 0 : i32
        %lt3A_375 = arith.cmpi slt, %rem3A_371, %lt3A_374 : i32
        %lt3A_376 = arith.constant 0 : i32
        %lt3A_377 = arith.cmpi slt, %select_n3A_370, %lt3A_376 : i32
        %ne3A_378 = arith.xori %lt3A_375, %lt3A_377 : i1
        %and3A_379 = arith.andi %ne3A_378, %ne3A_373 : i1
        %add3A_380 = arith.addi %rem3A_371, %select_n3A_370 : i32
        %select_n3A_381 = arith.select %and3A_379, %add3A_380, %rem3A_371 : i32
        %mul3A_382 = arith.constant 256 : i32
        %mul3A_383 = arith.muli %select_n3A_381, %mul3A_382 : i32
        %dma_start3A_384 = arith.constant 0 : i32
        %dma_start3A_385 = tpu.memref_slice %arg7[%select_n3A_365, %dma_start3A_384] : memref<40x256xi32, #tpu.memory_space<vmem>> -> memref<1x256xi32, #tpu.memory_space<vmem>>
        %dma_start3A_386 = tpu.memref_squeeze %dma_start3A_385 : memref<1x256xi32, #tpu.memory_space<vmem>> -> memref<256xi32, #tpu.memory_space<vmem>>
        %dma_start3A_387 = tpu.memref_slice %dma_start3A_386[%mul3A_383] : memref<256xi32, #tpu.memory_space<vmem>> -> memref<256xi32, #tpu.memory_space<vmem>>
        %dma_start3A_388 = arith.constant 0 : i32
        %dma_start3A_389 = arith.constant 0 : i32
        %dma_start3A_390 = tpu.memref_slice %arg16[%dma_start3A_388, %dma_start3A_389] : memref<10016x8xf32, #tpu.memory_space<vmem_shared>> -> memref<10016x8xf32, #tpu.memory_space<vmem_shared>>
        tpu.enqueue_indirect_dma source(%arg11 : memref<256x8xf32, #tpu.memory_space<vmem>>) target(%dma_start3A_390 : memref<10016x8xf32, #tpu.memory_space<vmem_shared>>) offsets(%dma_start3A_387 : memref<256xi32, #tpu.memory_space<vmem>>) semaphore(%arg28 : memref<!tpu.dma_semaphore, #tpu.memory_space<semaphore_mem>>) {add = true}
      } else {
      }
      %add3A_198 = arith.constant 4 : i32
      %add3A_199 = arith.addi %mul3A_169, %add3A_198 : i32
      %lt3A_200 = arith.constant 39 : i32
      %lt3A_201 = arith.cmpi slt, %add3A_199, %lt3A_200 : i32
      %convert_element_type3A_202 = arith.extui %lt3A_201 : i1 to i32
      %cond3A_203 = arith.constant 0 : i32
      %cond3A_204 = arith.cmpi ne, %convert_element_type3A_202, %cond3A_203 : i32
      scf.if %cond3A_204 {
        %add3A_298 = arith.constant 4 : i32
        %add3A_299 = arith.addi %mul3A_169, %add3A_298 : i32
        %jit3A = arith.constant 1 : i32
        %div3A = arith.divsi %add3A_299, %jit3A : i32
        %sign3A = arith.constant 0 : i32
        %sign3A_300 = arith.cmpi sgt, %add3A_299, %sign3A : i32
        %sign3A_301 = arith.extui %sign3A_300 : i1 to i32
        %sign3A_302 = arith.constant 0 : i32
        %sign3A_303 = arith.cmpi slt, %add3A_299, %sign3A_302 : i32
        %sign3A_304 = arith.extui %sign3A_303 : i1 to i32
        %sign3A_305 = arith.subi %sign3A_301, %sign3A_304 : i32
        %sign3A_306 = arith.constant 0 : i32
        %sign3A_307 = arith.cmpi sgt, %jit3A, %sign3A_306 : i32
        %sign3A_308 = arith.extui %sign3A_307 : i1 to i32
        %sign3A_309 = arith.constant 0 : i32
        %sign3A_310 = arith.cmpi slt, %jit3A, %sign3A_309 : i32
        %sign3A_311 = arith.extui %sign3A_310 : i1 to i32
        %sign3A_312 = arith.subi %sign3A_308, %sign3A_311 : i32
        %ne3A = arith.cmpi ne, %sign3A_305, %sign3A_312 : i32
        %rem3A = arith.remsi %add3A_299, %jit3A : i32
        %ne3A_313 = arith.constant 0 : i32
        %ne3A_314 = arith.cmpi ne, %rem3A, %ne3A_313 : i32
        %and3A = arith.andi %ne3A, %ne3A_314 : i1
        %sub3A = arith.constant 1 : i32
        %sub3A_315 = arith.subi %div3A, %sub3A : i32
        %select_n3A = arith.select %and3A, %sub3A_315, %div3A : i32
        %jit3A_316 = arith.constant 1 : i32
        %eq3A = arith.constant 0 : i32
        %eq3A_317 = arith.cmpi eq, %jit3A_316, %eq3A : i32
        %jit3A_318 = arith.constant 1 : i32
        %select_n3A_319 = arith.select %eq3A_317, %jit3A_318, %jit3A_316 : i32
        %rem3A_320 = arith.remsi %add3A_299, %select_n3A_319 : i32
        %ne3A_321 = arith.constant 0 : i32
        %ne3A_322 = arith.cmpi ne, %rem3A_320, %ne3A_321 : i32
        %lt3A_323 = arith.constant 0 : i32
        %lt3A_324 = arith.cmpi slt, %rem3A_320, %lt3A_323 : i32
        %lt3A_325 = arith.constant 0 : i32
        %lt3A_326 = arith.cmpi slt, %select_n3A_319, %lt3A_325 : i32
        %ne3A_327 = arith.xori %lt3A_324, %lt3A_326 : i1
        %and3A_328 = arith.andi %ne3A_327, %ne3A_322 : i1
        %add3A_329 = arith.addi %rem3A_320, %select_n3A_319 : i32
        %select_n3A_330 = arith.select %and3A_328, %add3A_329, %rem3A_320 : i32
        %mul3A_331 = arith.constant 256 : i32
        %mul3A_332 = arith.muli %select_n3A_330, %mul3A_331 : i32
        %dma_wait3A_333 = arith.constant 0 : i32
        %dma_wait3A_334 = tpu.memref_slice %arg6[%select_n3A, %dma_wait3A_333] : memref<40x256xi32, #tpu.memory_space<vmem>> -> memref<1x256xi32, #tpu.memory_space<vmem>>
        %dma_wait3A_335 = tpu.memref_squeeze %dma_wait3A_334 : memref<1x256xi32, #tpu.memory_space<vmem>> -> memref<256xi32, #tpu.memory_space<vmem>>
        %dma_wait3A_336 = tpu.memref_slice %dma_wait3A_335[%mul3A_332] : memref<256xi32, #tpu.memory_space<vmem>> -> memref<256xi32, #tpu.memory_space<vmem>>
        %dma_wait3A_337 = arith.constant 0 : i32
        %dma_wait3A_338 = arith.constant 0 : i32
        %dma_wait3A_339 = tpu.memref_slice %arg2[%dma_wait3A_337, %dma_wait3A_338] : memref<10000x8xf32, #tpu.memory_space<hbm>> -> memref<10000x8xf32, #tpu.memory_space<hbm>>
        tpu.wait_indirect_dma semaphore(%arg21 : memref<!tpu.dma_semaphore, #tpu.memory_space<semaphore_mem>>) src(%dma_wait3A_339 : memref<10000x8xf32, #tpu.memory_space<hbm>>) dst(%arg12 : memref<256x8xf32, #tpu.memory_space<vmem>>)
        %add3A_340 = arith.constant 4 : i32
        %add3A_341 = arith.addi %mul3A_169, %add3A_340 : i32
        %jit3A_342 = arith.constant 1 : i32
        %div3A_343 = arith.divsi %add3A_341, %jit3A_342 : i32
        %sign3A_344 = arith.constant 0 : i32
        %sign3A_345 = arith.cmpi sgt, %add3A_341, %sign3A_344 : i32
        %sign3A_346 = arith.extui %sign3A_345 : i1 to i32
        %sign3A_347 = arith.constant 0 : i32
        %sign3A_348 = arith.cmpi slt, %add3A_341, %sign3A_347 : i32
        %sign3A_349 = arith.extui %sign3A_348 : i1 to i32
        %sign3A_350 = arith.subi %sign3A_346, %sign3A_349 : i32
        %sign3A_351 = arith.constant 0 : i32
        %sign3A_352 = arith.cmpi sgt, %jit3A_342, %sign3A_351 : i32
        %sign3A_353 = arith.extui %sign3A_352 : i1 to i32
        %sign3A_354 = arith.constant 0 : i32
        %sign3A_355 = arith.cmpi slt, %jit3A_342, %sign3A_354 : i32
        %sign3A_356 = arith.extui %sign3A_355 : i1 to i32
        %sign3A_357 = arith.subi %sign3A_353, %sign3A_356 : i32
        %ne3A_358 = arith.cmpi ne, %sign3A_350, %sign3A_357 : i32
        %rem3A_359 = arith.remsi %add3A_341, %jit3A_342 : i32
        %ne3A_360 = arith.constant 0 : i32
        %ne3A_361 = arith.cmpi ne, %rem3A_359, %ne3A_360 : i32
        %and3A_362 = arith.andi %ne3A_358, %ne3A_361 : i1
        %sub3A_363 = arith.constant 1 : i32
        %sub3A_364 = arith.subi %div3A_343, %sub3A_363 : i32
        %select_n3A_365 = arith.select %and3A_362, %sub3A_364, %div3A_343 : i32
        %jit3A_366 = arith.constant 1 : i32
        %eq3A_367 = arith.constant 0 : i32
        %eq3A_368 = arith.cmpi eq, %jit3A_366, %eq3A_367 : i32
        %jit3A_369 = arith.constant 1 : i32
        %select_n3A_370 = arith.select %eq3A_368, %jit3A_369, %jit3A_366 : i32
        %rem3A_371 = arith.remsi %add3A_341, %select_n3A_370 : i32
        %ne3A_372 = arith.constant 0 : i32
        %ne3A_373 = arith.cmpi ne, %rem3A_371, %ne3A_372 : i32
        %lt3A_374 = arith.constant 0 : i32
        %lt3A_375 = arith.cmpi slt, %rem3A_371, %lt3A_374 : i32
        %lt3A_376 = arith.constant 0 : i32
        %lt3A_377 = arith.cmpi slt, %select_n3A_370, %lt3A_376 : i32
        %ne3A_378 = arith.xori %lt3A_375, %lt3A_377 : i1
        %and3A_379 = arith.andi %ne3A_378, %ne3A_373 : i1
        %add3A_380 = arith.addi %rem3A_371, %select_n3A_370 : i32
        %select_n3A_381 = arith.select %and3A_379, %add3A_380, %rem3A_371 : i32
        %mul3A_382 = arith.constant 256 : i32
        %mul3A_383 = arith.muli %select_n3A_381, %mul3A_382 : i32
        %dma_start3A_384 = arith.constant 0 : i32
        %dma_start3A_385 = tpu.memref_slice %arg7[%select_n3A_365, %dma_start3A_384] : memref<40x256xi32, #tpu.memory_space<vmem>> -> memref<1x256xi32, #tpu.memory_space<vmem>>
        %dma_start3A_386 = tpu.memref_squeeze %dma_start3A_385 : memref<1x256xi32, #tpu.memory_space<vmem>> -> memref<256xi32, #tpu.memory_space<vmem>>
        %dma_start3A_387 = tpu.memref_slice %dma_start3A_386[%mul3A_383] : memref<256xi32, #tpu.memory_space<vmem>> -> memref<256xi32, #tpu.memory_space<vmem>>
        %dma_start3A_388 = arith.constant 0 : i32
        %dma_start3A_389 = arith.constant 0 : i32
        %dma_start3A_390 = tpu.memref_slice %arg16[%dma_start3A_388, %dma_start3A_389] : memref<10016x8xf32, #tpu.memory_space<vmem_shared>> -> memref<10016x8xf32, #tpu.memory_space<vmem_shared>>
        tpu.enqueue_indirect_dma source(%arg12 : memref<256x8xf32, #tpu.memory_space<vmem>>) target(%dma_start3A_390 : memref<10016x8xf32, #tpu.memory_space<vmem_shared>>) offsets(%dma_start3A_387 : memref<256xi32, #tpu.memory_space<vmem>>) semaphore(%arg29 : memref<!tpu.dma_semaphore, #tpu.memory_space<semaphore_mem>>) {add = true}
      } else {
      }
      %add3A_205 = arith.constant 5 : i32
      %add3A_206 = arith.addi %mul3A_169, %add3A_205 : i32
      %lt3A_207 = arith.constant 39 : i32
      %lt3A_208 = arith.cmpi slt, %add3A_206, %lt3A_207 : i32
      %convert_element_type3A_209 = arith.extui %lt3A_208 : i1 to i32
      %cond3A_210 = arith.constant 0 : i32
      %cond3A_211 = arith.cmpi ne, %convert_element_type3A_209, %cond3A_210 : i32
      scf.if %cond3A_211 {
        %add3A_298 = arith.constant 5 : i32
        %add3A_299 = arith.addi %mul3A_169, %add3A_298 : i32
        %jit3A = arith.constant 1 : i32
        %div3A = arith.divsi %add3A_299, %jit3A : i32
        %sign3A = arith.constant 0 : i32
        %sign3A_300 = arith.cmpi sgt, %add3A_299, %sign3A : i32
        %sign3A_301 = arith.extui %sign3A_300 : i1 to i32
        %sign3A_302 = arith.constant 0 : i32
        %sign3A_303 = arith.cmpi slt, %add3A_299, %sign3A_302 : i32
        %sign3A_304 = arith.extui %sign3A_303 : i1 to i32
        %sign3A_305 = arith.subi %sign3A_301, %sign3A_304 : i32
        %sign3A_306 = arith.constant 0 : i32
        %sign3A_307 = arith.cmpi sgt, %jit3A, %sign3A_306 : i32
        %sign3A_308 = arith.extui %sign3A_307 : i1 to i32
        %sign3A_309 = arith.constant 0 : i32
        %sign3A_310 = arith.cmpi slt, %jit3A, %sign3A_309 : i32
        %sign3A_311 = arith.extui %sign3A_310 : i1 to i32
        %sign3A_312 = arith.subi %sign3A_308, %sign3A_311 : i32
        %ne3A = arith.cmpi ne, %sign3A_305, %sign3A_312 : i32
        %rem3A = arith.remsi %add3A_299, %jit3A : i32
        %ne3A_313 = arith.constant 0 : i32
        %ne3A_314 = arith.cmpi ne, %rem3A, %ne3A_313 : i32
        %and3A = arith.andi %ne3A, %ne3A_314 : i1
        %sub3A = arith.constant 1 : i32
        %sub3A_315 = arith.subi %div3A, %sub3A : i32
        %select_n3A = arith.select %and3A, %sub3A_315, %div3A : i32
        %jit3A_316 = arith.constant 1 : i32
        %eq3A = arith.constant 0 : i32
        %eq3A_317 = arith.cmpi eq, %jit3A_316, %eq3A : i32
        %jit3A_318 = arith.constant 1 : i32
        %select_n3A_319 = arith.select %eq3A_317, %jit3A_318, %jit3A_316 : i32
        %rem3A_320 = arith.remsi %add3A_299, %select_n3A_319 : i32
        %ne3A_321 = arith.constant 0 : i32
        %ne3A_322 = arith.cmpi ne, %rem3A_320, %ne3A_321 : i32
        %lt3A_323 = arith.constant 0 : i32
        %lt3A_324 = arith.cmpi slt, %rem3A_320, %lt3A_323 : i32
        %lt3A_325 = arith.constant 0 : i32
        %lt3A_326 = arith.cmpi slt, %select_n3A_319, %lt3A_325 : i32
        %ne3A_327 = arith.xori %lt3A_324, %lt3A_326 : i1
        %and3A_328 = arith.andi %ne3A_327, %ne3A_322 : i1
        %add3A_329 = arith.addi %rem3A_320, %select_n3A_319 : i32
        %select_n3A_330 = arith.select %and3A_328, %add3A_329, %rem3A_320 : i32
        %mul3A_331 = arith.constant 256 : i32
        %mul3A_332 = arith.muli %select_n3A_330, %mul3A_331 : i32
        %dma_wait3A_333 = arith.constant 0 : i32
        %dma_wait3A_334 = tpu.memref_slice %arg6[%select_n3A, %dma_wait3A_333] : memref<40x256xi32, #tpu.memory_space<vmem>> -> memref<1x256xi32, #tpu.memory_space<vmem>>
        %dma_wait3A_335 = tpu.memref_squeeze %dma_wait3A_334 : memref<1x256xi32, #tpu.memory_space<vmem>> -> memref<256xi32, #tpu.memory_space<vmem>>
        %dma_wait3A_336 = tpu.memref_slice %dma_wait3A_335[%mul3A_332] : memref<256xi32, #tpu.memory_space<vmem>> -> memref<256xi32, #tpu.memory_space<vmem>>
        %dma_wait3A_337 = arith.constant 0 : i32
        %dma_wait3A_338 = arith.constant 0 : i32
        %dma_wait3A_339 = tpu.memref_slice %arg2[%dma_wait3A_337, %dma_wait3A_338] : memref<10000x8xf32, #tpu.memory_space<hbm>> -> memref<10000x8xf32, #tpu.memory_space<hbm>>
        tpu.wait_indirect_dma semaphore(%arg22 : memref<!tpu.dma_semaphore, #tpu.memory_space<semaphore_mem>>) src(%dma_wait3A_339 : memref<10000x8xf32, #tpu.memory_space<hbm>>) dst(%arg13 : memref<256x8xf32, #tpu.memory_space<vmem>>)
        %add3A_340 = arith.constant 5 : i32
        %add3A_341 = arith.addi %mul3A_169, %add3A_340 : i32
        %jit3A_342 = arith.constant 1 : i32
        %div3A_343 = arith.divsi %add3A_341, %jit3A_342 : i32
        %sign3A_344 = arith.constant 0 : i32
        %sign3A_345 = arith.cmpi sgt, %add3A_341, %sign3A_344 : i32
        %sign3A_346 = arith.extui %sign3A_345 : i1 to i32
        %sign3A_347 = arith.constant 0 : i32
        %sign3A_348 = arith.cmpi slt, %add3A_341, %sign3A_347 : i32
        %sign3A_349 = arith.extui %sign3A_348 : i1 to i32
        %sign3A_350 = arith.subi %sign3A_346, %sign3A_349 : i32
        %sign3A_351 = arith.constant 0 : i32
        %sign3A_352 = arith.cmpi sgt, %jit3A_342, %sign3A_351 : i32
        %sign3A_353 = arith.extui %sign3A_352 : i1 to i32
        %sign3A_354 = arith.constant 0 : i32
        %sign3A_355 = arith.cmpi slt, %jit3A_342, %sign3A_354 : i32
        %sign3A_356 = arith.extui %sign3A_355 : i1 to i32
        %sign3A_357 = arith.subi %sign3A_353, %sign3A_356 : i32
        %ne3A_358 = arith.cmpi ne, %sign3A_350, %sign3A_357 : i32
        %rem3A_359 = arith.remsi %add3A_341, %jit3A_342 : i32
        %ne3A_360 = arith.constant 0 : i32
        %ne3A_361 = arith.cmpi ne, %rem3A_359, %ne3A_360 : i32
        %and3A_362 = arith.andi %ne3A_358, %ne3A_361 : i1
        %sub3A_363 = arith.constant 1 : i32
        %sub3A_364 = arith.subi %div3A_343, %sub3A_363 : i32
        %select_n3A_365 = arith.select %and3A_362, %sub3A_364, %div3A_343 : i32
        %jit3A_366 = arith.constant 1 : i32
        %eq3A_367 = arith.constant 0 : i32
        %eq3A_368 = arith.cmpi eq, %jit3A_366, %eq3A_367 : i32
        %jit3A_369 = arith.constant 1 : i32
        %select_n3A_370 = arith.select %eq3A_368, %jit3A_369, %jit3A_366 : i32
        %rem3A_371 = arith.remsi %add3A_341, %select_n3A_370 : i32
        %ne3A_372 = arith.constant 0 : i32
        %ne3A_373 = arith.cmpi ne, %rem3A_371, %ne3A_372 : i32
        %lt3A_374 = arith.constant 0 : i32
        %lt3A_375 = arith.cmpi slt, %rem3A_371, %lt3A_374 : i32
        %lt3A_376 = arith.constant 0 : i32
        %lt3A_377 = arith.cmpi slt, %select_n3A_370, %lt3A_376 : i32
        %ne3A_378 = arith.xori %lt3A_375, %lt3A_377 : i1
        %and3A_379 = arith.andi %ne3A_378, %ne3A_373 : i1
        %add3A_380 = arith.addi %rem3A_371, %select_n3A_370 : i32
        %select_n3A_381 = arith.select %and3A_379, %add3A_380, %rem3A_371 : i32
        %mul3A_382 = arith.constant 256 : i32
        %mul3A_383 = arith.muli %select_n3A_381, %mul3A_382 : i32
        %dma_start3A_384 = arith.constant 0 : i32
        %dma_start3A_385 = tpu.memref_slice %arg7[%select_n3A_365, %dma_start3A_384] : memref<40x256xi32, #tpu.memory_space<vmem>> -> memref<1x256xi32, #tpu.memory_space<vmem>>
        %dma_start3A_386 = tpu.memref_squeeze %dma_start3A_385 : memref<1x256xi32, #tpu.memory_space<vmem>> -> memref<256xi32, #tpu.memory_space<vmem>>
        %dma_start3A_387 = tpu.memref_slice %dma_start3A_386[%mul3A_383] : memref<256xi32, #tpu.memory_space<vmem>> -> memref<256xi32, #tpu.memory_space<vmem>>
        %dma_start3A_388 = arith.constant 0 : i32
        %dma_start3A_389 = arith.constant 0 : i32
        %dma_start3A_390 = tpu.memref_slice %arg16[%dma_start3A_388, %dma_start3A_389] : memref<10016x8xf32, #tpu.memory_space<vmem_shared>> -> memref<10016x8xf32, #tpu.memory_space<vmem_shared>>
        tpu.enqueue_indirect_dma source(%arg13 : memref<256x8xf32, #tpu.memory_space<vmem>>) target(%dma_start3A_390 : memref<10016x8xf32, #tpu.memory_space<vmem_shared>>) offsets(%dma_start3A_387 : memref<256xi32, #tpu.memory_space<vmem>>) semaphore(%arg30 : memref<!tpu.dma_semaphore, #tpu.memory_space<semaphore_mem>>) {add = true}
      } else {
      }
      %add3A_212 = arith.constant 6 : i32
      %add3A_213 = arith.addi %mul3A_169, %add3A_212 : i32
      %lt3A_214 = arith.constant 39 : i32
      %lt3A_215 = arith.cmpi slt, %add3A_213, %lt3A_214 : i32
      %convert_element_type3A_216 = arith.extui %lt3A_215 : i1 to i32
      %cond3A_217 = arith.constant 0 : i32
      %cond3A_218 = arith.cmpi ne, %convert_element_type3A_216, %cond3A_217 : i32
      scf.if %cond3A_218 {
        %add3A_298 = arith.constant 6 : i32
        %add3A_299 = arith.addi %mul3A_169, %add3A_298 : i32
        %jit3A = arith.constant 1 : i32
        %div3A = arith.divsi %add3A_299, %jit3A : i32
        %sign3A = arith.constant 0 : i32
        %sign3A_300 = arith.cmpi sgt, %add3A_299, %sign3A : i32
        %sign3A_301 = arith.extui %sign3A_300 : i1 to i32
        %sign3A_302 = arith.constant 0 : i32
        %sign3A_303 = arith.cmpi slt, %add3A_299, %sign3A_302 : i32
        %sign3A_304 = arith.extui %sign3A_303 : i1 to i32
        %sign3A_305 = arith.subi %sign3A_301, %sign3A_304 : i32
        %sign3A_306 = arith.constant 0 : i32
        %sign3A_307 = arith.cmpi sgt, %jit3A, %sign3A_306 : i32
        %sign3A_308 = arith.extui %sign3A_307 : i1 to i32
        %sign3A_309 = arith.constant 0 : i32
        %sign3A_310 = arith.cmpi slt, %jit3A, %sign3A_309 : i32
        %sign3A_311 = arith.extui %sign3A_310 : i1 to i32
        %sign3A_312 = arith.subi %sign3A_308, %sign3A_311 : i32
        %ne3A = arith.cmpi ne, %sign3A_305, %sign3A_312 : i32
        %rem3A = arith.remsi %add3A_299, %jit3A : i32
        %ne3A_313 = arith.constant 0 : i32
        %ne3A_314 = arith.cmpi ne, %rem3A, %ne3A_313 : i32
        %and3A = arith.andi %ne3A, %ne3A_314 : i1
        %sub3A = arith.constant 1 : i32
        %sub3A_315 = arith.subi %div3A, %sub3A : i32
        %select_n3A = arith.select %and3A, %sub3A_315, %div3A : i32
        %jit3A_316 = arith.constant 1 : i32
        %eq3A = arith.constant 0 : i32
        %eq3A_317 = arith.cmpi eq, %jit3A_316, %eq3A : i32
        %jit3A_318 = arith.constant 1 : i32
        %select_n3A_319 = arith.select %eq3A_317, %jit3A_318, %jit3A_316 : i32
        %rem3A_320 = arith.remsi %add3A_299, %select_n3A_319 : i32
        %ne3A_321 = arith.constant 0 : i32
        %ne3A_322 = arith.cmpi ne, %rem3A_320, %ne3A_321 : i32
        %lt3A_323 = arith.constant 0 : i32
        %lt3A_324 = arith.cmpi slt, %rem3A_320, %lt3A_323 : i32
        %lt3A_325 = arith.constant 0 : i32
        %lt3A_326 = arith.cmpi slt, %select_n3A_319, %lt3A_325 : i32
        %ne3A_327 = arith.xori %lt3A_324, %lt3A_326 : i1
        %and3A_328 = arith.andi %ne3A_327, %ne3A_322 : i1
        %add3A_329 = arith.addi %rem3A_320, %select_n3A_319 : i32
        %select_n3A_330 = arith.select %and3A_328, %add3A_329, %rem3A_320 : i32
        %mul3A_331 = arith.constant 256 : i32
        %mul3A_332 = arith.muli %select_n3A_330, %mul3A_331 : i32
        %dma_wait3A_333 = arith.constant 0 : i32
        %dma_wait3A_334 = tpu.memref_slice %arg6[%select_n3A, %dma_wait3A_333] : memref<40x256xi32, #tpu.memory_space<vmem>> -> memref<1x256xi32, #tpu.memory_space<vmem>>
        %dma_wait3A_335 = tpu.memref_squeeze %dma_wait3A_334 : memref<1x256xi32, #tpu.memory_space<vmem>> -> memref<256xi32, #tpu.memory_space<vmem>>
        %dma_wait3A_336 = tpu.memref_slice %dma_wait3A_335[%mul3A_332] : memref<256xi32, #tpu.memory_space<vmem>> -> memref<256xi32, #tpu.memory_space<vmem>>
        %dma_wait3A_337 = arith.constant 0 : i32
        %dma_wait3A_338 = arith.constant 0 : i32
        %dma_wait3A_339 = tpu.memref_slice %arg2[%dma_wait3A_337, %dma_wait3A_338] : memref<10000x8xf32, #tpu.memory_space<hbm>> -> memref<10000x8xf32, #tpu.memory_space<hbm>>
        tpu.wait_indirect_dma semaphore(%arg23 : memref<!tpu.dma_semaphore, #tpu.memory_space<semaphore_mem>>) src(%dma_wait3A_339 : memref<10000x8xf32, #tpu.memory_space<hbm>>) dst(%arg14 : memref<256x8xf32, #tpu.memory_space<vmem>>)
        %add3A_340 = arith.constant 6 : i32
        %add3A_341 = arith.addi %mul3A_169, %add3A_340 : i32
        %jit3A_342 = arith.constant 1 : i32
        %div3A_343 = arith.divsi %add3A_341, %jit3A_342 : i32
        %sign3A_344 = arith.constant 0 : i32
        %sign3A_345 = arith.cmpi sgt, %add3A_341, %sign3A_344 : i32
        %sign3A_346 = arith.extui %sign3A_345 : i1 to i32
        %sign3A_347 = arith.constant 0 : i32
        %sign3A_348 = arith.cmpi slt, %add3A_341, %sign3A_347 : i32
        %sign3A_349 = arith.extui %sign3A_348 : i1 to i32
        %sign3A_350 = arith.subi %sign3A_346, %sign3A_349 : i32
        %sign3A_351 = arith.constant 0 : i32
        %sign3A_352 = arith.cmpi sgt, %jit3A_342, %sign3A_351 : i32
        %sign3A_353 = arith.extui %sign3A_352 : i1 to i32
        %sign3A_354 = arith.constant 0 : i32
        %sign3A_355 = arith.cmpi slt, %jit3A_342, %sign3A_354 : i32
        %sign3A_356 = arith.extui %sign3A_355 : i1 to i32
        %sign3A_357 = arith.subi %sign3A_353, %sign3A_356 : i32
        %ne3A_358 = arith.cmpi ne, %sign3A_350, %sign3A_357 : i32
        %rem3A_359 = arith.remsi %add3A_341, %jit3A_342 : i32
        %ne3A_360 = arith.constant 0 : i32
        %ne3A_361 = arith.cmpi ne, %rem3A_359, %ne3A_360 : i32
        %and3A_362 = arith.andi %ne3A_358, %ne3A_361 : i1
        %sub3A_363 = arith.constant 1 : i32
        %sub3A_364 = arith.subi %div3A_343, %sub3A_363 : i32
        %select_n3A_365 = arith.select %and3A_362, %sub3A_364, %div3A_343 : i32
        %jit3A_366 = arith.constant 1 : i32
        %eq3A_367 = arith.constant 0 : i32
        %eq3A_368 = arith.cmpi eq, %jit3A_366, %eq3A_367 : i32
        %jit3A_369 = arith.constant 1 : i32
        %select_n3A_370 = arith.select %eq3A_368, %jit3A_369, %jit3A_366 : i32
        %rem3A_371 = arith.remsi %add3A_341, %select_n3A_370 : i32
        %ne3A_372 = arith.constant 0 : i32
        %ne3A_373 = arith.cmpi ne, %rem3A_371, %ne3A_372 : i32
        %lt3A_374 = arith.constant 0 : i32
        %lt3A_375 = arith.cmpi slt, %rem3A_371, %lt3A_374 : i32
        %lt3A_376 = arith.constant 0 : i32
        %lt3A_377 = arith.cmpi slt, %select_n3A_370, %lt3A_376 : i32
        %ne3A_378 = arith.xori %lt3A_375, %lt3A_377 : i1
        %and3A_379 = arith.andi %ne3A_378, %ne3A_373 : i1
        %add3A_380 = arith.addi %rem3A_371, %select_n3A_370 : i32
        %select_n3A_381 = arith.select %and3A_379, %add3A_380, %rem3A_371 : i32
        %mul3A_382 = arith.constant 256 : i32
        %mul3A_383 = arith.muli %select_n3A_381, %mul3A_382 : i32
        %dma_start3A_384 = arith.constant 0 : i32
        %dma_start3A_385 = tpu.memref_slice %arg7[%select_n3A_365, %dma_start3A_384] : memref<40x256xi32, #tpu.memory_space<vmem>> -> memref<1x256xi32, #tpu.memory_space<vmem>>
        %dma_start3A_386 = tpu.memref_squeeze %dma_start3A_385 : memref<1x256xi32, #tpu.memory_space<vmem>> -> memref<256xi32, #tpu.memory_space<vmem>>
        %dma_start3A_387 = tpu.memref_slice %dma_start3A_386[%mul3A_383] : memref<256xi32, #tpu.memory_space<vmem>> -> memref<256xi32, #tpu.memory_space<vmem>>
        %dma_start3A_388 = arith.constant 0 : i32
        %dma_start3A_389 = arith.constant 0 : i32
        %dma_start3A_390 = tpu.memref_slice %arg16[%dma_start3A_388, %dma_start3A_389] : memref<10016x8xf32, #tpu.memory_space<vmem_shared>> -> memref<10016x8xf32, #tpu.memory_space<vmem_shared>>
        tpu.enqueue_indirect_dma source(%arg14 : memref<256x8xf32, #tpu.memory_space<vmem>>) target(%dma_start3A_390 : memref<10016x8xf32, #tpu.memory_space<vmem_shared>>) offsets(%dma_start3A_387 : memref<256xi32, #tpu.memory_space<vmem>>) semaphore(%arg31 : memref<!tpu.dma_semaphore, #tpu.memory_space<semaphore_mem>>) {add = true}
      } else {
      }
      %add3A_219 = arith.constant 7 : i32
      %add3A_220 = arith.addi %mul3A_169, %add3A_219 : i32
      %lt3A_221 = arith.constant 39 : i32
      %lt3A_222 = arith.cmpi slt, %add3A_220, %lt3A_221 : i32
      %convert_element_type3A_223 = arith.extui %lt3A_222 : i1 to i32
      %cond3A_224 = arith.constant 0 : i32
      %cond3A_225 = arith.cmpi ne, %convert_element_type3A_223, %cond3A_224 : i32
      scf.if %cond3A_225 {
        %add3A_298 = arith.constant 7 : i32
        %add3A_299 = arith.addi %mul3A_169, %add3A_298 : i32
        %jit3A = arith.constant 1 : i32
        %div3A = arith.divsi %add3A_299, %jit3A : i32
        %sign3A = arith.constant 0 : i32
        %sign3A_300 = arith.cmpi sgt, %add3A_299, %sign3A : i32
        %sign3A_301 = arith.extui %sign3A_300 : i1 to i32
        %sign3A_302 = arith.constant 0 : i32
        %sign3A_303 = arith.cmpi slt, %add3A_299, %sign3A_302 : i32
        %sign3A_304 = arith.extui %sign3A_303 : i1 to i32
        %sign3A_305 = arith.subi %sign3A_301, %sign3A_304 : i32
        %sign3A_306 = arith.constant 0 : i32
        %sign3A_307 = arith.cmpi sgt, %jit3A, %sign3A_306 : i32
        %sign3A_308 = arith.extui %sign3A_307 : i1 to i32
        %sign3A_309 = arith.constant 0 : i32
        %sign3A_310 = arith.cmpi slt, %jit3A, %sign3A_309 : i32
        %sign3A_311 = arith.extui %sign3A_310 : i1 to i32
        %sign3A_312 = arith.subi %sign3A_308, %sign3A_311 : i32
        %ne3A = arith.cmpi ne, %sign3A_305, %sign3A_312 : i32
        %rem3A = arith.remsi %add3A_299, %jit3A : i32
        %ne3A_313 = arith.constant 0 : i32
        %ne3A_314 = arith.cmpi ne, %rem3A, %ne3A_313 : i32
        %and3A = arith.andi %ne3A, %ne3A_314 : i1
        %sub3A = arith.constant 1 : i32
        %sub3A_315 = arith.subi %div3A, %sub3A : i32
        %select_n3A = arith.select %and3A, %sub3A_315, %div3A : i32
        %jit3A_316 = arith.constant 1 : i32
        %eq3A = arith.constant 0 : i32
        %eq3A_317 = arith.cmpi eq, %jit3A_316, %eq3A : i32
        %jit3A_318 = arith.constant 1 : i32
        %select_n3A_319 = arith.select %eq3A_317, %jit3A_318, %jit3A_316 : i32
        %rem3A_320 = arith.remsi %add3A_299, %select_n3A_319 : i32
        %ne3A_321 = arith.constant 0 : i32
        %ne3A_322 = arith.cmpi ne, %rem3A_320, %ne3A_321 : i32
        %lt3A_323 = arith.constant 0 : i32
        %lt3A_324 = arith.cmpi slt, %rem3A_320, %lt3A_323 : i32
        %lt3A_325 = arith.constant 0 : i32
        %lt3A_326 = arith.cmpi slt, %select_n3A_319, %lt3A_325 : i32
        %ne3A_327 = arith.xori %lt3A_324, %lt3A_326 : i1
        %and3A_328 = arith.andi %ne3A_327, %ne3A_322 : i1
        %add3A_329 = arith.addi %rem3A_320, %select_n3A_319 : i32
        %select_n3A_330 = arith.select %and3A_328, %add3A_329, %rem3A_320 : i32
        %mul3A_331 = arith.constant 256 : i32
        %mul3A_332 = arith.muli %select_n3A_330, %mul3A_331 : i32
        %dma_wait3A_333 = arith.constant 0 : i32
        %dma_wait3A_334 = tpu.memref_slice %arg6[%select_n3A, %dma_wait3A_333] : memref<40x256xi32, #tpu.memory_space<vmem>> -> memref<1x256xi32, #tpu.memory_space<vmem>>
        %dma_wait3A_335 = tpu.memref_squeeze %dma_wait3A_334 : memref<1x256xi32, #tpu.memory_space<vmem>> -> memref<256xi32, #tpu.memory_space<vmem>>
        %dma_wait3A_336 = tpu.memref_slice %dma_wait3A_335[%mul3A_332] : memref<256xi32, #tpu.memory_space<vmem>> -> memref<256xi32, #tpu.memory_space<vmem>>
        %dma_wait3A_337 = arith.constant 0 : i32
        %dma_wait3A_338 = arith.constant 0 : i32
        %dma_wait3A_339 = tpu.memref_slice %arg2[%dma_wait3A_337, %dma_wait3A_338] : memref<10000x8xf32, #tpu.memory_space<hbm>> -> memref<10000x8xf32, #tpu.memory_space<hbm>>
        tpu.wait_indirect_dma semaphore(%arg24 : memref<!tpu.dma_semaphore, #tpu.memory_space<semaphore_mem>>) src(%dma_wait3A_339 : memref<10000x8xf32, #tpu.memory_space<hbm>>) dst(%arg15 : memref<256x8xf32, #tpu.memory_space<vmem>>)
        %add3A_340 = arith.constant 7 : i32
        %add3A_341 = arith.addi %mul3A_169, %add3A_340 : i32
        %jit3A_342 = arith.constant 1 : i32
        %div3A_343 = arith.divsi %add3A_341, %jit3A_342 : i32
        %sign3A_344 = arith.constant 0 : i32
        %sign3A_345 = arith.cmpi sgt, %add3A_341, %sign3A_344 : i32
        %sign3A_346 = arith.extui %sign3A_345 : i1 to i32
        %sign3A_347 = arith.constant 0 : i32
        %sign3A_348 = arith.cmpi slt, %add3A_341, %sign3A_347 : i32
        %sign3A_349 = arith.extui %sign3A_348 : i1 to i32
        %sign3A_350 = arith.subi %sign3A_346, %sign3A_349 : i32
        %sign3A_351 = arith.constant 0 : i32
        %sign3A_352 = arith.cmpi sgt, %jit3A_342, %sign3A_351 : i32
        %sign3A_353 = arith.extui %sign3A_352 : i1 to i32
        %sign3A_354 = arith.constant 0 : i32
        %sign3A_355 = arith.cmpi slt, %jit3A_342, %sign3A_354 : i32
        %sign3A_356 = arith.extui %sign3A_355 : i1 to i32
        %sign3A_357 = arith.subi %sign3A_353, %sign3A_356 : i32
        %ne3A_358 = arith.cmpi ne, %sign3A_350, %sign3A_357 : i32
        %rem3A_359 = arith.remsi %add3A_341, %jit3A_342 : i32
        %ne3A_360 = arith.constant 0 : i32
        %ne3A_361 = arith.cmpi ne, %rem3A_359, %ne3A_360 : i32
        %and3A_362 = arith.andi %ne3A_358, %ne3A_361 : i1
        %sub3A_363 = arith.constant 1 : i32
        %sub3A_364 = arith.subi %div3A_343, %sub3A_363 : i32
        %select_n3A_365 = arith.select %and3A_362, %sub3A_364, %div3A_343 : i32
        %jit3A_366 = arith.constant 1 : i32
        %eq3A_367 = arith.constant 0 : i32
        %eq3A_368 = arith.cmpi eq, %jit3A_366, %eq3A_367 : i32
        %jit3A_369 = arith.constant 1 : i32
        %select_n3A_370 = arith.select %eq3A_368, %jit3A_369, %jit3A_366 : i32
        %rem3A_371 = arith.remsi %add3A_341, %select_n3A_370 : i32
        %ne3A_372 = arith.constant 0 : i32
        %ne3A_373 = arith.cmpi ne, %rem3A_371, %ne3A_372 : i32
        %lt3A_374 = arith.constant 0 : i32
        %lt3A_375 = arith.cmpi slt, %rem3A_371, %lt3A_374 : i32
        %lt3A_376 = arith.constant 0 : i32
        %lt3A_377 = arith.cmpi slt, %select_n3A_370, %lt3A_376 : i32
        %ne3A_378 = arith.xori %lt3A_375, %lt3A_377 : i1
        %and3A_379 = arith.andi %ne3A_378, %ne3A_373 : i1
        %add3A_380 = arith.addi %rem3A_371, %select_n3A_370 : i32
        %select_n3A_381 = arith.select %and3A_379, %add3A_380, %rem3A_371 : i32
        %mul3A_382 = arith.constant 256 : i32
        %mul3A_383 = arith.muli %select_n3A_381, %mul3A_382 : i32
        %dma_start3A_384 = arith.constant 0 : i32
        %dma_start3A_385 = tpu.memref_slice %arg7[%select_n3A_365, %dma_start3A_384] : memref<40x256xi32, #tpu.memory_space<vmem>> -> memref<1x256xi32, #tpu.memory_space<vmem>>
        %dma_start3A_386 = tpu.memref_squeeze %dma_start3A_385 : memref<1x256xi32, #tpu.memory_space<vmem>> -> memref<256xi32, #tpu.memory_space<vmem>>
        %dma_start3A_387 = tpu.memref_slice %dma_start3A_386[%mul3A_383] : memref<256xi32, #tpu.memory_space<vmem>> -> memref<256xi32, #tpu.memory_space<vmem>>
        %dma_start3A_388 = arith.constant 0 : i32
        %dma_start3A_389 = arith.constant 0 : i32
        %dma_start3A_390 = tpu.memref_slice %arg16[%dma_start3A_388, %dma_start3A_389] : memref<10016x8xf32, #tpu.memory_space<vmem_shared>> -> memref<10016x8xf32, #tpu.memory_space<vmem_shared>>
        tpu.enqueue_indirect_dma source(%arg15 : memref<256x8xf32, #tpu.memory_space<vmem>>) target(%dma_start3A_390 : memref<10016x8xf32, #tpu.memory_space<vmem_shared>>) offsets(%dma_start3A_387 : memref<256xi32, #tpu.memory_space<vmem>>) semaphore(%arg32 : memref<!tpu.dma_semaphore, #tpu.memory_space<semaphore_mem>>) {add = true}
      } else {
      }
      %add3A_226 = arith.constant 8 : i32
      %add3A_227 = arith.addi %mul3A_169, %add3A_226 : i32
      %add3A_228 = arith.constant 0 : i32
      %add3A_229 = arith.addi %add3A_227, %add3A_228 : i32
      %lt3A_230 = arith.constant 39 : i32
      %lt3A_231 = arith.cmpi slt, %add3A_229, %lt3A_230 : i32
      %convert_element_type3A_232 = arith.extui %lt3A_231 : i1 to i32
      %cond3A_233 = arith.constant 0 : i32
      %cond3A_234 = arith.cmpi ne, %convert_element_type3A_232, %cond3A_233 : i32
      scf.if %cond3A_234 {
        %dma_wait3A_298 = arith.constant 0 : i32
        %dma_wait3A_299 = arith.constant 0 : i32
        %dma_wait3A_300 = tpu.memref_slice %arg7[%dma_wait3A_298, %dma_wait3A_299] : memref<40x256xi32, #tpu.memory_space<vmem>> -> memref<1x256xi32, #tpu.memory_space<vmem>>
        %dma_wait3A_301 = tpu.memref_squeeze %dma_wait3A_300 : memref<1x256xi32, #tpu.memory_space<vmem>> -> memref<256xi32, #tpu.memory_space<vmem>>
        %dma_wait3A_302 = arith.constant 0 : i32
        %dma_wait3A_303 = tpu.memref_slice %dma_wait3A_301[%dma_wait3A_302] : memref<256xi32, #tpu.memory_space<vmem>> -> memref<256xi32, #tpu.memory_space<vmem>>
        %dma_wait3A_304 = arith.constant 0 : i32
        %dma_wait3A_305 = arith.constant 0 : i32
        %dma_wait3A_306 = tpu.memref_slice %arg16[%dma_wait3A_304, %dma_wait3A_305] : memref<10016x8xf32, #tpu.memory_space<vmem_shared>> -> memref<10016x8xf32, #tpu.memory_space<vmem_shared>>
        tpu.wait_indirect_dma semaphore(%arg25 : memref<!tpu.dma_semaphore, #tpu.memory_space<semaphore_mem>>) src(%arg8 : memref<256x8xf32, #tpu.memory_space<vmem>>) dst(%dma_wait3A_306 : memref<10016x8xf32, #tpu.memory_space<vmem_shared>>)
        %jit3A = arith.constant 1 : i32
        %div3A = arith.divsi %add3A_229, %jit3A : i32
        %sign3A = arith.constant 0 : i32
        %sign3A_307 = arith.cmpi sgt, %add3A_229, %sign3A : i32
        %sign3A_308 = arith.extui %sign3A_307 : i1 to i32
        %sign3A_309 = arith.constant 0 : i32
        %sign3A_310 = arith.cmpi slt, %add3A_229, %sign3A_309 : i32
        %sign3A_311 = arith.extui %sign3A_310 : i1 to i32
        %sign3A_312 = arith.subi %sign3A_308, %sign3A_311 : i32
        %sign3A_313 = arith.constant 0 : i32
        %sign3A_314 = arith.cmpi sgt, %jit3A, %sign3A_313 : i32
        %sign3A_315 = arith.extui %sign3A_314 : i1 to i32
        %sign3A_316 = arith.constant 0 : i32
        %sign3A_317 = arith.cmpi slt, %jit3A, %sign3A_316 : i32
        %sign3A_318 = arith.extui %sign3A_317 : i1 to i32
        %sign3A_319 = arith.subi %sign3A_315, %sign3A_318 : i32
        %ne3A = arith.cmpi ne, %sign3A_312, %sign3A_319 : i32
        %rem3A = arith.remsi %add3A_229, %jit3A : i32
        %ne3A_320 = arith.constant 0 : i32
        %ne3A_321 = arith.cmpi ne, %rem3A, %ne3A_320 : i32
        %and3A = arith.andi %ne3A, %ne3A_321 : i1
        %sub3A = arith.constant 1 : i32
        %sub3A_322 = arith.subi %div3A, %sub3A : i32
        %select_n3A = arith.select %and3A, %sub3A_322, %div3A : i32
        %jit3A_323 = arith.constant 1 : i32
        %eq3A = arith.constant 0 : i32
        %eq3A_324 = arith.cmpi eq, %jit3A_323, %eq3A : i32
        %jit3A_325 = arith.constant 1 : i32
        %select_n3A_326 = arith.select %eq3A_324, %jit3A_325, %jit3A_323 : i32
        %rem3A_327 = arith.remsi %add3A_229, %select_n3A_326 : i32
        %ne3A_328 = arith.constant 0 : i32
        %ne3A_329 = arith.cmpi ne, %rem3A_327, %ne3A_328 : i32
        %lt3A_330 = arith.constant 0 : i32
        %lt3A_331 = arith.cmpi slt, %rem3A_327, %lt3A_330 : i32
        %lt3A_332 = arith.constant 0 : i32
        %lt3A_333 = arith.cmpi slt, %select_n3A_326, %lt3A_332 : i32
        %ne3A_334 = arith.xori %lt3A_331, %lt3A_333 : i1
        %and3A_335 = arith.andi %ne3A_334, %ne3A_329 : i1
        %add3A_336 = arith.addi %rem3A_327, %select_n3A_326 : i32
        %select_n3A_337 = arith.select %and3A_335, %add3A_336, %rem3A_327 : i32
        %mul3A_338 = arith.constant 256 : i32
        %mul3A_339 = arith.muli %select_n3A_337, %mul3A_338 : i32
        %dma_start3A_340 = arith.constant 0 : i32
        %dma_start3A_341 = tpu.memref_slice %arg6[%select_n3A, %dma_start3A_340] : memref<40x256xi32, #tpu.memory_space<vmem>> -> memref<1x256xi32, #tpu.memory_space<vmem>>
        %dma_start3A_342 = tpu.memref_squeeze %dma_start3A_341 : memref<1x256xi32, #tpu.memory_space<vmem>> -> memref<256xi32, #tpu.memory_space<vmem>>
        %dma_start3A_343 = tpu.memref_slice %dma_start3A_342[%mul3A_339] : memref<256xi32, #tpu.memory_space<vmem>> -> memref<256xi32, #tpu.memory_space<vmem>>
        %dma_start3A_344 = arith.constant 0 : i32
        %dma_start3A_345 = arith.constant 0 : i32
        %dma_start3A_346 = tpu.memref_slice %arg2[%dma_start3A_344, %dma_start3A_345] : memref<10000x8xf32, #tpu.memory_space<hbm>> -> memref<10000x8xf32, #tpu.memory_space<hbm>>
        tpu.enqueue_indirect_dma source(%dma_start3A_346 : memref<10000x8xf32, #tpu.memory_space<hbm>>) target(%arg8 : memref<256x8xf32, #tpu.memory_space<vmem>>) offsets(%dma_start3A_343 : memref<256xi32, #tpu.memory_space<vmem>>) semaphore(%arg17 : memref<!tpu.dma_semaphore, #tpu.memory_space<semaphore_mem>>)
      } else {
      }
      %add3A_235 = arith.constant 8 : i32
      %add3A_236 = arith.addi %mul3A_169, %add3A_235 : i32
      %add3A_237 = arith.constant 1 : i32
      %add3A_238 = arith.addi %add3A_236, %add3A_237 : i32
      %lt3A_239 = arith.constant 39 : i32
      %lt3A_240 = arith.cmpi slt, %add3A_238, %lt3A_239 : i32
      %convert_element_type3A_241 = arith.extui %lt3A_240 : i1 to i32
      %cond3A_242 = arith.constant 0 : i32
      %cond3A_243 = arith.cmpi ne, %convert_element_type3A_241, %cond3A_242 : i32
      scf.if %cond3A_243 {
        %dma_wait3A_298 = arith.constant 0 : i32
        %dma_wait3A_299 = arith.constant 0 : i32
        %dma_wait3A_300 = tpu.memref_slice %arg7[%dma_wait3A_298, %dma_wait3A_299] : memref<40x256xi32, #tpu.memory_space<vmem>> -> memref<1x256xi32, #tpu.memory_space<vmem>>
        %dma_wait3A_301 = tpu.memref_squeeze %dma_wait3A_300 : memref<1x256xi32, #tpu.memory_space<vmem>> -> memref<256xi32, #tpu.memory_space<vmem>>
        %dma_wait3A_302 = arith.constant 0 : i32
        %dma_wait3A_303 = tpu.memref_slice %dma_wait3A_301[%dma_wait3A_302] : memref<256xi32, #tpu.memory_space<vmem>> -> memref<256xi32, #tpu.memory_space<vmem>>
        %dma_wait3A_304 = arith.constant 0 : i32
        %dma_wait3A_305 = arith.constant 0 : i32
        %dma_wait3A_306 = tpu.memref_slice %arg16[%dma_wait3A_304, %dma_wait3A_305] : memref<10016x8xf32, #tpu.memory_space<vmem_shared>> -> memref<10016x8xf32, #tpu.memory_space<vmem_shared>>
        tpu.wait_indirect_dma semaphore(%arg26 : memref<!tpu.dma_semaphore, #tpu.memory_space<semaphore_mem>>) src(%arg9 : memref<256x8xf32, #tpu.memory_space<vmem>>) dst(%dma_wait3A_306 : memref<10016x8xf32, #tpu.memory_space<vmem_shared>>)
        %jit3A = arith.constant 1 : i32
        %div3A = arith.divsi %add3A_238, %jit3A : i32
        %sign3A = arith.constant 0 : i32
        %sign3A_307 = arith.cmpi sgt, %add3A_238, %sign3A : i32
        %sign3A_308 = arith.extui %sign3A_307 : i1 to i32
        %sign3A_309 = arith.constant 0 : i32
        %sign3A_310 = arith.cmpi slt, %add3A_238, %sign3A_309 : i32
        %sign3A_311 = arith.extui %sign3A_310 : i1 to i32
        %sign3A_312 = arith.subi %sign3A_308, %sign3A_311 : i32
        %sign3A_313 = arith.constant 0 : i32
        %sign3A_314 = arith.cmpi sgt, %jit3A, %sign3A_313 : i32
        %sign3A_315 = arith.extui %sign3A_314 : i1 to i32
        %sign3A_316 = arith.constant 0 : i32
        %sign3A_317 = arith.cmpi slt, %jit3A, %sign3A_316 : i32
        %sign3A_318 = arith.extui %sign3A_317 : i1 to i32
        %sign3A_319 = arith.subi %sign3A_315, %sign3A_318 : i32
        %ne3A = arith.cmpi ne, %sign3A_312, %sign3A_319 : i32
        %rem3A = arith.remsi %add3A_238, %jit3A : i32
        %ne3A_320 = arith.constant 0 : i32
        %ne3A_321 = arith.cmpi ne, %rem3A, %ne3A_320 : i32
        %and3A = arith.andi %ne3A, %ne3A_321 : i1
        %sub3A = arith.constant 1 : i32
        %sub3A_322 = arith.subi %div3A, %sub3A : i32
        %select_n3A = arith.select %and3A, %sub3A_322, %div3A : i32
        %jit3A_323 = arith.constant 1 : i32
        %eq3A = arith.constant 0 : i32
        %eq3A_324 = arith.cmpi eq, %jit3A_323, %eq3A : i32
        %jit3A_325 = arith.constant 1 : i32
        %select_n3A_326 = arith.select %eq3A_324, %jit3A_325, %jit3A_323 : i32
        %rem3A_327 = arith.remsi %add3A_238, %select_n3A_326 : i32
        %ne3A_328 = arith.constant 0 : i32
        %ne3A_329 = arith.cmpi ne, %rem3A_327, %ne3A_328 : i32
        %lt3A_330 = arith.constant 0 : i32
        %lt3A_331 = arith.cmpi slt, %rem3A_327, %lt3A_330 : i32
        %lt3A_332 = arith.constant 0 : i32
        %lt3A_333 = arith.cmpi slt, %select_n3A_326, %lt3A_332 : i32
        %ne3A_334 = arith.xori %lt3A_331, %lt3A_333 : i1
        %and3A_335 = arith.andi %ne3A_334, %ne3A_329 : i1
        %add3A_336 = arith.addi %rem3A_327, %select_n3A_326 : i32
        %select_n3A_337 = arith.select %and3A_335, %add3A_336, %rem3A_327 : i32
        %mul3A_338 = arith.constant 256 : i32
        %mul3A_339 = arith.muli %select_n3A_337, %mul3A_338 : i32
        %dma_start3A_340 = arith.constant 0 : i32
        %dma_start3A_341 = tpu.memref_slice %arg6[%select_n3A, %dma_start3A_340] : memref<40x256xi32, #tpu.memory_space<vmem>> -> memref<1x256xi32, #tpu.memory_space<vmem>>
        %dma_start3A_342 = tpu.memref_squeeze %dma_start3A_341 : memref<1x256xi32, #tpu.memory_space<vmem>> -> memref<256xi32, #tpu.memory_space<vmem>>
        %dma_start3A_343 = tpu.memref_slice %dma_start3A_342[%mul3A_339] : memref<256xi32, #tpu.memory_space<vmem>> -> memref<256xi32, #tpu.memory_space<vmem>>
        %dma_start3A_344 = arith.constant 0 : i32
        %dma_start3A_345 = arith.constant 0 : i32
        %dma_start3A_346 = tpu.memref_slice %arg2[%dma_start3A_344, %dma_start3A_345] : memref<10000x8xf32, #tpu.memory_space<hbm>> -> memref<10000x8xf32, #tpu.memory_space<hbm>>
        tpu.enqueue_indirect_dma source(%dma_start3A_346 : memref<10000x8xf32, #tpu.memory_space<hbm>>) target(%arg9 : memref<256x8xf32, #tpu.memory_space<vmem>>) offsets(%dma_start3A_343 : memref<256xi32, #tpu.memory_space<vmem>>) semaphore(%arg18 : memref<!tpu.dma_semaphore, #tpu.memory_space<semaphore_mem>>)
      } else {
      }
      %add3A_244 = arith.constant 8 : i32
      %add3A_245 = arith.addi %mul3A_169, %add3A_244 : i32
      %add3A_246 = arith.constant 2 : i32
      %add3A_247 = arith.addi %add3A_245, %add3A_246 : i32
      %lt3A_248 = arith.constant 39 : i32
      %lt3A_249 = arith.cmpi slt, %add3A_247, %lt3A_248 : i32
      %convert_element_type3A_250 = arith.extui %lt3A_249 : i1 to i32
      %cond3A_251 = arith.constant 0 : i32
      %cond3A_252 = arith.cmpi ne, %convert_element_type3A_250, %cond3A_251 : i32
      scf.if %cond3A_252 {
        %dma_wait3A_298 = arith.constant 0 : i32
        %dma_wait3A_299 = arith.constant 0 : i32
        %dma_wait3A_300 = tpu.memref_slice %arg7[%dma_wait3A_298, %dma_wait3A_299] : memref<40x256xi32, #tpu.memory_space<vmem>> -> memref<1x256xi32, #tpu.memory_space<vmem>>
        %dma_wait3A_301 = tpu.memref_squeeze %dma_wait3A_300 : memref<1x256xi32, #tpu.memory_space<vmem>> -> memref<256xi32, #tpu.memory_space<vmem>>
        %dma_wait3A_302 = arith.constant 0 : i32
        %dma_wait3A_303 = tpu.memref_slice %dma_wait3A_301[%dma_wait3A_302] : memref<256xi32, #tpu.memory_space<vmem>> -> memref<256xi32, #tpu.memory_space<vmem>>
        %dma_wait3A_304 = arith.constant 0 : i32
        %dma_wait3A_305 = arith.constant 0 : i32
        %dma_wait3A_306 = tpu.memref_slice %arg16[%dma_wait3A_304, %dma_wait3A_305] : memref<10016x8xf32, #tpu.memory_space<vmem_shared>> -> memref<10016x8xf32, #tpu.memory_space<vmem_shared>>
        tpu.wait_indirect_dma semaphore(%arg27 : memref<!tpu.dma_semaphore, #tpu.memory_space<semaphore_mem>>) src(%arg10 : memref<256x8xf32, #tpu.memory_space<vmem>>) dst(%dma_wait3A_306 : memref<10016x8xf32, #tpu.memory_space<vmem_shared>>)
        %jit3A = arith.constant 1 : i32
        %div3A = arith.divsi %add3A_247, %jit3A : i32
        %sign3A = arith.constant 0 : i32
        %sign3A_307 = arith.cmpi sgt, %add3A_247, %sign3A : i32
        %sign3A_308 = arith.extui %sign3A_307 : i1 to i32
        %sign3A_309 = arith.constant 0 : i32
        %sign3A_310 = arith.cmpi slt, %add3A_247, %sign3A_309 : i32
        %sign3A_311 = arith.extui %sign3A_310 : i1 to i32
        %sign3A_312 = arith.subi %sign3A_308, %sign3A_311 : i32
        %sign3A_313 = arith.constant 0 : i32
        %sign3A_314 = arith.cmpi sgt, %jit3A, %sign3A_313 : i32
        %sign3A_315 = arith.extui %sign3A_314 : i1 to i32
        %sign3A_316 = arith.constant 0 : i32
        %sign3A_317 = arith.cmpi slt, %jit3A, %sign3A_316 : i32
        %sign3A_318 = arith.extui %sign3A_317 : i1 to i32
        %sign3A_319 = arith.subi %sign3A_315, %sign3A_318 : i32
        %ne3A = arith.cmpi ne, %sign3A_312, %sign3A_319 : i32
        %rem3A = arith.remsi %add3A_247, %jit3A : i32
        %ne3A_320 = arith.constant 0 : i32
        %ne3A_321 = arith.cmpi ne, %rem3A, %ne3A_320 : i32
        %and3A = arith.andi %ne3A, %ne3A_321 : i1
        %sub3A = arith.constant 1 : i32
        %sub3A_322 = arith.subi %div3A, %sub3A : i32
        %select_n3A = arith.select %and3A, %sub3A_322, %div3A : i32
        %jit3A_323 = arith.constant 1 : i32
        %eq3A = arith.constant 0 : i32
        %eq3A_324 = arith.cmpi eq, %jit3A_323, %eq3A : i32
        %jit3A_325 = arith.constant 1 : i32
        %select_n3A_326 = arith.select %eq3A_324, %jit3A_325, %jit3A_323 : i32
        %rem3A_327 = arith.remsi %add3A_247, %select_n3A_326 : i32
        %ne3A_328 = arith.constant 0 : i32
        %ne3A_329 = arith.cmpi ne, %rem3A_327, %ne3A_328 : i32
        %lt3A_330 = arith.constant 0 : i32
        %lt3A_331 = arith.cmpi slt, %rem3A_327, %lt3A_330 : i32
        %lt3A_332 = arith.constant 0 : i32
        %lt3A_333 = arith.cmpi slt, %select_n3A_326, %lt3A_332 : i32
        %ne3A_334 = arith.xori %lt3A_331, %lt3A_333 : i1
        %and3A_335 = arith.andi %ne3A_334, %ne3A_329 : i1
        %add3A_336 = arith.addi %rem3A_327, %select_n3A_326 : i32
        %select_n3A_337 = arith.select %and3A_335, %add3A_336, %rem3A_327 : i32
        %mul3A_338 = arith.constant 256 : i32
        %mul3A_339 = arith.muli %select_n3A_337, %mul3A_338 : i32
        %dma_start3A_340 = arith.constant 0 : i32
        %dma_start3A_341 = tpu.memref_slice %arg6[%select_n3A, %dma_start3A_340] : memref<40x256xi32, #tpu.memory_space<vmem>> -> memref<1x256xi32, #tpu.memory_space<vmem>>
        %dma_start3A_342 = tpu.memref_squeeze %dma_start3A_341 : memref<1x256xi32, #tpu.memory_space<vmem>> -> memref<256xi32, #tpu.memory_space<vmem>>
        %dma_start3A_343 = tpu.memref_slice %dma_start3A_342[%mul3A_339] : memref<256xi32, #tpu.memory_space<vmem>> -> memref<256xi32, #tpu.memory_space<vmem>>
        %dma_start3A_344 = arith.constant 0 : i32
        %dma_start3A_345 = arith.constant 0 : i32
        %dma_start3A_346 = tpu.memref_slice %arg2[%dma_start3A_344, %dma_start3A_345] : memref<10000x8xf32, #tpu.memory_space<hbm>> -> memref<10000x8xf32, #tpu.memory_space<hbm>>
        tpu.enqueue_indirect_dma source(%dma_start3A_346 : memref<10000x8xf32, #tpu.memory_space<hbm>>) target(%arg10 : memref<256x8xf32, #tpu.memory_space<vmem>>) offsets(%dma_start3A_343 : memref<256xi32, #tpu.memory_space<vmem>>) semaphore(%arg19 : memref<!tpu.dma_semaphore, #tpu.memory_space<semaphore_mem>>)
      } else {
      }
      %add3A_253 = arith.constant 8 : i32
      %add3A_254 = arith.addi %mul3A_169, %add3A_253 : i32
      %add3A_255 = arith.constant 3 : i32
      %add3A_256 = arith.addi %add3A_254, %add3A_255 : i32
      %lt3A_257 = arith.constant 39 : i32
      %lt3A_258 = arith.cmpi slt, %add3A_256, %lt3A_257 : i32
      %convert_element_type3A_259 = arith.extui %lt3A_258 : i1 to i32
      %cond3A_260 = arith.constant 0 : i32
      %cond3A_261 = arith.cmpi ne, %convert_element_type3A_259, %cond3A_260 : i32
      scf.if %cond3A_261 {
        %dma_wait3A_298 = arith.constant 0 : i32
        %dma_wait3A_299 = arith.constant 0 : i32
        %dma_wait3A_300 = tpu.memref_slice %arg7[%dma_wait3A_298, %dma_wait3A_299] : memref<40x256xi32, #tpu.memory_space<vmem>> -> memref<1x256xi32, #tpu.memory_space<vmem>>
        %dma_wait3A_301 = tpu.memref_squeeze %dma_wait3A_300 : memref<1x256xi32, #tpu.memory_space<vmem>> -> memref<256xi32, #tpu.memory_space<vmem>>
        %dma_wait3A_302 = arith.constant 0 : i32
        %dma_wait3A_303 = tpu.memref_slice %dma_wait3A_301[%dma_wait3A_302] : memref<256xi32, #tpu.memory_space<vmem>> -> memref<256xi32, #tpu.memory_space<vmem>>
        %dma_wait3A_304 = arith.constant 0 : i32
        %dma_wait3A_305 = arith.constant 0 : i32
        %dma_wait3A_306 = tpu.memref_slice %arg16[%dma_wait3A_304, %dma_wait3A_305] : memref<10016x8xf32, #tpu.memory_space<vmem_shared>> -> memref<10016x8xf32, #tpu.memory_space<vmem_shared>>
        tpu.wait_indirect_dma semaphore(%arg28 : memref<!tpu.dma_semaphore, #tpu.memory_space<semaphore_mem>>) src(%arg11 : memref<256x8xf32, #tpu.memory_space<vmem>>) dst(%dma_wait3A_306 : memref<10016x8xf32, #tpu.memory_space<vmem_shared>>)
        %jit3A = arith.constant 1 : i32
        %div3A = arith.divsi %add3A_256, %jit3A : i32
        %sign3A = arith.constant 0 : i32
        %sign3A_307 = arith.cmpi sgt, %add3A_256, %sign3A : i32
        %sign3A_308 = arith.extui %sign3A_307 : i1 to i32
        %sign3A_309 = arith.constant 0 : i32
        %sign3A_310 = arith.cmpi slt, %add3A_256, %sign3A_309 : i32
        %sign3A_311 = arith.extui %sign3A_310 : i1 to i32
        %sign3A_312 = arith.subi %sign3A_308, %sign3A_311 : i32
        %sign3A_313 = arith.constant 0 : i32
        %sign3A_314 = arith.cmpi sgt, %jit3A, %sign3A_313 : i32
        %sign3A_315 = arith.extui %sign3A_314 : i1 to i32
        %sign3A_316 = arith.constant 0 : i32
        %sign3A_317 = arith.cmpi slt, %jit3A, %sign3A_316 : i32
        %sign3A_318 = arith.extui %sign3A_317 : i1 to i32
        %sign3A_319 = arith.subi %sign3A_315, %sign3A_318 : i32
        %ne3A = arith.cmpi ne, %sign3A_312, %sign3A_319 : i32
        %rem3A = arith.remsi %add3A_256, %jit3A : i32
        %ne3A_320 = arith.constant 0 : i32
        %ne3A_321 = arith.cmpi ne, %rem3A, %ne3A_320 : i32
        %and3A = arith.andi %ne3A, %ne3A_321 : i1
        %sub3A = arith.constant 1 : i32
        %sub3A_322 = arith.subi %div3A, %sub3A : i32
        %select_n3A = arith.select %and3A, %sub3A_322, %div3A : i32
        %jit3A_323 = arith.constant 1 : i32
        %eq3A = arith.constant 0 : i32
        %eq3A_324 = arith.cmpi eq, %jit3A_323, %eq3A : i32
        %jit3A_325 = arith.constant 1 : i32
        %select_n3A_326 = arith.select %eq3A_324, %jit3A_325, %jit3A_323 : i32
        %rem3A_327 = arith.remsi %add3A_256, %select_n3A_326 : i32
        %ne3A_328 = arith.constant 0 : i32
        %ne3A_329 = arith.cmpi ne, %rem3A_327, %ne3A_328 : i32
        %lt3A_330 = arith.constant 0 : i32
        %lt3A_331 = arith.cmpi slt, %rem3A_327, %lt3A_330 : i32
        %lt3A_332 = arith.constant 0 : i32
        %lt3A_333 = arith.cmpi slt, %select_n3A_326, %lt3A_332 : i32
        %ne3A_334 = arith.xori %lt3A_331, %lt3A_333 : i1
        %and3A_335 = arith.andi %ne3A_334, %ne3A_329 : i1
        %add3A_336 = arith.addi %rem3A_327, %select_n3A_326 : i32
        %select_n3A_337 = arith.select %and3A_335, %add3A_336, %rem3A_327 : i32
        %mul3A_338 = arith.constant 256 : i32
        %mul3A_339 = arith.muli %select_n3A_337, %mul3A_338 : i32
        %dma_start3A_340 = arith.constant 0 : i32
        %dma_start3A_341 = tpu.memref_slice %arg6[%select_n3A, %dma_start3A_340] : memref<40x256xi32, #tpu.memory_space<vmem>> -> memref<1x256xi32, #tpu.memory_space<vmem>>
        %dma_start3A_342 = tpu.memref_squeeze %dma_start3A_341 : memref<1x256xi32, #tpu.memory_space<vmem>> -> memref<256xi32, #tpu.memory_space<vmem>>
        %dma_start3A_343 = tpu.memref_slice %dma_start3A_342[%mul3A_339] : memref<256xi32, #tpu.memory_space<vmem>> -> memref<256xi32, #tpu.memory_space<vmem>>
        %dma_start3A_344 = arith.constant 0 : i32
        %dma_start3A_345 = arith.constant 0 : i32
        %dma_start3A_346 = tpu.memref_slice %arg2[%dma_start3A_344, %dma_start3A_345] : memref<10000x8xf32, #tpu.memory_space<hbm>> -> memref<10000x8xf32, #tpu.memory_space<hbm>>
        tpu.enqueue_indirect_dma source(%dma_start3A_346 : memref<10000x8xf32, #tpu.memory_space<hbm>>) target(%arg11 : memref<256x8xf32, #tpu.memory_space<vmem>>) offsets(%dma_start3A_343 : memref<256xi32, #tpu.memory_space<vmem>>) semaphore(%arg20 : memref<!tpu.dma_semaphore, #tpu.memory_space<semaphore_mem>>)
      } else {
      }
      %add3A_262 = arith.constant 8 : i32
      %add3A_263 = arith.addi %mul3A_169, %add3A_262 : i32
      %add3A_264 = arith.constant 4 : i32
      %add3A_265 = arith.addi %add3A_263, %add3A_264 : i32
      %lt3A_266 = arith.constant 39 : i32
      %lt3A_267 = arith.cmpi slt, %add3A_265, %lt3A_266 : i32
      %convert_element_type3A_268 = arith.extui %lt3A_267 : i1 to i32
      %cond3A_269 = arith.constant 0 : i32
      %cond3A_270 = arith.cmpi ne, %convert_element_type3A_268, %cond3A_269 : i32
      scf.if %cond3A_270 {
        %dma_wait3A_298 = arith.constant 0 : i32
        %dma_wait3A_299 = arith.constant 0 : i32
        %dma_wait3A_300 = tpu.memref_slice %arg7[%dma_wait3A_298, %dma_wait3A_299] : memref<40x256xi32, #tpu.memory_space<vmem>> -> memref<1x256xi32, #tpu.memory_space<vmem>>
        %dma_wait3A_301 = tpu.memref_squeeze %dma_wait3A_300 : memref<1x256xi32, #tpu.memory_space<vmem>> -> memref<256xi32, #tpu.memory_space<vmem>>
        %dma_wait3A_302 = arith.constant 0 : i32
        %dma_wait3A_303 = tpu.memref_slice %dma_wait3A_301[%dma_wait3A_302] : memref<256xi32, #tpu.memory_space<vmem>> -> memref<256xi32, #tpu.memory_space<vmem>>
        %dma_wait3A_304 = arith.constant 0 : i32
        %dma_wait3A_305 = arith.constant 0 : i32
        %dma_wait3A_306 = tpu.memref_slice %arg16[%dma_wait3A_304, %dma_wait3A_305] : memref<10016x8xf32, #tpu.memory_space<vmem_shared>> -> memref<10016x8xf32, #tpu.memory_space<vmem_shared>>
        tpu.wait_indirect_dma semaphore(%arg29 : memref<!tpu.dma_semaphore, #tpu.memory_space<semaphore_mem>>) src(%arg12 : memref<256x8xf32, #tpu.memory_space<vmem>>) dst(%dma_wait3A_306 : memref<10016x8xf32, #tpu.memory_space<vmem_shared>>)
        %jit3A = arith.constant 1 : i32
        %div3A = arith.divsi %add3A_265, %jit3A : i32
        %sign3A = arith.constant 0 : i32
        %sign3A_307 = arith.cmpi sgt, %add3A_265, %sign3A : i32
        %sign3A_308 = arith.extui %sign3A_307 : i1 to i32
        %sign3A_309 = arith.constant 0 : i32
        %sign3A_310 = arith.cmpi slt, %add3A_265, %sign3A_309 : i32
        %sign3A_311 = arith.extui %sign3A_310 : i1 to i32
        %sign3A_312 = arith.subi %sign3A_308, %sign3A_311 : i32
        %sign3A_313 = arith.constant 0 : i32
        %sign3A_314 = arith.cmpi sgt, %jit3A, %sign3A_313 : i32
        %sign3A_315 = arith.extui %sign3A_314 : i1 to i32
        %sign3A_316 = arith.constant 0 : i32
        %sign3A_317 = arith.cmpi slt, %jit3A, %sign3A_316 : i32
        %sign3A_318 = arith.extui %sign3A_317 : i1 to i32
        %sign3A_319 = arith.subi %sign3A_315, %sign3A_318 : i32
        %ne3A = arith.cmpi ne, %sign3A_312, %sign3A_319 : i32
        %rem3A = arith.remsi %add3A_265, %jit3A : i32
        %ne3A_320 = arith.constant 0 : i32
        %ne3A_321 = arith.cmpi ne, %rem3A, %ne3A_320 : i32
        %and3A = arith.andi %ne3A, %ne3A_321 : i1
        %sub3A = arith.constant 1 : i32
        %sub3A_322 = arith.subi %div3A, %sub3A : i32
        %select_n3A = arith.select %and3A, %sub3A_322, %div3A : i32
        %jit3A_323 = arith.constant 1 : i32
        %eq3A = arith.constant 0 : i32
        %eq3A_324 = arith.cmpi eq, %jit3A_323, %eq3A : i32
        %jit3A_325 = arith.constant 1 : i32
        %select_n3A_326 = arith.select %eq3A_324, %jit3A_325, %jit3A_323 : i32
        %rem3A_327 = arith.remsi %add3A_265, %select_n3A_326 : i32
        %ne3A_328 = arith.constant 0 : i32
        %ne3A_329 = arith.cmpi ne, %rem3A_327, %ne3A_328 : i32
        %lt3A_330 = arith.constant 0 : i32
        %lt3A_331 = arith.cmpi slt, %rem3A_327, %lt3A_330 : i32
        %lt3A_332 = arith.constant 0 : i32
        %lt3A_333 = arith.cmpi slt, %select_n3A_326, %lt3A_332 : i32
        %ne3A_334 = arith.xori %lt3A_331, %lt3A_333 : i1
        %and3A_335 = arith.andi %ne3A_334, %ne3A_329 : i1
        %add3A_336 = arith.addi %rem3A_327, %select_n3A_326 : i32
        %select_n3A_337 = arith.select %and3A_335, %add3A_336, %rem3A_327 : i32
        %mul3A_338 = arith.constant 256 : i32
        %mul3A_339 = arith.muli %select_n3A_337, %mul3A_338 : i32
        %dma_start3A_340 = arith.constant 0 : i32
        %dma_start3A_341 = tpu.memref_slice %arg6[%select_n3A, %dma_start3A_340] : memref<40x256xi32, #tpu.memory_space<vmem>> -> memref<1x256xi32, #tpu.memory_space<vmem>>
        %dma_start3A_342 = tpu.memref_squeeze %dma_start3A_341 : memref<1x256xi32, #tpu.memory_space<vmem>> -> memref<256xi32, #tpu.memory_space<vmem>>
        %dma_start3A_343 = tpu.memref_slice %dma_start3A_342[%mul3A_339] : memref<256xi32, #tpu.memory_space<vmem>> -> memref<256xi32, #tpu.memory_space<vmem>>
        %dma_start3A_344 = arith.constant 0 : i32
        %dma_start3A_345 = arith.constant 0 : i32
        %dma_start3A_346 = tpu.memref_slice %arg2[%dma_start3A_344, %dma_start3A_345] : memref<10000x8xf32, #tpu.memory_space<hbm>> -> memref<10000x8xf32, #tpu.memory_space<hbm>>
        tpu.enqueue_indirect_dma source(%dma_start3A_346 : memref<10000x8xf32, #tpu.memory_space<hbm>>) target(%arg12 : memref<256x8xf32, #tpu.memory_space<vmem>>) offsets(%dma_start3A_343 : memref<256xi32, #tpu.memory_space<vmem>>) semaphore(%arg21 : memref<!tpu.dma_semaphore, #tpu.memory_space<semaphore_mem>>)
      } else {
      }
      %add3A_271 = arith.constant 8 : i32
      %add3A_272 = arith.addi %mul3A_169, %add3A_271 : i32
      %add3A_273 = arith.constant 5 : i32
      %add3A_274 = arith.addi %add3A_272, %add3A_273 : i32
      %lt3A_275 = arith.constant 39 : i32
      %lt3A_276 = arith.cmpi slt, %add3A_274, %lt3A_275 : i32
      %convert_element_type3A_277 = arith.extui %lt3A_276 : i1 to i32
      %cond3A_278 = arith.constant 0 : i32
      %cond3A_279 = arith.cmpi ne, %convert_element_type3A_277, %cond3A_278 : i32
      scf.if %cond3A_279 {
        %dma_wait3A_298 = arith.constant 0 : i32
        %dma_wait3A_299 = arith.constant 0 : i32
        %dma_wait3A_300 = tpu.memref_slice %arg7[%dma_wait3A_298, %dma_wait3A_299] : memref<40x256xi32, #tpu.memory_space<vmem>> -> memref<1x256xi32, #tpu.memory_space<vmem>>
        %dma_wait3A_301 = tpu.memref_squeeze %dma_wait3A_300 : memref<1x256xi32, #tpu.memory_space<vmem>> -> memref<256xi32, #tpu.memory_space<vmem>>
        %dma_wait3A_302 = arith.constant 0 : i32
        %dma_wait3A_303 = tpu.memref_slice %dma_wait3A_301[%dma_wait3A_302] : memref<256xi32, #tpu.memory_space<vmem>> -> memref<256xi32, #tpu.memory_space<vmem>>
        %dma_wait3A_304 = arith.constant 0 : i32
        %dma_wait3A_305 = arith.constant 0 : i32
        %dma_wait3A_306 = tpu.memref_slice %arg16[%dma_wait3A_304, %dma_wait3A_305] : memref<10016x8xf32, #tpu.memory_space<vmem_shared>> -> memref<10016x8xf32, #tpu.memory_space<vmem_shared>>
        tpu.wait_indirect_dma semaphore(%arg30 : memref<!tpu.dma_semaphore, #tpu.memory_space<semaphore_mem>>) src(%arg13 : memref<256x8xf32, #tpu.memory_space<vmem>>) dst(%dma_wait3A_306 : memref<10016x8xf32, #tpu.memory_space<vmem_shared>>)
        %jit3A = arith.constant 1 : i32
        %div3A = arith.divsi %add3A_274, %jit3A : i32
        %sign3A = arith.constant 0 : i32
        %sign3A_307 = arith.cmpi sgt, %add3A_274, %sign3A : i32
        %sign3A_308 = arith.extui %sign3A_307 : i1 to i32
        %sign3A_309 = arith.constant 0 : i32
        %sign3A_310 = arith.cmpi slt, %add3A_274, %sign3A_309 : i32
        %sign3A_311 = arith.extui %sign3A_310 : i1 to i32
        %sign3A_312 = arith.subi %sign3A_308, %sign3A_311 : i32
        %sign3A_313 = arith.constant 0 : i32
        %sign3A_314 = arith.cmpi sgt, %jit3A, %sign3A_313 : i32
        %sign3A_315 = arith.extui %sign3A_314 : i1 to i32
        %sign3A_316 = arith.constant 0 : i32
        %sign3A_317 = arith.cmpi slt, %jit3A, %sign3A_316 : i32
        %sign3A_318 = arith.extui %sign3A_317 : i1 to i32
        %sign3A_319 = arith.subi %sign3A_315, %sign3A_318 : i32
        %ne3A = arith.cmpi ne, %sign3A_312, %sign3A_319 : i32
        %rem3A = arith.remsi %add3A_274, %jit3A : i32
        %ne3A_320 = arith.constant 0 : i32
        %ne3A_321 = arith.cmpi ne, %rem3A, %ne3A_320 : i32
        %and3A = arith.andi %ne3A, %ne3A_321 : i1
        %sub3A = arith.constant 1 : i32
        %sub3A_322 = arith.subi %div3A, %sub3A : i32
        %select_n3A = arith.select %and3A, %sub3A_322, %div3A : i32
        %jit3A_323 = arith.constant 1 : i32
        %eq3A = arith.constant 0 : i32
        %eq3A_324 = arith.cmpi eq, %jit3A_323, %eq3A : i32
        %jit3A_325 = arith.constant 1 : i32
        %select_n3A_326 = arith.select %eq3A_324, %jit3A_325, %jit3A_323 : i32
        %rem3A_327 = arith.remsi %add3A_274, %select_n3A_326 : i32
        %ne3A_328 = arith.constant 0 : i32
        %ne3A_329 = arith.cmpi ne, %rem3A_327, %ne3A_328 : i32
        %lt3A_330 = arith.constant 0 : i32
        %lt3A_331 = arith.cmpi slt, %rem3A_327, %lt3A_330 : i32
        %lt3A_332 = arith.constant 0 : i32
        %lt3A_333 = arith.cmpi slt, %select_n3A_326, %lt3A_332 : i32
        %ne3A_334 = arith.xori %lt3A_331, %lt3A_333 : i1
        %and3A_335 = arith.andi %ne3A_334, %ne3A_329 : i1
        %add3A_336 = arith.addi %rem3A_327, %select_n3A_326 : i32
        %select_n3A_337 = arith.select %and3A_335, %add3A_336, %rem3A_327 : i32
        %mul3A_338 = arith.constant 256 : i32
        %mul3A_339 = arith.muli %select_n3A_337, %mul3A_338 : i32
        %dma_start3A_340 = arith.constant 0 : i32
        %dma_start3A_341 = tpu.memref_slice %arg6[%select_n3A, %dma_start3A_340] : memref<40x256xi32, #tpu.memory_space<vmem>> -> memref<1x256xi32, #tpu.memory_space<vmem>>
        %dma_start3A_342 = tpu.memref_squeeze %dma_start3A_341 : memref<1x256xi32, #tpu.memory_space<vmem>> -> memref<256xi32, #tpu.memory_space<vmem>>
        %dma_start3A_343 = tpu.memref_slice %dma_start3A_342[%mul3A_339] : memref<256xi32, #tpu.memory_space<vmem>> -> memref<256xi32, #tpu.memory_space<vmem>>
        %dma_start3A_344 = arith.constant 0 : i32
        %dma_start3A_345 = arith.constant 0 : i32
        %dma_start3A_346 = tpu.memref_slice %arg2[%dma_start3A_344, %dma_start3A_345] : memref<10000x8xf32, #tpu.memory_space<hbm>> -> memref<10000x8xf32, #tpu.memory_space<hbm>>
        tpu.enqueue_indirect_dma source(%dma_start3A_346 : memref<10000x8xf32, #tpu.memory_space<hbm>>) target(%arg13 : memref<256x8xf32, #tpu.memory_space<vmem>>) offsets(%dma_start3A_343 : memref<256xi32, #tpu.memory_space<vmem>>) semaphore(%arg22 : memref<!tpu.dma_semaphore, #tpu.memory_space<semaphore_mem>>)
      } else {
      }
      %add3A_280 = arith.constant 8 : i32
      %add3A_281 = arith.addi %mul3A_169, %add3A_280 : i32
      %add3A_282 = arith.constant 6 : i32
      %add3A_283 = arith.addi %add3A_281, %add3A_282 : i32
      %lt3A_284 = arith.constant 39 : i32
      %lt3A_285 = arith.cmpi slt, %add3A_283, %lt3A_284 : i32
      %convert_element_type3A_286 = arith.extui %lt3A_285 : i1 to i32
      %cond3A_287 = arith.constant 0 : i32
      %cond3A_288 = arith.cmpi ne, %convert_element_type3A_286, %cond3A_287 : i32
      scf.if %cond3A_288 {
        %dma_wait3A_298 = arith.constant 0 : i32
        %dma_wait3A_299 = arith.constant 0 : i32
        %dma_wait3A_300 = tpu.memref_slice %arg7[%dma_wait3A_298, %dma_wait3A_299] : memref<40x256xi32, #tpu.memory_space<vmem>> -> memref<1x256xi32, #tpu.memory_space<vmem>>
        %dma_wait3A_301 = tpu.memref_squeeze %dma_wait3A_300 : memref<1x256xi32, #tpu.memory_space<vmem>> -> memref<256xi32, #tpu.memory_space<vmem>>
        %dma_wait3A_302 = arith.constant 0 : i32
        %dma_wait3A_303 = tpu.memref_slice %dma_wait3A_301[%dma_wait3A_302] : memref<256xi32, #tpu.memory_space<vmem>> -> memref<256xi32, #tpu.memory_space<vmem>>
        %dma_wait3A_304 = arith.constant 0 : i32
        %dma_wait3A_305 = arith.constant 0 : i32
        %dma_wait3A_306 = tpu.memref_slice %arg16[%dma_wait3A_304, %dma_wait3A_305] : memref<10016x8xf32, #tpu.memory_space<vmem_shared>> -> memref<10016x8xf32, #tpu.memory_space<vmem_shared>>
        tpu.wait_indirect_dma semaphore(%arg31 : memref<!tpu.dma_semaphore, #tpu.memory_space<semaphore_mem>>) src(%arg14 : memref<256x8xf32, #tpu.memory_space<vmem>>) dst(%dma_wait3A_306 : memref<10016x8xf32, #tpu.memory_space<vmem_shared>>)
        %jit3A = arith.constant 1 : i32
        %div3A = arith.divsi %add3A_283, %jit3A : i32
        %sign3A = arith.constant 0 : i32
        %sign3A_307 = arith.cmpi sgt, %add3A_283, %sign3A : i32
        %sign3A_308 = arith.extui %sign3A_307 : i1 to i32
        %sign3A_309 = arith.constant 0 : i32
        %sign3A_310 = arith.cmpi slt, %add3A_283, %sign3A_309 : i32
        %sign3A_311 = arith.extui %sign3A_310 : i1 to i32
        %sign3A_312 = arith.subi %sign3A_308, %sign3A_311 : i32
        %sign3A_313 = arith.constant 0 : i32
        %sign3A_314 = arith.cmpi sgt, %jit3A, %sign3A_313 : i32
        %sign3A_315 = arith.extui %sign3A_314 : i1 to i32
        %sign3A_316 = arith.constant 0 : i32
        %sign3A_317 = arith.cmpi slt, %jit3A, %sign3A_316 : i32
        %sign3A_318 = arith.extui %sign3A_317 : i1 to i32
        %sign3A_319 = arith.subi %sign3A_315, %sign3A_318 : i32
        %ne3A = arith.cmpi ne, %sign3A_312, %sign3A_319 : i32
        %rem3A = arith.remsi %add3A_283, %jit3A : i32
        %ne3A_320 = arith.constant 0 : i32
        %ne3A_321 = arith.cmpi ne, %rem3A, %ne3A_320 : i32
        %and3A = arith.andi %ne3A, %ne3A_321 : i1
        %sub3A = arith.constant 1 : i32
        %sub3A_322 = arith.subi %div3A, %sub3A : i32
        %select_n3A = arith.select %and3A, %sub3A_322, %div3A : i32
        %jit3A_323 = arith.constant 1 : i32
        %eq3A = arith.constant 0 : i32
        %eq3A_324 = arith.cmpi eq, %jit3A_323, %eq3A : i32
        %jit3A_325 = arith.constant 1 : i32
        %select_n3A_326 = arith.select %eq3A_324, %jit3A_325, %jit3A_323 : i32
        %rem3A_327 = arith.remsi %add3A_283, %select_n3A_326 : i32
        %ne3A_328 = arith.constant 0 : i32
        %ne3A_329 = arith.cmpi ne, %rem3A_327, %ne3A_328 : i32
        %lt3A_330 = arith.constant 0 : i32
        %lt3A_331 = arith.cmpi slt, %rem3A_327, %lt3A_330 : i32
        %lt3A_332 = arith.constant 0 : i32
        %lt3A_333 = arith.cmpi slt, %select_n3A_326, %lt3A_332 : i32
        %ne3A_334 = arith.xori %lt3A_331, %lt3A_333 : i1
        %and3A_335 = arith.andi %ne3A_334, %ne3A_329 : i1
        %add3A_336 = arith.addi %rem3A_327, %select_n3A_326 : i32
        %select_n3A_337 = arith.select %and3A_335, %add3A_336, %rem3A_327 : i32
        %mul3A_338 = arith.constant 256 : i32
        %mul3A_339 = arith.muli %select_n3A_337, %mul3A_338 : i32
        %dma_start3A_340 = arith.constant 0 : i32
        %dma_start3A_341 = tpu.memref_slice %arg6[%select_n3A, %dma_start3A_340] : memref<40x256xi32, #tpu.memory_space<vmem>> -> memref<1x256xi32, #tpu.memory_space<vmem>>
        %dma_start3A_342 = tpu.memref_squeeze %dma_start3A_341 : memref<1x256xi32, #tpu.memory_space<vmem>> -> memref<256xi32, #tpu.memory_space<vmem>>
        %dma_start3A_343 = tpu.memref_slice %dma_start3A_342[%mul3A_339] : memref<256xi32, #tpu.memory_space<vmem>> -> memref<256xi32, #tpu.memory_space<vmem>>
        %dma_start3A_344 = arith.constant 0 : i32
        %dma_start3A_345 = arith.constant 0 : i32
        %dma_start3A_346 = tpu.memref_slice %arg2[%dma_start3A_344, %dma_start3A_345] : memref<10000x8xf32, #tpu.memory_space<hbm>> -> memref<10000x8xf32, #tpu.memory_space<hbm>>
        tpu.enqueue_indirect_dma source(%dma_start3A_346 : memref<10000x8xf32, #tpu.memory_space<hbm>>) target(%arg14 : memref<256x8xf32, #tpu.memory_space<vmem>>) offsets(%dma_start3A_343 : memref<256xi32, #tpu.memory_space<vmem>>) semaphore(%arg23 : memref<!tpu.dma_semaphore, #tpu.memory_space<semaphore_mem>>)
      } else {
      }
      %add3A_289 = arith.constant 8 : i32
      %add3A_290 = arith.addi %mul3A_169, %add3A_289 : i32
      %add3A_291 = arith.constant 7 : i32
      %add3A_292 = arith.addi %add3A_290, %add3A_291 : i32
      %lt3A_293 = arith.constant 39 : i32
      %lt3A_294 = arith.cmpi slt, %add3A_292, %lt3A_293 : i32
      %convert_element_type3A_295 = arith.extui %lt3A_294 : i1 to i32
      %cond3A_296 = arith.constant 0 : i32
      %cond3A_297 = arith.cmpi ne, %convert_element_type3A_295, %cond3A_296 : i32
      scf.if %cond3A_297 {
        %dma_wait3A_298 = arith.constant 0 : i32
        %dma_wait3A_299 = arith.constant 0 : i32
        %dma_wait3A_300 = tpu.memref_slice %arg7[%dma_wait3A_298, %dma_wait3A_299] : memref<40x256xi32, #tpu.memory_space<vmem>> -> memref<1x256xi32, #tpu.memory_space<vmem>>
        %dma_wait3A_301 = tpu.memref_squeeze %dma_wait3A_300 : memref<1x256xi32, #tpu.memory_space<vmem>> -> memref<256xi32, #tpu.memory_space<vmem>>
        %dma_wait3A_302 = arith.constant 0 : i32
        %dma_wait3A_303 = tpu.memref_slice %dma_wait3A_301[%dma_wait3A_302] : memref<256xi32, #tpu.memory_space<vmem>> -> memref<256xi32, #tpu.memory_space<vmem>>
        %dma_wait3A_304 = arith.constant 0 : i32
        %dma_wait3A_305 = arith.constant 0 : i32
        %dma_wait3A_306 = tpu.memref_slice %arg16[%dma_wait3A_304, %dma_wait3A_305] : memref<10016x8xf32, #tpu.memory_space<vmem_shared>> -> memref<10016x8xf32, #tpu.memory_space<vmem_shared>>
        tpu.wait_indirect_dma semaphore(%arg32 : memref<!tpu.dma_semaphore, #tpu.memory_space<semaphore_mem>>) src(%arg15 : memref<256x8xf32, #tpu.memory_space<vmem>>) dst(%dma_wait3A_306 : memref<10016x8xf32, #tpu.memory_space<vmem_shared>>)
        %jit3A = arith.constant 1 : i32
        %div3A = arith.divsi %add3A_292, %jit3A : i32
        %sign3A = arith.constant 0 : i32
        %sign3A_307 = arith.cmpi sgt, %add3A_292, %sign3A : i32
        %sign3A_308 = arith.extui %sign3A_307 : i1 to i32
        %sign3A_309 = arith.constant 0 : i32
        %sign3A_310 = arith.cmpi slt, %add3A_292, %sign3A_309 : i32
        %sign3A_311 = arith.extui %sign3A_310 : i1 to i32
        %sign3A_312 = arith.subi %sign3A_308, %sign3A_311 : i32
        %sign3A_313 = arith.constant 0 : i32
        %sign3A_314 = arith.cmpi sgt, %jit3A, %sign3A_313 : i32
        %sign3A_315 = arith.extui %sign3A_314 : i1 to i32
        %sign3A_316 = arith.constant 0 : i32
        %sign3A_317 = arith.cmpi slt, %jit3A, %sign3A_316 : i32
        %sign3A_318 = arith.extui %sign3A_317 : i1 to i32
        %sign3A_319 = arith.subi %sign3A_315, %sign3A_318 : i32
        %ne3A = arith.cmpi ne, %sign3A_312, %sign3A_319 : i32
        %rem3A = arith.remsi %add3A_292, %jit3A : i32
        %ne3A_320 = arith.constant 0 : i32
        %ne3A_321 = arith.cmpi ne, %rem3A, %ne3A_320 : i32
        %and3A = arith.andi %ne3A, %ne3A_321 : i1
        %sub3A = arith.constant 1 : i32
        %sub3A_322 = arith.subi %div3A, %sub3A : i32
        %select_n3A = arith.select %and3A, %sub3A_322, %div3A : i32
        %jit3A_323 = arith.constant 1 : i32
        %eq3A = arith.constant 0 : i32
        %eq3A_324 = arith.cmpi eq, %jit3A_323, %eq3A : i32
        %jit3A_325 = arith.constant 1 : i32
        %select_n3A_326 = arith.select %eq3A_324, %jit3A_325, %jit3A_323 : i32
        %rem3A_327 = arith.remsi %add3A_292, %select_n3A_326 : i32
        %ne3A_328 = arith.constant 0 : i32
        %ne3A_329 = arith.cmpi ne, %rem3A_327, %ne3A_328 : i32
        %lt3A_330 = arith.constant 0 : i32
        %lt3A_331 = arith.cmpi slt, %rem3A_327, %lt3A_330 : i32
        %lt3A_332 = arith.constant 0 : i32
        %lt3A_333 = arith.cmpi slt, %select_n3A_326, %lt3A_332 : i32
        %ne3A_334 = arith.xori %lt3A_331, %lt3A_333 : i1
        %and3A_335 = arith.andi %ne3A_334, %ne3A_329 : i1
        %add3A_336 = arith.addi %rem3A_327, %select_n3A_326 : i32
        %select_n3A_337 = arith.select %and3A_335, %add3A_336, %rem3A_327 : i32
        %mul3A_338 = arith.constant 256 : i32
        %mul3A_339 = arith.muli %select_n3A_337, %mul3A_338 : i32
        %dma_start3A_340 = arith.constant 0 : i32
        %dma_start3A_341 = tpu.memref_slice %arg6[%select_n3A, %dma_start3A_340] : memref<40x256xi32, #tpu.memory_space<vmem>> -> memref<1x256xi32, #tpu.memory_space<vmem>>
        %dma_start3A_342 = tpu.memref_squeeze %dma_start3A_341 : memref<1x256xi32, #tpu.memory_space<vmem>> -> memref<256xi32, #tpu.memory_space<vmem>>
        %dma_start3A_343 = tpu.memref_slice %dma_start3A_342[%mul3A_339] : memref<256xi32, #tpu.memory_space<vmem>> -> memref<256xi32, #tpu.memory_space<vmem>>
        %dma_start3A_344 = arith.constant 0 : i32
        %dma_start3A_345 = arith.constant 0 : i32
        %dma_start3A_346 = tpu.memref_slice %arg2[%dma_start3A_344, %dma_start3A_345] : memref<10000x8xf32, #tpu.memory_space<hbm>> -> memref<10000x8xf32, #tpu.memory_space<hbm>>
        tpu.enqueue_indirect_dma source(%dma_start3A_346 : memref<10000x8xf32, #tpu.memory_space<hbm>>) target(%arg15 : memref<256x8xf32, #tpu.memory_space<vmem>>) offsets(%dma_start3A_343 : memref<256xi32, #tpu.memory_space<vmem>>) semaphore(%arg24 : memref<!tpu.dma_semaphore, #tpu.memory_space<semaphore_mem>>)
      } else {
      }
    }
    %scan3A_85 = arith.constant 5 : i32
    %dma_wait3A = arith.constant 0 : i32
    %dma_wait3A_86 = arith.constant 0 : i32
    %dma_wait3A_87 = tpu.memref_slice %arg7[%dma_wait3A, %dma_wait3A_86] : memref<40x256xi32, #tpu.memory_space<vmem>> -> memref<1x256xi32, #tpu.memory_space<vmem>>
    %dma_wait3A_88 = tpu.memref_squeeze %dma_wait3A_87 : memref<1x256xi32, #tpu.memory_space<vmem>> -> memref<256xi32, #tpu.memory_space<vmem>>
    %dma_wait3A_89 = arith.constant 0 : i32
    %dma_wait3A_90 = tpu.memref_slice %dma_wait3A_88[%dma_wait3A_89] : memref<256xi32, #tpu.memory_space<vmem>> -> memref<256xi32, #tpu.memory_space<vmem>>
    %dma_wait3A_91 = arith.constant 0 : i32
    %dma_wait3A_92 = arith.constant 0 : i32
    %dma_wait3A_93 = tpu.memref_slice %arg16[%dma_wait3A_91, %dma_wait3A_92] : memref<10016x8xf32, #tpu.memory_space<vmem_shared>> -> memref<10016x8xf32, #tpu.memory_space<vmem_shared>>
    tpu.wait_indirect_dma semaphore(%arg25 : memref<!tpu.dma_semaphore, #tpu.memory_space<semaphore_mem>>) src(%arg8 : memref<256x8xf32, #tpu.memory_space<vmem>>) dst(%dma_wait3A_93 : memref<10016x8xf32, #tpu.memory_space<vmem_shared>>)
    %dma_wait3A_94 = arith.constant 0 : i32
    %dma_wait3A_95 = arith.constant 0 : i32
    %dma_wait3A_96 = tpu.memref_slice %arg7[%dma_wait3A_94, %dma_wait3A_95] : memref<40x256xi32, #tpu.memory_space<vmem>> -> memref<1x256xi32, #tpu.memory_space<vmem>>
    %dma_wait3A_97 = tpu.memref_squeeze %dma_wait3A_96 : memref<1x256xi32, #tpu.memory_space<vmem>> -> memref<256xi32, #tpu.memory_space<vmem>>
    %dma_wait3A_98 = arith.constant 0 : i32
    %dma_wait3A_99 = tpu.memref_slice %dma_wait3A_97[%dma_wait3A_98] : memref<256xi32, #tpu.memory_space<vmem>> -> memref<256xi32, #tpu.memory_space<vmem>>
    %dma_wait3A_100 = arith.constant 0 : i32
    %dma_wait3A_101 = arith.constant 0 : i32
    %dma_wait3A_102 = tpu.memref_slice %arg16[%dma_wait3A_100, %dma_wait3A_101] : memref<10016x8xf32, #tpu.memory_space<vmem_shared>> -> memref<10016x8xf32, #tpu.memory_space<vmem_shared>>
    tpu.wait_indirect_dma semaphore(%arg26 : memref<!tpu.dma_semaphore, #tpu.memory_space<semaphore_mem>>) src(%arg9 : memref<256x8xf32, #tpu.memory_space<vmem>>) dst(%dma_wait3A_102 : memref<10016x8xf32, #tpu.memory_space<vmem_shared>>)
    %dma_wait3A_103 = arith.constant 0 : i32
    %dma_wait3A_104 = arith.constant 0 : i32
    %dma_wait3A_105 = tpu.memref_slice %arg7[%dma_wait3A_103, %dma_wait3A_104] : memref<40x256xi32, #tpu.memory_space<vmem>> -> memref<1x256xi32, #tpu.memory_space<vmem>>
    %dma_wait3A_106 = tpu.memref_squeeze %dma_wait3A_105 : memref<1x256xi32, #tpu.memory_space<vmem>> -> memref<256xi32, #tpu.memory_space<vmem>>
    %dma_wait3A_107 = arith.constant 0 : i32
    %dma_wait3A_108 = tpu.memref_slice %dma_wait3A_106[%dma_wait3A_107] : memref<256xi32, #tpu.memory_space<vmem>> -> memref<256xi32, #tpu.memory_space<vmem>>
    %dma_wait3A_109 = arith.constant 0 : i32
    %dma_wait3A_110 = arith.constant 0 : i32
    %dma_wait3A_111 = tpu.memref_slice %arg16[%dma_wait3A_109, %dma_wait3A_110] : memref<10016x8xf32, #tpu.memory_space<vmem_shared>> -> memref<10016x8xf32, #tpu.memory_space<vmem_shared>>
    tpu.wait_indirect_dma semaphore(%arg27 : memref<!tpu.dma_semaphore, #tpu.memory_space<semaphore_mem>>) src(%arg10 : memref<256x8xf32, #tpu.memory_space<vmem>>) dst(%dma_wait3A_111 : memref<10016x8xf32, #tpu.memory_space<vmem_shared>>)
    %dma_wait3A_112 = arith.constant 0 : i32
    %dma_wait3A_113 = arith.constant 0 : i32
    %dma_wait3A_114 = tpu.memref_slice %arg7[%dma_wait3A_112, %dma_wait3A_113] : memref<40x256xi32, #tpu.memory_space<vmem>> -> memref<1x256xi32, #tpu.memory_space<vmem>>
    %dma_wait3A_115 = tpu.memref_squeeze %dma_wait3A_114 : memref<1x256xi32, #tpu.memory_space<vmem>> -> memref<256xi32, #tpu.memory_space<vmem>>
    %dma_wait3A_116 = arith.constant 0 : i32
    %dma_wait3A_117 = tpu.memref_slice %dma_wait3A_115[%dma_wait3A_116] : memref<256xi32, #tpu.memory_space<vmem>> -> memref<256xi32, #tpu.memory_space<vmem>>
    %dma_wait3A_118 = arith.constant 0 : i32
    %dma_wait3A_119 = arith.constant 0 : i32
    %dma_wait3A_120 = tpu.memref_slice %arg16[%dma_wait3A_118, %dma_wait3A_119] : memref<10016x8xf32, #tpu.memory_space<vmem_shared>> -> memref<10016x8xf32, #tpu.memory_space<vmem_shared>>
    tpu.wait_indirect_dma semaphore(%arg28 : memref<!tpu.dma_semaphore, #tpu.memory_space<semaphore_mem>>) src(%arg11 : memref<256x8xf32, #tpu.memory_space<vmem>>) dst(%dma_wait3A_120 : memref<10016x8xf32, #tpu.memory_space<vmem_shared>>)
    %dma_wait3A_121 = arith.constant 0 : i32
    %dma_wait3A_122 = arith.constant 0 : i32
    %dma_wait3A_123 = tpu.memref_slice %arg7[%dma_wait3A_121, %dma_wait3A_122] : memref<40x256xi32, #tpu.memory_space<vmem>> -> memref<1x256xi32, #tpu.memory_space<vmem>>
    %dma_wait3A_124 = tpu.memref_squeeze %dma_wait3A_123 : memref<1x256xi32, #tpu.memory_space<vmem>> -> memref<256xi32, #tpu.memory_space<vmem>>
    %dma_wait3A_125 = arith.constant 0 : i32
    %dma_wait3A_126 = tpu.memref_slice %dma_wait3A_124[%dma_wait3A_125] : memref<256xi32, #tpu.memory_space<vmem>> -> memref<256xi32, #tpu.memory_space<vmem>>
    %dma_wait3A_127 = arith.constant 0 : i32
    %dma_wait3A_128 = arith.constant 0 : i32
    %dma_wait3A_129 = tpu.memref_slice %arg16[%dma_wait3A_127, %dma_wait3A_128] : memref<10016x8xf32, #tpu.memory_space<vmem_shared>> -> memref<10016x8xf32, #tpu.memory_space<vmem_shared>>
    tpu.wait_indirect_dma semaphore(%arg29 : memref<!tpu.dma_semaphore, #tpu.memory_space<semaphore_mem>>) src(%arg12 : memref<256x8xf32, #tpu.memory_space<vmem>>) dst(%dma_wait3A_129 : memref<10016x8xf32, #tpu.memory_space<vmem_shared>>)
    %dma_wait3A_130 = arith.constant 0 : i32
    %dma_wait3A_131 = arith.constant 0 : i32
    %dma_wait3A_132 = tpu.memref_slice %arg7[%dma_wait3A_130, %dma_wait3A_131] : memref<40x256xi32, #tpu.memory_space<vmem>> -> memref<1x256xi32, #tpu.memory_space<vmem>>
    %dma_wait3A_133 = tpu.memref_squeeze %dma_wait3A_132 : memref<1x256xi32, #tpu.memory_space<vmem>> -> memref<256xi32, #tpu.memory_space<vmem>>
    %dma_wait3A_134 = arith.constant 0 : i32
    %dma_wait3A_135 = tpu.memref_slice %dma_wait3A_133[%dma_wait3A_134] : memref<256xi32, #tpu.memory_space<vmem>> -> memref<256xi32, #tpu.memory_space<vmem>>
    %dma_wait3A_136 = arith.constant 0 : i32
    %dma_wait3A_137 = arith.constant 0 : i32
    %dma_wait3A_138 = tpu.memref_slice %arg16[%dma_wait3A_136, %dma_wait3A_137] : memref<10016x8xf32, #tpu.memory_space<vmem_shared>> -> memref<10016x8xf32, #tpu.memory_space<vmem_shared>>
    tpu.wait_indirect_dma semaphore(%arg30 : memref<!tpu.dma_semaphore, #tpu.memory_space<semaphore_mem>>) src(%arg13 : memref<256x8xf32, #tpu.memory_space<vmem>>) dst(%dma_wait3A_138 : memref<10016x8xf32, #tpu.memory_space<vmem_shared>>)
    %dma_wait3A_139 = arith.constant 0 : i32
    %dma_wait3A_140 = arith.constant 0 : i32
    %dma_wait3A_141 = tpu.memref_slice %arg7[%dma_wait3A_139, %dma_wait3A_140] : memref<40x256xi32, #tpu.memory_space<vmem>> -> memref<1x256xi32, #tpu.memory_space<vmem>>
    %dma_wait3A_142 = tpu.memref_squeeze %dma_wait3A_141 : memref<1x256xi32, #tpu.memory_space<vmem>> -> memref<256xi32, #tpu.memory_space<vmem>>
    %dma_wait3A_143 = arith.constant 0 : i32
    %dma_wait3A_144 = tpu.memref_slice %dma_wait3A_142[%dma_wait3A_143] : memref<256xi32, #tpu.memory_space<vmem>> -> memref<256xi32, #tpu.memory_space<vmem>>
    %dma_wait3A_145 = arith.constant 0 : i32
    %dma_wait3A_146 = arith.constant 0 : i32
    %dma_wait3A_147 = tpu.memref_slice %arg16[%dma_wait3A_145, %dma_wait3A_146] : memref<10016x8xf32, #tpu.memory_space<vmem_shared>> -> memref<10016x8xf32, #tpu.memory_space<vmem_shared>>
    tpu.wait_indirect_dma semaphore(%arg31 : memref<!tpu.dma_semaphore, #tpu.memory_space<semaphore_mem>>) src(%arg14 : memref<256x8xf32, #tpu.memory_space<vmem>>) dst(%dma_wait3A_147 : memref<10016x8xf32, #tpu.memory_space<vmem_shared>>)
    %dma_wait3A_148 = arith.constant 0 : i32
    %dma_wait3A_149 = arith.constant 0 : i32
    %dma_wait3A_150 = tpu.memref_slice %arg7[%dma_wait3A_148, %dma_wait3A_149] : memref<40x256xi32, #tpu.memory_space<vmem>> -> memref<1x256xi32, #tpu.memory_space<vmem>>
    %dma_wait3A_151 = tpu.memref_squeeze %dma_wait3A_150 : memref<1x256xi32, #tpu.memory_space<vmem>> -> memref<256xi32, #tpu.memory_space<vmem>>
    %dma_wait3A_152 = arith.constant 0 : i32
    %dma_wait3A_153 = tpu.memref_slice %dma_wait3A_151[%dma_wait3A_152] : memref<256xi32, #tpu.memory_space<vmem>> -> memref<256xi32, #tpu.memory_space<vmem>>
    %dma_wait3A_154 = arith.constant 0 : i32
    %dma_wait3A_155 = arith.constant 0 : i32
    %dma_wait3A_156 = tpu.memref_slice %arg16[%dma_wait3A_154, %dma_wait3A_155] : memref<10016x8xf32, #tpu.memory_space<vmem_shared>> -> memref<10016x8xf32, #tpu.memory_space<vmem_shared>>
    tpu.wait_indirect_dma semaphore(%arg32 : memref<!tpu.dma_semaphore, #tpu.memory_space<semaphore_mem>>) src(%arg15 : memref<256x8xf32, #tpu.memory_space<vmem>>) dst(%dma_wait3A_156 : memref<10016x8xf32, #tpu.memory_space<vmem_shared>>)
    %lt3A_157 = arith.constant 2 : i32
    %lt3A_158 = arith.cmpi slt, %add3A, %lt3A_157 : i32
    %convert_element_type3A_159 = arith.extui %lt3A_158 : i1 to i32
    %cond3A_160 = arith.constant 0 : i32
    %cond3A_161 = arith.cmpi ne, %convert_element_type3A_159, %cond3A_160 : i32
    scf.if %cond3A_161 {
      %run_scoped3A_167 = arith.constant 39 : i32
      "tpu.region"() ({
        %run_scoped3A_169 = tpu.sem_alloc : memref<!tpu.dma_semaphore, #tpu.memory_space<semaphore_mem>>
        %dma_start3A_170 = arith.constant 0 : i32
        %dma_start3A_171 = tpu.memref_slice %arg6[%run_scoped3A_167, %dma_start3A_170] : memref<40x256xi32, #tpu.memory_space<vmem>> -> memref<1x256xi32, #tpu.memory_space<vmem>>
        %dma_start3A_172 = tpu.memref_squeeze %dma_start3A_171 : memref<1x256xi32, #tpu.memory_space<vmem>> -> memref<256xi32, #tpu.memory_space<vmem>>
        %dma_start3A_173 = arith.constant 0 : i32
        %dma_start3A_174 = tpu.memref_slice %dma_start3A_172[%dma_start3A_173] : memref<256xi32, #tpu.memory_space<vmem>> -> memref<256xi32, #tpu.memory_space<vmem>>
        %dma_start3A_175 = arith.constant 0 : i32
        %dma_start3A_176 = arith.constant 0 : i32
        %dma_start3A_177 = tpu.memref_slice %arg2[%dma_start3A_175, %dma_start3A_176] : memref<10000x8xf32, #tpu.memory_space<hbm>> -> memref<10000x8xf32, #tpu.memory_space<hbm>>
        tpu.enqueue_indirect_dma source(%dma_start3A_177 : memref<10000x8xf32, #tpu.memory_space<hbm>>) target(%arg8 : memref<256x8xf32, #tpu.memory_space<vmem>>) offsets(%dma_start3A_174 : memref<256xi32, #tpu.memory_space<vmem>>) semaphore(%run_scoped3A_169 : memref<!tpu.dma_semaphore, #tpu.memory_space<semaphore_mem>>)
        %dma_wait3A_178 = arith.constant 0 : i32
        %dma_wait3A_179 = tpu.memref_slice %arg6[%run_scoped3A_167, %dma_wait3A_178] : memref<40x256xi32, #tpu.memory_space<vmem>> -> memref<1x256xi32, #tpu.memory_space<vmem>>
        %dma_wait3A_180 = tpu.memref_squeeze %dma_wait3A_179 : memref<1x256xi32, #tpu.memory_space<vmem>> -> memref<256xi32, #tpu.memory_space<vmem>>
        %dma_wait3A_181 = arith.constant 0 : i32
        %dma_wait3A_182 = tpu.memref_slice %dma_wait3A_180[%dma_wait3A_181] : memref<256xi32, #tpu.memory_space<vmem>> -> memref<256xi32, #tpu.memory_space<vmem>>
        %dma_wait3A_183 = arith.constant 0 : i32
        %dma_wait3A_184 = arith.constant 0 : i32
        %dma_wait3A_185 = tpu.memref_slice %arg2[%dma_wait3A_183, %dma_wait3A_184] : memref<10000x8xf32, #tpu.memory_space<hbm>> -> memref<10000x8xf32, #tpu.memory_space<hbm>>
        tpu.wait_indirect_dma semaphore(%run_scoped3A_169 : memref<!tpu.dma_semaphore, #tpu.memory_space<semaphore_mem>>) src(%dma_wait3A_185 : memref<10000x8xf32, #tpu.memory_space<hbm>>) dst(%arg8 : memref<256x8xf32, #tpu.memory_space<vmem>>)
        tpu.yield
      }) : () -> ()
      %run_scoped3A_168 = arith.constant 39 : i32
      "tpu.region"() ({
        %run_scoped3A_169 = tpu.sem_alloc : memref<!tpu.dma_semaphore, #tpu.memory_space<semaphore_mem>>
        %dma_start3A_170 = arith.constant 0 : i32
        %dma_start3A_171 = tpu.memref_slice %arg7[%run_scoped3A_168, %dma_start3A_170] : memref<40x256xi32, #tpu.memory_space<vmem>> -> memref<1x256xi32, #tpu.memory_space<vmem>>
        %dma_start3A_172 = tpu.memref_squeeze %dma_start3A_171 : memref<1x256xi32, #tpu.memory_space<vmem>> -> memref<256xi32, #tpu.memory_space<vmem>>
        %dma_start3A_173 = arith.constant 0 : i32
        %dma_start3A_174 = tpu.memref_slice %dma_start3A_172[%dma_start3A_173] : memref<256xi32, #tpu.memory_space<vmem>> -> memref<256xi32, #tpu.memory_space<vmem>>
        %dma_start3A_175 = arith.constant 0 : i32
        %dma_start3A_176 = arith.constant 0 : i32
        %dma_start3A_177 = tpu.memref_slice %arg16[%dma_start3A_175, %dma_start3A_176] : memref<10016x8xf32, #tpu.memory_space<vmem_shared>> -> memref<10016x8xf32, #tpu.memory_space<vmem_shared>>
        tpu.enqueue_indirect_dma source(%arg8 : memref<256x8xf32, #tpu.memory_space<vmem>>) target(%dma_start3A_177 : memref<10016x8xf32, #tpu.memory_space<vmem_shared>>) offsets(%dma_start3A_174 : memref<256xi32, #tpu.memory_space<vmem>>) semaphore(%run_scoped3A_169 : memref<!tpu.dma_semaphore, #tpu.memory_space<semaphore_mem>>) {add = true}
        %dma_wait3A_178 = arith.constant 0 : i32
        %dma_wait3A_179 = tpu.memref_slice %arg7[%run_scoped3A_168, %dma_wait3A_178] : memref<40x256xi32, #tpu.memory_space<vmem>> -> memref<1x256xi32, #tpu.memory_space<vmem>>
        %dma_wait3A_180 = tpu.memref_squeeze %dma_wait3A_179 : memref<1x256xi32, #tpu.memory_space<vmem>> -> memref<256xi32, #tpu.memory_space<vmem>>
        %dma_wait3A_181 = arith.constant 0 : i32
        %dma_wait3A_182 = tpu.memref_slice %dma_wait3A_180[%dma_wait3A_181] : memref<256xi32, #tpu.memory_space<vmem>> -> memref<256xi32, #tpu.memory_space<vmem>>
        %dma_wait3A_183 = arith.constant 0 : i32
        %dma_wait3A_184 = arith.constant 0 : i32
        %dma_wait3A_185 = tpu.memref_slice %arg16[%dma_wait3A_183, %dma_wait3A_184] : memref<10016x8xf32, #tpu.memory_space<vmem_shared>> -> memref<10016x8xf32, #tpu.memory_space<vmem_shared>>
        tpu.wait_indirect_dma semaphore(%run_scoped3A_169 : memref<!tpu.dma_semaphore, #tpu.memory_space<semaphore_mem>>) src(%arg8 : memref<256x8xf32, #tpu.memory_space<vmem>>) dst(%dma_wait3A_185 : memref<10016x8xf32, #tpu.memory_space<vmem_shared>>)
        tpu.yield
      }) : () -> ()
    } else {
    }
    %barrier3A_162 = arith.constant 0 : index
    tpu.barrier barrier_id(%barrier3A_162)
    %mul3A_163 = arith.constant 626 : i32
    %mul3A_164 = arith.muli %arg1, %mul3A_163 : i32
    %mul3A_165 = arith.constant 626 : i32
    %mul3A_166 = arith.muli %arg1, %mul3A_165 : i32
    "tpu.region"() ({
      %run_scoped3A_167 = tpu.sem_alloc : memref<!tpu.dma_semaphore, #tpu.memory_space<semaphore_mem>>
      %dma_start3A_168 = arith.constant 0 : i32
      %dma_start3A_169 = arith.constant 0 : i32
      %dma_start3A_170 = tpu.memref_slice %arg5[%arg0, %dma_start3A_168, %dma_start3A_169] : memref<2x10016x8xf32, #tpu.memory_space<hbm>> -> memref<1x10016x8xf32, #tpu.memory_space<hbm>>
      %dma_start3A_171 = tpu.memref_squeeze %dma_start3A_170 : memref<1x10016x8xf32, #tpu.memory_space<hbm>> -> memref<10016x8xf32, #tpu.memory_space<hbm>>
      %dma_start3A_172 = arith.constant 0 : i32
      %dma_start3A_173 = tpu.memref_slice %dma_start3A_171[%mul3A_166, %dma_start3A_172] : memref<10016x8xf32, #tpu.memory_space<hbm>> -> memref<626x8xf32, #tpu.memory_space<hbm>>
      %dma_start3A_174 = arith.constant 0 : i32
      %dma_start3A_175 = tpu.memref_slice %arg16[%mul3A_164, %dma_start3A_174] : memref<10016x8xf32, #tpu.memory_space<vmem_shared>> -> memref<626x8xf32, #tpu.memory_space<vmem_shared>>
      tpu.enqueue_dma source(%dma_start3A_175 : memref<626x8xf32, #tpu.memory_space<vmem_shared>>) target(%dma_start3A_173 : memref<626x8xf32, #tpu.memory_space<hbm>>) target_semaphore(%run_scoped3A_167 : memref<!tpu.dma_semaphore, #tpu.memory_space<semaphore_mem>>)
      %dma_wait3A_176 = arith.constant 0 : i32
      %dma_wait3A_177 = arith.constant 0 : i32
      %dma_wait3A_178 = tpu.memref_slice %arg5[%arg0, %dma_wait3A_176, %dma_wait3A_177] : memref<2x10016x8xf32, #tpu.memory_space<hbm>> -> memref<1x10016x8xf32, #tpu.memory_space<hbm>>
      %dma_wait3A_179 = tpu.memref_squeeze %dma_wait3A_178 : memref<1x10016x8xf32, #tpu.memory_space<hbm>> -> memref<10016x8xf32, #tpu.memory_space<hbm>>
      %dma_wait3A_180 = arith.constant 0 : i32
      %dma_wait3A_181 = tpu.memref_slice %dma_wait3A_179[%mul3A_166, %dma_wait3A_180] : memref<10016x8xf32, #tpu.memory_space<hbm>> -> memref<626x8xf32, #tpu.memory_space<hbm>>
      %dma_wait3A_182 = arith.constant 0 : i32
      %dma_wait3A_183 = tpu.memref_slice %arg16[%mul3A_164, %dma_wait3A_182] : memref<10016x8xf32, #tpu.memory_space<vmem_shared>> -> memref<626x8xf32, #tpu.memory_space<vmem_shared>>
      tpu.wait_dma2 semaphore(%run_scoped3A_167 : memref<!tpu.dma_semaphore, #tpu.memory_space<semaphore_mem>>) src(%dma_wait3A_183 : memref<626x8xf32, #tpu.memory_space<vmem_shared>>) dst(%dma_wait3A_181 : memref<626x8xf32, #tpu.memory_space<hbm>>)
      tpu.yield
    }) : () -> ()
    return
  }
}

#map = affine_map<(d0, d1) -> (0, 0, 0)>
#map1 = affine_map<(d0, d1) -> (0, 0)>
module attributes {stable_mosaic.version = 14 : i64} {
  func.func @gcn_deg_sc(%arg0: i32, %arg1: i32, %arg2: memref<2x1250x256xi32, #tpu.memory_space<hbm>>, %arg3: memref<256x8xf32, #tpu.memory_space<hbm>>, %arg4: memref<626x8xf32, #tpu.memory_space<hbm>>, %arg5: memref<2x10016x8xf32, #tpu.memory_space<hbm>>, %arg6: memref<40x256xi32, #tpu.memory_space<vmem>>, %arg7: memref<256x8xf32, #tpu.memory_space<vmem>>, %arg8: memref<10016x8xf32, #tpu.memory_space<vmem_shared>>, %arg9: memref<!tpu.dma_semaphore, #tpu.memory_space<semaphore_mem>>) attributes {dimension_semantics = [#tpu.dimension_semantics<core_parallel>, #tpu.dimension_semantics<subcore_parallel>], iteration_bounds = array<i64: 2, 16>, scalar_prefetch = 0 : i64, scratch_operands = 4 : i64, tpu.core_type = #tpu.core_type<sc_vector_subcore>, window_params = [{transform_indices = #map}, {transform_indices = #map1}, {transform_indices = #map1}, {transform_indices = #map}]} {
    %mul3A = arith.constant 16 : i32
    %mul3A_0 = arith.muli %arg0, %mul3A : i32
    %add3A = arith.addi %mul3A_0, %arg1 : i32
    %mul3A_1 = arith.constant 39 : i32
    %mul3A_2 = arith.muli %add3A, %mul3A_1 : i32
    %run_scoped3A = arith.constant 1 : i32
    "tpu.region"() ({
      %run_scoped3A_23 = tpu.sem_alloc : memref<!tpu.dma_semaphore, #tpu.memory_space<semaphore_mem>>
      %dma_start3A = arith.constant 0 : i32
      %dma_start3A_24 = arith.constant 0 : i32
      %dma_start3A_25 = tpu.memref_slice %arg6[%dma_start3A, %dma_start3A_24] : memref<40x256xi32, #tpu.memory_space<vmem>> -> memref<39x256xi32, #tpu.memory_space<vmem>>
      %dma_start3A_26 = arith.constant 0 : i32
      %dma_start3A_27 = arith.constant 0 : i32
      %dma_start3A_28 = tpu.memref_slice %arg2[%run_scoped3A, %dma_start3A_26, %dma_start3A_27] : memref<2x1250x256xi32, #tpu.memory_space<hbm>> -> memref<1x1250x256xi32, #tpu.memory_space<hbm>>
      %dma_start3A_29 = tpu.memref_squeeze %dma_start3A_28 : memref<1x1250x256xi32, #tpu.memory_space<hbm>> -> memref<1250x256xi32, #tpu.memory_space<hbm>>
      %dma_start3A_30 = arith.constant 0 : i32
      %dma_start3A_31 = tpu.memref_slice %dma_start3A_29[%mul3A_2, %dma_start3A_30] : memref<1250x256xi32, #tpu.memory_space<hbm>> -> memref<39x256xi32, #tpu.memory_space<hbm>>
      %dma_start3A_32 = arith.constant 0 : i32
      %dma_start3A_33 = arith.constant 0 : i32
      %dma_start3A_34 = tpu.memref_slice %arg6[%dma_start3A_32, %dma_start3A_33] : memref<40x256xi32, #tpu.memory_space<vmem>> -> memref<39x256xi32, #tpu.memory_space<vmem>>
      %dma_start3A_35 = arith.constant 0 : i32
      %dma_start3A_36 = arith.constant 0 : i32
      %dma_start3A_37 = tpu.memref_slice %arg2[%run_scoped3A, %dma_start3A_35, %dma_start3A_36] : memref<2x1250x256xi32, #tpu.memory_space<hbm>> -> memref<1x1250x256xi32, #tpu.memory_space<hbm>>
      %dma_start3A_38 = tpu.memref_squeeze %dma_start3A_37 : memref<1x1250x256xi32, #tpu.memory_space<hbm>> -> memref<1250x256xi32, #tpu.memory_space<hbm>>
      %dma_start3A_39 = arith.constant 0 : i32
      %dma_start3A_40 = tpu.memref_slice %dma_start3A_38[%mul3A_2, %dma_start3A_39] : memref<1250x256xi32, #tpu.memory_space<hbm>> -> memref<39x256xi32, #tpu.memory_space<hbm>>
      tpu.enqueue_dma source(%dma_start3A_40 : memref<39x256xi32, #tpu.memory_space<hbm>>) target(%dma_start3A_34 : memref<39x256xi32, #tpu.memory_space<vmem>>) target_semaphore(%run_scoped3A_23 : memref<!tpu.dma_semaphore, #tpu.memory_space<semaphore_mem>>)
      %dma_wait3A = arith.constant 0 : i32
      %dma_wait3A_41 = arith.constant 0 : i32
      %dma_wait3A_42 = tpu.memref_slice %arg6[%dma_wait3A, %dma_wait3A_41] : memref<40x256xi32, #tpu.memory_space<vmem>> -> memref<39x256xi32, #tpu.memory_space<vmem>>
      %dma_wait3A_43 = arith.constant 0 : i32
      %dma_wait3A_44 = arith.constant 0 : i32
      %dma_wait3A_45 = tpu.memref_slice %arg2[%run_scoped3A, %dma_wait3A_43, %dma_wait3A_44] : memref<2x1250x256xi32, #tpu.memory_space<hbm>> -> memref<1x1250x256xi32, #tpu.memory_space<hbm>>
      %dma_wait3A_46 = tpu.memref_squeeze %dma_wait3A_45 : memref<1x1250x256xi32, #tpu.memory_space<hbm>> -> memref<1250x256xi32, #tpu.memory_space<hbm>>
      %dma_wait3A_47 = arith.constant 0 : i32
      %dma_wait3A_48 = tpu.memref_slice %dma_wait3A_46[%mul3A_2, %dma_wait3A_47] : memref<1250x256xi32, #tpu.memory_space<hbm>> -> memref<39x256xi32, #tpu.memory_space<hbm>>
      %dma_wait3A_49 = arith.constant 0 : i32
      %dma_wait3A_50 = arith.constant 0 : i32
      %dma_wait3A_51 = tpu.memref_slice %arg6[%dma_wait3A_49, %dma_wait3A_50] : memref<40x256xi32, #tpu.memory_space<vmem>> -> memref<39x256xi32, #tpu.memory_space<vmem>>
      %dma_wait3A_52 = arith.constant 0 : i32
      %dma_wait3A_53 = arith.constant 0 : i32
      %dma_wait3A_54 = tpu.memref_slice %arg2[%run_scoped3A, %dma_wait3A_52, %dma_wait3A_53] : memref<2x1250x256xi32, #tpu.memory_space<hbm>> -> memref<1x1250x256xi32, #tpu.memory_space<hbm>>
      %dma_wait3A_55 = tpu.memref_squeeze %dma_wait3A_54 : memref<1x1250x256xi32, #tpu.memory_space<hbm>> -> memref<1250x256xi32, #tpu.memory_space<hbm>>
      %dma_wait3A_56 = arith.constant 0 : i32
      %dma_wait3A_57 = tpu.memref_slice %dma_wait3A_55[%mul3A_2, %dma_wait3A_56] : memref<1250x256xi32, #tpu.memory_space<hbm>> -> memref<39x256xi32, #tpu.memory_space<hbm>>
      tpu.wait_dma2 semaphore(%run_scoped3A_23 : memref<!tpu.dma_semaphore, #tpu.memory_space<semaphore_mem>>) src(%dma_wait3A_57 : memref<39x256xi32, #tpu.memory_space<hbm>>) dst(%dma_wait3A_51 : memref<39x256xi32, #tpu.memory_space<vmem>>)
      tpu.yield
    }) : () -> ()
    %lt3A = arith.constant 2 : i32
    %lt3A_3 = arith.cmpi slt, %add3A, %lt3A : i32
    %convert_element_type3A = arith.extui %lt3A_3 : i1 to i32
    %cond3A = arith.constant 1 : i32
    %cond3A_4 = arith.constant 0 : i32
    %cond3A_5 = arith.cmpi ne, %convert_element_type3A, %cond3A_4 : i32
    scf.if %cond3A_5 {
      %add3A_23 = arith.constant 1248 : i32
      %add3A_24 = arith.addi %add3A_23, %add3A : i32
      "tpu.region"() ({
        %run_scoped3A_25 = tpu.sem_alloc : memref<!tpu.dma_semaphore, #tpu.memory_space<semaphore_mem>>
        %dma_start3A = arith.constant 39 : i32
        %dma_start3A_26 = arith.constant 0 : i32
        %dma_start3A_27 = tpu.memref_slice %arg6[%dma_start3A, %dma_start3A_26] : memref<40x256xi32, #tpu.memory_space<vmem>> -> memref<1x256xi32, #tpu.memory_space<vmem>>
        %dma_start3A_28 = arith.constant 0 : i32
        %dma_start3A_29 = arith.constant 0 : i32
        %dma_start3A_30 = tpu.memref_slice %arg2[%cond3A, %dma_start3A_28, %dma_start3A_29] : memref<2x1250x256xi32, #tpu.memory_space<hbm>> -> memref<1x1250x256xi32, #tpu.memory_space<hbm>>
        %dma_start3A_31 = tpu.memref_squeeze %dma_start3A_30 : memref<1x1250x256xi32, #tpu.memory_space<hbm>> -> memref<1250x256xi32, #tpu.memory_space<hbm>>
        %dma_start3A_32 = arith.constant 0 : i32
        %dma_start3A_33 = tpu.memref_slice %dma_start3A_31[%add3A_24, %dma_start3A_32] : memref<1250x256xi32, #tpu.memory_space<hbm>> -> memref<1x256xi32, #tpu.memory_space<hbm>>
        %dma_start3A_34 = arith.constant 39 : i32
        %dma_start3A_35 = arith.constant 0 : i32
        %dma_start3A_36 = tpu.memref_slice %arg6[%dma_start3A_34, %dma_start3A_35] : memref<40x256xi32, #tpu.memory_space<vmem>> -> memref<1x256xi32, #tpu.memory_space<vmem>>
        %dma_start3A_37 = arith.constant 0 : i32
        %dma_start3A_38 = arith.constant 0 : i32
        %dma_start3A_39 = tpu.memref_slice %arg2[%cond3A, %dma_start3A_37, %dma_start3A_38] : memref<2x1250x256xi32, #tpu.memory_space<hbm>> -> memref<1x1250x256xi32, #tpu.memory_space<hbm>>
        %dma_start3A_40 = tpu.memref_squeeze %dma_start3A_39 : memref<1x1250x256xi32, #tpu.memory_space<hbm>> -> memref<1250x256xi32, #tpu.memory_space<hbm>>
        %dma_start3A_41 = arith.constant 0 : i32
        %dma_start3A_42 = tpu.memref_slice %dma_start3A_40[%add3A_24, %dma_start3A_41] : memref<1250x256xi32, #tpu.memory_space<hbm>> -> memref<1x256xi32, #tpu.memory_space<hbm>>
        tpu.enqueue_dma source(%dma_start3A_42 : memref<1x256xi32, #tpu.memory_space<hbm>>) target(%dma_start3A_36 : memref<1x256xi32, #tpu.memory_space<vmem>>) target_semaphore(%run_scoped3A_25 : memref<!tpu.dma_semaphore, #tpu.memory_space<semaphore_mem>>)
        %dma_wait3A = arith.constant 39 : i32
        %dma_wait3A_43 = arith.constant 0 : i32
        %dma_wait3A_44 = tpu.memref_slice %arg6[%dma_wait3A, %dma_wait3A_43] : memref<40x256xi32, #tpu.memory_space<vmem>> -> memref<1x256xi32, #tpu.memory_space<vmem>>
        %dma_wait3A_45 = arith.constant 0 : i32
        %dma_wait3A_46 = arith.constant 0 : i32
        %dma_wait3A_47 = tpu.memref_slice %arg2[%cond3A, %dma_wait3A_45, %dma_wait3A_46] : memref<2x1250x256xi32, #tpu.memory_space<hbm>> -> memref<1x1250x256xi32, #tpu.memory_space<hbm>>
        %dma_wait3A_48 = tpu.memref_squeeze %dma_wait3A_47 : memref<1x1250x256xi32, #tpu.memory_space<hbm>> -> memref<1250x256xi32, #tpu.memory_space<hbm>>
        %dma_wait3A_49 = arith.constant 0 : i32
        %dma_wait3A_50 = tpu.memref_slice %dma_wait3A_48[%add3A_24, %dma_wait3A_49] : memref<1250x256xi32, #tpu.memory_space<hbm>> -> memref<1x256xi32, #tpu.memory_space<hbm>>
        %dma_wait3A_51 = arith.constant 39 : i32
        %dma_wait3A_52 = arith.constant 0 : i32
        %dma_wait3A_53 = tpu.memref_slice %arg6[%dma_wait3A_51, %dma_wait3A_52] : memref<40x256xi32, #tpu.memory_space<vmem>> -> memref<1x256xi32, #tpu.memory_space<vmem>>
        %dma_wait3A_54 = arith.constant 0 : i32
        %dma_wait3A_55 = arith.constant 0 : i32
        %dma_wait3A_56 = tpu.memref_slice %arg2[%cond3A, %dma_wait3A_54, %dma_wait3A_55] : memref<2x1250x256xi32, #tpu.memory_space<hbm>> -> memref<1x1250x256xi32, #tpu.memory_space<hbm>>
        %dma_wait3A_57 = tpu.memref_squeeze %dma_wait3A_56 : memref<1x1250x256xi32, #tpu.memory_space<hbm>> -> memref<1250x256xi32, #tpu.memory_space<hbm>>
        %dma_wait3A_58 = arith.constant 0 : i32
        %dma_wait3A_59 = tpu.memref_slice %dma_wait3A_57[%add3A_24, %dma_wait3A_58] : memref<1250x256xi32, #tpu.memory_space<hbm>> -> memref<1x256xi32, #tpu.memory_space<hbm>>
        tpu.wait_dma2 semaphore(%run_scoped3A_25 : memref<!tpu.dma_semaphore, #tpu.memory_space<semaphore_mem>>) src(%dma_wait3A_59 : memref<1x256xi32, #tpu.memory_space<hbm>>) dst(%dma_wait3A_53 : memref<1x256xi32, #tpu.memory_space<vmem>>)
        tpu.yield
      }) : () -> ()
    } else {
    }
    "tpu.region"() ({
      %run_scoped3A_23 = tpu.sem_alloc : memref<!tpu.dma_semaphore, #tpu.memory_space<semaphore_mem>>
      tpu.enqueue_dma source(%arg3 : memref<256x8xf32, #tpu.memory_space<hbm>>) target(%arg7 : memref<256x8xf32, #tpu.memory_space<vmem>>) target_semaphore(%run_scoped3A_23 : memref<!tpu.dma_semaphore, #tpu.memory_space<semaphore_mem>>)
      tpu.wait_dma2 semaphore(%run_scoped3A_23 : memref<!tpu.dma_semaphore, #tpu.memory_space<semaphore_mem>>) src(%arg3 : memref<256x8xf32, #tpu.memory_space<hbm>>) dst(%arg7 : memref<256x8xf32, #tpu.memory_space<vmem>>)
      tpu.yield
    }) : () -> ()
    %mul3A_6 = arith.constant 626 : i32
    %mul3A_7 = arith.muli %arg1, %mul3A_6 : i32
    "tpu.region"() ({
      %run_scoped3A_23 = tpu.sem_alloc : memref<!tpu.dma_semaphore, #tpu.memory_space<semaphore_mem>>
      %dma_start3A = arith.constant 0 : i32
      %dma_start3A_24 = tpu.memref_slice %arg8[%mul3A_7, %dma_start3A] : memref<10016x8xf32, #tpu.memory_space<vmem_shared>> -> memref<626x8xf32, #tpu.memory_space<vmem_shared>>
      tpu.enqueue_dma source(%arg4 : memref<626x8xf32, #tpu.memory_space<hbm>>) target(%dma_start3A_24 : memref<626x8xf32, #tpu.memory_space<vmem_shared>>) target_semaphore(%run_scoped3A_23 : memref<!tpu.dma_semaphore, #tpu.memory_space<semaphore_mem>>)
      %dma_wait3A = arith.constant 0 : i32
      %dma_wait3A_25 = tpu.memref_slice %arg8[%mul3A_7, %dma_wait3A] : memref<10016x8xf32, #tpu.memory_space<vmem_shared>> -> memref<626x8xf32, #tpu.memory_space<vmem_shared>>
      tpu.wait_dma2 semaphore(%run_scoped3A_23 : memref<!tpu.dma_semaphore, #tpu.memory_space<semaphore_mem>>) src(%arg4 : memref<626x8xf32, #tpu.memory_space<hbm>>) dst(%dma_wait3A_25 : memref<626x8xf32, #tpu.memory_space<vmem_shared>>)
      tpu.yield
    }) : () -> ()
    %barrier3A = arith.constant 0 : index
    tpu.barrier barrier_id(%barrier3A)
    %scan3A = arith.constant 0 : i32
    %scan3A_8 = arith.constant 0 : i32
    %scan3A_9 = arith.constant 5 : i32
    %scan3A_10 = arith.addi %scan3A_8, %scan3A_9 : i32
    %scan3A_11 = arith.constant 1 : i32
    scf.for %scan3A_23 = %scan3A_8 to %scan3A_10 step %scan3A_11  : i32 {
      %mul3A_24 = arith.constant 8 : i32
      %mul3A_25 = arith.muli %scan3A_23, %mul3A_24 : i32
      %add3A_26 = arith.constant 0 : i32
      %add3A_27 = arith.addi %mul3A_25, %add3A_26 : i32
      %lt3A_28 = arith.constant 39 : i32
      %lt3A_29 = arith.cmpi slt, %add3A_27, %lt3A_28 : i32
      %convert_element_type3A_30 = arith.extui %lt3A_29 : i1 to i32
      %cond3A_31 = arith.constant 0 : i32
      %cond3A_32 = arith.cmpi ne, %convert_element_type3A_30, %cond3A_31 : i32
      scf.if %cond3A_32 {
        %add3A_138 = arith.constant 0 : i32
        %add3A_139 = arith.addi %mul3A_25, %add3A_138 : i32
        %dma_start3A = arith.constant 0 : i32
        %dma_start3A_140 = tpu.memref_slice %arg6[%add3A_139, %dma_start3A] : memref<40x256xi32, #tpu.memory_space<vmem>> -> memref<1x256xi32, #tpu.memory_space<vmem>>
        %dma_start3A_141 = tpu.memref_squeeze %dma_start3A_140 : memref<1x256xi32, #tpu.memory_space<vmem>> -> memref<256xi32, #tpu.memory_space<vmem>>
        %dma_start3A_142 = arith.constant 0 : i32
        %dma_start3A_143 = arith.constant 0 : i32
        %dma_start3A_144 = tpu.memref_slice %arg8[%dma_start3A_142, %dma_start3A_143] : memref<10016x8xf32, #tpu.memory_space<vmem_shared>> -> memref<10016x8xf32, #tpu.memory_space<vmem_shared>>
        tpu.enqueue_indirect_dma source(%arg7 : memref<256x8xf32, #tpu.memory_space<vmem>>) target(%dma_start3A_144 : memref<10016x8xf32, #tpu.memory_space<vmem_shared>>) offsets(%dma_start3A_141 : memref<256xi32, #tpu.memory_space<vmem>>) semaphore(%arg9 : memref<!tpu.dma_semaphore, #tpu.memory_space<semaphore_mem>>) {add = true}
      } else {
      }
      %add3A_33 = arith.constant 1 : i32
      %add3A_34 = arith.addi %mul3A_25, %add3A_33 : i32
      %lt3A_35 = arith.constant 39 : i32
      %lt3A_36 = arith.cmpi slt, %add3A_34, %lt3A_35 : i32
      %convert_element_type3A_37 = arith.extui %lt3A_36 : i1 to i32
      %cond3A_38 = arith.constant 0 : i32
      %cond3A_39 = arith.cmpi ne, %convert_element_type3A_37, %cond3A_38 : i32
      scf.if %cond3A_39 {
        %add3A_138 = arith.constant 1 : i32
        %add3A_139 = arith.addi %mul3A_25, %add3A_138 : i32
        %dma_start3A = arith.constant 0 : i32
        %dma_start3A_140 = tpu.memref_slice %arg6[%add3A_139, %dma_start3A] : memref<40x256xi32, #tpu.memory_space<vmem>> -> memref<1x256xi32, #tpu.memory_space<vmem>>
        %dma_start3A_141 = tpu.memref_squeeze %dma_start3A_140 : memref<1x256xi32, #tpu.memory_space<vmem>> -> memref<256xi32, #tpu.memory_space<vmem>>
        %dma_start3A_142 = arith.constant 0 : i32
        %dma_start3A_143 = arith.constant 0 : i32
        %dma_start3A_144 = tpu.memref_slice %arg8[%dma_start3A_142, %dma_start3A_143] : memref<10016x8xf32, #tpu.memory_space<vmem_shared>> -> memref<10016x8xf32, #tpu.memory_space<vmem_shared>>
        tpu.enqueue_indirect_dma source(%arg7 : memref<256x8xf32, #tpu.memory_space<vmem>>) target(%dma_start3A_144 : memref<10016x8xf32, #tpu.memory_space<vmem_shared>>) offsets(%dma_start3A_141 : memref<256xi32, #tpu.memory_space<vmem>>) semaphore(%arg9 : memref<!tpu.dma_semaphore, #tpu.memory_space<semaphore_mem>>) {add = true}
      } else {
      }
      %add3A_40 = arith.constant 2 : i32
      %add3A_41 = arith.addi %mul3A_25, %add3A_40 : i32
      %lt3A_42 = arith.constant 39 : i32
      %lt3A_43 = arith.cmpi slt, %add3A_41, %lt3A_42 : i32
      %convert_element_type3A_44 = arith.extui %lt3A_43 : i1 to i32
      %cond3A_45 = arith.constant 0 : i32
      %cond3A_46 = arith.cmpi ne, %convert_element_type3A_44, %cond3A_45 : i32
      scf.if %cond3A_46 {
        %add3A_138 = arith.constant 2 : i32
        %add3A_139 = arith.addi %mul3A_25, %add3A_138 : i32
        %dma_start3A = arith.constant 0 : i32
        %dma_start3A_140 = tpu.memref_slice %arg6[%add3A_139, %dma_start3A] : memref<40x256xi32, #tpu.memory_space<vmem>> -> memref<1x256xi32, #tpu.memory_space<vmem>>
        %dma_start3A_141 = tpu.memref_squeeze %dma_start3A_140 : memref<1x256xi32, #tpu.memory_space<vmem>> -> memref<256xi32, #tpu.memory_space<vmem>>
        %dma_start3A_142 = arith.constant 0 : i32
        %dma_start3A_143 = arith.constant 0 : i32
        %dma_start3A_144 = tpu.memref_slice %arg8[%dma_start3A_142, %dma_start3A_143] : memref<10016x8xf32, #tpu.memory_space<vmem_shared>> -> memref<10016x8xf32, #tpu.memory_space<vmem_shared>>
        tpu.enqueue_indirect_dma source(%arg7 : memref<256x8xf32, #tpu.memory_space<vmem>>) target(%dma_start3A_144 : memref<10016x8xf32, #tpu.memory_space<vmem_shared>>) offsets(%dma_start3A_141 : memref<256xi32, #tpu.memory_space<vmem>>) semaphore(%arg9 : memref<!tpu.dma_semaphore, #tpu.memory_space<semaphore_mem>>) {add = true}
      } else {
      }
      %add3A_47 = arith.constant 3 : i32
      %add3A_48 = arith.addi %mul3A_25, %add3A_47 : i32
      %lt3A_49 = arith.constant 39 : i32
      %lt3A_50 = arith.cmpi slt, %add3A_48, %lt3A_49 : i32
      %convert_element_type3A_51 = arith.extui %lt3A_50 : i1 to i32
      %cond3A_52 = arith.constant 0 : i32
      %cond3A_53 = arith.cmpi ne, %convert_element_type3A_51, %cond3A_52 : i32
      scf.if %cond3A_53 {
        %add3A_138 = arith.constant 3 : i32
        %add3A_139 = arith.addi %mul3A_25, %add3A_138 : i32
        %dma_start3A = arith.constant 0 : i32
        %dma_start3A_140 = tpu.memref_slice %arg6[%add3A_139, %dma_start3A] : memref<40x256xi32, #tpu.memory_space<vmem>> -> memref<1x256xi32, #tpu.memory_space<vmem>>
        %dma_start3A_141 = tpu.memref_squeeze %dma_start3A_140 : memref<1x256xi32, #tpu.memory_space<vmem>> -> memref<256xi32, #tpu.memory_space<vmem>>
        %dma_start3A_142 = arith.constant 0 : i32
        %dma_start3A_143 = arith.constant 0 : i32
        %dma_start3A_144 = tpu.memref_slice %arg8[%dma_start3A_142, %dma_start3A_143] : memref<10016x8xf32, #tpu.memory_space<vmem_shared>> -> memref<10016x8xf32, #tpu.memory_space<vmem_shared>>
        tpu.enqueue_indirect_dma source(%arg7 : memref<256x8xf32, #tpu.memory_space<vmem>>) target(%dma_start3A_144 : memref<10016x8xf32, #tpu.memory_space<vmem_shared>>) offsets(%dma_start3A_141 : memref<256xi32, #tpu.memory_space<vmem>>) semaphore(%arg9 : memref<!tpu.dma_semaphore, #tpu.memory_space<semaphore_mem>>) {add = true}
      } else {
      }
      %add3A_54 = arith.constant 4 : i32
      %add3A_55 = arith.addi %mul3A_25, %add3A_54 : i32
      %lt3A_56 = arith.constant 39 : i32
      %lt3A_57 = arith.cmpi slt, %add3A_55, %lt3A_56 : i32
      %convert_element_type3A_58 = arith.extui %lt3A_57 : i1 to i32
      %cond3A_59 = arith.constant 0 : i32
      %cond3A_60 = arith.cmpi ne, %convert_element_type3A_58, %cond3A_59 : i32
      scf.if %cond3A_60 {
        %add3A_138 = arith.constant 4 : i32
        %add3A_139 = arith.addi %mul3A_25, %add3A_138 : i32
        %dma_start3A = arith.constant 0 : i32
        %dma_start3A_140 = tpu.memref_slice %arg6[%add3A_139, %dma_start3A] : memref<40x256xi32, #tpu.memory_space<vmem>> -> memref<1x256xi32, #tpu.memory_space<vmem>>
        %dma_start3A_141 = tpu.memref_squeeze %dma_start3A_140 : memref<1x256xi32, #tpu.memory_space<vmem>> -> memref<256xi32, #tpu.memory_space<vmem>>
        %dma_start3A_142 = arith.constant 0 : i32
        %dma_start3A_143 = arith.constant 0 : i32
        %dma_start3A_144 = tpu.memref_slice %arg8[%dma_start3A_142, %dma_start3A_143] : memref<10016x8xf32, #tpu.memory_space<vmem_shared>> -> memref<10016x8xf32, #tpu.memory_space<vmem_shared>>
        tpu.enqueue_indirect_dma source(%arg7 : memref<256x8xf32, #tpu.memory_space<vmem>>) target(%dma_start3A_144 : memref<10016x8xf32, #tpu.memory_space<vmem_shared>>) offsets(%dma_start3A_141 : memref<256xi32, #tpu.memory_space<vmem>>) semaphore(%arg9 : memref<!tpu.dma_semaphore, #tpu.memory_space<semaphore_mem>>) {add = true}
      } else {
      }
      %add3A_61 = arith.constant 5 : i32
      %add3A_62 = arith.addi %mul3A_25, %add3A_61 : i32
      %lt3A_63 = arith.constant 39 : i32
      %lt3A_64 = arith.cmpi slt, %add3A_62, %lt3A_63 : i32
      %convert_element_type3A_65 = arith.extui %lt3A_64 : i1 to i32
      %cond3A_66 = arith.constant 0 : i32
      %cond3A_67 = arith.cmpi ne, %convert_element_type3A_65, %cond3A_66 : i32
      scf.if %cond3A_67 {
        %add3A_138 = arith.constant 5 : i32
        %add3A_139 = arith.addi %mul3A_25, %add3A_138 : i32
        %dma_start3A = arith.constant 0 : i32
        %dma_start3A_140 = tpu.memref_slice %arg6[%add3A_139, %dma_start3A] : memref<40x256xi32, #tpu.memory_space<vmem>> -> memref<1x256xi32, #tpu.memory_space<vmem>>
        %dma_start3A_141 = tpu.memref_squeeze %dma_start3A_140 : memref<1x256xi32, #tpu.memory_space<vmem>> -> memref<256xi32, #tpu.memory_space<vmem>>
        %dma_start3A_142 = arith.constant 0 : i32
        %dma_start3A_143 = arith.constant 0 : i32
        %dma_start3A_144 = tpu.memref_slice %arg8[%dma_start3A_142, %dma_start3A_143] : memref<10016x8xf32, #tpu.memory_space<vmem_shared>> -> memref<10016x8xf32, #tpu.memory_space<vmem_shared>>
        tpu.enqueue_indirect_dma source(%arg7 : memref<256x8xf32, #tpu.memory_space<vmem>>) target(%dma_start3A_144 : memref<10016x8xf32, #tpu.memory_space<vmem_shared>>) offsets(%dma_start3A_141 : memref<256xi32, #tpu.memory_space<vmem>>) semaphore(%arg9 : memref<!tpu.dma_semaphore, #tpu.memory_space<semaphore_mem>>) {add = true}
      } else {
      }
      %add3A_68 = arith.constant 6 : i32
      %add3A_69 = arith.addi %mul3A_25, %add3A_68 : i32
      %lt3A_70 = arith.constant 39 : i32
      %lt3A_71 = arith.cmpi slt, %add3A_69, %lt3A_70 : i32
      %convert_element_type3A_72 = arith.extui %lt3A_71 : i1 to i32
      %cond3A_73 = arith.constant 0 : i32
      %cond3A_74 = arith.cmpi ne, %convert_element_type3A_72, %cond3A_73 : i32
      scf.if %cond3A_74 {
        %add3A_138 = arith.constant 6 : i32
        %add3A_139 = arith.addi %mul3A_25, %add3A_138 : i32
        %dma_start3A = arith.constant 0 : i32
        %dma_start3A_140 = tpu.memref_slice %arg6[%add3A_139, %dma_start3A] : memref<40x256xi32, #tpu.memory_space<vmem>> -> memref<1x256xi32, #tpu.memory_space<vmem>>
        %dma_start3A_141 = tpu.memref_squeeze %dma_start3A_140 : memref<1x256xi32, #tpu.memory_space<vmem>> -> memref<256xi32, #tpu.memory_space<vmem>>
        %dma_start3A_142 = arith.constant 0 : i32
        %dma_start3A_143 = arith.constant 0 : i32
        %dma_start3A_144 = tpu.memref_slice %arg8[%dma_start3A_142, %dma_start3A_143] : memref<10016x8xf32, #tpu.memory_space<vmem_shared>> -> memref<10016x8xf32, #tpu.memory_space<vmem_shared>>
        tpu.enqueue_indirect_dma source(%arg7 : memref<256x8xf32, #tpu.memory_space<vmem>>) target(%dma_start3A_144 : memref<10016x8xf32, #tpu.memory_space<vmem_shared>>) offsets(%dma_start3A_141 : memref<256xi32, #tpu.memory_space<vmem>>) semaphore(%arg9 : memref<!tpu.dma_semaphore, #tpu.memory_space<semaphore_mem>>) {add = true}
      } else {
      }
      %add3A_75 = arith.constant 7 : i32
      %add3A_76 = arith.addi %mul3A_25, %add3A_75 : i32
      %lt3A_77 = arith.constant 39 : i32
      %lt3A_78 = arith.cmpi slt, %add3A_76, %lt3A_77 : i32
      %convert_element_type3A_79 = arith.extui %lt3A_78 : i1 to i32
      %cond3A_80 = arith.constant 0 : i32
      %cond3A_81 = arith.cmpi ne, %convert_element_type3A_79, %cond3A_80 : i32
      scf.if %cond3A_81 {
        %add3A_138 = arith.constant 7 : i32
        %add3A_139 = arith.addi %mul3A_25, %add3A_138 : i32
        %dma_start3A = arith.constant 0 : i32
        %dma_start3A_140 = tpu.memref_slice %arg6[%add3A_139, %dma_start3A] : memref<40x256xi32, #tpu.memory_space<vmem>> -> memref<1x256xi32, #tpu.memory_space<vmem>>
        %dma_start3A_141 = tpu.memref_squeeze %dma_start3A_140 : memref<1x256xi32, #tpu.memory_space<vmem>> -> memref<256xi32, #tpu.memory_space<vmem>>
        %dma_start3A_142 = arith.constant 0 : i32
        %dma_start3A_143 = arith.constant 0 : i32
        %dma_start3A_144 = tpu.memref_slice %arg8[%dma_start3A_142, %dma_start3A_143] : memref<10016x8xf32, #tpu.memory_space<vmem_shared>> -> memref<10016x8xf32, #tpu.memory_space<vmem_shared>>
        tpu.enqueue_indirect_dma source(%arg7 : memref<256x8xf32, #tpu.memory_space<vmem>>) target(%dma_start3A_144 : memref<10016x8xf32, #tpu.memory_space<vmem_shared>>) offsets(%dma_start3A_141 : memref<256xi32, #tpu.memory_space<vmem>>) semaphore(%arg9 : memref<!tpu.dma_semaphore, #tpu.memory_space<semaphore_mem>>) {add = true}
      } else {
      }
      %add3A_82 = arith.constant 0 : i32
      %add3A_83 = arith.addi %mul3A_25, %add3A_82 : i32
      %lt3A_84 = arith.constant 39 : i32
      %lt3A_85 = arith.cmpi slt, %add3A_83, %lt3A_84 : i32
      %convert_element_type3A_86 = arith.extui %lt3A_85 : i1 to i32
      %cond3A_87 = arith.constant 0 : i32
      %cond3A_88 = arith.cmpi ne, %convert_element_type3A_86, %cond3A_87 : i32
      scf.if %cond3A_88 {
        %add3A_138 = arith.constant 0 : i32
        %add3A_139 = arith.addi %mul3A_25, %add3A_138 : i32
        %dma_wait3A = arith.constant 0 : i32
        %dma_wait3A_140 = tpu.memref_slice %arg6[%add3A_139, %dma_wait3A] : memref<40x256xi32, #tpu.memory_space<vmem>> -> memref<1x256xi32, #tpu.memory_space<vmem>>
        %dma_wait3A_141 = tpu.memref_squeeze %dma_wait3A_140 : memref<1x256xi32, #tpu.memory_space<vmem>> -> memref<256xi32, #tpu.memory_space<vmem>>
        %dma_wait3A_142 = arith.constant 0 : i32
        %dma_wait3A_143 = arith.constant 0 : i32
        %dma_wait3A_144 = tpu.memref_slice %arg8[%dma_wait3A_142, %dma_wait3A_143] : memref<10016x8xf32, #tpu.memory_space<vmem_shared>> -> memref<10016x8xf32, #tpu.memory_space<vmem_shared>>
        tpu.wait_indirect_dma semaphore(%arg9 : memref<!tpu.dma_semaphore, #tpu.memory_space<semaphore_mem>>) src(%arg7 : memref<256x8xf32, #tpu.memory_space<vmem>>) dst(%dma_wait3A_144 : memref<10016x8xf32, #tpu.memory_space<vmem_shared>>)
      } else {
      }
      %add3A_89 = arith.constant 1 : i32
      %add3A_90 = arith.addi %mul3A_25, %add3A_89 : i32
      %lt3A_91 = arith.constant 39 : i32
      %lt3A_92 = arith.cmpi slt, %add3A_90, %lt3A_91 : i32
      %convert_element_type3A_93 = arith.extui %lt3A_92 : i1 to i32
      %cond3A_94 = arith.constant 0 : i32
      %cond3A_95 = arith.cmpi ne, %convert_element_type3A_93, %cond3A_94 : i32
      scf.if %cond3A_95 {
        %add3A_138 = arith.constant 1 : i32
        %add3A_139 = arith.addi %mul3A_25, %add3A_138 : i32
        %dma_wait3A = arith.constant 0 : i32
        %dma_wait3A_140 = tpu.memref_slice %arg6[%add3A_139, %dma_wait3A] : memref<40x256xi32, #tpu.memory_space<vmem>> -> memref<1x256xi32, #tpu.memory_space<vmem>>
        %dma_wait3A_141 = tpu.memref_squeeze %dma_wait3A_140 : memref<1x256xi32, #tpu.memory_space<vmem>> -> memref<256xi32, #tpu.memory_space<vmem>>
        %dma_wait3A_142 = arith.constant 0 : i32
        %dma_wait3A_143 = arith.constant 0 : i32
        %dma_wait3A_144 = tpu.memref_slice %arg8[%dma_wait3A_142, %dma_wait3A_143] : memref<10016x8xf32, #tpu.memory_space<vmem_shared>> -> memref<10016x8xf32, #tpu.memory_space<vmem_shared>>
        tpu.wait_indirect_dma semaphore(%arg9 : memref<!tpu.dma_semaphore, #tpu.memory_space<semaphore_mem>>) src(%arg7 : memref<256x8xf32, #tpu.memory_space<vmem>>) dst(%dma_wait3A_144 : memref<10016x8xf32, #tpu.memory_space<vmem_shared>>)
      } else {
      }
      %add3A_96 = arith.constant 2 : i32
      %add3A_97 = arith.addi %mul3A_25, %add3A_96 : i32
      %lt3A_98 = arith.constant 39 : i32
      %lt3A_99 = arith.cmpi slt, %add3A_97, %lt3A_98 : i32
      %convert_element_type3A_100 = arith.extui %lt3A_99 : i1 to i32
      %cond3A_101 = arith.constant 0 : i32
      %cond3A_102 = arith.cmpi ne, %convert_element_type3A_100, %cond3A_101 : i32
      scf.if %cond3A_102 {
        %add3A_138 = arith.constant 2 : i32
        %add3A_139 = arith.addi %mul3A_25, %add3A_138 : i32
        %dma_wait3A = arith.constant 0 : i32
        %dma_wait3A_140 = tpu.memref_slice %arg6[%add3A_139, %dma_wait3A] : memref<40x256xi32, #tpu.memory_space<vmem>> -> memref<1x256xi32, #tpu.memory_space<vmem>>
        %dma_wait3A_141 = tpu.memref_squeeze %dma_wait3A_140 : memref<1x256xi32, #tpu.memory_space<vmem>> -> memref<256xi32, #tpu.memory_space<vmem>>
        %dma_wait3A_142 = arith.constant 0 : i32
        %dma_wait3A_143 = arith.constant 0 : i32
        %dma_wait3A_144 = tpu.memref_slice %arg8[%dma_wait3A_142, %dma_wait3A_143] : memref<10016x8xf32, #tpu.memory_space<vmem_shared>> -> memref<10016x8xf32, #tpu.memory_space<vmem_shared>>
        tpu.wait_indirect_dma semaphore(%arg9 : memref<!tpu.dma_semaphore, #tpu.memory_space<semaphore_mem>>) src(%arg7 : memref<256x8xf32, #tpu.memory_space<vmem>>) dst(%dma_wait3A_144 : memref<10016x8xf32, #tpu.memory_space<vmem_shared>>)
      } else {
      }
      %add3A_103 = arith.constant 3 : i32
      %add3A_104 = arith.addi %mul3A_25, %add3A_103 : i32
      %lt3A_105 = arith.constant 39 : i32
      %lt3A_106 = arith.cmpi slt, %add3A_104, %lt3A_105 : i32
      %convert_element_type3A_107 = arith.extui %lt3A_106 : i1 to i32
      %cond3A_108 = arith.constant 0 : i32
      %cond3A_109 = arith.cmpi ne, %convert_element_type3A_107, %cond3A_108 : i32
      scf.if %cond3A_109 {
        %add3A_138 = arith.constant 3 : i32
        %add3A_139 = arith.addi %mul3A_25, %add3A_138 : i32
        %dma_wait3A = arith.constant 0 : i32
        %dma_wait3A_140 = tpu.memref_slice %arg6[%add3A_139, %dma_wait3A] : memref<40x256xi32, #tpu.memory_space<vmem>> -> memref<1x256xi32, #tpu.memory_space<vmem>>
        %dma_wait3A_141 = tpu.memref_squeeze %dma_wait3A_140 : memref<1x256xi32, #tpu.memory_space<vmem>> -> memref<256xi32, #tpu.memory_space<vmem>>
        %dma_wait3A_142 = arith.constant 0 : i32
        %dma_wait3A_143 = arith.constant 0 : i32
        %dma_wait3A_144 = tpu.memref_slice %arg8[%dma_wait3A_142, %dma_wait3A_143] : memref<10016x8xf32, #tpu.memory_space<vmem_shared>> -> memref<10016x8xf32, #tpu.memory_space<vmem_shared>>
        tpu.wait_indirect_dma semaphore(%arg9 : memref<!tpu.dma_semaphore, #tpu.memory_space<semaphore_mem>>) src(%arg7 : memref<256x8xf32, #tpu.memory_space<vmem>>) dst(%dma_wait3A_144 : memref<10016x8xf32, #tpu.memory_space<vmem_shared>>)
      } else {
      }
      %add3A_110 = arith.constant 4 : i32
      %add3A_111 = arith.addi %mul3A_25, %add3A_110 : i32
      %lt3A_112 = arith.constant 39 : i32
      %lt3A_113 = arith.cmpi slt, %add3A_111, %lt3A_112 : i32
      %convert_element_type3A_114 = arith.extui %lt3A_113 : i1 to i32
      %cond3A_115 = arith.constant 0 : i32
      %cond3A_116 = arith.cmpi ne, %convert_element_type3A_114, %cond3A_115 : i32
      scf.if %cond3A_116 {
        %add3A_138 = arith.constant 4 : i32
        %add3A_139 = arith.addi %mul3A_25, %add3A_138 : i32
        %dma_wait3A = arith.constant 0 : i32
        %dma_wait3A_140 = tpu.memref_slice %arg6[%add3A_139, %dma_wait3A] : memref<40x256xi32, #tpu.memory_space<vmem>> -> memref<1x256xi32, #tpu.memory_space<vmem>>
        %dma_wait3A_141 = tpu.memref_squeeze %dma_wait3A_140 : memref<1x256xi32, #tpu.memory_space<vmem>> -> memref<256xi32, #tpu.memory_space<vmem>>
        %dma_wait3A_142 = arith.constant 0 : i32
        %dma_wait3A_143 = arith.constant 0 : i32
        %dma_wait3A_144 = tpu.memref_slice %arg8[%dma_wait3A_142, %dma_wait3A_143] : memref<10016x8xf32, #tpu.memory_space<vmem_shared>> -> memref<10016x8xf32, #tpu.memory_space<vmem_shared>>
        tpu.wait_indirect_dma semaphore(%arg9 : memref<!tpu.dma_semaphore, #tpu.memory_space<semaphore_mem>>) src(%arg7 : memref<256x8xf32, #tpu.memory_space<vmem>>) dst(%dma_wait3A_144 : memref<10016x8xf32, #tpu.memory_space<vmem_shared>>)
      } else {
      }
      %add3A_117 = arith.constant 5 : i32
      %add3A_118 = arith.addi %mul3A_25, %add3A_117 : i32
      %lt3A_119 = arith.constant 39 : i32
      %lt3A_120 = arith.cmpi slt, %add3A_118, %lt3A_119 : i32
      %convert_element_type3A_121 = arith.extui %lt3A_120 : i1 to i32
      %cond3A_122 = arith.constant 0 : i32
      %cond3A_123 = arith.cmpi ne, %convert_element_type3A_121, %cond3A_122 : i32
      scf.if %cond3A_123 {
        %add3A_138 = arith.constant 5 : i32
        %add3A_139 = arith.addi %mul3A_25, %add3A_138 : i32
        %dma_wait3A = arith.constant 0 : i32
        %dma_wait3A_140 = tpu.memref_slice %arg6[%add3A_139, %dma_wait3A] : memref<40x256xi32, #tpu.memory_space<vmem>> -> memref<1x256xi32, #tpu.memory_space<vmem>>
        %dma_wait3A_141 = tpu.memref_squeeze %dma_wait3A_140 : memref<1x256xi32, #tpu.memory_space<vmem>> -> memref<256xi32, #tpu.memory_space<vmem>>
        %dma_wait3A_142 = arith.constant 0 : i32
        %dma_wait3A_143 = arith.constant 0 : i32
        %dma_wait3A_144 = tpu.memref_slice %arg8[%dma_wait3A_142, %dma_wait3A_143] : memref<10016x8xf32, #tpu.memory_space<vmem_shared>> -> memref<10016x8xf32, #tpu.memory_space<vmem_shared>>
        tpu.wait_indirect_dma semaphore(%arg9 : memref<!tpu.dma_semaphore, #tpu.memory_space<semaphore_mem>>) src(%arg7 : memref<256x8xf32, #tpu.memory_space<vmem>>) dst(%dma_wait3A_144 : memref<10016x8xf32, #tpu.memory_space<vmem_shared>>)
      } else {
      }
      %add3A_124 = arith.constant 6 : i32
      %add3A_125 = arith.addi %mul3A_25, %add3A_124 : i32
      %lt3A_126 = arith.constant 39 : i32
      %lt3A_127 = arith.cmpi slt, %add3A_125, %lt3A_126 : i32
      %convert_element_type3A_128 = arith.extui %lt3A_127 : i1 to i32
      %cond3A_129 = arith.constant 0 : i32
      %cond3A_130 = arith.cmpi ne, %convert_element_type3A_128, %cond3A_129 : i32
      scf.if %cond3A_130 {
        %add3A_138 = arith.constant 6 : i32
        %add3A_139 = arith.addi %mul3A_25, %add3A_138 : i32
        %dma_wait3A = arith.constant 0 : i32
        %dma_wait3A_140 = tpu.memref_slice %arg6[%add3A_139, %dma_wait3A] : memref<40x256xi32, #tpu.memory_space<vmem>> -> memref<1x256xi32, #tpu.memory_space<vmem>>
        %dma_wait3A_141 = tpu.memref_squeeze %dma_wait3A_140 : memref<1x256xi32, #tpu.memory_space<vmem>> -> memref<256xi32, #tpu.memory_space<vmem>>
        %dma_wait3A_142 = arith.constant 0 : i32
        %dma_wait3A_143 = arith.constant 0 : i32
        %dma_wait3A_144 = tpu.memref_slice %arg8[%dma_wait3A_142, %dma_wait3A_143] : memref<10016x8xf32, #tpu.memory_space<vmem_shared>> -> memref<10016x8xf32, #tpu.memory_space<vmem_shared>>
        tpu.wait_indirect_dma semaphore(%arg9 : memref<!tpu.dma_semaphore, #tpu.memory_space<semaphore_mem>>) src(%arg7 : memref<256x8xf32, #tpu.memory_space<vmem>>) dst(%dma_wait3A_144 : memref<10016x8xf32, #tpu.memory_space<vmem_shared>>)
      } else {
      }
      %add3A_131 = arith.constant 7 : i32
      %add3A_132 = arith.addi %mul3A_25, %add3A_131 : i32
      %lt3A_133 = arith.constant 39 : i32
      %lt3A_134 = arith.cmpi slt, %add3A_132, %lt3A_133 : i32
      %convert_element_type3A_135 = arith.extui %lt3A_134 : i1 to i32
      %cond3A_136 = arith.constant 0 : i32
      %cond3A_137 = arith.cmpi ne, %convert_element_type3A_135, %cond3A_136 : i32
      scf.if %cond3A_137 {
        %add3A_138 = arith.constant 7 : i32
        %add3A_139 = arith.addi %mul3A_25, %add3A_138 : i32
        %dma_wait3A = arith.constant 0 : i32
        %dma_wait3A_140 = tpu.memref_slice %arg6[%add3A_139, %dma_wait3A] : memref<40x256xi32, #tpu.memory_space<vmem>> -> memref<1x256xi32, #tpu.memory_space<vmem>>
        %dma_wait3A_141 = tpu.memref_squeeze %dma_wait3A_140 : memref<1x256xi32, #tpu.memory_space<vmem>> -> memref<256xi32, #tpu.memory_space<vmem>>
        %dma_wait3A_142 = arith.constant 0 : i32
        %dma_wait3A_143 = arith.constant 0 : i32
        %dma_wait3A_144 = tpu.memref_slice %arg8[%dma_wait3A_142, %dma_wait3A_143] : memref<10016x8xf32, #tpu.memory_space<vmem_shared>> -> memref<10016x8xf32, #tpu.memory_space<vmem_shared>>
        tpu.wait_indirect_dma semaphore(%arg9 : memref<!tpu.dma_semaphore, #tpu.memory_space<semaphore_mem>>) src(%arg7 : memref<256x8xf32, #tpu.memory_space<vmem>>) dst(%dma_wait3A_144 : memref<10016x8xf32, #tpu.memory_space<vmem_shared>>)
      } else {
      }
    }
    %scan3A_12 = arith.constant 5 : i32
    %lt3A_13 = arith.constant 2 : i32
    %lt3A_14 = arith.cmpi slt, %add3A, %lt3A_13 : i32
    %convert_element_type3A_15 = arith.extui %lt3A_14 : i1 to i32
    %cond3A_16 = arith.constant 0 : i32
    %cond3A_17 = arith.cmpi ne, %convert_element_type3A_15, %cond3A_16 : i32
    scf.if %cond3A_17 {
      %run_scoped3A_23 = arith.constant 39 : i32
      "tpu.region"() ({
        %run_scoped3A_24 = tpu.sem_alloc : memref<!tpu.dma_semaphore, #tpu.memory_space<semaphore_mem>>
        %dma_start3A = arith.constant 0 : i32
        %dma_start3A_25 = tpu.memref_slice %arg6[%run_scoped3A_23, %dma_start3A] : memref<40x256xi32, #tpu.memory_space<vmem>> -> memref<1x256xi32, #tpu.memory_space<vmem>>
        %dma_start3A_26 = tpu.memref_squeeze %dma_start3A_25 : memref<1x256xi32, #tpu.memory_space<vmem>> -> memref<256xi32, #tpu.memory_space<vmem>>
        %dma_start3A_27 = arith.constant 0 : i32
        %dma_start3A_28 = arith.constant 0 : i32
        %dma_start3A_29 = tpu.memref_slice %arg8[%dma_start3A_27, %dma_start3A_28] : memref<10016x8xf32, #tpu.memory_space<vmem_shared>> -> memref<10016x8xf32, #tpu.memory_space<vmem_shared>>
        tpu.enqueue_indirect_dma source(%arg7 : memref<256x8xf32, #tpu.memory_space<vmem>>) target(%dma_start3A_29 : memref<10016x8xf32, #tpu.memory_space<vmem_shared>>) offsets(%dma_start3A_26 : memref<256xi32, #tpu.memory_space<vmem>>) semaphore(%run_scoped3A_24 : memref<!tpu.dma_semaphore, #tpu.memory_space<semaphore_mem>>) {add = true}
        %dma_wait3A = arith.constant 0 : i32
        %dma_wait3A_30 = tpu.memref_slice %arg6[%run_scoped3A_23, %dma_wait3A] : memref<40x256xi32, #tpu.memory_space<vmem>> -> memref<1x256xi32, #tpu.memory_space<vmem>>
        %dma_wait3A_31 = tpu.memref_squeeze %dma_wait3A_30 : memref<1x256xi32, #tpu.memory_space<vmem>> -> memref<256xi32, #tpu.memory_space<vmem>>
        %dma_wait3A_32 = arith.constant 0 : i32
        %dma_wait3A_33 = arith.constant 0 : i32
        %dma_wait3A_34 = tpu.memref_slice %arg8[%dma_wait3A_32, %dma_wait3A_33] : memref<10016x8xf32, #tpu.memory_space<vmem_shared>> -> memref<10016x8xf32, #tpu.memory_space<vmem_shared>>
        tpu.wait_indirect_dma semaphore(%run_scoped3A_24 : memref<!tpu.dma_semaphore, #tpu.memory_space<semaphore_mem>>) src(%arg7 : memref<256x8xf32, #tpu.memory_space<vmem>>) dst(%dma_wait3A_34 : memref<10016x8xf32, #tpu.memory_space<vmem_shared>>)
        tpu.yield
      }) : () -> ()
    } else {
    }
    %barrier3A_18 = arith.constant 0 : index
    tpu.barrier barrier_id(%barrier3A_18)
    %mul3A_19 = arith.constant 626 : i32
    %mul3A_20 = arith.muli %arg1, %mul3A_19 : i32
    %mul3A_21 = arith.constant 626 : i32
    %mul3A_22 = arith.muli %arg1, %mul3A_21 : i32
    "tpu.region"() ({
      %run_scoped3A_23 = tpu.sem_alloc : memref<!tpu.dma_semaphore, #tpu.memory_space<semaphore_mem>>
      %dma_start3A = arith.constant 0 : i32
      %dma_start3A_24 = arith.constant 0 : i32
      %dma_start3A_25 = tpu.memref_slice %arg5[%arg0, %dma_start3A, %dma_start3A_24] : memref<2x10016x8xf32, #tpu.memory_space<hbm>> -> memref<1x10016x8xf32, #tpu.memory_space<hbm>>
      %dma_start3A_26 = tpu.memref_squeeze %dma_start3A_25 : memref<1x10016x8xf32, #tpu.memory_space<hbm>> -> memref<10016x8xf32, #tpu.memory_space<hbm>>
      %dma_start3A_27 = arith.constant 0 : i32
      %dma_start3A_28 = tpu.memref_slice %dma_start3A_26[%mul3A_22, %dma_start3A_27] : memref<10016x8xf32, #tpu.memory_space<hbm>> -> memref<626x8xf32, #tpu.memory_space<hbm>>
      %dma_start3A_29 = arith.constant 0 : i32
      %dma_start3A_30 = tpu.memref_slice %arg8[%mul3A_20, %dma_start3A_29] : memref<10016x8xf32, #tpu.memory_space<vmem_shared>> -> memref<626x8xf32, #tpu.memory_space<vmem_shared>>
      tpu.enqueue_dma source(%dma_start3A_30 : memref<626x8xf32, #tpu.memory_space<vmem_shared>>) target(%dma_start3A_28 : memref<626x8xf32, #tpu.memory_space<hbm>>) target_semaphore(%run_scoped3A_23 : memref<!tpu.dma_semaphore, #tpu.memory_space<semaphore_mem>>)
      %dma_wait3A = arith.constant 0 : i32
      %dma_wait3A_31 = arith.constant 0 : i32
      %dma_wait3A_32 = tpu.memref_slice %arg5[%arg0, %dma_wait3A, %dma_wait3A_31] : memref<2x10016x8xf32, #tpu.memory_space<hbm>> -> memref<1x10016x8xf32, #tpu.memory_space<hbm>>
      %dma_wait3A_33 = tpu.memref_squeeze %dma_wait3A_32 : memref<1x10016x8xf32, #tpu.memory_space<hbm>> -> memref<10016x8xf32, #tpu.memory_space<hbm>>
      %dma_wait3A_34 = arith.constant 0 : i32
      %dma_wait3A_35 = tpu.memref_slice %dma_wait3A_33[%mul3A_22, %dma_wait3A_34] : memref<10016x8xf32, #tpu.memory_space<hbm>> -> memref<626x8xf32, #tpu.memory_space<hbm>>
      %dma_wait3A_36 = arith.constant 0 : i32
      %dma_wait3A_37 = tpu.memref_slice %arg8[%mul3A_20, %dma_wait3A_36] : memref<10016x8xf32, #tpu.memory_space<vmem_shared>> -> memref<626x8xf32, #tpu.memory_space<vmem_shared>>
      tpu.wait_dma2 semaphore(%run_scoped3A_23 : memref<!tpu.dma_semaphore, #tpu.memory_space<semaphore_mem>>) src(%dma_wait3A_37 : memref<626x8xf32, #tpu.memory_space<vmem_shared>>) dst(%dma_wait3A_35 : memref<626x8xf32, #tpu.memory_space<hbm>>)
      tpu.yield
    }) : () -> ()
    return
  }
}

module attributes {stable_mosaic.version = 14 : i64} {
  func.func @_tcmm1_body(%arg0: i32, %arg1: memref<5000x128xf32, #tpu.memory_space<vmem>>, %arg2: memref<128x64xf32, #tpu.memory_space<vmem>>, %arg3: memref<5000x64xf32, #tpu.memory_space<vmem>>) attributes {dimension_semantics = [#tpu.dimension_semantics<arbitrary>], iteration_bounds = array<i64: 2>, scalar_prefetch = 0 : i64, scratch_operands = 0 : i64, tpu.core_type = #tpu.core_type<tc>, window_params = [{transform_indices = @transform_0, window_bounds = array<i64: 5000, 128>}, {pipeline_mode = #tpu.pipeline_mode<synchronous>, transform_indices = @transform_1, window_bounds = array<i64: 128, 64>}, {transform_indices = @transform_2, window_bounds = array<i64: 5000, 64>}]} {
    %get3A = arith.constant 0 : index
    %get3A_0 = arith.constant 0 : index
    %get3A_1 = vector.load %arg1[%get3A, %get3A_0] : memref<5000x128xf32, #tpu.memory_space<vmem>>, vector<5000x128xf32>
    %get3A_2 = arith.constant 0 : index
    %get3A_3 = arith.constant 0 : index
    %get3A_4 = vector.load %arg2[%get3A_2, %get3A_3] : memref<128x64xf32, #tpu.memory_space<vmem>>, vector<128x64xf32>
    %dot_general3A = arith.constant dense<0.000000e+00> : vector<5000x64xf32>
    %dot_general3A_5 = tpu.matmul %get3A_1, %get3A_4, %dot_general3A {dimension_numbers = #tpu.dot_dimension_numbers<[1], [0], [0], [1], [0, 0, 1, 1], [], []>, transpose_lhs_hint = false} : vector<5000x128xf32>, vector<128x64xf32>, vector<5000x64xf32> -> vector<5000x64xf32>
    %swap3A = arith.constant 0 : index
    %swap3A_6 = arith.constant 0 : index
    %swap3A_7 = vector.load %arg3[%swap3A, %swap3A_6] : memref<5000x64xf32, #tpu.memory_space<vmem>>, vector<5000x64xf32>
    tpu.vector_store %arg3[%swap3A, %swap3A_6], %dot_general3A_5 {strides = array<i32>} : memref<5000x64xf32, #tpu.memory_space<vmem>>, vector<5000x64xf32>,
    return
  }
  func.func @transform_0(%arg0: i32) -> (i32, i32) {
    %c0_i32 = arith.constant 0 : i32
    %c0_i32_0 = arith.constant 0 : i32
    return %arg0, %c0_i32 : i32, i32
  }
  func.func @transform_1(%arg0: i32) -> (i32, i32) {
    %c0_i32 = arith.constant 0 : i32
    %c0_i32_0 = arith.constant 0 : i32
    %c0_i32_1 = arith.constant 0 : i32
    return %c0_i32, %c0_i32_0 : i32, i32
  }
  func.func @transform_2(%arg0: i32) -> (i32, i32) {
    %c0_i32 = arith.constant 0 : i32
    %c0_i32_0 = arith.constant 0 : i32
    return %arg0, %c0_i32 : i32, i32
  }
}

module attributes {stable_mosaic.version = 14 : i64} {
  func.func @_tc1_body(%arg0: i32, %arg1: memref<5000x64xf32, #tpu.memory_space<vmem>>, %arg2: memref<2x5000x8xf32, #tpu.memory_space<vmem>>, %arg3: memref<5000x64xf32, #tpu.memory_space<vmem>>, %arg4: memref<5000x16xf32, #tpu.memory_space<vmem>>) attributes {dimension_semantics = [#tpu.dimension_semantics<arbitrary>], iteration_bounds = array<i64: 2>, scalar_prefetch = 0 : i64, scratch_operands = 0 : i64, tpu.core_type = #tpu.core_type<tc>, window_params = [{transform_indices = @transform_0, window_bounds = array<i64: 5000, 64>}, {transform_indices = @transform_1, window_bounds = array<i64: 2, 5000, 8>}, {transform_indices = @transform_2, window_bounds = array<i64: 5000, 64>}, {transform_indices = @transform_3, window_bounds = array<i64: 5000, 16>}]} {
    %get3A = arith.constant 0 : index
    %get3A_0 = arith.constant 0 : index
    %get3A_1 = arith.constant 0 : index
    %get3A_2 = vector.load %arg2[%get3A, %get3A_0, %get3A_1] : memref<2x5000x8xf32, #tpu.memory_space<vmem>>, vector<1x5000x8xf32>
    %get3A_3 = vector.shape_cast %get3A_2 : vector<1x5000x8xf32> to vector<5000x8xf32>
    %add3A = arith.constant 1.000000e+00 : f32
    %add3A_4 = vector.broadcast %add3A : f32 to vector<5000x8xf32>
    %add3A_5 = arith.addf %add3A_4, %get3A_3 : vector<5000x8xf32>
    %get3A_6 = arith.constant 1 : index
    %get3A_7 = arith.constant 0 : index
    %get3A_8 = arith.constant 0 : index
    %get3A_9 = vector.load %arg2[%get3A_6, %get3A_7, %get3A_8] : memref<2x5000x8xf32, #tpu.memory_space<vmem>>, vector<1x5000x8xf32>
    %get3A_10 = vector.shape_cast %get3A_9 : vector<1x5000x8xf32> to vector<5000x8xf32>
    %add3A_11 = arith.addf %add3A_5, %get3A_10 : vector<5000x8xf32>
    %rsqrt3A = math.rsqrt %add3A_11 : vector<5000x8xf32>
    %slice3A = vector.extract_strided_slice %rsqrt3A {offsets = [0, 0], sizes = [5000, 1], strides = [1, 1]} : vector<5000x8xf32> to vector<5000x1xf32>
    %get3A_12 = arith.constant 0 : index
    %get3A_13 = arith.constant 0 : index
    %get3A_14 = vector.load %arg1[%get3A_12, %get3A_13] : memref<5000x64xf32, #tpu.memory_space<vmem>>, vector<5000x64xf32>
    %mul3A = vector.broadcast %slice3A : vector<5000x1xf32> to vector<5000x64xf32>
    %mul3A_15 = arith.mulf %get3A_14, %mul3A : vector<5000x64xf32>
    %swap3A = arith.constant 0 : index
    %swap3A_16 = arith.constant 0 : index
    %swap3A_17 = vector.load %arg3[%swap3A, %swap3A_16] : memref<5000x64xf32, #tpu.memory_space<vmem>>, vector<5000x64xf32>
    tpu.vector_store %arg3[%swap3A, %swap3A_16], %mul3A_15 {strides = array<i32>} : memref<5000x64xf32, #tpu.memory_space<vmem>>, vector<5000x64xf32>,
    %concatenate3A = tpu.concatenate %rsqrt3A, %rsqrt3A in 1 : vector<5000x8xf32>, vector<5000x8xf32> -> vector<5000x16xf32>
    %swap3A_18 = arith.constant 0 : index
    %swap3A_19 = arith.constant 0 : index
    %swap3A_20 = vector.load %arg4[%swap3A_18, %swap3A_19] : memref<5000x16xf32, #tpu.memory_space<vmem>>, vector<5000x16xf32>
    tpu.vector_store %arg4[%swap3A_18, %swap3A_19], %concatenate3A {strides = array<i32>} : memref<5000x16xf32, #tpu.memory_space<vmem>>, vector<5000x16xf32>,
    return
  }
  func.func @transform_0(%arg0: i32) -> (i32, i32) {
    %c0_i32 = arith.constant 0 : i32
    %c0_i32_0 = arith.constant 0 : i32
    return %arg0, %c0_i32 : i32, i32
  }
  func.func @transform_1(%arg0: i32) -> (i32, i32, i32) {
    %c0_i32 = arith.constant 0 : i32
    %c0_i32_0 = arith.constant 0 : i32
    %c0_i32_1 = arith.constant 0 : i32
    return %c0_i32, %arg0, %c0_i32_0 : i32, i32, i32
  }
  func.func @transform_2(%arg0: i32) -> (i32, i32) {
    %c0_i32 = arith.constant 0 : i32
    %c0_i32_0 = arith.constant 0 : i32
    return %arg0, %c0_i32 : i32, i32
  }
  func.func @transform_3(%arg0: i32) -> (i32, i32) {
    %c0_i32 = arith.constant 0 : i32
    %c0_i32_0 = arith.constant 0 : i32
    return %arg0, %c0_i32 : i32, i32
  }
}

module attributes {stable_mosaic.version = 14 : i64} {
  func.func @_tc2_body(%arg0: i32, %arg1: memref<2x5000x64xf32, #tpu.memory_space<vmem>>, %arg2: memref<5000x64xf32, #tpu.memory_space<vmem>>, %arg3: memref<5000x16xf32, #tpu.memory_space<vmem>>, %arg4: memref<1x64xf32, #tpu.memory_space<vmem>>, %arg5: memref<64x8xf32, #tpu.memory_space<vmem>>, %arg6: memref<5000x8xf32, #tpu.memory_space<vmem>>, %arg7: memref<5000x8xf32, #tpu.memory_space<vmem>>) attributes {dimension_semantics = [#tpu.dimension_semantics<arbitrary>], iteration_bounds = array<i64: 2>, scalar_prefetch = 0 : i64, scratch_operands = 0 : i64, tpu.core_type = #tpu.core_type<tc>, window_params = [{transform_indices = @transform_0, window_bounds = array<i64: 2, 5000, 64>}, {transform_indices = @transform_1, window_bounds = array<i64: 5000, 64>}, {transform_indices = @transform_2, window_bounds = array<i64: 5000, 16>}, {pipeline_mode = #tpu.pipeline_mode<synchronous>, transform_indices = @transform_3, window_bounds = array<i64: 1, 64>}, {pipeline_mode = #tpu.pipeline_mode<synchronous>, transform_indices = @transform_4, window_bounds = array<i64: 64, 8>}, {transform_indices = @transform_5, window_bounds = array<i64: 5000, 8>}, {transform_indices = @transform_6, window_bounds = array<i64: 5000, 8>}]} {
    %get3A = arith.constant 0 : index
    %get3A_0 = arith.constant 0 : index
    %get3A_1 = vector.load %arg3[%get3A, %get3A_0] : memref<5000x16xf32, #tpu.memory_space<vmem>>, vector<5000x1xf32>
    %get3A_2 = arith.constant 0 : index
    %get3A_3 = arith.constant 0 : index
    %get3A_4 = arith.constant 0 : index
    %get3A_5 = vector.load %arg1[%get3A_2, %get3A_3, %get3A_4] : memref<2x5000x64xf32, #tpu.memory_space<vmem>>, vector<1x5000x64xf32>
    %get3A_6 = vector.shape_cast %get3A_5 : vector<1x5000x64xf32> to vector<5000x64xf32>
    %get3A_7 = arith.constant 1 : index
    %get3A_8 = arith.constant 0 : index
    %get3A_9 = arith.constant 0 : index
    %get3A_10 = vector.load %arg1[%get3A_7, %get3A_8, %get3A_9] : memref<2x5000x64xf32, #tpu.memory_space<vmem>>, vector<1x5000x64xf32>
    %get3A_11 = vector.shape_cast %get3A_10 : vector<1x5000x64xf32> to vector<5000x64xf32>
    %add3A = arith.addf %get3A_6, %get3A_11 : vector<5000x64xf32>
    %mul3A = vector.broadcast %get3A_1 : vector<5000x1xf32> to vector<5000x64xf32>
    %mul3A_12 = arith.mulf %mul3A, %add3A : vector<5000x64xf32>
    %mul3A_13 = arith.mulf %get3A_1, %get3A_1 : vector<5000x1xf32>
    %get3A_14 = arith.constant 0 : index
    %get3A_15 = arith.constant 0 : index
    %get3A_16 = vector.load %arg2[%get3A_14, %get3A_15] : memref<5000x64xf32, #tpu.memory_space<vmem>>, vector<5000x64xf32>
    %mul3A_17 = vector.broadcast %mul3A_13 : vector<5000x1xf32> to vector<5000x64xf32>
    %mul3A_18 = arith.mulf %mul3A_17, %get3A_16 : vector<5000x64xf32>
    %add3A_19 = arith.addf %mul3A_12, %mul3A_18 : vector<5000x64xf32>
    %get3A_20 = arith.constant 0 : index
    %get3A_21 = arith.constant 0 : index
    %get3A_22 = vector.load %arg4[%get3A_20, %get3A_21] : memref<1x64xf32, #tpu.memory_space<vmem>>, vector<1x64xf32>
    %add3A_23 = vector.broadcast %get3A_22 : vector<1x64xf32> to vector<5000x64xf32>
    %add3A_24 = arith.addf %add3A_19, %add3A_23 : vector<5000x64xf32>
    %max3A = arith.constant 0.000000e+00 : f32
    %max3A_25 = vector.broadcast %max3A : f32 to vector<5000x64xf32>
    %max3A_26 = arith.maximumf %add3A_24, %max3A_25 : vector<5000x64xf32>
    %get3A_27 = arith.constant 0 : index
    %get3A_28 = arith.constant 0 : index
    %get3A_29 = vector.load %arg5[%get3A_27, %get3A_28] : memref<64x8xf32, #tpu.memory_space<vmem>>, vector<64x8xf32>
    %dot_general3A = arith.constant dense<0.000000e+00> : vector<5000x8xf32>
    %dot_general3A_30 = tpu.matmul %max3A_26, %get3A_29, %dot_general3A {dimension_numbers = #tpu.dot_dimension_numbers<[1], [0], [0], [1], [0, 0, 1, 1], [], []>, transpose_lhs_hint = false} : vector<5000x64xf32>, vector<64x8xf32>, vector<5000x8xf32> -> vector<5000x8xf32>
    %swap3A = arith.constant 0 : index
    %swap3A_31 = arith.constant 0 : index
    %swap3A_32 = vector.load %arg6[%swap3A, %swap3A_31] : memref<5000x8xf32, #tpu.memory_space<vmem>>, vector<5000x8xf32>
    tpu.vector_store %arg6[%swap3A, %swap3A_31], %dot_general3A_30 {strides = array<i32>} : memref<5000x8xf32, #tpu.memory_space<vmem>>, vector<5000x8xf32>,
    %mul3A_33 = vector.broadcast %get3A_1 : vector<5000x1xf32> to vector<5000x8xf32>
    %mul3A_34 = arith.mulf %dot_general3A_30, %mul3A_33 : vector<5000x8xf32>
    %swap3A_35 = arith.constant 0 : index
    %swap3A_36 = arith.constant 0 : index
    %swap3A_37 = vector.load %arg7[%swap3A_35, %swap3A_36] : memref<5000x8xf32, #tpu.memory_space<vmem>>, vector<5000x8xf32>
    tpu.vector_store %arg7[%swap3A_35, %swap3A_36], %mul3A_34 {strides = array<i32>} : memref<5000x8xf32, #tpu.memory_space<vmem>>, vector<5000x8xf32>,
    return
  }
  func.func @transform_0(%arg0: i32) -> (i32, i32, i32) {
    %c0_i32 = arith.constant 0 : i32
    %c0_i32_0 = arith.constant 0 : i32
    %c0_i32_1 = arith.constant 0 : i32
    return %c0_i32, %arg0, %c0_i32_0 : i32, i32, i32
  }
  func.func @transform_1(%arg0: i32) -> (i32, i32) {
    %c0_i32 = arith.constant 0 : i32
    %c0_i32_0 = arith.constant 0 : i32
    return %arg0, %c0_i32 : i32, i32
  }
  func.func @transform_2(%arg0: i32) -> (i32, i32) {
    %c0_i32 = arith.constant 0 : i32
    %c0_i32_0 = arith.constant 0 : i32
    return %arg0, %c0_i32 : i32, i32
  }
  func.func @transform_3(%arg0: i32) -> (i32, i32) {
    %c0_i32 = arith.constant 0 : i32
    %c0_i32_0 = arith.constant 0 : i32
    %c0_i32_1 = arith.constant 0 : i32
    return %c0_i32, %c0_i32_0 : i32, i32
  }
  func.func @transform_4(%arg0: i32) -> (i32, i32) {
    %c0_i32 = arith.constant 0 : i32
    %c0_i32_0 = arith.constant 0 : i32
    %c0_i32_1 = arith.constant 0 : i32
    return %c0_i32, %c0_i32_0 : i32, i32
  }
  func.func @transform_5(%arg0: i32) -> (i32, i32) {
    %c0_i32 = arith.constant 0 : i32
    %c0_i32_0 = arith.constant 0 : i32
    return %arg0, %c0_i32 : i32, i32
  }
  func.func @transform_6(%arg0: i32) -> (i32, i32) {
    %c0_i32 = arith.constant 0 : i32
    %c0_i32_0 = arith.constant 0 : i32
    return %arg0, %c0_i32 : i32, i32
  }
}

module attributes {stable_mosaic.version = 14 : i64} {
  func.func @_tc3_body(%arg0: i32, %arg1: memref<2x5000x8xf32, #tpu.memory_space<vmem>>, %arg2: memref<5000x8xf32, #tpu.memory_space<vmem>>, %arg3: memref<5000x16xf32, #tpu.memory_space<vmem>>, %arg4: memref<1x8xf32, #tpu.memory_space<vmem>>, %arg5: memref<5000x2xf32, #tpu.memory_space<vmem>>) attributes {dimension_semantics = [#tpu.dimension_semantics<arbitrary>], iteration_bounds = array<i64: 2>, scalar_prefetch = 0 : i64, scratch_operands = 0 : i64, tpu.core_type = #tpu.core_type<tc>, window_params = [{transform_indices = @transform_0, window_bounds = array<i64: 2, 5000, 8>}, {transform_indices = @transform_1, window_bounds = array<i64: 5000, 8>}, {transform_indices = @transform_2, window_bounds = array<i64: 5000, 16>}, {pipeline_mode = #tpu.pipeline_mode<synchronous>, transform_indices = @transform_3, window_bounds = array<i64: 1, 8>}, {transform_indices = @transform_4, window_bounds = array<i64: 5000, 2>}]} {
    %get3A = arith.constant 0 : index
    %get3A_0 = arith.constant 0 : index
    %get3A_1 = vector.load %arg3[%get3A, %get3A_0] : memref<5000x16xf32, #tpu.memory_space<vmem>>, vector<5000x1xf32>
    %get3A_2 = arith.constant 0 : index
    %get3A_3 = arith.constant 0 : index
    %get3A_4 = arith.constant 0 : index
    %get3A_5 = vector.load %arg1[%get3A_2, %get3A_3, %get3A_4] : memref<2x5000x8xf32, #tpu.memory_space<vmem>>, vector<1x5000x8xf32>
    %get3A_6 = vector.shape_cast %get3A_5 : vector<1x5000x8xf32> to vector<5000x8xf32>
    %get3A_7 = arith.constant 1 : index
    %get3A_8 = arith.constant 0 : index
    %get3A_9 = arith.constant 0 : index
    %get3A_10 = vector.load %arg1[%get3A_7, %get3A_8, %get3A_9] : memref<2x5000x8xf32, #tpu.memory_space<vmem>>, vector<1x5000x8xf32>
    %get3A_11 = vector.shape_cast %get3A_10 : vector<1x5000x8xf32> to vector<5000x8xf32>
    %add3A = arith.addf %get3A_6, %get3A_11 : vector<5000x8xf32>
    %mul3A = vector.broadcast %get3A_1 : vector<5000x1xf32> to vector<5000x8xf32>
    %mul3A_12 = arith.mulf %mul3A, %add3A : vector<5000x8xf32>
    %mul3A_13 = arith.mulf %get3A_1, %get3A_1 : vector<5000x1xf32>
    %get3A_14 = arith.constant 0 : index
    %get3A_15 = arith.constant 0 : index
    %get3A_16 = vector.load %arg2[%get3A_14, %get3A_15] : memref<5000x8xf32, #tpu.memory_space<vmem>>, vector<5000x8xf32>
    %mul3A_17 = vector.broadcast %mul3A_13 : vector<5000x1xf32> to vector<5000x8xf32>
    %mul3A_18 = arith.mulf %mul3A_17, %get3A_16 : vector<5000x8xf32>
    %add3A_19 = arith.addf %mul3A_12, %mul3A_18 : vector<5000x8xf32>
    %get3A_20 = arith.constant 0 : index
    %get3A_21 = arith.constant 0 : index
    %get3A_22 = vector.load %arg4[%get3A_20, %get3A_21] : memref<1x8xf32, #tpu.memory_space<vmem>>, vector<1x8xf32>
    %add3A_23 = vector.broadcast %get3A_22 : vector<1x8xf32> to vector<5000x8xf32>
    %add3A_24 = arith.addf %add3A_19, %add3A_23 : vector<5000x8xf32>
    %slice3A = vector.extract_strided_slice %add3A_24 {offsets = [0, 0], sizes = [5000, 2], strides = [1, 1]} : vector<5000x8xf32> to vector<5000x2xf32>
    %swap3A = arith.constant 0 : index
    %swap3A_25 = arith.constant 0 : index
    %swap3A_26 = vector.load %arg5[%swap3A, %swap3A_25] : memref<5000x2xf32, #tpu.memory_space<vmem>>, vector<5000x2xf32>
    tpu.vector_store %arg5[%swap3A, %swap3A_25], %slice3A {strides = array<i32>} : memref<5000x2xf32, #tpu.memory_space<vmem>>, vector<5000x2xf32>,
    return
  }
  func.func @transform_0(%arg0: i32) -> (i32, i32, i32) {
    %c0_i32 = arith.constant 0 : i32
    %c0_i32_0 = arith.constant 0 : i32
    %c0_i32_1 = arith.constant 0 : i32
    return %c0_i32, %arg0, %c0_i32_0 : i32, i32, i32
  }
  func.func @transform_1(%arg0: i32) -> (i32, i32) {
    %c0_i32 = arith.constant 0 : i32
    %c0_i32_0 = arith.constant 0 : i32
    return %arg0, %c0_i32 : i32, i32
  }
  func.func @transform_2(%arg0: i32) -> (i32, i32) {
    %c0_i32 = arith.constant 0 : i32
    %c0_i32_0 = arith.constant 0 : i32
    return %arg0, %c0_i32 : i32, i32
  }
  func.func @transform_3(%arg0: i32) -> (i32, i32) {
    %c0_i32 = arith.constant 0 : i32
    %c0_i32_0 = arith.constant 0 : i32
    %c0_i32_1 = arith.constant 0 : i32
    return %c0_i32, %c0_i32_0 : i32, i32
  }
  func.func @transform_4(%arg0: i32) -> (i32, i32) {
    %c0_i32 = arith.constant 0 : i32
    %c0_i32_0 = arith.constant 0 : i32
    return %arg0, %c0_i32 : i32, i32
  }
}

</mosaic_0001>

<sc_bundles>
// kernel: gcn_agg64_sc.3.cloned.1.call-start
scs
__scs_entry_jumppad:
0x0: {  	(pc) =	sbr.rel $0x88, $3  }
0x1: {  	(tag) =	ssettag $0x0;
	lr =	simm.s32 $0x1  }
0x2: {  	[smem:$0x3F9B] =	sst lr;
	_ =	strace $0xD0000000  }
0x3: {  	_ = 	snop  }
0x4: {  	_ = 	snop  }
0x5: {  	_ = 	snop  }
0x6: {  	_ = 	snop  }
0x7: {  	_ = 	snop  }
__scs_overlays_trampoline_lowered:
0x8: {  	[smem:$0x3FAA] =	sst s0  }
0x9: {  	[smem:$0x3FAB] =	sst s1  }
0xa: {  	[smem:$0x3FAC] =	sst s2  }
0xb: {  	[smem:$0x3FAD] =	sst s3  }
0xc: {  	[smem:$0x3FAE] =	sst s4  }
0xd: {  	[smem:$0x3FAF] =	sst s5  }
0xe: {  	[smem:$0x3FB0] =	sst s6  }
0xf: {  	[smem:$0x3FB1] =	sst s7  }
0x10: {  	[smem:$0x3FB2] =	sst s8  }
0x11: {  	[smem:$0x3FB3] =	sst s9;
	s0 =	simm.s32 @!p0 $0x0  }
0x12: {  	s1 =	sld [smem:$0x3F99];
	s0 =	simm.s32 @p0 $0x1  }
0x13: {  	[smem:$0x3FB4] =	sst s0;
	s0 =	simm.s32 @!p1 $0x0  }
0x14: {  	s2 =	sld [smem:$0x3F98];
	s0 =	simm.s32 @p1 $0x1  }
0x15: {  	[smem:$0x3FB5] =	sst s0;
	s0 =	simm.s32 @!p2 $0x0  }
0x16: {  	s3 =	sld [smem:$0x3FDB];
	s0 =	simm.s32 @p2 $0x1  }
0x17: {  	s4 =	simm.s32 $0x1BF5;
	[smem:$0x3FB7] =	sst s0  }
0x18: {  	s0 =	sld [smem:$0x3F9A];
	_ =	swait.ge [sflag:s4], $0x0  }
0x19: {  	s7 =	sld [smem:$0x3F9B]  }
0x1a: {  	s8 =	sadd.s32 $0xFFFFE003, lr  }
0x1b: {  	s9 =	sadd.s32 $0xFFFFFEF7, lr;
	s5 =	simm.s32 $0xFFFFFFFF;
	p2 =	slt.u32 s8, $0xFFFFF086  }
0x1c: {  	p1 =	slt.u32 s9, $0xF7A;
	s5 =	simm.s32 @!p2 $0x0  }
0x1d: {  	s5 =	simm.s32 @p1 $0x1;
	p0 =	seq.s32 s7, s2  }
0x1e: {  	s7 =	smul.u32 @!p0 $0xF7A, s2;
	p2 =	seq.s32 @!p0 s5, $0x0  }
0x1f: {  	s9 =	smul.u32 $0xF7A, s1;
	s8 =	simm.s32 @!p0 $0x1BF5;
	p2 =	por !p2, p0  }
0x20: {  	[sflag:s8] =	ssyncset.s32 @!p0 $0xFFFFF086;
	s6 =	sadd.s32 @!p0 s3, s7;
	s7 =	simm.s32 @!p0 $0x108  }
0x21: {  	s3 =	sadd.s32 s3, s9;
	s6 =	sadd.s32 @!p0 $0x88, s6;
	s7 =	simm.s32 @p2 $0x1082  }
0x22: {  	[simem:s7], [sflag:s8] =	dma.local @!p0 [hbm:s6], $0xF7A  }
0x23: {  	s9 =	sor.u32 $0xD0000000, s2;
	s6 =	simm.s32 $0x108;
	_ =	swait.ge @!p0 [sflag:s8], $0x0  }
0x24: {  	s3 =	sadd.s32 $0x88, s3;
	s6 =	simm.s32 @!p1 $0x1082;
	[sflag:s4] =	ssyncset.s32 $0xFFFFF086  }
0x25: {  	[simem:s6], [sflag:s4] =	dma.local [hbm:s3], $0xF7A  }
0x26: {  	[smem:$0x3F9B] =	sst s1;
	(tag) =	ssettag s2;
	_ =	strace s9  }
0x27: {  	s1 =	sld [smem:$0x3FAB]  }
0x28: {  	s2 =	sld [smem:$0x3FAC]  }
0x29: {  	s4 =	sld [smem:$0x3FAE]  }
0x2a: {  	p0 =	seq.s32 s5, $0x0;
	s5 =	sld [smem:$0x3FAF]  }
0x2b: {  	s6 =	sld [smem:$0x3FB0]  }
0x2c: {  	s7 =	sld [smem:$0x3FB1]  }
0x2d: {  	s3 =	simm.s32 $0x108;
	s8 =	sld [smem:$0x3FB2]  }
0x2e: {  	s3 =	simm.s32 @!p0 $0x1082;
	s9 =	sld [smem:$0x3FB3]  }
0x2f: {  	lr =	sadd.s32 s0, s3;
	s0 =	sld [smem:$0x3FAA]  }
0x30: {  	s3 =	sld [smem:$0x3FAD]  }
0x31: {  	[smem:$0x3FB6] =	sst s10  }
0x32: {  	s10 =	sld [smem:$0x3FB4];
	_ =	sdelay $0x3  }
0x33: {  	p0 =	seq.s32 s10, $0x1;
	s10 =	sld [smem:$0x3FB6];
	_ =	sdelay $0x3  }
0x34: {  	[smem:$0x3FB6] =	sst s10  }
0x35: {  	s10 =	sld [smem:$0x3FB5];
	_ =	sdelay $0x3  }
0x36: {  	p1 =	seq.s32 s10, $0x1;
	s10 =	sld [smem:$0x3FB6];
	_ =	sdelay $0x3  }
0x37: {  	[smem:$0x3FB6] =	sst s10  }
0x38: {  	s10 =	sld [smem:$0x3FB7]  }
0x39: {  	_ = 	snop;
	(pc) =	sbr.ind lr, $3  }
0x3a: {  	_ = 	snop  }
0x3b: {  	_ = 	snop  }
0x3c: {  	p2 =	seq.s32 s10, $0x1;
	s10 =	sld [smem:$0x3FB6]  }
0x3d: {  	_ =	shalt  }
0x3e: {  	_ =	shalt  }
0x3f: {  	_ =	shalt  }
0x40: {  	_ =	shalt  }
0x41: {  	_ =	shalt  }
0x42: {  	_ =	shalt  }
0x43: {  	_ =	shalt  }
0x44: {  	_ =	shalt  }
0x45: {  	_ =	shalt  }
0x46: {  	_ =	shalt  }
0x47: {  	_ =	shalt  }
0x48: {  	_ =	shalt  }
0x49: {  	_ =	shalt  }
0x4a: {  	_ =	shalt  }
0x4b: {  	_ =	shalt  }
0x4c: {  	_ =	shalt  }
0x4d: {  	_ =	shalt  }
0x4e: {  	_ =	shalt  }
0x4f: {  	_ =	shalt  }
0x50: {  	_ =	shalt  }
0x51: {  	_ =	shalt  }
0x52: {  	_ =	shalt  }
0x53: {  	_ =	shalt  }
0x54: {  	_ =	shalt  }
0x55: {  	_ =	shalt  }
0x56: {  	_ =	shalt  }
0x57: {  	_ =	shalt  }
0x58: {  	_ =	shalt  }
0x59: {  	_ =	shalt  }
0x5a: {  	_ =	shalt  }
0x5b: {  	_ =	shalt  }
0x5c: {  	_ =	shalt  }
0x5d: {  	_ =	shalt  }
0x5e: {  	_ =	shalt  }
0x5f: {  	_ =	shalt  }
0x60: {  	_ =	shalt  }
0x61: {  	_ =	shalt  }
0x62: {  	_ =	shalt  }
0x63: {  	_ =	shalt  }
0x64: {  	_ =	shalt  }
0x65: {  	_ =	shalt  }
0x66: {  	_ =	shalt  }
0x67: {  	_ =	shalt  }
0x68: {  	_ =	shalt  }
0x69: {  	_ =	shalt  }
0x6a: {  	_ =	shalt  }
0x6b: {  	_ =	shalt  }
0x6c: {  	_ =	shalt  }
0x6d: {  	_ =	shalt  }
0x6e: {  	_ =	shalt  }
0x6f: {  	_ =	shalt  }
0x70: {  	_ =	shalt  }
0x71: {  	_ =	shalt  }
0x72: {  	_ =	shalt  }
0x73: {  	_ =	shalt  }
0x74: {  	_ =	shalt  }
0x75: {  	_ =	shalt  }
0x76: {  	_ =	shalt  }
0x77: {  	_ =	shalt  }
0x78: {  	_ =	shalt  }
0x79: {  	_ =	shalt  }
0x7a: {  	_ =	shalt  }
0x7b: {  	_ =	shalt  }
0x7c: {  	_ =	shalt  }
0x7d: {  	_ =	shalt  }
0x7e: {  	_ =	shalt  }
0x7f: {  	_ =	shalt  }
0x80: {  	_ =	shalt  }
0x81: {  	_ =	shalt  }
0x82: {  	_ =	shalt  }
0x83: {  	_ =	shalt  }
0x84: {  	_ =	shalt  }
0x85: {  	_ =	shalt  }
0x86: {  	_ =	shalt  }
0x87: {  	_ =	shalt  }
.Lfunc_end0:
.L_simem_size_0:
called_computation.1_lowered:
.L_overlay_start_0:
0x88: {  	s2 =	sld [smem:$0x3FD9]  }
0x89: {  	s3 =	sld [smem:$0x3FFE];
	_ =	sdelay $0x1  }
0x8a: {  	s1 =	srdreg.scid  }
0x8b: {  	s0 =	sand.u32 $0x1, s1  }
0x8c: {  	s16 =	sshll.u32 s0, $0xA;
	s2 =	sadd.s32 s3, s2  }
0x8d: {  	s2 =	sadd.s32 s2, s16  }
0x8e: {  	[smem:$0x3FC2] =	sst s2  }
0x8f: {  	_ = 	snop  }
0x90: {  	(tm) =	ssettm $0x1  }
0x91: {  	s17 =	sld [smem:$0x3FFB];
	_ =	sdelay $0x3  }
0x92: {  	_ =	strace s17  }
0x93: {  	s2 =	sld [smem:$0x3FFC];
	_ =	sdelay $0x3  }
0x94: {  	_ =	strace s2  }
0x95: {  	s2 =	sld [smem:$0x3FFD];
	_ =	sdelay $0x3  }
0x96: {  	_ =	strace s2  }
0x97: {  	_ =	strace $0x8FFFFFFF  }
0x98: {  	s18 =	sld [smem:$0x3FDB];
	_ =	sdelay $0x1  }
0x99: {  	s19 =	simm.s32 $_scs_section_size  }
0x9a: {  	s4 =	simm.s32 $_size__tile_overlayer_lowered;
	s5 =	simm.s32 $_tile_overlayer_lowered  }
0x9b: {  	s22 =	simm.s32 $0x1BFF;
	s21 =	sshll.u32 s5, $0x1;
	s2 =	sadd.s32 s19, s18  }
0x9c: {  	s6 =	simm.s32 $0x0;
	s20 =	sshll.u32 s4, $0x1;
	s4 =	sadd.s32 s21, s2  }
0x9d: {  	[timem:s6], [sflag:s22] =	dma.local [hbm:s4], s20  }
0x9e: {  	_ =	swait.ge [sflag:s22], s20  }
0x9f: {  	s3 =	ssub.s32 $0x0, s20;
	[sflag:s22] =	ssyncset.done $0x0  }
0xa0: {  	[sflag:s22] =	ssyncadd.s32 s3;
	_ =	sdelay $0x1  }
0xa1: {  	s23 =	simm.s32 $0x1B8B  }
0xa2: {  	_ =	swait.ge [sflag:s23], $0x1  }
0xa3: {  	[sflag:s23] =	ssyncset.done $0x0  }
0xa4: {  	s25 =	simm.s32 $0x1B8E;
	s24 =	sld [smem:$0x3FFE];
	[sflag:s23] =	ssyncadd.s32 $0xFFFFFFFF  }
0xa5: {  	s26 =	simm.s32 $execute0_lowered;
	[smem:$0x3FD2] =	sst s25  }
0xa6: {  	s4 =	sshll.u32 s26, $0x1;
	_ =	strace $0x80000049;
	[dreg:$0x1] =	wrdreg $0xFFFFFFFF  }
0xa7: {  	s28 =	simm.s32 $_size_execute0_lowered;
	s2 =	sadd.s32 s2, s4;
	[dreg:$0x0] =	wrdreg $0x0  }
0xa8: {  	s4 =	sshll.u32 s28, $0x1;
	[dreg:$0x2] =	wrdreg s2  }
0xa9: {  	[dreg:$0x3] =	wrdreg s4  }
0xaa: {  	[dreg:$0x4] =	wrdreg $0xC0  }
0xab: {  	_ =	task [dreg:s6], $0x5FFFF  }
0xac: {  	[dreg:$0x1] =	wrdreg $0xFFFFFFFF  }
0xad: {  	[dreg:$0x0] =	wrdreg $0x60  }
0xae: {  	[dreg:$0x2] =	wrdreg s24  }
0xaf: {  	[dreg:$0x3] =	wrdreg $0x110000  }
0xb0: {  	[dreg:$0x4] =	wrdreg $0x9  }
0xb1: {  	_ =	task.clear_ibuf [dreg:s6], $0x5FFFF;
	_ =	strace $0x90000049  }
0xb2: {  	s29 =	simm.s32 $0x9;
	_ =	strace $0x8000004B  }
0xb3: {  	_ =	swait.ge [sflag:s29], $0x1  }
0xb4: {  	[sflag:s29] =	ssyncadd.s32 $0xFFFFFFFF  }
0xb5: {  	_ =	strace $0x9000004B  }
0xb6: {  	_ =	sfence  }
0xb7: {  	s30 =	sld [smem:$0x0];
	_ =	sdelay $0x2  }
0xb8: {  	s31 =	sshll.u32 s1, $0xD;
	s1 =	sshrl.u32 s1, $0x2  }
0xb9: {  	s3 =	sand.u32 $0x4000, s31;
	s1 =	sadd.s32 s1, s30  }
0xba: {  	s0 =	sor.u32 s3, s0;
	s1 =	sshll.u32 s1, $0x11  }
0xbb: {  	s0 =	sor.u32 s1, s0  }
0xbc: {  	s0 =	sadd.s32 $0x8F2B, s0  }
0xbd: {  	[sflag:s0] =	ssyncadd.remote.s32 $0x1  }
0xbe: {  	_ =	sfence.sel $0xFFFF  }
0xbf: {  	[dreg:$0x0] =	wrdreg $0xFFFFFFFF;
	(pc) =	sbr.abs _section_cstart, $3  }
0xc0: {  	[dreg:$0x1] =	wrdreg $0xFFFFFFFF  }
0xc1: {  	_ =	task.clear_ibuf [dreg:s6], $0x2FFFF;
	_ =	strace $0x9FFFFFFF  }
0xc2: {  	(tm) =	ssettm $0x7FFFFFFF  }
0xc3: {  	_ =	shalt  }
tec
execute0_lowered:
.L_overlay_start_1:
0x0: {  	(tag) =	ssettag $0x1  }
0x1: {  	s0 =	rddreg [dreg:$0x0]  }
0x2: {  	s1 =	rddreg [dreg:$0x1];
	s2 =	simm.s32 $0x0  }
0x3: {  	s3 =	srdreg.scid;
	s13 =	stileid.u32;
	s15 =	simm.s32 $0x80  }
0x4: {  	s16 =	simm.s32 $0x5000;
	s17 =	simm.s32 $0x7000;
	s19 =	simm.s32 $0x9000  }
0x5: {  	s21 =	simm.s32 $0xB000;
	s28 =	simm.s32 $0x1;
	s29 =	simm.s32 $0x2  }
0x6: {  	s30 =	simm.s32 $0x3;
	s31 =	simm.s32 $0x4;
	s18 =	simm.s32 $0x8  }
0x7: {  	s20 =	simm.s32 $0x9;
	[smem:$0x7FF] =	sst s2;
	s4 =	sadd.s32 $0x15600, s0  }
0x8: {  	s3 =	sand.u32 $0x1, s3;
	s7 =	sadd.s32 $0x1C00, s0;
	s8 =	sadd.s32 $0x29000, s0  }
0x9: {  	s10 =	sshll.u32 s13, $0x5;
	s11 =	smul.u32 $0x9C80, s13;
	s26 =	sshll.u32 s13, $0x6  }
0xa: {  	_ =	strace $0x8000004A;
	s5 =	smul.u32 $0x13900, s3;
	s6 =	sshll.u32 s3, $0x4  }
0xb: {  	[dreg:$0x3] =	wrdreg s8;
	s3 =	ssub.s32 $0x2, s3;
	s12 =	sor.u32 $0x9C00, s10  }
0xc: {  	s6 =	sor.u32 s13, s6;
	s9 =	sshrl.u32 s3, $0x1;
	s24 =	sadd.s32 s11, s1  }
0xd: {  	s11 =	sshrl.u32 s11, $0x3;
	s13 =	sor.u32 $0x1C0D, s26;
	s26 =	simm.s32 $0xF000  }
0xe: {  	s5 =	sadd.s32 s5, s0;
	s22 =	smul.u32 $0x4E0, s6;
	s3 =	ssub.s32 s3, s9  }
0xf: {  	s0 =	sadd.s32 $0xB840, s0;
	p0 =	sgt.u32 s6, $0x1;
	s9 =	simm.s32 $0xD  }
0x10: {  	s14 =	sshrl.u32 s24, $0x3;
	s6 =	simm.s32 $0x0;
	s3 =	smax.u32 s3, $0x1  }
0x11: {  	s5 =	sadd.s32 $0x2A400, s5;
	s23 =	sadd.s32 s7, s22;
	[dreg:$0x6] =	wrdreg s3  }
0x12: {  	s7 =	sadd.s32 s7, s12;
	s25 =	sadd.s32 s22, s0;
	[dreg:$0x4] =	wrdreg s23  }
0x13: {  	s0 =	sadd.s32 @!p0 s12, s0;
	s24 =	sadd.s32 s11, s5;
	[dreg:$0x5] =	wrdreg s7  }
0x14: {  	s3 =	simm.s32 $0x6;
	s11 =	simm.s32 $0x7;
	[dreg:$0x7] =	wrdreg s25  }
0x15: {  	s22 =	simm.s32 $0xA;
	s5 =	simm.s32 $0xC;
	[dreg:$0x8] =	wrdreg s0  }
0x16: {  	s23 =	simm.s32 $0xD000;
	s0 =	simm.s32 $0x5;
	s25 =	simm.s32 $0xB  }
.LBB2_1:
0x17: {  	s7 =	rddreg [dreg:$0x4]  }
0x18: {  	[tilespmem:s2], [sflag:$0xD] =	stream.linear.gather [hbm4b:s7+s2], $0x2700, $0x38;
	[tilespmem:$0x1AC80] =	vst v63  }
0x19: {  	_ =	swait.ge [sflag:s9], $0x2700  }
0x1a: {  	[sflag:s9] =	ssyncset.done $0x0  }
0x1b: {  	s8 =	simm.s32 $0x2800;
	s10 =	rddreg [dreg:$0x7];
	[sflag:s9] =	ssyncadd.s32 $0xFFFFD900  }
0x1c: {  	[tilespmem:s8], [sflag:$0xD] =	stream.linear.gather [hbm4b:s10+s2], $0x2700, $0x38;
	[tilespmem:$0x1AC80] =	vst v63  }
0x1d: {  	_ =	swait.ge [sflag:s9], $0x2700  }
0x1e: {  	s7 =	simm.s32 @!p0 $0x0;
	[sflag:s9] =	ssyncset.done $0x0  }
0x1f: {  	s8 =	simm.s32 @!p0 $0x2700;
	s10 =	rddreg [dreg:$0x5];
	[sflag:s9] =	ssyncadd.s32 $0xFFFFD900  }
0x20: {  	[tilespmem:s8], [sflag:$0xD] =	stream.linear.gather @!p0 [hbm4b:s10+s7], $0x100, $0x38;
	[tilespmem:$0x1AC80] =	vst v63  }
0x21: {  	s8 =	simm.s32 @!p0 $0xD  }
0x22: {  	_ =	swait.ge @!p0 [sflag:s8], $0x100  }
0x23: {  	[sflag:s8] =	ssyncset.done @!p0 $0x0  }
0x24: {  	s10 =	simm.s32 @!p0 $0x4F00;
	s12 =	rddreg [dreg:$0x8];
	[sflag:s8] =	ssyncadd.s32 @!p0 $0xFFFFFF00  }
0x25: {  	[tilespmem:s10], [sflag:$0xD] =	stream.linear.gather @!p0 [hbm4b:s12+s7], $0x100, $0x38;
	[tilespmem:$0x1AC80] =	vst v63  }
0x26: {  	_ =	swait.ge @!p0 [sflag:s8], $0x100  }
0x27: {  	[sflag:s8] =	ssyncset.done @!p0 $0x0  }
0x28: {  	s12 =	rddreg [dreg:$0x3];
	[sflag:s8] =	ssyncadd.s32 @!p0 $0xFFFFFF00  }
0x29: {  	[spmem:s14], [sflag:s13] =	dma.local [hbm:s12], $0x1390  }
0x2a: {  	_ =	swait.ge [sflag:s9], $0x1390  }
0x2b: {  	[sflag:s9] =	ssyncset.done $0x0  }
0x2c: {  	[sflag:s9] =	ssyncadd.s32 $0xFFFFEC70  }
0x2d: {  	[bflag:$0x0] =	sbarrier.arrive $0xFFFF  }
0x2e: {  	[tilespmem:s16], [sflag:$0x1] =	stream.indirect.gather [hbm4b:s4+s15], $0x40, s2, s15, $0xb8;
	[tilespmem:$0x1AC80] =	vst v63  }
0x2f: {  	_ = 	snop  }
0x30: {  	[tilespmem:s17], [sflag:$0x2] =	stream.indirect.gather [hbm4b:s4+s15], $0x40, s15, s15, $0xb8;
	[tilespmem:$0x1AC80] =	vst v63  }
0x31: {  	s8 =	simm.s32 $0x100  }
0x32: {  	[tilespmem:s19], [sflag:$0x3] =	stream.indirect.gather [hbm4b:s4+s15], $0x40, s8, s15, $0xb8;
	[tilespmem:$0x1AC80] =	vst v63  }
0x33: {  	s10 =	simm.s32 $0x180  }
0x34: {  	[tilespmem:s21], [sflag:$0x4] =	stream.indirect.gather [hbm4b:s4+s15], $0x40, s10, s15, $0xb8;
	[tilespmem:$0x1AC80] =	vst v63  }
0x35: {  	s12 =	simm.s32 $0x200  }
0x36: {  	[tilespmem:s23], [sflag:$0x5] =	stream.indirect.gather [hbm4b:s4+s15], $0x40, s12, s15, $0xb8;
	[tilespmem:$0x1AC80] =	vst v63  }
0x37: {  	s8 =	simm.s32 $0x280  }
0x38: {  	[tilespmem:s26], [sflag:$0x6] =	stream.indirect.gather [hbm4b:s4+s15], $0x40, s8, s15, $0xb8;
	[tilespmem:$0x1AC80] =	vst v63  }
0x39: {  	_ =	swait.ge [sflag:s28], $0x2000  }
0x3a: {  	[sflag:s28] =	ssyncset.done $0x0  }
0x3b: {  	s10 =	simm.s32 $0x2800;
	[sflag:s28] =	ssyncadd.s32 $0xFFFFE000  }
0x3c: {  	[spmem:s1] =	stream.indirect.scatter.add.f32 [tilespmem:s16], [sflag:$0x7], $0x40, s10, s15, $0xb8;
	[tilespmem:$0x1AC80] =	vst v63  }
0x3d: {  	_ =	swait.ge [sflag:s29], $0x2000  }
0x3e: {  	[sflag:s29] =	ssyncset.done $0x0  }
0x3f: {  	s12 =	simm.s32 $0x2880;
	[sflag:s29] =	ssyncadd.s32 $0xFFFFE000  }
0x40: {  	[spmem:s1] =	stream.indirect.scatter.add.f32 [tilespmem:s17], [sflag:$0x8], $0x40, s12, s15, $0xb8;
	[tilespmem:$0x1AC80] =	vst v63  }
0x41: {  	_ =	swait.ge [sflag:s30], $0x2000  }
0x42: {  	[sflag:s30] =	ssyncset.done $0x0  }
0x43: {  	s8 =	simm.s32 $0x2900;
	[sflag:s30] =	ssyncadd.s32 $0xFFFFE000  }
0x44: {  	[spmem:s1] =	stream.indirect.scatter.add.f32 [tilespmem:s19], [sflag:$0x9], $0x40, s8, s15, $0xb8;
	[tilespmem:$0x1AC80] =	vst v63  }
0x45: {  	_ =	swait.ge [sflag:s31], $0x2000  }
0x46: {  	[sflag:s31] =	ssyncset.done $0x0  }
0x47: {  	s10 =	simm.s32 $0x2980;
	[sflag:s31] =	ssyncadd.s32 $0xFFFFE000  }
0x48: {  	[spmem:s1] =	stream.indirect.scatter.add.f32 [tilespmem:s21], [sflag:$0xA], $0x40, s10, s15, $0xb8;
	[tilespmem:$0x1AC80] =	vst v63  }
0x49: {  	_ =	swait.ge [sflag:s0], $0x2000  }
0x4a: {  	[sflag:s0] =	ssyncset.done $0x0  }
0x4b: {  	s12 =	simm.s32 $0x2A00;
	[sflag:s0] =	ssyncadd.s32 $0xFFFFE000  }
0x4c: {  	[spmem:s1] =	stream.indirect.scatter.add.f32 [tilespmem:s23], [sflag:$0xB], $0x40, s12, s15, $0xb8;
	[tilespmem:$0x1AC80] =	vst v63  }
0x4d: {  	_ =	swait.ge [sflag:s3], $0x2000  }
0x4e: {  	[sflag:s3] =	ssyncset.done $0x0  }
0x4f: {  	s8 =	simm.s32 $0x2A80;
	[sflag:s3] =	ssyncadd.s32 $0xFFFFE000  }
0x50: {  	[spmem:s1] =	stream.indirect.scatter.add.f32 [tilespmem:s26], [sflag:$0xC], $0x40, s8, s15, $0xb8;
	[tilespmem:$0x1AC80] =	vst v63  }
0x51: {  	_ =	swait.ge [sflag:s11], $0x2000  }
0x52: {  	[sflag:s11] =	ssyncset.done $0x0  }
0x53: {  	s10 =	simm.s32 $0x300;
	[sflag:s11] =	ssyncadd.s32 $0xFFFFE000  }
0x54: {  	[tilespmem:s16], [sflag:$0x1] =	stream.indirect.gather [hbm4b:s4+s15], $0x40, s10, s15, $0xb8;
	[tilespmem:$0x1AC80] =	vst v63  }
0x55: {  	_ =	swait.ge [sflag:s18], $0x2000  }
0x56: {  	[sflag:s18] =	ssyncset.done $0x0  }
0x57: {  	s12 =	simm.s32 $0x380;
	[sflag:s18] =	ssyncadd.s32 $0xFFFFE000  }
0x58: {  	[tilespmem:s17], [sflag:$0x2] =	stream.indirect.gather [hbm4b:s4+s15], $0x40, s12, s15, $0xb8;
	[tilespmem:$0x1AC80] =	vst v63  }
0x59: {  	_ =	swait.ge [sflag:s20], $0x2000  }
0x5a: {  	[sflag:s20] =	ssyncset.done $0x0  }
0x5b: {  	s8 =	simm.s32 $0x400;
	[sflag:s20] =	ssyncadd.s32 $0xFFFFE000  }
0x5c: {  	[tilespmem:s19], [sflag:$0x3] =	stream.indirect.gather [hbm4b:s4+s15], $0x40, s8, s15, $0xb8;
	[tilespmem:$0x1AC80] =	vst v63  }
0x5d: {  	_ =	swait.ge [sflag:s22], $0x2000  }
0x5e: {  	[sflag:s22] =	ssyncset.done $0x0  }
0x5f: {  	s10 =	simm.s32 $0x480;
	[sflag:s22] =	ssyncadd.s32 $0xFFFFE000  }
0x60: {  	[tilespmem:s21], [sflag:$0x4] =	stream.indirect.gather [hbm4b:s4+s15], $0x40, s10, s15, $0xb8;
	[tilespmem:$0x1AC80] =	vst v63  }
0x61: {  	_ =	swait.ge [sflag:s25], $0x2000  }
0x62: {  	[sflag:s25] =	ssyncset.done $0x0  }
0x63: {  	s12 =	simm.s32 $0x500;
	[sflag:s25] =	ssyncadd.s32 $0xFFFFE000  }
0x64: {  	[tilespmem:s23], [sflag:$0x5] =	stream.indirect.gather [hbm4b:s4+s15], $0x40, s12, s15, $0xb8;
	[tilespmem:$0x1AC80] =	vst v63  }
0x65: {  	_ =	swait.ge [sflag:s5], $0x2000  }
0x66: {  	[sflag:s5] =	ssyncset.done $0x0  }
0x67: {  	s7 =	simm.s32 $0xC00;
	s8 =	simm.s32 $0x580;
	[sflag:s5] =	ssyncadd.s32 $0xFFFFE000  }
.LBB2_2:
0x68: {  	[tilespmem:s26], [sflag:$0x6] =	stream.indirect.gather [hbm4b:s4+s15], $0x40, s8, s15, $0xb8;
	[tilespmem:$0x1AC80] =	vst v63  }
0x69: {  	s8 =	smov.u32 s7  }
0x6a: {  	p1 =	sne.s32 s7, $0x8400;
	s7 =	sadd.s32 $0xC00, s7;
	_ =	swait.ge [sflag:s28], $0x2000  }
0x6b: {  	s8 =	sshra.s32 s8, $0x2;
	[sflag:s28] =	ssyncset.done $0x0  }
0x6c: {  	s10 =	sadd.s32 $0x2800, s8;
	[sflag:s28] =	ssyncadd.s32 $0xFFFFE000  }
0x6d: {  	[spmem:s1] =	stream.indirect.scatter.add.f32 [tilespmem:s16], [sflag:$0x7], $0x40, s10, s15, $0xb8;
	[tilespmem:$0x1AC80] =	vst v63  }
0x6e: {  	_ =	swait.ge [sflag:s29], $0x2000  }
0x6f: {  	[sflag:s29] =	ssyncset.done $0x0  }
0x70: {  	s10 =	sadd.s32 $0x2880, s8;
	[sflag:s29] =	ssyncadd.s32 $0xFFFFE000  }
0x71: {  	[spmem:s1] =	stream.indirect.scatter.add.f32 [tilespmem:s17], [sflag:$0x8], $0x40, s10, s15, $0xb8;
	[tilespmem:$0x1AC80] =	vst v63  }
0x72: {  	_ =	swait.ge [sflag:s30], $0x2000  }
0x73: {  	[sflag:s30] =	ssyncset.done $0x0  }
0x74: {  	s10 =	sadd.s32 $0x2900, s8;
	[sflag:s30] =	ssyncadd.s32 $0xFFFFE000  }
0x75: {  	[spmem:s1] =	stream.indirect.scatter.add.f32 [tilespmem:s19], [sflag:$0x9], $0x40, s10, s15, $0xb8;
	[tilespmem:$0x1AC80] =	vst v63  }
0x76: {  	_ =	swait.ge [sflag:s31], $0x2000  }
0x77: {  	[sflag:s31] =	ssyncset.done $0x0  }
0x78: {  	s10 =	sadd.s32 $0x2980, s8;
	[sflag:s31] =	ssyncadd.s32 $0xFFFFE000  }
0x79: {  	[spmem:s1] =	stream.indirect.scatter.add.f32 [tilespmem:s21], [sflag:$0xA], $0x40, s10, s15, $0xb8;
	[tilespmem:$0x1AC80] =	vst v63  }
0x7a: {  	_ =	swait.ge [sflag:s0], $0x2000  }
0x7b: {  	[sflag:s0] =	ssyncset.done $0x0  }
0x7c: {  	s10 =	sadd.s32 $0x2A00, s8;
	[sflag:s0] =	ssyncadd.s32 $0xFFFFE000  }
0x7d: {  	[spmem:s1] =	stream.indirect.scatter.add.f32 [tilespmem:s23], [sflag:$0xB], $0x40, s10, s15, $0xb8;
	[tilespmem:$0x1AC80] =	vst v63  }
0x7e: {  	_ =	swait.ge [sflag:s3], $0x2000  }
0x7f: {  	[sflag:s3] =	ssyncset.done $0x0  }
0x80: {  	s10 =	sadd.s32 $0x2A80, s8;
	[sflag:s3] =	ssyncadd.s32 $0xFFFFE000  }
0x81: {  	[spmem:s1] =	stream.indirect.scatter.add.f32 [tilespmem:s26], [sflag:$0xC], $0x40, s10, s15, $0xb8;
	[tilespmem:$0x1AC80] =	vst v63  }
0x82: {  	_ =	swait.ge [sflag:s11], $0x2000  }
0x83: {  	[sflag:s11] =	ssyncset.done $0x0  }
0x84: {  	s10 =	sadd.s32 $0x300, s8;
	[sflag:s11] =	ssyncadd.s32 $0xFFFFE000  }
0x85: {  	[tilespmem:s16], [sflag:$0x1] =	stream.indirect.gather [hbm4b:s4+s15], $0x40, s10, s15, $0xb8;
	[tilespmem:$0x1AC80] =	vst v63  }
0x86: {  	_ =	swait.ge [sflag:s18], $0x2000  }
0x87: {  	[sflag:s18] =	ssyncset.done $0x0  }
0x88: {  	s10 =	sadd.s32 $0x380, s8;
	[sflag:s18] =	ssyncadd.s32 $0xFFFFE000  }
0x89: {  	[tilespmem:s17], [sflag:$0x2] =	stream.indirect.gather [hbm4b:s4+s15], $0x40, s10, s15, $0xb8;
	[tilespmem:$0x1AC80] =	vst v63  }
0x8a: {  	_ =	swait.ge [sflag:s20], $0x2000  }
0x8b: {  	[sflag:s20] =	ssyncset.done $0x0  }
0x8c: {  	s10 =	sadd.s32 $0x400, s8;
	[sflag:s20] =	ssyncadd.s32 $0xFFFFE000  }
0x8d: {  	[tilespmem:s19], [sflag:$0x3] =	stream.indirect.gather [hbm4b:s4+s15], $0x40, s10, s15, $0xb8;
	[tilespmem:$0x1AC80] =	vst v63  }
0x8e: {  	_ =	swait.ge [sflag:s22], $0x2000  }
0x8f: {  	[sflag:s22] =	ssyncset.done $0x0  }
0x90: {  	s10 =	sadd.s32 $0x480, s8;
	[sflag:s22] =	ssyncadd.s32 $0xFFFFE000  }
0x91: {  	[tilespmem:s21], [sflag:$0x4] =	stream.indirect.gather [hbm4b:s4+s15], $0x40, s10, s15, $0xb8;
	[tilespmem:$0x1AC80] =	vst v63  }
0x92: {  	_ =	swait.ge [sflag:s25], $0x2000  }
0x93: {  	[sflag:s25] =	ssyncset.done $0x0  }
.Ltmp0:
0x94: {  	s10 =	sadd.s32 $0x500, s8;
	[sflag:s25] =	ssyncadd.s32 $0xFFFFE000;
	(pc) =	sbr.rel @p1 .LBB2_2-.Ltmp0, $4  }
0x95: {  	[tilespmem:s23], [sflag:$0x5] =	stream.indirect.gather [hbm4b:s4+s15], $0x40, s10, s15, $0xb8;
	[tilespmem:$0x1AC80] =	vst v63  }
0x96: {  	_ =	swait.ge [sflag:s5], $0x2000  }
0x97: {  	[sflag:s5] =	ssyncset.done $0x0  }
0x98: {  	s8 =	sadd.s32 $0x580, s8;
	[sflag:s5] =	ssyncadd.s32 $0xFFFFE000  }
0x99: {  	[tilespmem:s26], [sflag:$0x6] =	stream.indirect.gather [hbm4b:s4+s15], $0x40, s8, s15, $0xb8;
	[tilespmem:$0x1AC80] =	vst v63  }
0x9a: {  	_ =	swait.ge [sflag:s28], $0x2000  }
0x9b: {  	[sflag:s28] =	ssyncset.done $0x0  }
0x9c: {  	s7 =	simm.s32 $0x4C00;
	[sflag:s28] =	ssyncadd.s32 $0xFFFFE000  }
0x9d: {  	[spmem:s1] =	stream.indirect.scatter.add.f32 [tilespmem:s16], [sflag:$0x7], $0x40, s7, s15, $0xb8;
	[tilespmem:$0x1AC80] =	vst v63  }
0x9e: {  	_ =	swait.ge [sflag:s29], $0x2000  }
0x9f: {  	[sflag:s29] =	ssyncset.done $0x0  }
0xa0: {  	s8 =	simm.s32 $0x4C80;
	[sflag:s29] =	ssyncadd.s32 $0xFFFFE000  }
0xa1: {  	[spmem:s1] =	stream.indirect.scatter.add.f32 [tilespmem:s17], [sflag:$0x8], $0x40, s8, s15, $0xb8;
	[tilespmem:$0x1AC80] =	vst v63  }
0xa2: {  	_ =	swait.ge [sflag:s30], $0x2000  }
0xa3: {  	[sflag:s30] =	ssyncset.done $0x0  }
0xa4: {  	s10 =	simm.s32 $0x4D00;
	[sflag:s30] =	ssyncadd.s32 $0xFFFFE000  }
0xa5: {  	[spmem:s1] =	stream.indirect.scatter.add.f32 [tilespmem:s19], [sflag:$0x9], $0x40, s10, s15, $0xb8;
	[tilespmem:$0x1AC80] =	vst v63  }
0xa6: {  	_ =	swait.ge [sflag:s31], $0x2000  }
0xa7: {  	[sflag:s31] =	ssyncset.done $0x0  }
0xa8: {  	s12 =	simm.s32 $0x4D80;
	[sflag:s31] =	ssyncadd.s32 $0xFFFFE000  }
0xa9: {  	[spmem:s1] =	stream.indirect.scatter.add.f32 [tilespmem:s21], [sflag:$0xA], $0x40, s12, s15, $0xb8;
	[tilespmem:$0x1AC80] =	vst v63  }
0xaa: {  	_ =	swait.ge [sflag:s0], $0x2000  }
0xab: {  	[sflag:s0] =	ssyncset.done $0x0  }
0xac: {  	s8 =	simm.s32 $0x4E00;
	[sflag:s0] =	ssyncadd.s32 $0xFFFFE000  }
0xad: {  	[spmem:s1] =	stream.indirect.scatter.add.f32 [tilespmem:s23], [sflag:$0xB], $0x40, s8, s15, $0xb8;
	[tilespmem:$0x1AC80] =	vst v63  }
0xae: {  	_ =	swait.ge [sflag:s3], $0x2000  }
0xaf: {  	[sflag:s3] =	ssyncset.done $0x0  }
0xb0: {  	s10 =	simm.s32 $0x4E80;
	[sflag:s3] =	ssyncadd.s32 $0xFFFFE000  }
0xb1: {  	[spmem:s1] =	stream.indirect.scatter.add.f32 [tilespmem:s26], [sflag:$0xC], $0x40, s10, s15, $0xb8;
	[tilespmem:$0x1AC80] =	vst v63  }
0xb2: {  	_ =	swait.ge [sflag:s11], $0x2000  }
0xb3: {  	[sflag:s11] =	ssyncset.done $0x0  }
0xb4: {  	[sflag:s11] =	ssyncadd.s32 $0xFFFFE000  }
0xb5: {  	_ =	swait.ge [sflag:s18], $0x2000  }
0xb6: {  	[sflag:s18] =	ssyncset.done $0x0  }
0xb7: {  	[sflag:s18] =	ssyncadd.s32 $0xFFFFE000  }
0xb8: {  	_ =	swait.ge [sflag:s20], $0x2000  }
0xb9: {  	[sflag:s20] =	ssyncset.done $0x0  }
0xba: {  	[sflag:s20] =	ssyncadd.s32 $0xFFFFE000  }
0xbb: {  	_ =	swait.ge [sflag:s22], $0x2000  }
0xbc: {  	[sflag:s22] =	ssyncset.done $0x0  }
0xbd: {  	[sflag:s22] =	ssyncadd.s32 $0xFFFFE000  }
0xbe: {  	_ =	swait.ge [sflag:s25], $0x2000  }
0xbf: {  	[sflag:s25] =	ssyncset.done $0x0  }
0xc0: {  	[sflag:s25] =	ssyncadd.s32 $0xFFFFE000  }
0xc1: {  	_ =	swait.ge [sflag:s5], $0x2000  }
0xc2: {  	s7 =	simm.s32 @!p0 $0x80;
	[sflag:s5] =	ssyncset.done $0x0  }
0xc3: {  	s8 =	simm.s32 @!p0 $0x2700;
	s10 =	simm.s32 @!p0 $0x5000;
	[sflag:s5] =	ssyncadd.s32 $0xFFFFE000  }
0xc4: {  	[tilespmem:s10], [sflag:$0xD] =	stream.indirect.gather @!p0 [hbm4b:s4+s7], $0x40, s8, s7, $0xb8;
	[tilespmem:$0x1AC80] =	vst v63  }
0xc5: {  	s8 =	simm.s32 @!p0 $0xD  }
0xc6: {  	_ =	swait.ge @!p0 [sflag:s8], $0x2000  }
0xc7: {  	[sflag:s8] =	ssyncset.done @!p0 $0x0  }
0xc8: {  	s12 =	simm.s32 @!p0 $0x4F00;
	[sflag:s8] =	ssyncadd.s32 @!p0 $0xFFFFE000  }
0xc9: {  	[spmem:s1] =	stream.indirect.scatter.add.f32 @!p0 [tilespmem:s10], [sflag:$0xD], $0x40, s12, s7, $0xb8;
	[tilespmem:$0x1AC80] =	vst v63  }
0xca: {  	_ =	swait.ge @!p0 [sflag:s8], $0x2000  }
0xcb: {  	[sflag:s8] =	ssyncset.done @!p0 $0x0  }
0xcc: {  	s12 =	simm.s32 @!p0 $0x2780;
	[sflag:s8] =	ssyncadd.s32 @!p0 $0xFFFFE000  }
0xcd: {  	[tilespmem:s10], [sflag:$0xD] =	stream.indirect.gather @!p0 [hbm4b:s4+s7], $0x40, s12, s7, $0xb8;
	[tilespmem:$0x1AC80] =	vst v63  }
0xce: {  	_ =	swait.ge @!p0 [sflag:s8], $0x2000  }
0xcf: {  	[sflag:s8] =	ssyncset.done @!p0 $0x0  }
0xd0: {  	s12 =	simm.s32 @!p0 $0x4F80;
	[sflag:s8] =	ssyncadd.s32 @!p0 $0xFFFFE000  }
0xd1: {  	[spmem:s1] =	stream.indirect.scatter.add.f32 @!p0 [tilespmem:s10], [sflag:$0xD], $0x40, s12, s7, $0xb8;
	[tilespmem:$0x1AC80] =	vst v63  }
0xd2: {  	_ =	swait.ge @!p0 [sflag:s8], $0x2000  }
0xd3: {  	[sflag:s8] =	ssyncset.done @!p0 $0x0  }
0xd4: {  	[sflag:s8] =	ssyncadd.s32 @!p0 $0xFFFFE000  }
0xd5: {  	[bflag:$0x0] =	sbarrier.arrive $0xFFFF  }
0xd6: {  	[hbm:s24], [sflag:s13] =	dma.local [spmem:s14], $0x1390  }
0xd7: {  	_ =	swait.ge [sflag:s9], $0x1390  }
0xd8: {  	s6 =	sadd.s32 $0x1, s6;
	s12 =	rddreg [dreg:$0x6]  }
0xd9: {  	p1 =	sne.s32 s6, s12  }
.Ltmp1:
0xda: {  	_ = 	snop;
	(pc) =	sbr.rel @p1 .LBB2_1-.Ltmp1, $3  }
0xdb: {  	_ =	sdelay $0x1  }
0xdc: {  	[sflag:s9] =	ssyncset.done $0x0  }
0xdd: {  	[sflag:s9] =	ssyncadd.s32 $0xFFFFEC70  }
0xde: {  	_ =	sfence.sel $0x180000  }
0xdf: {  	[bflag:$0x0] =	sbarrier.arrive $0xFFFF  }
0xe0: {  	_ =	strace $0x9000004A  }
0xe1: {  	s0 =	stileid.u32;
	[bflag:$0x2] =	sbarrier.arrive $0xFFFF  }
0xe2: {  	p0 =	sne.s32 s0, $0x0;
	s0 =	rddreg [dreg:$0x2]  }
0xe3: {  	s0 =	sadd.s32 @!p0 $0x100000, s0  }
0xe4: {  	[sflag:s0] =	ssyncadd.tile.s32 @!p0 $0x1;
	_ =	shalt  }
.Lfunc_end2:
_tile_overlayer_lowered:
.L_overlay_start_2:
0xe5: {  	(tag) =	ssettag $0x2  }
0xe6: {  	s0 =	rddreg [dreg:$0x0];
	s2 =	stileid.u32  }
0xe7: {  	s1 =	rddreg [dreg:$0x1];
	p0 =	sne.s32 s2, $0x0  }
0xe8: {  	s3 =	rddreg [dreg:$0x2];
	[bflag:$0x3] =	sbarrier.arrive $0xFFFF;
	s2 =	simm.s32 @!p0 $0x1C0D  }
0xe9: {  	[timem:s3], [sflag:s2] =	dma.local @!p0 [hbm:s0], s1  }
0xea: {  	s0 =	simm.s32 @!p0 $0xD  }
0xeb: {  	_ =	swait.ge @!p0 [sflag:s0], s1  }
0xec: {  	s1 =	ssub.s32 @!p0 $0x0, s1;
	[sflag:s0] =	ssyncset.done @!p0 $0x0  }
0xed: {  	[sflag:s0] =	ssyncadd.s32 @!p0 s1  }
0xee: {  	[bflag:$0x3] =	sbarrier.arrive $0xFFFF  }
0xef: {  	_ =	shalt  }

// kernel: gcn_agg8_sc.3.cloned.1.call-start
scs
__scs_entry_jumppad:
0x0: {  	(pc) =	sbr.rel $0x88, $3  }
0x1: {  	(tag) =	ssettag $0x0;
	lr =	simm.s32 $0x1  }
0x2: {  	[smem:$0x3F9B] =	sst lr;
	_ =	strace $0xD0000000  }
0x3: {  	_ = 	snop  }
0x4: {  	_ = 	snop  }
0x5: {  	_ = 	snop  }
0x6: {  	_ = 	snop  }
0x7: {  	_ = 	snop  }
__scs_overlays_trampoline_lowered:
0x8: {  	[smem:$0x3FAA] =	sst s0  }
0x9: {  	[smem:$0x3FAB] =	sst s1  }
0xa: {  	[smem:$0x3FAC] =	sst s2  }
0xb: {  	[smem:$0x3FAD] =	sst s3  }
0xc: {  	[smem:$0x3FAE] =	sst s4  }
0xd: {  	[smem:$0x3FAF] =	sst s5  }
0xe: {  	[smem:$0x3FB0] =	sst s6  }
0xf: {  	[smem:$0x3FB1] =	sst s7  }
0x10: {  	[smem:$0x3FB2] =	sst s8  }
0x11: {  	[smem:$0x3FB3] =	sst s9;
	s0 =	simm.s32 @!p0 $0x0  }
0x12: {  	s1 =	sld [smem:$0x3F99];
	s0 =	simm.s32 @p0 $0x1  }
0x13: {  	[smem:$0x3FB4] =	sst s0;
	s0 =	simm.s32 @!p1 $0x0  }
0x14: {  	s2 =	sld [smem:$0x3F98];
	s0 =	simm.s32 @p1 $0x1  }
0x15: {  	[smem:$0x3FB5] =	sst s0;
	s0 =	simm.s32 @!p2 $0x0  }
0x16: {  	s3 =	sld [smem:$0x3FDB];
	s0 =	simm.s32 @p2 $0x1  }
0x17: {  	s4 =	simm.s32 $0x1BF5;
	[smem:$0x3FB7] =	sst s0  }
0x18: {  	s0 =	sld [smem:$0x3F9A];
	_ =	swait.ge [sflag:s4], $0x0  }
0x19: {  	s7 =	sld [smem:$0x3F9B]  }
0x1a: {  	s8 =	sadd.s32 $0xFFFFE003, lr  }
0x1b: {  	s9 =	sadd.s32 $0xFFFFFEF7, lr;
	s5 =	simm.s32 $0xFFFFFFFF;
	p2 =	slt.u32 s8, $0xFFFFF086  }
0x1c: {  	p1 =	slt.u32 s9, $0xF7A;
	s5 =	simm.s32 @!p2 $0x0  }
0x1d: {  	s5 =	simm.s32 @p1 $0x1;
	p0 =	seq.s32 s7, s2  }
0x1e: {  	s7 =	smul.u32 @!p0 $0xF7A, s2;
	p2 =	seq.s32 @!p0 s5, $0x0  }
0x1f: {  	s9 =	smul.u32 $0xF7A, s1;
	s8 =	simm.s32 @!p0 $0x1BF5;
	p2 =	por !p2, p0  }
0x20: {  	[sflag:s8] =	ssyncset.s32 @!p0 $0xFFFFF086;
	s6 =	sadd.s32 @!p0 s3, s7;
	s7 =	simm.s32 @!p0 $0x108  }
0x21: {  	s3 =	sadd.s32 s3, s9;
	s6 =	sadd.s32 @!p0 $0x88, s6;
	s7 =	simm.s32 @p2 $0x1082  }
0x22: {  	[simem:s7], [sflag:s8] =	dma.local @!p0 [hbm:s6], $0xF7A  }
0x23: {  	s9 =	sor.u32 $0xD0000000, s2;
	s6 =	simm.s32 $0x108;
	_ =	swait.ge @!p0 [sflag:s8], $0x0  }
0x24: {  	s3 =	sadd.s32 $0x88, s3;
	s6 =	simm.s32 @!p1 $0x1082;
	[sflag:s4] =	ssyncset.s32 $0xFFFFF086  }
0x25: {  	[simem:s6], [sflag:s4] =	dma.local [hbm:s3], $0xF7A  }
0x26: {  	[smem:$0x3F9B] =	sst s1;
	(tag) =	ssettag s2;
	_ =	strace s9  }
0x27: {  	s1 =	sld [smem:$0x3FAB]  }
0x28: {  	s2 =	sld [smem:$0x3FAC]  }
0x29: {  	s4 =	sld [smem:$0x3FAE]  }
0x2a: {  	p0 =	seq.s32 s5, $0x0;
	s5 =	sld [smem:$0x3FAF]  }
0x2b: {  	s6 =	sld [smem:$0x3FB0]  }
0x2c: {  	s7 =	sld [smem:$0x3FB1]  }
0x2d: {  	s3 =	simm.s32 $0x108;
	s8 =	sld [smem:$0x3FB2]  }
0x2e: {  	s3 =	simm.s32 @!p0 $0x1082;
	s9 =	sld [smem:$0x3FB3]  }
0x2f: {  	lr =	sadd.s32 s0, s3;
	s0 =	sld [smem:$0x3FAA]  }
0x30: {  	s3 =	sld [smem:$0x3FAD]  }
0x31: {  	[smem:$0x3FB6] =	sst s10  }
0x32: {  	s10 =	sld [smem:$0x3FB4];
	_ =	sdelay $0x3  }
0x33: {  	p0 =	seq.s32 s10, $0x1;
	s10 =	sld [smem:$0x3FB6];
	_ =	sdelay $0x3  }
0x34: {  	[smem:$0x3FB6] =	sst s10  }
0x35: {  	s10 =	sld [smem:$0x3FB5];
	_ =	sdelay $0x3  }
0x36: {  	p1 =	seq.s32 s10, $0x1;
	s10 =	sld [smem:$0x3FB6];
	_ =	sdelay $0x3  }
0x37: {  	[smem:$0x3FB6] =	sst s10  }
0x38: {  	s10 =	sld [smem:$0x3FB7]  }
0x39: {  	_ = 	snop;
	(pc) =	sbr.ind lr, $3  }
0x3a: {  	_ = 	snop  }
0x3b: {  	_ = 	snop  }
0x3c: {  	p2 =	seq.s32 s10, $0x1;
	s10 =	sld [smem:$0x3FB6]  }
0x3d: {  	_ =	shalt  }
0x3e: {  	_ =	shalt  }
0x3f: {  	_ =	shalt  }
0x40: {  	_ =	shalt  }
0x41: {  	_ =	shalt  }
0x42: {  	_ =	shalt  }
0x43: {  	_ =	shalt  }
0x44: {  	_ =	shalt  }
0x45: {  	_ =	shalt  }
0x46: {  	_ =	shalt  }
0x47: {  	_ =	shalt  }
0x48: {  	_ =	shalt  }
0x49: {  	_ =	shalt  }
0x4a: {  	_ =	shalt  }
0x4b: {  	_ =	shalt  }
0x4c: {  	_ =	shalt  }
0x4d: {  	_ =	shalt  }
0x4e: {  	_ =	shalt  }
0x4f: {  	_ =	shalt  }
0x50: {  	_ =	shalt  }
0x51: {  	_ =	shalt  }
0x52: {  	_ =	shalt  }
0x53: {  	_ =	shalt  }
0x54: {  	_ =	shalt  }
0x55: {  	_ =	shalt  }
0x56: {  	_ =	shalt  }
0x57: {  	_ =	shalt  }
0x58: {  	_ =	shalt  }
0x59: {  	_ =	shalt  }
0x5a: {  	_ =	shalt  }
0x5b: {  	_ =	shalt  }
0x5c: {  	_ =	shalt  }
0x5d: {  	_ =	shalt  }
0x5e: {  	_ =	shalt  }
0x5f: {  	_ =	shalt  }
0x60: {  	_ =	shalt  }
0x61: {  	_ =	shalt  }
0x62: {  	_ =	shalt  }
0x63: {  	_ =	shalt  }
0x64: {  	_ =	shalt  }
0x65: {  	_ =	shalt  }
0x66: {  	_ =	shalt  }
0x67: {  	_ =	shalt  }
0x68: {  	_ =	shalt  }
0x69: {  	_ =	shalt  }
0x6a: {  	_ =	shalt  }
0x6b: {  	_ =	shalt  }
0x6c: {  	_ =	shalt  }
0x6d: {  	_ =	shalt  }
0x6e: {  	_ =	shalt  }
0x6f: {  	_ =	shalt  }
0x70: {  	_ =	shalt  }
0x71: {  	_ =	shalt  }
0x72: {  	_ =	shalt  }
0x73: {  	_ =	shalt  }
0x74: {  	_ =	shalt  }
0x75: {  	_ =	shalt  }
0x76: {  	_ =	shalt  }
0x77: {  	_ =	shalt  }
0x78: {  	_ =	shalt  }
0x79: {  	_ =	shalt  }
0x7a: {  	_ =	shalt  }
0x7b: {  	_ =	shalt  }
0x7c: {  	_ =	shalt  }
0x7d: {  	_ =	shalt  }
0x7e: {  	_ =	shalt  }
0x7f: {  	_ =	shalt  }
0x80: {  	_ =	shalt  }
0x81: {  	_ =	shalt  }
0x82: {  	_ =	shalt  }
0x83: {  	_ =	shalt  }
0x84: {  	_ =	shalt  }
0x85: {  	_ =	shalt  }
0x86: {  	_ =	shalt  }
0x87: {  	_ =	shalt  }
.Lfunc_end0:
.L_simem_size_0:
called_computation.2_lowered:
.L_overlay_start_0:
0x88: {  	s2 =	sld [smem:$0x3FD9]  }
0x89: {  	s3 =	sld [smem:$0x3FFE];
	_ =	sdelay $0x1  }
0x8a: {  	s1 =	srdreg.scid  }
0x8b: {  	s0 =	sand.u32 $0x1, s1  }
0x8c: {  	s17 =	sshll.u32 s0, $0xA;
	s2 =	sadd.s32 s3, s2  }
0x8d: {  	s2 =	sadd.s32 s2, s17  }
0x8e: {  	[smem:$0x3FC2] =	sst s2  }
0x8f: {  	_ = 	snop  }
0x90: {  	s2 =	sld [smem:$0x3FD0];
	(tm) =	ssettm $0x1  }
0x91: {  	s18 =	sld [smem:$0x3FFB];
	_ =	sdelay $0x3  }
0x92: {  	_ =	strace s18  }
0x93: {  	s3 =	sld [smem:$0x3FFC];
	_ =	sdelay $0x3  }
0x94: {  	_ =	strace s3  }
0x95: {  	s3 =	sld [smem:$0x3FFD];
	_ =	sdelay $0x3  }
0x96: {  	_ =	strace s3  }
0x97: {  	_ =	strace $0x8FFFFFFF  }
0x98: {  	s19 =	sld [smem:$0x3FDB];
	_ =	sdelay $0x1  }
0x99: {  	s4 =	simm.s32 $_scs_section_size  }
0x9a: {  	s5 =	simm.s32 $_size__tile_overlayer_lowered;
	s6 =	simm.s32 $_tile_overlayer_lowered  }
0x9b: {  	s22 =	simm.s32 $0x1BFF;
	s21 =	sshll.u32 s6, $0x1;
	s3 =	sadd.s32 s4, s19  }
0x9c: {  	s7 =	simm.s32 $0x0;
	s20 =	sshll.u32 s5, $0x1;
	s5 =	sadd.s32 s21, s3  }
0x9d: {  	[timem:s7], [sflag:s22] =	dma.local [hbm:s5], s20  }
0x9e: {  	_ =	swait.ge [sflag:s22], s20  }
0x9f: {  	s4 =	ssub.s32 $0x0, s20;
	[sflag:s22] =	ssyncset.done $0x0  }
0xa0: {  	[sflag:s22] =	ssyncadd.s32 s4;
	_ =	sdelay $0x1  }
0xa1: {  	s23 =	simm.s32 $0x1B8B  }
0xa2: {  	_ =	swait.ge [sflag:s23], $0x1  }
0xa3: {  	[sflag:s23] =	ssyncset.done $0x0  }
0xa4: {  	s25 =	simm.s32 $0x1B8E;
	s24 =	sld [smem:$0x3FFE];
	[sflag:s23] =	ssyncadd.s32 $0xFFFFFFFF  }
0xa5: {  	s26 =	simm.s32 $execute0_lowered;
	[smem:$0x3FD2] =	sst s25  }
0xa6: {  	s5 =	sshll.u32 s26, $0x1;
	_ =	strace $0x8000004C;
	[dreg:$0x1] =	wrdreg $0xFFFFFFFF  }
0xa7: {  	s28 =	simm.s32 $_size_execute0_lowered;
	s3 =	sadd.s32 s3, s5;
	[dreg:$0x0] =	wrdreg $0x0  }
0xa8: {  	s5 =	sshll.u32 s28, $0x1;
	[dreg:$0x2] =	wrdreg s3  }
0xa9: {  	[dreg:$0x3] =	wrdreg s5  }
0xaa: {  	[dreg:$0x4] =	wrdreg $0xC0  }
0xab: {  	_ =	task [dreg:s7], $0x5FFFF  }
0xac: {  	[dreg:$0x1] =	wrdreg $0xFFFFFFFF  }
0xad: {  	[dreg:$0x0] =	wrdreg $0x60  }
0xae: {  	[dreg:$0x2] =	wrdreg s24  }
0xaf: {  	[dreg:$0x3] =	wrdreg s2  }
0xb0: {  	[dreg:$0x4] =	wrdreg $0x90000  }
0xb1: {  	[dreg:$0x5] =	wrdreg $0x9  }
0xb2: {  	_ =	task.clear_ibuf [dreg:s7], $0x6FFFF;
	_ =	strace $0x9000004C  }
0xb3: {  	s29 =	simm.s32 $0x9;
	_ =	strace $0x8000004E  }
0xb4: {  	_ =	swait.ge [sflag:s29], $0x1  }
0xb5: {  	[sflag:s29] =	ssyncadd.s32 $0xFFFFFFFF  }
0xb6: {  	_ =	strace $0x9000004E  }
0xb7: {  	_ =	sfence  }
0xb8: {  	s30 =	sld [smem:$0x0];
	_ =	sdelay $0x2  }
0xb9: {  	s31 =	sshll.u32 s1, $0xD;
	s1 =	sshrl.u32 s1, $0x2  }
0xba: {  	s3 =	sand.u32 $0x4000, s31;
	s1 =	sadd.s32 s1, s30  }
0xbb: {  	s0 =	sor.u32 s3, s0;
	s1 =	sshll.u32 s1, $0x11  }
0xbc: {  	s0 =	sor.u32 s1, s0  }
0xbd: {  	s0 =	sadd.s32 $0x8F2B, s0  }
0xbe: {  	[sflag:s0] =	ssyncadd.remote.s32 $0x1  }
0xbf: {  	_ =	sfence.sel $0xFFFF  }
0xc0: {  	[dreg:$0x0] =	wrdreg $0xFFFFFFFF;
	(pc) =	sbr.abs _section_cstart, $3  }
0xc1: {  	[dreg:$0x1] =	wrdreg $0xFFFFFFFF  }
0xc2: {  	_ =	task.clear_ibuf [dreg:s7], $0x2FFFF;
	_ =	strace $0x9FFFFFFF  }
0xc3: {  	(tm) =	ssettm $0x7FFFFFFF  }
tec
execute0_lowered:
.L_overlay_start_1:
0x0: {  	(tag) =	ssettag $0x1  }
0x1: {  	s0 =	rddreg [dreg:$0x0]  }
0x2: {  	s2 =	rddreg [dreg:$0x2];
	s1 =	simm.s32 $0x0;
	s23 =	srdreg.scid  }
0x3: {  	s11 =	stileid.u32;
	s15 =	simm.s32 $0x100;
	s16 =	simm.s32 $0x5000  }
0x4: {  	s17 =	simm.s32 $0x5800;
	s19 =	simm.s32 $0x6000;
	s21 =	simm.s32 $0x6800  }
0x5: {  	s29 =	simm.s32 $0x8000;
	s18 =	simm.s32 $0x5;
	s20 =	simm.s32 $0x6  }
0x6: {  	s22 =	simm.s32 $0x7;
	s12 =	simm.s32 $0x0;
	[smem:$0x7FF] =	sst s1  }
0x7: {  	s5 =	sadd.s32 $0x15600, s0;
	s1 =	sand.u32 $0x1, s23;
	s6 =	sadd.s32 $0x1C00, s0  }
0x8: {  	s24 =	sshll.u32 s11, $0x5;
	s9 =	smul.u32 $0x1390, s11;
	s30 =	sshll.u32 s11, $0x6  }
0x9: {  	s23 =	simm.s32 $0x7000;
	_ =	strace $0x8000004D;
	s3 =	smul.u32 $0x2720, s1  }
0xa: {  	s4 =	sshll.u32 s1, $0x4;
	s1 =	ssub.s32 $0x2, s1;
	s13 =	sor.u32 $0x1C11, s30  }
0xb: {  	s4 =	sor.u32 s11, s4;
	s7 =	sshrl.u32 s1, $0x1;
	s25 =	sadd.s32 s9, s2  }
0xc: {  	s26 =	sshrl.u32 s9, $0x3;
	s9 =	simm.s32 $0x11;
	s11 =	simm.s32 $0x4  }
0xd: {  	s3 =	sadd.s32 s3, s0;
	s8 =	smul.u32 $0x4E0, s4;
	s1 =	ssub.s32 s1, s7  }
0xe: {  	s0 =	sadd.s32 $0xB840, s0;
	s7 =	sor.u32 $0x9C00, s24;
	p0 =	sgt.u32 s4, $0x1  }
0xf: {  	s14 =	sshrl.u32 s25, $0x3;
	s4 =	simm.s32 $0x2;
	s1 =	smax.u32 s1, $0x1  }
0x10: {  	s3 =	sadd.s32 $0x17E00, s3;
	s10 =	sadd.s32 s6, s8;
	[dreg:$0x6] =	wrdreg s1  }
0x11: {  	s6 =	sadd.s32 s6, s7;
	s28 =	sadd.s32 s8, s0;
	[dreg:$0x4] =	wrdreg s10  }
0x12: {  	s0 =	sadd.s32 @!p0 s7, s0;
	s31 =	sadd.s32 s26, s3;
	[dreg:$0x5] =	wrdreg s6  }
0x13: {  	s26 =	simm.s32 $0x7800;
	s1 =	simm.s32 $0x3;
	[dreg:$0x7] =	wrdreg s28  }
0x14: {  	s7 =	simm.s32 $0xE;
	s8 =	simm.s32 $0xF;
	[dreg:$0x8] =	wrdreg s0  }
0x15: {  	[dreg:$0x9] =	wrdreg s31;
	s0 =	simm.s32 $0x1;
	s10 =	simm.s32 $0x10  }
.LBB2_1:
0x16: {  	s6 =	simm.s32 $0x0;
	s3 =	rddreg [dreg:$0x4]  }
0x17: {  	[tilespmem:s6], [sflag:$0x11] =	stream.linear.gather [hbm4b:s3+s6], $0x2700, $0x38;
	[tilespmem:$0xA390] =	vst v63  }
0x18: {  	_ =	swait.ge [sflag:s9], $0x2700  }
0x19: {  	[sflag:s9] =	ssyncset.done $0x0  }
0x1a: {  	s24 =	simm.s32 $0x2800;
	s28 =	rddreg [dreg:$0x7];
	[sflag:s9] =	ssyncadd.s32 $0xFFFFD900  }
0x1b: {  	[tilespmem:s24], [sflag:$0x11] =	stream.linear.gather [hbm4b:s28+s6], $0x2700, $0x38;
	[tilespmem:$0xA390] =	vst v63  }
0x1c: {  	_ =	swait.ge [sflag:s9], $0x2700  }
0x1d: {  	s3 =	simm.s32 @!p0 $0x0;
	[sflag:s9] =	ssyncset.done $0x0  }
0x1e: {  	s24 =	simm.s32 @!p0 $0x2700;
	s25 =	rddreg [dreg:$0x5];
	[sflag:s9] =	ssyncadd.s32 $0xFFFFD900  }
0x1f: {  	[tilespmem:s24], [sflag:$0x11] =	stream.linear.gather @!p0 [hbm4b:s25+s3], $0x100, $0x38;
	[tilespmem:$0xA390] =	vst v63  }
0x20: {  	s24 =	simm.s32 @!p0 $0x11  }
0x21: {  	_ =	swait.ge @!p0 [sflag:s24], $0x100  }
0x22: {  	[sflag:s24] =	ssyncset.done @!p0 $0x0  }
0x23: {  	s25 =	simm.s32 @!p0 $0x4F00;
	s28 =	rddreg [dreg:$0x8];
	[sflag:s24] =	ssyncadd.s32 @!p0 $0xFFFFFF00  }
0x24: {  	[tilespmem:s25], [sflag:$0x11] =	stream.linear.gather @!p0 [hbm4b:s28+s3], $0x100, $0x38;
	[tilespmem:$0xA390] =	vst v63  }
0x25: {  	_ =	swait.ge @!p0 [sflag:s24], $0x100  }
0x26: {  	[sflag:s24] =	ssyncset.done @!p0 $0x0  }
0x27: {  	[sflag:s24] =	ssyncadd.s32 @!p0 $0xFFFFFF00  }
0x28: {  	s30 =	rddreg [dreg:$0x1]  }
0x29: {  	[spmem:s14], [sflag:s13] =	dma.local [hbm:s30], $0x272  }
0x2a: {  	_ =	swait.ge [sflag:s9], $0x272  }
0x2b: {  	[sflag:s9] =	ssyncset.done $0x0  }
0x2c: {  	[sflag:s9] =	ssyncadd.s32 $0xFFFFFD8E  }
0x2d: {  	[bflag:$0x0] =	sbarrier.arrive $0xFFFF  }
0x2e: {  	[tilespmem:s16], [sflag:$0x1] =	stream.indirect.gather [hbm4b:s5+s15], $0x8, s6, s15, $0xb8;
	[tilespmem:$0xA390] =	vst v63  }
0x2f: {  	_ = 	snop  }
0x30: {  	[tilespmem:s17], [sflag:$0x2] =	stream.indirect.gather [hbm4b:s5+s15], $0x8, s15, s15, $0xb8;
	[tilespmem:$0xA390] =	vst v63  }
0x31: {  	s31 =	simm.s32 $0x200  }
0x32: {  	[tilespmem:s19], [sflag:$0x3] =	stream.indirect.gather [hbm4b:s5+s15], $0x8, s31, s15, $0xb8;
	[tilespmem:$0xA390] =	vst v63  }
0x33: {  	s6 =	simm.s32 $0x300  }
0x34: {  	[tilespmem:s21], [sflag:$0x4] =	stream.indirect.gather [hbm4b:s5+s15], $0x8, s6, s15, $0xb8;
	[tilespmem:$0xA390] =	vst v63  }
0x35: {  	s24 =	simm.s32 $0x400  }
0x36: {  	[tilespmem:s23], [sflag:$0x5] =	stream.indirect.gather [hbm4b:s5+s15], $0x8, s24, s15, $0xb8;
	[tilespmem:$0xA390] =	vst v63  }
0x37: {  	s25 =	simm.s32 $0x500  }
0x38: {  	[tilespmem:s26], [sflag:$0x6] =	stream.indirect.gather [hbm4b:s5+s15], $0x8, s25, s15, $0xb8;
	[tilespmem:$0xA390] =	vst v63  }
0x39: {  	s28 =	simm.s32 $0x600;
	s3 =	simm.s32 $0x0;
	s30 =	simm.s32 $0x700  }
0x3a: {  	[tilespmem:s29], [sflag:$0x7] =	stream.indirect.gather [hbm4b:s5+s15], $0x8, s28, s15, $0xb8;
	[tilespmem:$0xA390] =	vst v63  }
0x3b: {  	s31 =	simm.s32 $0x8800;
	s24 =	simm.s32 $0x7;
	s25 =	simm.s32 $0x0  }
0x3c: {  	[tilespmem:s31], [sflag:$0x8] =	stream.indirect.gather [hbm4b:s5+s15], $0x8, s30, s15, $0xb8;
	[tilespmem:$0xA390] =	vst v63  }
.LBB2_2:
0x3d: {  	_ =	swait.ge [sflag:s0], $0x800  }
0x3e: {  	s28 =	sshra.s32 s3, $0x2;
	[sflag:s0] =	ssyncset.done $0x0  }
0x3f: {  	s30 =	sadd.s32 $0x2800, s28;
	[sflag:s0] =	ssyncadd.s32 $0xFFFFF800  }
0x40: {  	[spmem:s2] =	stream.indirect.scatter.add.f32 [tilespmem:s16], [sflag:$0x9], $0x8, s30, s15, $0xb8;
	[tilespmem:$0xA390] =	vst v63  }
0x41: {  	_ =	swait.ge [sflag:s4], $0x800  }
0x42: {  	[sflag:s4] =	ssyncset.done $0x0  }
0x43: {  	s31 =	sadd.s32 $0x2900, s28;
	[sflag:s4] =	ssyncadd.s32 $0xFFFFF800  }
0x44: {  	[spmem:s2] =	stream.indirect.scatter.add.f32 [tilespmem:s17], [sflag:$0xA], $0x8, s31, s15, $0xb8;
	[tilespmem:$0xA390] =	vst v63  }
0x45: {  	_ =	swait.ge [sflag:s1], $0x800  }
0x46: {  	[sflag:s1] =	ssyncset.done $0x0  }
0x47: {  	s6 =	sadd.s32 $0x2A00, s28;
	[sflag:s1] =	ssyncadd.s32 $0xFFFFF800  }
0x48: {  	[spmem:s2] =	stream.indirect.scatter.add.f32 [tilespmem:s19], [sflag:$0xB], $0x8, s6, s15, $0xb8;
	[tilespmem:$0xA390] =	vst v63  }
0x49: {  	_ =	swait.ge [sflag:s11], $0x800  }
0x4a: {  	[sflag:s11] =	ssyncset.done $0x0  }
0x4b: {  	s31 =	sadd.s32 $0x2B00, s28;
	[sflag:s11] =	ssyncadd.s32 $0xFFFFF800  }
0x4c: {  	[spmem:s2] =	stream.indirect.scatter.add.f32 [tilespmem:s21], [sflag:$0xC], $0x8, s31, s15, $0xb8;
	[tilespmem:$0xA390] =	vst v63  }
0x4d: {  	_ =	swait.ge [sflag:s18], $0x800  }
0x4e: {  	[sflag:s18] =	ssyncset.done $0x0  }
0x4f: {  	s6 =	sadd.s32 $0x2C00, s28;
	[sflag:s18] =	ssyncadd.s32 $0xFFFFF800  }
0x50: {  	[spmem:s2] =	stream.indirect.scatter.add.f32 [tilespmem:s23], [sflag:$0xD], $0x8, s6, s15, $0xb8;
	[tilespmem:$0xA390] =	vst v63  }
0x51: {  	_ =	swait.ge [sflag:s20], $0x800  }
0x52: {  	[sflag:s20] =	ssyncset.done $0x0  }
0x53: {  	s31 =	sadd.s32 $0x2D00, s28;
	[sflag:s20] =	ssyncadd.s32 $0xFFFFF800  }
0x54: {  	[spmem:s2] =	stream.indirect.scatter.add.f32 [tilespmem:s26], [sflag:$0xE], $0x8, s31, s15, $0xb8;
	[tilespmem:$0xA390] =	vst v63  }
0x55: {  	_ =	swait.ge [sflag:s22], $0x800  }
0x56: {  	[sflag:s22] =	ssyncset.done $0x0  }
0x57: {  	p1 =	sgt.u32 s24, $0x26;
	s28 =	sadd.s32 $0x2E00, s28;
	[sflag:s22] =	ssyncadd.s32 $0xFFFFF800  }
0x58: {  	[spmem:s2] =	stream.indirect.scatter.add.f32 [tilespmem:s29], [sflag:$0xF], $0x8, s28, s15, $0xb8;
	[tilespmem:$0xA390] =	vst v63  }
0x59: {  	s28 =	simm.s32 @!p1 $0x8  }
0x5a: {  	_ =	swait.ge @!p1 [sflag:s28], $0x800  }
0x5b: {  	[sflag:s28] =	ssyncset.done @!p1 $0x0  }
0x5c: {  	[sflag:s28] =	ssyncadd.s32 @!p1 $0xFFFFF800;
	s28 =	sshra.s32 @!p1 s3, $0x2  }
0x5d: {  	s30 =	simm.s32 @!p1 $0x100;
	s31 =	simm.s32 @!p1 $0x8800;
	s28 =	sadd.s32 @!p1 $0x2F00, s28  }
0x5e: {  	[spmem:s2] =	stream.indirect.scatter.add.f32 @!p1 [tilespmem:s31], [sflag:$0x10], $0x8, s28, s30, $0xb8;
	[tilespmem:$0xA390] =	vst v63  }
0x5f: {  	p1 =	seq.s32 s3, $0x8000  }
0x60: {  	s28 =	simm.s32 @!p1 $0x9  }
0x61: {  	_ =	swait.ge @!p1 [sflag:s28], $0x800  }
0x62: {  	[sflag:s28] =	ssyncset.done @!p1 $0x0  }
0x63: {  	[sflag:s28] =	ssyncadd.s32 @!p1 $0xFFFFF800;
	s28 =	sshra.s32 @!p1 s3, $0x2  }
0x64: {  	s31 =	simm.s32 @!p1 $0x100;
	s6 =	simm.s32 @!p1 $0x5000;
	s30 =	sadd.s32 @!p1 $0x800, s28  }
0x65: {  	[tilespmem:s6], [sflag:$0x1] =	stream.indirect.gather @!p1 [hbm4b:s5+s31], $0x8, s30, s31, $0xb8;
	[tilespmem:$0xA390] =	vst v63  }
0x66: {  	s6 =	simm.s32 @!p1 $0xA  }
0x67: {  	_ =	swait.ge @!p1 [sflag:s6], $0x800  }
0x68: {  	[sflag:s6] =	ssyncset.done @!p1 $0x0  }
0x69: {  	s30 =	simm.s32 @!p1 $0x5800;
	[sflag:s6] =	ssyncadd.s32 @!p1 $0xFFFFF800;
	s6 =	sadd.s32 @!p1 $0x900, s28  }
0x6a: {  	[tilespmem:s30], [sflag:$0x2] =	stream.indirect.gather @!p1 [hbm4b:s5+s31], $0x8, s6, s31, $0xb8;
	[tilespmem:$0xA390] =	vst v63  }
0x6b: {  	s6 =	simm.s32 @!p1 $0xB  }
0x6c: {  	_ =	swait.ge @!p1 [sflag:s6], $0x800  }
0x6d: {  	[sflag:s6] =	ssyncset.done @!p1 $0x0  }
0x6e: {  	s30 =	simm.s32 @!p1 $0x6000;
	[sflag:s6] =	ssyncadd.s32 @!p1 $0xFFFFF800;
	s6 =	sadd.s32 @!p1 $0xA00, s28  }
0x6f: {  	[tilespmem:s30], [sflag:$0x3] =	stream.indirect.gather @!p1 [hbm4b:s5+s31], $0x8, s6, s31, $0xb8;
	[tilespmem:$0xA390] =	vst v63  }
0x70: {  	s6 =	simm.s32 @!p1 $0xC  }
0x71: {  	_ =	swait.ge @!p1 [sflag:s6], $0x800  }
0x72: {  	[sflag:s6] =	ssyncset.done @!p1 $0x0  }
0x73: {  	s30 =	simm.s32 @!p1 $0x6800;
	[sflag:s6] =	ssyncadd.s32 @!p1 $0xFFFFF800;
	s6 =	sadd.s32 @!p1 $0xB00, s28  }
0x74: {  	[tilespmem:s30], [sflag:$0x4] =	stream.indirect.gather @!p1 [hbm4b:s5+s31], $0x8, s6, s31, $0xb8;
	[tilespmem:$0xA390] =	vst v63  }
0x75: {  	s6 =	simm.s32 @!p1 $0xD  }
0x76: {  	_ =	swait.ge @!p1 [sflag:s6], $0x800  }
0x77: {  	[sflag:s6] =	ssyncset.done @!p1 $0x0  }
0x78: {  	s30 =	simm.s32 @!p1 $0x7000;
	[sflag:s6] =	ssyncadd.s32 @!p1 $0xFFFFF800;
	s6 =	sadd.s32 @!p1 $0xC00, s28  }
0x79: {  	[tilespmem:s30], [sflag:$0x5] =	stream.indirect.gather @!p1 [hbm4b:s5+s31], $0x8, s6, s31, $0xb8;
	[tilespmem:$0xA390] =	vst v63  }
0x7a: {  	s6 =	simm.s32 @!p1 $0xE  }
0x7b: {  	_ =	swait.ge @!p1 [sflag:s6], $0x800  }
0x7c: {  	[sflag:s6] =	ssyncset.done @!p1 $0x0  }
0x7d: {  	s30 =	simm.s32 @!p1 $0x7800;
	[sflag:s6] =	ssyncadd.s32 @!p1 $0xFFFFF800;
	s6 =	sadd.s32 @!p1 $0xD00, s28  }
0x7e: {  	[tilespmem:s30], [sflag:$0x6] =	stream.indirect.gather @!p1 [hbm4b:s5+s31], $0x8, s6, s31, $0xb8;
	[tilespmem:$0xA390] =	vst v63  }
0x7f: {  	s6 =	simm.s32 @!p1 $0xF  }
0x80: {  	p2 =	sgt.u32 @!p1 s25, $0x2;
	_ =	swait.ge @!p1 [sflag:s6], $0x800  }
0x81: {  	p2 =	por p2, p1;
	[sflag:s6] =	ssyncset.done @!p1 $0x0  }
0x82: {  	[sflag:s6] =	ssyncadd.s32 @!p1 $0xFFFFF800;
	s6 =	sadd.s32 @!p1 $0xE00, s28;
	s28 =	simm.s32 @!p1 $0x8000  }
0x83: {  	[tilespmem:s28], [sflag:$0x7] =	stream.indirect.gather @!p1 [hbm4b:s5+s31], $0x8, s6, s31, $0xb8;
	[tilespmem:$0xA390] =	vst v63  }
0x84: {  	s6 =	simm.s32 @!p2 $0x10  }
0x85: {  	_ =	swait.ge @!p2 [sflag:s6], $0x800  }
0x86: {  	[sflag:s6] =	ssyncset.done @!p2 $0x0  }
0x87: {  	s30 =	simm.s32 @!p2 $0x8800;
	[sflag:s6] =	ssyncadd.s32 @!p2 $0xFFFFF800;
	s6 =	sshra.s32 @!p2 s3, $0x2  }
0x88: {  	s28 =	simm.s32 @!p2 $0x100;
	s3 =	sadd.s32 @!p1 $0x2000, s3;
	s6 =	sadd.s32 @!p2 $0xF00, s6  }
0x89: {  	[tilespmem:s30], [sflag:$0x8] =	stream.indirect.gather @!p2 [hbm4b:s5+s28], $0x8, s6, s28, $0xb8;
	[tilespmem:$0xA390] =	vst v63  }
0x8a: {  	p2 =	sne.s32 @!p1 s3, $0xA000  }
0x8b: {  	p2 =	por p1, !p2  }
.Ltmp0:
0x8c: {  	_ = 	snop;
	(pc) =	sbr.rel @!p2 .LBB2_2-.Ltmp0, $2  }
0x8d: {  	_ =	sdelay $0x2  }
0x8e: {  	s25 =	sadd.s32 @!p1 $0x1, s25;
	s24 =	sadd.s32 @!p1 $0x8, s24  }
0x8f: {  	s3 =	simm.s32 $0x9  }
0x90: {  	_ =	swait.ge [sflag:s3], $0x800  }
0x91: {  	[sflag:s3] =	ssyncset.done $0x0  }
0x92: {  	s6 =	simm.s32 $0xA;
	[sflag:s3] =	ssyncadd.s32 $0xFFFFF800  }
0x93: {  	_ =	swait.ge [sflag:s6], $0x800  }
0x94: {  	[sflag:s6] =	ssyncset.done $0x0  }
0x95: {  	s24 =	simm.s32 $0xB;
	[sflag:s6] =	ssyncadd.s32 $0xFFFFF800  }
0x96: {  	_ =	swait.ge [sflag:s24], $0x800  }
0x97: {  	[sflag:s24] =	ssyncset.done $0x0  }
0x98: {  	s25 =	simm.s32 $0xC;
	[sflag:s24] =	ssyncadd.s32 $0xFFFFF800  }
0x99: {  	_ =	swait.ge [sflag:s25], $0x800  }
0x9a: {  	[sflag:s25] =	ssyncset.done $0x0  }
0x9b: {  	s28 =	simm.s32 $0xD;
	[sflag:s25] =	ssyncadd.s32 $0xFFFFF800  }
0x9c: {  	_ =	swait.ge [sflag:s28], $0x800  }
0x9d: {  	[sflag:s28] =	ssyncset.done $0x0  }
0x9e: {  	[sflag:s28] =	ssyncadd.s32 $0xFFFFF800  }
0x9f: {  	_ =	swait.ge [sflag:s7], $0x800  }
0xa0: {  	[sflag:s7] =	ssyncset.done $0x0  }
0xa1: {  	[sflag:s7] =	ssyncadd.s32 $0xFFFFF800  }
0xa2: {  	_ =	swait.ge [sflag:s8], $0x800  }
0xa3: {  	[sflag:s8] =	ssyncset.done $0x0  }
0xa4: {  	[sflag:s8] =	ssyncadd.s32 $0xFFFFF800  }
0xa5: {  	_ =	swait.ge [sflag:s10], $0x800  }
0xa6: {  	s3 =	simm.s32 @!p0 $0x100;
	[sflag:s10] =	ssyncset.done $0x0  }
0xa7: {  	s6 =	simm.s32 @!p0 $0x2700;
	s24 =	simm.s32 @!p0 $0x5000;
	[sflag:s10] =	ssyncadd.s32 $0xFFFFF800  }
0xa8: {  	[tilespmem:s24], [sflag:$0x11] =	stream.indirect.gather @!p0 [hbm4b:s5+s3], $0x8, s6, s3, $0xb8;
	[tilespmem:$0xA390] =	vst v63  }
0xa9: {  	s6 =	simm.s32 @!p0 $0x11  }
0xaa: {  	_ =	swait.ge @!p0 [sflag:s6], $0x800  }
0xab: {  	[sflag:s6] =	ssyncset.done @!p0 $0x0  }
0xac: {  	s25 =	simm.s32 @!p0 $0x4F00;
	[sflag:s6] =	ssyncadd.s32 @!p0 $0xFFFFF800  }
0xad: {  	[spmem:s2] =	stream.indirect.scatter.add.f32 @!p0 [tilespmem:s24], [sflag:$0x11], $0x8, s25, s3, $0xb8;
	[tilespmem:$0xA390] =	vst v63  }
0xae: {  	_ =	swait.ge @!p0 [sflag:s6], $0x800  }
0xaf: {  	[sflag:s6] =	ssyncset.done @!p0 $0x0  }
0xb0: {  	[sflag:s6] =	ssyncadd.s32 @!p0 $0xFFFFF800  }
0xb1: {  	[bflag:$0x0] =	sbarrier.arrive $0xFFFF  }
0xb2: {  	s30 =	rddreg [dreg:$0x9]  }
0xb3: {  	[hbm:s30], [sflag:s13] =	dma.local [spmem:s14], $0x272  }
0xb4: {  	_ =	swait.ge [sflag:s9], $0x272  }
0xb5: {  	s12 =	sadd.s32 $0x1, s12;
	s31 =	rddreg [dreg:$0x6]  }
0xb6: {  	p1 =	sne.s32 s12, s31  }
.Ltmp1:
0xb7: {  	_ = 	snop;
	(pc) =	sbr.rel @p1 .LBB2_1-.Ltmp1, $3  }
0xb8: {  	_ =	sdelay $0x1  }
0xb9: {  	[sflag:s9] =	ssyncset.done $0x0  }
0xba: {  	[sflag:s9] =	ssyncadd.s32 $0xFFFFFD8E  }
0xbb: {  	_ =	sfence.sel $0x180000  }
0xbc: {  	[bflag:$0x0] =	sbarrier.arrive $0xFFFF  }
0xbd: {  	_ =	strace $0x9000004D  }
0xbe: {  	s0 =	stileid.u32;
	[bflag:$0x2] =	sbarrier.arrive $0xFFFF  }
0xbf: {  	p0 =	sne.s32 s0, $0x0;
	s0 =	rddreg [dreg:$0x3]  }
0xc0: {  	s0 =	sadd.s32 @!p0 $0x100000, s0  }
0xc1: {  	[sflag:s0] =	ssyncadd.tile.s32 @!p0 $0x1;
	_ =	shalt  }
.Lfunc_end2:
_tile_overlayer_lowered:
.L_overlay_start_2:
0xc2: {  	(tag) =	ssettag $0x2  }
0xc3: {  	s0 =	rddreg [dreg:$0x0];
	s2 =	stileid.u32  }
0xc4: {  	s1 =	rddreg [dreg:$0x1];
	p0 =	sne.s32 s2, $0x0  }
0xc5: {  	s3 =	rddreg [dreg:$0x2];
	[bflag:$0x3] =	sbarrier.arrive $0xFFFF;
	s2 =	simm.s32 @!p0 $0x1C11  }
0xc6: {  	[timem:s3], [sflag:s2] =	dma.local @!p0 [hbm:s0], s1  }
0xc7: {  	s0 =	simm.s32 @!p0 $0x11  }
0xc8: {  	_ =	swait.ge @!p0 [sflag:s0], s1  }
0xc9: {  	s1 =	ssub.s32 @!p0 $0x0, s1;
	[sflag:s0] =	ssyncset.done @!p0 $0x0  }
0xca: {  	[sflag:s0] =	ssyncadd.s32 @!p0 s1  }
0xcb: {  	[bflag:$0x3] =	sbarrier.arrive $0xFFFF  }
0xcc: {  	_ =	shalt  }

// kernel: gcn_deg_sc.3.cloned.1.call-start
scs
__scs_entry_jumppad:
0x0: {  	(pc) =	sbr.rel $0x88, $3  }
0x1: {  	(tag) =	ssettag $0x0;
	lr =	simm.s32 $0x1  }
0x2: {  	[smem:$0x3F9B] =	sst lr;
	_ =	strace $0xD0000000  }
0x3: {  	_ = 	snop  }
0x4: {  	_ = 	snop  }
0x5: {  	_ = 	snop  }
0x6: {  	_ = 	snop  }
0x7: {  	_ = 	snop  }
__scs_overlays_trampoline_lowered:
0x8: {  	[smem:$0x3FAA] =	sst s0  }
0x9: {  	[smem:$0x3FAB] =	sst s1  }
0xa: {  	[smem:$0x3FAC] =	sst s2  }
0xb: {  	[smem:$0x3FAD] =	sst s3  }
0xc: {  	[smem:$0x3FAE] =	sst s4  }
0xd: {  	[smem:$0x3FAF] =	sst s5  }
0xe: {  	[smem:$0x3FB0] =	sst s6  }
0xf: {  	[smem:$0x3FB1] =	sst s7  }
0x10: {  	[smem:$0x3FB2] =	sst s8  }
0x11: {  	[smem:$0x3FB3] =	sst s9;
	s0 =	simm.s32 @!p0 $0x0  }
0x12: {  	s1 =	sld [smem:$0x3F99];
	s0 =	simm.s32 @p0 $0x1  }
0x13: {  	[smem:$0x3FB4] =	sst s0;
	s0 =	simm.s32 @!p1 $0x0  }
0x14: {  	s2 =	sld [smem:$0x3F98];
	s0 =	simm.s32 @p1 $0x1  }
0x15: {  	[smem:$0x3FB5] =	sst s0;
	s0 =	simm.s32 @!p2 $0x0  }
0x16: {  	s3 =	sld [smem:$0x3FDB];
	s0 =	simm.s32 @p2 $0x1  }
0x17: {  	s4 =	simm.s32 $0x1BF5;
	[smem:$0x3FB7] =	sst s0  }
0x18: {  	s0 =	sld [smem:$0x3F9A];
	_ =	swait.ge [sflag:s4], $0x0  }
0x19: {  	s7 =	sld [smem:$0x3F9B]  }
0x1a: {  	s8 =	sadd.s32 $0xFFFFE003, lr  }
0x1b: {  	s9 =	sadd.s32 $0xFFFFFEF7, lr;
	s5 =	simm.s32 $0xFFFFFFFF;
	p2 =	slt.u32 s8, $0xFFFFF086  }
0x1c: {  	p1 =	slt.u32 s9, $0xF7A;
	s5 =	simm.s32 @!p2 $0x0  }
0x1d: {  	s5 =	simm.s32 @p1 $0x1;
	p0 =	seq.s32 s7, s2  }
0x1e: {  	s7 =	smul.u32 @!p0 $0xF7A, s2;
	p2 =	seq.s32 @!p0 s5, $0x0  }
0x1f: {  	s9 =	smul.u32 $0xF7A, s1;
	s8 =	simm.s32 @!p0 $0x1BF5;
	p2 =	por !p2, p0  }
0x20: {  	[sflag:s8] =	ssyncset.s32 @!p0 $0xFFFFF086;
	s6 =	sadd.s32 @!p0 s3, s7;
	s7 =	simm.s32 @!p0 $0x108  }
0x21: {  	s3 =	sadd.s32 s3, s9;
	s6 =	sadd.s32 @!p0 $0x88, s6;
	s7 =	simm.s32 @p2 $0x1082  }
0x22: {  	[simem:s7], [sflag:s8] =	dma.local @!p0 [hbm:s6], $0xF7A  }
0x23: {  	s9 =	sor.u32 $0xD0000000, s2;
	s6 =	simm.s32 $0x108;
	_ =	swait.ge @!p0 [sflag:s8], $0x0  }
0x24: {  	s3 =	sadd.s32 $0x88, s3;
	s6 =	simm.s32 @!p1 $0x1082;
	[sflag:s4] =	ssyncset.s32 $0xFFFFF086  }
0x25: {  	[simem:s6], [sflag:s4] =	dma.local [hbm:s3], $0xF7A  }
0x26: {  	[smem:$0x3F9B] =	sst s1;
	(tag) =	ssettag s2;
	_ =	strace s9  }
0x27: {  	s1 =	sld [smem:$0x3FAB]  }
0x28: {  	s2 =	sld [smem:$0x3FAC]  }
0x29: {  	s4 =	sld [smem:$0x3FAE]  }
0x2a: {  	p0 =	seq.s32 s5, $0x0;
	s5 =	sld [smem:$0x3FAF]  }
0x2b: {  	s6 =	sld [smem:$0x3FB0]  }
0x2c: {  	s7 =	sld [smem:$0x3FB1]  }
0x2d: {  	s3 =	simm.s32 $0x108;
	s8 =	sld [smem:$0x3FB2]  }
0x2e: {  	s3 =	simm.s32 @!p0 $0x1082;
	s9 =	sld [smem:$0x3FB3]  }
0x2f: {  	lr =	sadd.s32 s0, s3;
	s0 =	sld [smem:$0x3FAA]  }
0x30: {  	s3 =	sld [smem:$0x3FAD]  }
0x31: {  	[smem:$0x3FB6] =	sst s10  }
0x32: {  	s10 =	sld [smem:$0x3FB4];
	_ =	sdelay $0x3  }
0x33: {  	p0 =	seq.s32 s10, $0x1;
	s10 =	sld [smem:$0x3FB6];
	_ =	sdelay $0x3  }
0x34: {  	[smem:$0x3FB6] =	sst s10  }
0x35: {  	s10 =	sld [smem:$0x3FB5];
	_ =	sdelay $0x3  }
0x36: {  	p1 =	seq.s32 s10, $0x1;
	s10 =	sld [smem:$0x3FB6];
	_ =	sdelay $0x3  }
0x37: {  	[smem:$0x3FB6] =	sst s10  }
0x38: {  	s10 =	sld [smem:$0x3FB7]  }
0x39: {  	_ = 	snop;
	(pc) =	sbr.ind lr, $3  }
0x3a: {  	_ = 	snop  }
0x3b: {  	_ = 	snop  }
0x3c: {  	p2 =	seq.s32 s10, $0x1;
	s10 =	sld [smem:$0x3FB6]  }
0x3d: {  	_ =	shalt  }
0x3e: {  	_ =	shalt  }
0x3f: {  	_ =	shalt  }
0x40: {  	_ =	shalt  }
0x41: {  	_ =	shalt  }
0x42: {  	_ =	shalt  }
0x43: {  	_ =	shalt  }
0x44: {  	_ =	shalt  }
0x45: {  	_ =	shalt  }
0x46: {  	_ =	shalt  }
0x47: {  	_ =	shalt  }
0x48: {  	_ =	shalt  }
0x49: {  	_ =	shalt  }
0x4a: {  	_ =	shalt  }
0x4b: {  	_ =	shalt  }
0x4c: {  	_ =	shalt  }
0x4d: {  	_ =	shalt  }
0x4e: {  	_ =	shalt  }
0x4f: {  	_ =	shalt  }
0x50: {  	_ =	shalt  }
0x51: {  	_ =	shalt  }
0x52: {  	_ =	shalt  }
0x53: {  	_ =	shalt  }
0x54: {  	_ =	shalt  }
0x55: {  	_ =	shalt  }
0x56: {  	_ =	shalt  }
0x57: {  	_ =	shalt  }
0x58: {  	_ =	shalt  }
0x59: {  	_ =	shalt  }
0x5a: {  	_ =	shalt  }
0x5b: {  	_ =	shalt  }
0x5c: {  	_ =	shalt  }
0x5d: {  	_ =	shalt  }
0x5e: {  	_ =	shalt  }
0x5f: {  	_ =	shalt  }
0x60: {  	_ =	shalt  }
0x61: {  	_ =	shalt  }
0x62: {  	_ =	shalt  }
0x63: {  	_ =	shalt  }
0x64: {  	_ =	shalt  }
0x65: {  	_ =	shalt  }
0x66: {  	_ =	shalt  }
0x67: {  	_ =	shalt  }
0x68: {  	_ =	shalt  }
0x69: {  	_ =	shalt  }
0x6a: {  	_ =	shalt  }
0x6b: {  	_ =	shalt  }
0x6c: {  	_ =	shalt  }
0x6d: {  	_ =	shalt  }
0x6e: {  	_ =	shalt  }
0x6f: {  	_ =	shalt  }
0x70: {  	_ =	shalt  }
0x71: {  	_ =	shalt  }
0x72: {  	_ =	shalt  }
0x73: {  	_ =	shalt  }
0x74: {  	_ =	shalt  }
0x75: {  	_ =	shalt  }
0x76: {  	_ =	shalt  }
0x77: {  	_ =	shalt  }
0x78: {  	_ =	shalt  }
0x79: {  	_ =	shalt  }
0x7a: {  	_ =	shalt  }
0x7b: {  	_ =	shalt  }
0x7c: {  	_ =	shalt  }
0x7d: {  	_ =	shalt  }
0x7e: {  	_ =	shalt  }
0x7f: {  	_ =	shalt  }
0x80: {  	_ =	shalt  }
0x81: {  	_ =	shalt  }
0x82: {  	_ =	shalt  }
0x83: {  	_ =	shalt  }
0x84: {  	_ =	shalt  }
0x85: {  	_ =	shalt  }
0x86: {  	_ =	shalt  }
0x87: {  	_ =	shalt  }
.Lfunc_end0:
.L_simem_size_0:
called_computation_lowered:
.L_overlay_start_0:
0x88: {  	s2 =	sld [smem:$0x3FD9]  }
0x89: {  	s3 =	sld [smem:$0x3FFE];
	_ =	sdelay $0x1  }
0x8a: {  	s1 =	srdreg.scid  }
0x8b: {  	s0 =	sand.u32 $0x1, s1  }
0x8c: {  	s17 =	sshll.u32 s0, $0xA;
	s2 =	sadd.s32 s3, s2  }
0x8d: {  	s2 =	sadd.s32 s2, s17  }
0x8e: {  	[smem:$0x3FC2] =	sst s2  }
0x8f: {  	_ = 	snop  }
0x90: {  	s2 =	sld [smem:$0x3FD0];
	(tm) =	ssettm $0x1  }
0x91: {  	s18 =	sld [smem:$0x3FFB];
	_ =	sdelay $0x3  }
0x92: {  	_ =	strace s18  }
0x93: {  	s3 =	sld [smem:$0x3FFC];
	_ =	sdelay $0x3  }
0x94: {  	_ =	strace s3  }
0x95: {  	s3 =	sld [smem:$0x3FFD];
	_ =	sdelay $0x3  }
0x96: {  	_ =	strace s3  }
0x97: {  	_ =	strace $0x8FFFFFFF  }
0x98: {  	s19 =	sld [smem:$0x3FDB];
	_ =	sdelay $0x1  }
0x99: {  	s4 =	simm.s32 $_scs_section_size  }
0x9a: {  	s5 =	simm.s32 $_size__tile_overlayer_lowered;
	s6 =	simm.s32 $_tile_overlayer_lowered  }
0x9b: {  	s22 =	simm.s32 $0x1BFF;
	s21 =	sshll.u32 s6, $0x1;
	s3 =	sadd.s32 s4, s19  }
0x9c: {  	s7 =	simm.s32 $0x0;
	s20 =	sshll.u32 s5, $0x1;
	s5 =	sadd.s32 s21, s3  }
0x9d: {  	[timem:s7], [sflag:s22] =	dma.local [hbm:s5], s20  }
0x9e: {  	_ =	swait.ge [sflag:s22], s20  }
0x9f: {  	s4 =	ssub.s32 $0x0, s20;
	[sflag:s22] =	ssyncset.done $0x0  }
0xa0: {  	[sflag:s22] =	ssyncadd.s32 s4;
	_ =	sdelay $0x1  }
0xa1: {  	s23 =	simm.s32 $0x1B8B  }
0xa2: {  	_ =	swait.ge [sflag:s23], $0x1  }
0xa3: {  	[sflag:s23] =	ssyncset.done $0x0  }
0xa4: {  	s25 =	simm.s32 $0x1B8E;
	s24 =	sld [smem:$0x3FFE];
	[sflag:s23] =	ssyncadd.s32 $0xFFFFFFFF  }
0xa5: {  	s26 =	simm.s32 $execute0_lowered;
	[smem:$0x3FD2] =	sst s25  }
0xa6: {  	s5 =	sshll.u32 s26, $0x1;
	_ =	strace $0x80000046;
	[dreg:$0x1] =	wrdreg $0xFFFFFFFF  }
0xa7: {  	s28 =	simm.s32 $_size_execute0_lowered;
	s3 =	sadd.s32 s3, s5;
	[dreg:$0x0] =	wrdreg $0x0  }
0xa8: {  	s5 =	sshll.u32 s28, $0x1;
	[dreg:$0x2] =	wrdreg s3  }
0xa9: {  	[dreg:$0x3] =	wrdreg s5  }
0xaa: {  	[dreg:$0x4] =	wrdreg $0xC0  }
0xab: {  	_ =	task [dreg:s7], $0x5FFFF  }
0xac: {  	[dreg:$0x1] =	wrdreg $0xFFFFFFFF  }
0xad: {  	[dreg:$0x0] =	wrdreg $0x60  }
0xae: {  	[dreg:$0x2] =	wrdreg s24  }
0xaf: {  	[dreg:$0x3] =	wrdreg s2  }
0xb0: {  	[dreg:$0x4] =	wrdreg $0x30000  }
0xb1: {  	[dreg:$0x5] =	wrdreg $0x9  }
0xb2: {  	_ =	task.clear_ibuf [dreg:s7], $0x6FFFF;
	_ =	strace $0x90000046  }
0xb3: {  	s29 =	simm.s32 $0x9;
	_ =	strace $0x80000048  }
0xb4: {  	_ =	swait.ge [sflag:s29], $0x1  }
0xb5: {  	[sflag:s29] =	ssyncadd.s32 $0xFFFFFFFF  }
0xb6: {  	_ =	strace $0x90000048  }
0xb7: {  	_ =	sfence  }
0xb8: {  	s30 =	sld [smem:$0x0];
	_ =	sdelay $0x2  }
0xb9: {  	s31 =	sshll.u32 s1, $0xD;
	s1 =	sshrl.u32 s1, $0x2  }
0xba: {  	s3 =	sand.u32 $0x4000, s31;
	s1 =	sadd.s32 s1, s30  }
0xbb: {  	s0 =	sor.u32 s3, s0;
	s1 =	sshll.u32 s1, $0x11  }
0xbc: {  	s0 =	sor.u32 s1, s0  }
0xbd: {  	s0 =	sadd.s32 $0x8F2B, s0  }
0xbe: {  	[sflag:s0] =	ssyncadd.remote.s32 $0x1  }
0xbf: {  	_ =	sfence.sel $0xFFFF  }
0xc0: {  	[dreg:$0x0] =	wrdreg $0xFFFFFFFF;
	(pc) =	sbr.abs _section_cstart, $3  }
0xc1: {  	[dreg:$0x1] =	wrdreg $0xFFFFFFFF  }
0xc2: {  	_ =	task.clear_ibuf [dreg:s7], $0x2FFFF;
	_ =	strace $0x9FFFFFFF  }
0xc3: {  	(tm) =	ssettm $0x7FFFFFFF  }
tec
execute0_lowered:
.L_overlay_start_1:
0x0: {  	(tag) =	ssettag $0x1  }
0x1: {  	s0 =	rddreg [dreg:$0x0]  }
0x2: {  	s1 =	rddreg [dreg:$0x1]  }
0x3: {  	s2 =	rddreg [dreg:$0x2]  }
0x4: {  	s19 =	srdreg.scid;
	s28 =	rddreg [dreg:$0x3];
	s26 =	simm.s32 $0x0  }
0x5: {  	s29 =	stileid.u32;
	s22 =	simm.s32 $0x200;
	[dreg:$0x5] =	wrdreg s1  }
0x6: {  	s23 =	simm.s32 $0x300;
	[smem:$0x7FF] =	sst s26;
	s5 =	sadd.s32 $0x15600, s0  }
0x7: {  	s24 =	simm.s32 $0x400;
	_ =	strace $0x80000047;
	[dreg:$0x4] =	wrdreg s5  }
0x8: {  	s25 =	simm.s32 $0x500;
	s8 =	simm.s32 $0x800;
	[dreg:$0x8] =	wrdreg s22  }
0x9: {  	s9 =	simm.s32 $0x900;
	s11 =	simm.s32 $0xA00;
	[dreg:$0x9] =	wrdreg s23  }
0xa: {  	s13 =	simm.s32 $0xB00;
	s14 =	simm.s32 $0xC00;
	[dreg:$0xa] =	wrdreg s24  }
0xb: {  	s16 =	simm.s32 $0xD00;
	s17 =	simm.s32 $0xE00;
	[dreg:$0xb] =	wrdreg s25  }
0xc: {  	s31 =	simm.s32 $0x1F00;
	p1 =	por $0x0, $0x0;
	[dreg:$0xe] =	wrdreg s8  }
0xd: {  	s1 =	sand.u32 $0x1, s19;
	s6 =	sadd.s32 $0xB840, s0;
	[dreg:$0xf] =	wrdreg s9  }
0xe: {  	s7 =	sshll.u32 s29, $0x5;
	s12 =	smul.u32 $0x1390, s29;
	[dreg:$0x10] =	wrdreg s11  }
0xf: {  	s19 =	simm.s32 $0x1800;
	s3 =	sshll.u32 s1, $0x4;
	[dreg:$0x11] =	wrdreg s13  }
0x10: {  	s20 =	sadd.s32 s7, s6;
	s30 =	smul.u32 $0x2720, s1;
	[dreg:$0x12] =	wrdreg s14  }
0x11: {  	s7 =	simm.s32 $0x700;
	s1 =	ssub.s32 $0x2, s1;
	[dreg:$0x13] =	wrdreg s16  }
0x12: {  	[dreg:$0x14] =	wrdreg s17;
	s22 =	simm.s32 $0x1100;
	s23 =	simm.s32 $0x1200  }
0x13: {  	s8 =	simm.s32 $0x2800;
	s24 =	simm.s32 $0x1300;
	s25 =	sshll.u32 s29, $0x6  }
0x14: {  	s9 =	simm.s32 $0x1400;
	s11 =	simm.s32 $0x1700;
	s13 =	simm.s32 $0x2100  }
0x15: {  	s14 =	simm.s32 $0x2200;
	s16 =	simm.s32 $0x2400;
	[dreg:$0xd] =	wrdreg s7  }
0x16: {  	s17 =	simm.s32 $0x2500;
	s3 =	sor.u32 s29, s3;
	[dreg:$0x17] =	wrdreg s22  }
0x17: {  	s21 =	sadd.s32 $0x9C00, s20;
	s10 =	sshrl.u32 s1, $0x1;
	[dreg:$0x18] =	wrdreg s23  }
0x18: {  	s15 =	sadd.s32 s12, s2;
	s18 =	sshrl.u32 s12, $0x3;
	[dreg:$0x19] =	wrdreg s24  }
0x19: {  	s20 =	simm.s32 $0xF00;
	[dreg:$0x1a] =	wrdreg s9;
	s9 =	simm.s32 $0x100  }
0x1a: {  	s22 =	simm.s32 $0x1B00;
	s23 =	simm.s32 $0x1C00;
	s24 =	simm.s32 $0x1D00  }
0x1b: {  	s12 =	simm.s32 $0x2000;
	s4 =	smul.u32 $0x4E0, s3;
	[dreg:$0x7] =	wrdreg s21  }
0x1c: {  	s0 =	sadd.s32 s30, s0;
	s1 =	ssub.s32 s1, s10;
	[dreg:$0x15] =	wrdreg s20  }
0x1d: {  	s21 =	simm.s32 $0x1000;
	p0 =	sgt.u32 s3, $0x1;
	s3 =	simm.s32 $0x2  }
0x1e: {  	s30 =	simm.s32 $0x1500;
	s5 =	sshrl.u32 s15, $0x3;
	s1 =	smax.u32 s1, $0x1  }
0x1f: {  	s10 =	simm.s32 $0x1600;
	s20 =	simm.s32 $0x1900;
	s1 =	sadd.s32 $0xFFFFFFFF, s1  }
0x20: {  	s15 =	simm.s32 $0x2300;
	[dreg:$0x16] =	wrdreg s21;
	p2 =	sne.s32 s1, $0x0  }
.Ltmp0:
0x21: {  	s0 =	sadd.s32 $0x15800, s0;
	[dreg:$0x1b] =	wrdreg s30;
	(pc) =	sbr.rel @!p2 .LBB2_1-.Ltmp0, $4  }
0x22: {  	[dreg:$0x1c] =	wrdreg s10;
	s21 =	simm.s32 $0x1A00;
	s4 =	sadd.s32 s4, s6  }
0x23: {  	s6 =	simm.s32 $0x600;
	s7 =	sadd.s32 s18, s0;
	[dreg:$0x6] =	wrdreg s4  }
0x24: {  	s18 =	simm.s32 $0x2600;
	[dreg:$0xc] =	wrdreg s6;
	s4 =	sor.u32 $0x1C02, s25  }
0x25: {  	s6 =	simm.s32 $0x1;
	s25 =	simm.s32 $0x1E00;
	s10 =	rddreg [dreg:$0x6]  }
0x26: {  	[tilespmem:s26], [sflag:$0x2] =	stream.linear.gather [hbm4b:s10+s26], $0x2700, $0x38;
	[tilespmem:$0x4390] =	vst v63  }
0x27: {  	_ =	swait.ge [sflag:s3], $0x2700  }
0x28: {  	s28 =	simm.s32 @!p0 $0x2;
	s10 =	simm.s32 @!p0 $0x0;
	[sflag:s3] =	ssyncset.done $0x0  }
0x29: {  	s30 =	simm.s32 @!p0 $0x2700;
	s0 =	rddreg [dreg:$0x7];
	[sflag:s3] =	ssyncadd.s32 $0xFFFFD900  }
0x2a: {  	[tilespmem:s30], [sflag:$0x2] =	stream.linear.gather @!p0 [hbm4b:s0+s10], $0x100, $0x38;
	[tilespmem:$0x4390] =	vst v63  }
0x2b: {  	_ =	swait.ge @!p0 [sflag:s28], $0x100  }
0x2c: {  	[sflag:s28] =	ssyncset.done @!p0 $0x0  }
0x2d: {  	s10 =	rddreg [dreg:$0x4];
	[sflag:s28] =	ssyncadd.s32 @!p0 $0xFFFFFF00  }
0x2e: {  	[tilespmem:s8], [sflag:$0x2] =	stream.linear.gather [hbm4b:s10+s26], $0x800, $0x38;
	[tilespmem:$0x4390] =	vst v63  }
0x2f: {  	_ =	swait.ge [sflag:s3], $0x800  }
0x30: {  	[sflag:s3] =	ssyncset.done $0x0  }
0x31: {  	s10 =	rddreg [dreg:$0x5];
	[sflag:s3] =	ssyncadd.s32 $0xFFFFF800  }
0x32: {  	[spmem:s5], [sflag:s4] =	dma.local [hbm:s10], $0x272  }
0x33: {  	_ =	swait.ge [sflag:s3], $0x272  }
0x34: {  	[sflag:s3] =	ssyncset.done $0x0  }
0x35: {  	[sflag:s3] =	ssyncadd.s32 $0xFFFFFD8E  }
0x36: {  	[bflag:$0x0] =	sbarrier.arrive $0xFFFF  }
0x37: {  	[spmem:s2] =	stream.indirect.scatter.add.f32 [tilespmem:s8], [sflag:$0x1], $0x8, s26, s9, $0xb8;
	[tilespmem:$0x4390] =	vst v63  }
0x38: {  	_ = 	snop  }
0x39: {  	[spmem:s2] =	stream.indirect.scatter.add.f32 [tilespmem:s8], [sflag:$0x1], $0x8, s9, s9, $0xb8;
	[tilespmem:$0x4390] =	vst v63  }
0x3a: {  	s0 =	rddreg [dreg:$0x8]  }
0x3b: {  	[spmem:s2] =	stream.indirect.scatter.add.f32 [tilespmem:s8], [sflag:$0x1], $0x8, s0, s9, $0xb8;
	[tilespmem:$0x4390] =	vst v63  }
0x3c: {  	s10 =	rddreg [dreg:$0x9]  }
0x3d: {  	[spmem:s2] =	stream.indirect.scatter.add.f32 [tilespmem:s8], [sflag:$0x1], $0x8, s10, s9, $0xb8;
	[tilespmem:$0x4390] =	vst v63  }
0x3e: {  	s0 =	rddreg [dreg:$0xa]  }
0x3f: {  	[spmem:s2] =	stream.indirect.scatter.add.f32 [tilespmem:s8], [sflag:$0x1], $0x8, s0, s9, $0xb8;
	[tilespmem:$0x4390] =	vst v63  }
0x40: {  	s10 =	rddreg [dreg:$0xb]  }
0x41: {  	[spmem:s2] =	stream.indirect.scatter.add.f32 [tilespmem:s8], [sflag:$0x1], $0x8, s10, s9, $0xb8;
	[tilespmem:$0x4390] =	vst v63  }
0x42: {  	s0 =	rddreg [dreg:$0xc]  }
0x43: {  	[spmem:s2] =	stream.indirect.scatter.add.f32 [tilespmem:s8], [sflag:$0x1], $0x8, s0, s9, $0xb8;
	[tilespmem:$0x4390] =	vst v63  }
0x44: {  	s10 =	rddreg [dreg:$0xd]  }
0x45: {  	[spmem:s2] =	stream.indirect.scatter.add.f32 [tilespmem:s8], [sflag:$0x1], $0x8, s10, s9, $0xb8;
	[tilespmem:$0x4390] =	vst v63  }
0x46: {  	_ =	swait.ge [sflag:s6], $0x800  }
0x47: {  	[sflag:s6] =	ssyncset.done $0x0  }
0x48: {  	[sflag:s6] =	ssyncadd.s32 $0xFFFFF800  }
0x49: {  	_ =	swait.ge [sflag:s6], $0x800  }
0x4a: {  	[sflag:s6] =	ssyncset.done $0x0  }
0x4b: {  	[sflag:s6] =	ssyncadd.s32 $0xFFFFF800  }
0x4c: {  	_ =	swait.ge [sflag:s6], $0x800  }
0x4d: {  	[sflag:s6] =	ssyncset.done $0x0  }
0x4e: {  	[sflag:s6] =	ssyncadd.s32 $0xFFFFF800  }
0x4f: {  	_ =	swait.ge [sflag:s6], $0x800  }
0x50: {  	[sflag:s6] =	ssyncset.done $0x0  }
0x51: {  	[sflag:s6] =	ssyncadd.s32 $0xFFFFF800  }
0x52: {  	_ =	swait.ge [sflag:s6], $0x800  }
0x53: {  	[sflag:s6] =	ssyncset.done $0x0  }
0x54: {  	[sflag:s6] =	ssyncadd.s32 $0xFFFFF800  }
0x55: {  	_ =	swait.ge [sflag:s6], $0x800  }
0x56: {  	[sflag:s6] =	ssyncset.done $0x0  }
0x57: {  	[sflag:s6] =	ssyncadd.s32 $0xFFFFF800  }
0x58: {  	_ =	swait.ge [sflag:s6], $0x800  }
0x59: {  	[sflag:s6] =	ssyncset.done $0x0  }
0x5a: {  	[sflag:s6] =	ssyncadd.s32 $0xFFFFF800  }
0x5b: {  	_ =	swait.ge [sflag:s6], $0x800  }
0x5c: {  	[sflag:s6] =	ssyncset.done $0x0  }
0x5d: {  	s0 =	rddreg [dreg:$0xe];
	[sflag:s6] =	ssyncadd.s32 $0xFFFFF800  }
0x5e: {  	[spmem:s2] =	stream.indirect.scatter.add.f32 [tilespmem:s8], [sflag:$0x1], $0x8, s0, s9, $0xb8;
	[tilespmem:$0x4390] =	vst v63  }
0x5f: {  	s10 =	rddreg [dreg:$0xf]  }
0x60: {  	[spmem:s2] =	stream.indirect.scatter.add.f32 [tilespmem:s8], [sflag:$0x1], $0x8, s10, s9, $0xb8;
	[tilespmem:$0x4390] =	vst v63  }
0x61: {  	s0 =	rddreg [dreg:$0x10]  }
0x62: {  	[spmem:s2] =	stream.indirect.scatter.add.f32 [tilespmem:s8], [sflag:$0x1], $0x8, s0, s9, $0xb8;
	[tilespmem:$0x4390] =	vst v63  }
0x63: {  	s10 =	rddreg [dreg:$0x11]  }
0x64: {  	[spmem:s2] =	stream.indirect.scatter.add.f32 [tilespmem:s8], [sflag:$0x1], $0x8, s10, s9, $0xb8;
	[tilespmem:$0x4390] =	vst v63  }
0x65: {  	s0 =	rddreg [dreg:$0x12]  }
0x66: {  	[spmem:s2] =	stream.indirect.scatter.add.f32 [tilespmem:s8], [sflag:$0x1], $0x8, s0, s9, $0xb8;
	[tilespmem:$0x4390] =	vst v63  }
0x67: {  	s10 =	rddreg [dreg:$0x13]  }
0x68: {  	[spmem:s2] =	stream.indirect.scatter.add.f32 [tilespmem:s8], [sflag:$0x1], $0x8, s10, s9, $0xb8;
	[tilespmem:$0x4390] =	vst v63  }
0x69: {  	s0 =	rddreg [dreg:$0x14]  }
0x6a: {  	[spmem:s2] =	stream.indirect.scatter.add.f32 [tilespmem:s8], [sflag:$0x1], $0x8, s0, s9, $0xb8;
	[tilespmem:$0x4390] =	vst v63  }
0x6b: {  	s10 =	rddreg [dreg:$0x15]  }
0x6c: {  	[spmem:s2] =	stream.indirect.scatter.add.f32 [tilespmem:s8], [sflag:$0x1], $0x8, s10, s9, $0xb8;
	[tilespmem:$0x4390] =	vst v63  }
0x6d: {  	_ =	swait.ge [sflag:s6], $0x800  }
0x6e: {  	[sflag:s6] =	ssyncset.done $0x0  }
0x6f: {  	[sflag:s6] =	ssyncadd.s32 $0xFFFFF800  }
0x70: {  	_ =	swait.ge [sflag:s6], $0x800  }
0x71: {  	[sflag:s6] =	ssyncset.done $0x0  }
0x72: {  	[sflag:s6] =	ssyncadd.s32 $0xFFFFF800  }
0x73: {  	_ =	swait.ge [sflag:s6], $0x800  }
0x74: {  	[sflag:s6] =	ssyncset.done $0x0  }
0x75: {  	[sflag:s6] =	ssyncadd.s32 $0xFFFFF800  }
0x76: {  	_ =	swait.ge [sflag:s6], $0x800  }
0x77: {  	[sflag:s6] =	ssyncset.done $0x0  }
0x78: {  	[sflag:s6] =	ssyncadd.s32 $0xFFFFF800  }
0x79: {  	_ =	swait.ge [sflag:s6], $0x800  }
0x7a: {  	[sflag:s6] =	ssyncset.done $0x0  }
0x7b: {  	[sflag:s6] =	ssyncadd.s32 $0xFFFFF800  }
0x7c: {  	_ =	swait.ge [sflag:s6], $0x800  }
0x7d: {  	[sflag:s6] =	ssyncset.done $0x0  }
0x7e: {  	[sflag:s6] =	ssyncadd.s32 $0xFFFFF800  }
0x7f: {  	_ =	swait.ge [sflag:s6], $0x800  }
0x80: {  	[sflag:s6] =	ssyncset.done $0x0  }
0x81: {  	[sflag:s6] =	ssyncadd.s32 $0xFFFFF800  }
0x82: {  	_ =	swait.ge [sflag:s6], $0x800  }
0x83: {  	[sflag:s6] =	ssyncset.done $0x0  }
0x84: {  	s0 =	rddreg [dreg:$0x16];
	[sflag:s6] =	ssyncadd.s32 $0xFFFFF800  }
0x85: {  	[spmem:s2] =	stream.indirect.scatter.add.f32 [tilespmem:s8], [sflag:$0x1], $0x8, s0, s9, $0xb8;
	[tilespmem:$0x4390] =	vst v63  }
0x86: {  	s10 =	rddreg [dreg:$0x17]  }
0x87: {  	[spmem:s2] =	stream.indirect.scatter.add.f32 [tilespmem:s8], [sflag:$0x1], $0x8, s10, s9, $0xb8;
	[tilespmem:$0x4390] =	vst v63  }
0x88: {  	s0 =	rddreg [dreg:$0x18]  }
0x89: {  	[spmem:s2] =	stream.indirect.scatter.add.f32 [tilespmem:s8], [sflag:$0x1], $0x8, s0, s9, $0xb8;
	[tilespmem:$0x4390] =	vst v63  }
0x8a: {  	s10 =	rddreg [dreg:$0x19]  }
0x8b: {  	[spmem:s2] =	stream.indirect.scatter.add.f32 [tilespmem:s8], [sflag:$0x1], $0x8, s10, s9, $0xb8;
	[tilespmem:$0x4390] =	vst v63  }
0x8c: {  	s0 =	rddreg [dreg:$0x1a]  }
0x8d: {  	[spmem:s2] =	stream.indirect.scatter.add.f32 [tilespmem:s8], [sflag:$0x1], $0x8, s0, s9, $0xb8;
	[tilespmem:$0x4390] =	vst v63  }
0x8e: {  	s10 =	rddreg [dreg:$0x1b]  }
0x8f: {  	[spmem:s2] =	stream.indirect.scatter.add.f32 [tilespmem:s8], [sflag:$0x1], $0x8, s10, s9, $0xb8;
	[tilespmem:$0x4390] =	vst v63  }
0x90: {  	s0 =	rddreg [dreg:$0x1c]  }
0x91: {  	[spmem:s2] =	stream.indirect.scatter.add.f32 [tilespmem:s8], [sflag:$0x1], $0x8, s0, s9, $0xb8;
	[tilespmem:$0x4390] =	vst v63  }
0x92: {  	_ = 	snop  }
0x93: {  	[spmem:s2] =	stream.indirect.scatter.add.f32 [tilespmem:s8], [sflag:$0x1], $0x8, s11, s9, $0xb8;
	[tilespmem:$0x4390] =	vst v63  }
0x94: {  	_ =	swait.ge [sflag:s6], $0x800  }
0x95: {  	[sflag:s6] =	ssyncset.done $0x0  }
0x96: {  	[sflag:s6] =	ssyncadd.s32 $0xFFFFF800  }
0x97: {  	_ =	swait.ge [sflag:s6], $0x800  }
0x98: {  	[sflag:s6] =	ssyncset.done $0x0  }
0x99: {  	[sflag:s6] =	ssyncadd.s32 $0xFFFFF800  }
0x9a: {  	_ =	swait.ge [sflag:s6], $0x800  }
0x9b: {  	[sflag:s6] =	ssyncset.done $0x0  }
0x9c: {  	[sflag:s6] =	ssyncadd.s32 $0xFFFFF800  }
0x9d: {  	_ =	swait.ge [sflag:s6], $0x800  }
0x9e: {  	[sflag:s6] =	ssyncset.done $0x0  }
0x9f: {  	[sflag:s6] =	ssyncadd.s32 $0xFFFFF800  }
0xa0: {  	_ =	swait.ge [sflag:s6], $0x800  }
0xa1: {  	[sflag:s6] =	ssyncset.done $0x0  }
0xa2: {  	[sflag:s6] =	ssyncadd.s32 $0xFFFFF800  }
0xa3: {  	_ =	swait.ge [sflag:s6], $0x800  }
0xa4: {  	[sflag:s6] =	ssyncset.done $0x0  }
0xa5: {  	[sflag:s6] =	ssyncadd.s32 $0xFFFFF800  }
0xa6: {  	_ =	swait.ge [sflag:s6], $0x800  }
0xa7: {  	[sflag:s6] =	ssyncset.done $0x0  }
0xa8: {  	[sflag:s6] =	ssyncadd.s32 $0xFFFFF800  }
0xa9: {  	_ =	swait.ge [sflag:s6], $0x800  }
0xaa: {  	[sflag:s6] =	ssyncset.done $0x0  }
0xab: {  	[sflag:s6] =	ssyncadd.s32 $0xFFFFF800  }
0xac: {  	[spmem:s2] =	stream.indirect.scatter.add.f32 [tilespmem:s8], [sflag:$0x1], $0x8, s19, s9, $0xb8;
	[tilespmem:$0x4390] =	vst v63  }
0xad: {  	_ = 	snop  }
0xae: {  	[spmem:s2] =	stream.indirect.scatter.add.f32 [tilespmem:s8], [sflag:$0x1], $0x8, s20, s9, $0xb8;
	[tilespmem:$0x4390] =	vst v63  }
0xaf: {  	_ = 	snop  }
0xb0: {  	[spmem:s2] =	stream.indirect.scatter.add.f32 [tilespmem:s8], [sflag:$0x1], $0x8, s21, s9, $0xb8;
	[tilespmem:$0x4390] =	vst v63  }
0xb1: {  	_ = 	snop  }
0xb2: {  	[spmem:s2] =	stream.indirect.scatter.add.f32 [tilespmem:s8], [sflag:$0x1], $0x8, s22, s9, $0xb8;
	[tilespmem:$0x4390] =	vst v63  }
0xb3: {  	_ = 	snop  }
0xb4: {  	[spmem:s2] =	stream.indirect.scatter.add.f32 [tilespmem:s8], [sflag:$0x1], $0x8, s23, s9, $0xb8;
	[tilespmem:$0x4390] =	vst v63  }
0xb5: {  	_ = 	snop  }
0xb6: {  	[spmem:s2] =	stream.indirect.scatter.add.f32 [tilespmem:s8], [sflag:$0x1], $0x8, s24, s9, $0xb8;
	[tilespmem:$0x4390] =	vst v63  }
0xb7: {  	_ = 	snop  }
0xb8: {  	[spmem:s2] =	stream.indirect.scatter.add.f32 [tilespmem:s8], [sflag:$0x1], $0x8, s25, s9, $0xb8;
	[tilespmem:$0x4390] =	vst v63  }
0xb9: {  	_ = 	snop  }
0xba: {  	[spmem:s2] =	stream.indirect.scatter.add.f32 [tilespmem:s8], [sflag:$0x1], $0x8, s31, s9, $0xb8;
	[tilespmem:$0x4390] =	vst v63  }
0xbb: {  	_ =	swait.ge [sflag:s6], $0x800  }
0xbc: {  	[sflag:s6] =	ssyncset.done $0x0  }
0xbd: {  	[sflag:s6] =	ssyncadd.s32 $0xFFFFF800  }
0xbe: {  	_ =	swait.ge [sflag:s6], $0x800  }
0xbf: {  	[sflag:s6] =	ssyncset.done $0x0  }
0xc0: {  	[sflag:s6] =	ssyncadd.s32 $0xFFFFF800  }
0xc1: {  	_ =	swait.ge [sflag:s6], $0x800  }
0xc2: {  	[sflag:s6] =	ssyncset.done $0x0  }
0xc3: {  	[sflag:s6] =	ssyncadd.s32 $0xFFFFF800  }
0xc4: {  	_ =	swait.ge [sflag:s6], $0x800  }
0xc5: {  	[sflag:s6] =	ssyncset.done $0x0  }
0xc6: {  	[sflag:s6] =	ssyncadd.s32 $0xFFFFF800  }
0xc7: {  	_ =	swait.ge [sflag:s6], $0x800  }
0xc8: {  	[sflag:s6] =	ssyncset.done $0x0  }
0xc9: {  	[sflag:s6] =	ssyncadd.s32 $0xFFFFF800  }
0xca: {  	_ =	swait.ge [sflag:s6], $0x800  }
0xcb: {  	[sflag:s6] =	ssyncset.done $0x0  }
0xcc: {  	[sflag:s6] =	ssyncadd.s32 $0xFFFFF800  }
0xcd: {  	_ =	swait.ge [sflag:s6], $0x800  }
0xce: {  	[sflag:s6] =	ssyncset.done $0x0  }
0xcf: {  	[sflag:s6] =	ssyncadd.s32 $0xFFFFF800  }
0xd0: {  	_ =	swait.ge [sflag:s6], $0x800  }
0xd1: {  	[sflag:s6] =	ssyncset.done $0x0  }
0xd2: {  	[sflag:s6] =	ssyncadd.s32 $0xFFFFF800  }
0xd3: {  	[spmem:s2] =	stream.indirect.scatter.add.f32 [tilespmem:s8], [sflag:$0x1], $0x8, s12, s9, $0xb8;
	[tilespmem:$0x4390] =	vst v63  }
0xd4: {  	_ = 	snop  }
0xd5: {  	[spmem:s2] =	stream.indirect.scatter.add.f32 [tilespmem:s8], [sflag:$0x1], $0x8, s13, s9, $0xb8;
	[tilespmem:$0x4390] =	vst v63  }
0xd6: {  	_ = 	snop  }
0xd7: {  	[spmem:s2] =	stream.indirect.scatter.add.f32 [tilespmem:s8], [sflag:$0x1], $0x8, s14, s9, $0xb8;
	[tilespmem:$0x4390] =	vst v63  }
0xd8: {  	_ = 	snop  }
0xd9: {  	[spmem:s2] =	stream.indirect.scatter.add.f32 [tilespmem:s8], [sflag:$0x1], $0x8, s15, s9, $0xb8;
	[tilespmem:$0x4390] =	vst v63  }
0xda: {  	_ = 	snop  }
0xdb: {  	[spmem:s2] =	stream.indirect.scatter.add.f32 [tilespmem:s8], [sflag:$0x1], $0x8, s16, s9, $0xb8;
	[tilespmem:$0x4390] =	vst v63  }
0xdc: {  	_ = 	snop  }
0xdd: {  	[spmem:s2] =	stream.indirect.scatter.add.f32 [tilespmem:s8], [sflag:$0x1], $0x8, s17, s9, $0xb8;
	[tilespmem:$0x4390] =	vst v63  }
0xde: {  	_ = 	snop  }
0xdf: {  	[spmem:s2] =	stream.indirect.scatter.add.f32 [tilespmem:s8], [sflag:$0x1], $0x8, s18, s9, $0xb8;
	[tilespmem:$0x4390] =	vst v63  }
0xe0: {  	_ =	swait.ge [sflag:s6], $0x800  }
0xe1: {  	[sflag:s6] =	ssyncset.done $0x0  }
0xe2: {  	[sflag:s6] =	ssyncadd.s32 $0xFFFFF800  }
0xe3: {  	_ =	swait.ge [sflag:s6], $0x800  }
0xe4: {  	[sflag:s6] =	ssyncset.done $0x0  }
0xe5: {  	[sflag:s6] =	ssyncadd.s32 $0xFFFFF800  }
0xe6: {  	_ =	swait.ge [sflag:s6], $0x800  }
0xe7: {  	[sflag:s6] =	ssyncset.done $0x0  }
0xe8: {  	[sflag:s6] =	ssyncadd.s32 $0xFFFFF800  }
0xe9: {  	_ =	swait.ge [sflag:s6], $0x800  }
0xea: {  	[sflag:s6] =	ssyncset.done $0x0  }
0xeb: {  	[sflag:s6] =	ssyncadd.s32 $0xFFFFF800  }
0xec: {  	_ =	swait.ge [sflag:s6], $0x800  }
0xed: {  	[sflag:s6] =	ssyncset.done $0x0  }
0xee: {  	[sflag:s6] =	ssyncadd.s32 $0xFFFFF800  }
0xef: {  	_ =	swait.ge [sflag:s6], $0x800  }
0xf0: {  	s29 =	simm.s32 $0x1F00;
	s1 =	sadd.s32 $0xFFFFFFFF, s1;
	[sflag:s6] =	ssyncset.done $0x0  }
0xf1: {  	p1 =	por $0x1, $0x1;
	p2 =	sne.s32 s1, $0x0;
	[sflag:s6] =	ssyncadd.s32 $0xFFFFF800  }
0xf2: {  	s0 =	simm.s32 @!p0 $0x2800;
	s19 =	simm.s32 $0x1800;
	_ =	swait.ge [sflag:s6], $0x800  }
0xf3: {  	s20 =	simm.s32 $0x1900;
	s21 =	simm.s32 $0x1A00;
	[sflag:s6] =	ssyncset.done $0x0  }
0xf4: {  	s22 =	simm.s32 $0x1B00;
	s31 =	simm.s32 @!p0 $0x100;
	[sflag:s6] =	ssyncadd.s32 $0xFFFFF800  }
0xf5: {  	[spmem:s2] =	stream.indirect.scatter.add.f32 @!p0 [tilespmem:s0], [sflag:$0x2], $0x8, s30, s31, $0xb8;
	[tilespmem:$0x4390] =	vst v63  }
0xf6: {  	s23 =	simm.s32 $0x1C00;
	s24 =	simm.s32 $0x1D00;
	_ =	swait.ge @!p0 [sflag:s28], $0x800  }
0xf7: {  	s25 =	simm.s32 $0x1E00;
	s12 =	simm.s32 $0x2000;
	[sflag:s28] =	ssyncset.done @!p0 $0x0  }
.Ltmp1:
0xf8: {  	s13 =	simm.s32 $0x2100;
	[sflag:s28] =	ssyncadd.s32 @!p0 $0xFFFFF800;
	(pc) =	sbr.rel @!p2 .LBB2_3-.Ltmp1, $4  }
0xf9: {  	s14 =	simm.s32 $0x2200;
	s15 =	simm.s32 $0x2300;
	[bflag:$0x0] =	sbarrier.arrive $0xFFFF  }
0xfa: {  	[hbm:s7], [sflag:s4] =	dma.local [spmem:s5], $0x272  }
0xfb: {  	s16 =	simm.s32 $0x2400;
	s17 =	simm.s32 $0x2500;
	_ =	swait.ge [sflag:s3], $0x272  }
0xfc: {  	s18 =	simm.s32 $0x2600;
	s10 =	rddreg [dreg:$0x6];
	[sflag:s3] =	ssyncset.done $0x0  }
.LBB2_4:
0xfd: {  	[sflag:s3] =	ssyncadd.s32 $0xFFFFFD8E  }
0xfe: {  	[tilespmem:s26], [sflag:$0x2] =	stream.linear.gather [hbm4b:s10+s26], $0x2700, $0x38;
	[tilespmem:$0x4390] =	vst v63  }
0xff: {  	_ =	swait.ge [sflag:s3], $0x2700  }
0x100: {  	[sflag:s3] =	ssyncset.done $0x0  }
0x101: {  	s11 =	simm.s32 @!p0 $0x0;
	s10 =	rddreg [dreg:$0x7];
	[sflag:s3] =	ssyncadd.s32 $0xFFFFD900  }
0x102: {  	[tilespmem:s30], [sflag:$0x2] =	stream.linear.gather @!p0 [hbm4b:s10+s11], $0x100, $0x38;
	[tilespmem:$0x4390] =	vst v63  }
0x103: {  	_ =	swait.ge @!p0 [sflag:s28], $0x100  }
0x104: {  	[sflag:s28] =	ssyncset.done @!p0 $0x0  }
0x105: {  	s11 =	rddreg [dreg:$0x4];
	[sflag:s28] =	ssyncadd.s32 @!p0 $0xFFFFFF00  }
0x106: {  	[tilespmem:s8], [sflag:$0x2] =	stream.linear.gather [hbm4b:s11+s26], $0x800, $0x38;
	[tilespmem:$0x4390] =	vst v63  }
0x107: {  	_ =	swait.ge [sflag:s3], $0x800  }
0x108: {  	[sflag:s3] =	ssyncset.done $0x0  }
0x109: {  	s11 =	rddreg [dreg:$0x5];
	[sflag:s3] =	ssyncadd.s32 $0xFFFFF800  }
0x10a: {  	[spmem:s5], [sflag:s4] =	dma.local [hbm:s11], $0x272  }
0x10b: {  	_ =	swait.ge [sflag:s3], $0x272  }
0x10c: {  	[sflag:s3] =	ssyncset.done $0x0  }
0x10d: {  	[sflag:s3] =	ssyncadd.s32 $0xFFFFFD8E  }
0x10e: {  	[bflag:$0x0] =	sbarrier.arrive $0xFFFF  }
0x10f: {  	[spmem:s2] =	stream.indirect.scatter.add.f32 [tilespmem:s8], [sflag:$0x1], $0x8, s26, s9, $0xb8;
	[tilespmem:$0x4390] =	vst v63  }
0x110: {  	_ = 	snop  }
0x111: {  	[spmem:s2] =	stream.indirect.scatter.add.f32 [tilespmem:s8], [sflag:$0x1], $0x8, s9, s9, $0xb8;
	[tilespmem:$0x4390] =	vst v63  }
0x112: {  	s10 =	rddreg [dreg:$0x8]  }
0x113: {  	[spmem:s2] =	stream.indirect.scatter.add.f32 [tilespmem:s8], [sflag:$0x1], $0x8, s10, s9, $0xb8;
	[tilespmem:$0x4390] =	vst v63  }
0x114: {  	s11 =	rddreg [dreg:$0x9]  }
0x115: {  	[spmem:s2] =	stream.indirect.scatter.add.f32 [tilespmem:s8], [sflag:$0x1], $0x8, s11, s9, $0xb8;
	[tilespmem:$0x4390] =	vst v63  }
0x116: {  	s10 =	rddreg [dreg:$0xa]  }
0x117: {  	[spmem:s2] =	stream.indirect.scatter.add.f32 [tilespmem:s8], [sflag:$0x1], $0x8, s10, s9, $0xb8;
	[tilespmem:$0x4390] =	vst v63  }
0x118: {  	s11 =	rddreg [dreg:$0xb]  }
0x119: {  	[spmem:s2] =	stream.indirect.scatter.add.f32 [tilespmem:s8], [sflag:$0x1], $0x8, s11, s9, $0xb8;
	[tilespmem:$0x4390] =	vst v63  }
0x11a: {  	s10 =	rddreg [dreg:$0xc]  }
0x11b: {  	[spmem:s2] =	stream.indirect.scatter.add.f32 [tilespmem:s8], [sflag:$0x1], $0x8, s10, s9, $0xb8;
	[tilespmem:$0x4390] =	vst v63  }
0x11c: {  	s11 =	rddreg [dreg:$0xd]  }
0x11d: {  	[spmem:s2] =	stream.indirect.scatter.add.f32 [tilespmem:s8], [sflag:$0x1], $0x8, s11, s9, $0xb8;
	[tilespmem:$0x4390] =	vst v63  }
0x11e: {  	_ =	swait.ge [sflag:s6], $0x800  }
0x11f: {  	[sflag:s6] =	ssyncset.done $0x0  }
0x120: {  	[sflag:s6] =	ssyncadd.s32 $0xFFFFF800  }
0x121: {  	_ =	swait.ge [sflag:s6], $0x800  }
0x122: {  	[sflag:s6] =	ssyncset.done $0x0  }
0x123: {  	[sflag:s6] =	ssyncadd.s32 $0xFFFFF800  }
0x124: {  	_ =	swait.ge [sflag:s6], $0x800  }
0x125: {  	[sflag:s6] =	ssyncset.done $0x0  }
0x126: {  	[sflag:s6] =	ssyncadd.s32 $0xFFFFF800  }
0x127: {  	_ =	swait.ge [sflag:s6], $0x800  }
0x128: {  	[sflag:s6] =	ssyncset.done $0x0  }
0x129: {  	[sflag:s6] =	ssyncadd.s32 $0xFFFFF800  }
0x12a: {  	_ =	swait.ge [sflag:s6], $0x800  }
0x12b: {  	[sflag:s6] =	ssyncset.done $0x0  }
0x12c: {  	[sflag:s6] =	ssyncadd.s32 $0xFFFFF800  }
0x12d: {  	_ =	swait.ge [sflag:s6], $0x800  }
0x12e: {  	[sflag:s6] =	ssyncset.done $0x0  }
0x12f: {  	[sflag:s6] =	ssyncadd.s32 $0xFFFFF800  }
0x130: {  	_ =	swait.ge [sflag:s6], $0x800  }
0x131: {  	[sflag:s6] =	ssyncset.done $0x0  }
0x132: {  	[sflag:s6] =	ssyncadd.s32 $0xFFFFF800  }
0x133: {  	_ =	swait.ge [sflag:s6], $0x800  }
0x134: {  	[sflag:s6] =	ssyncset.done $0x0  }
0x135: {  	s10 =	rddreg [dreg:$0xe];
	[sflag:s6] =	ssyncadd.s32 $0xFFFFF800  }
0x136: {  	[spmem:s2] =	stream.indirect.scatter.add.f32 [tilespmem:s8], [sflag:$0x1], $0x8, s10, s9, $0xb8;
	[tilespmem:$0x4390] =	vst v63  }
0x137: {  	s11 =	rddreg [dreg:$0xf]  }
0x138: {  	[spmem:s2] =	stream.indirect.scatter.add.f32 [tilespmem:s8], [sflag:$0x1], $0x8, s11, s9, $0xb8;
	[tilespmem:$0x4390] =	vst v63  }
0x139: {  	s10 =	rddreg [dreg:$0x10]  }
0x13a: {  	[spmem:s2] =	stream.indirect.scatter.add.f32 [tilespmem:s8], [sflag:$0x1], $0x8, s10, s9, $0xb8;
	[tilespmem:$0x4390] =	vst v63  }
0x13b: {  	s11 =	rddreg [dreg:$0x11]  }
0x13c: {  	[spmem:s2] =	stream.indirect.scatter.add.f32 [tilespmem:s8], [sflag:$0x1], $0x8, s11, s9, $0xb8;
	[tilespmem:$0x4390] =	vst v63  }
0x13d: {  	s10 =	rddreg [dreg:$0x12]  }
0x13e: {  	[spmem:s2] =	stream.indirect.scatter.add.f32 [tilespmem:s8], [sflag:$0x1], $0x8, s10, s9, $0xb8;
	[tilespmem:$0x4390] =	vst v63  }
0x13f: {  	s11 =	rddreg [dreg:$0x13]  }
0x140: {  	[spmem:s2] =	stream.indirect.scatter.add.f32 [tilespmem:s8], [sflag:$0x1], $0x8, s11, s9, $0xb8;
	[tilespmem:$0x4390] =	vst v63  }
0x141: {  	s10 =	rddreg [dreg:$0x14]  }
0x142: {  	[spmem:s2] =	stream.indirect.scatter.add.f32 [tilespmem:s8], [sflag:$0x1], $0x8, s10, s9, $0xb8;
	[tilespmem:$0x4390] =	vst v63  }
0x143: {  	s11 =	rddreg [dreg:$0x15]  }
0x144: {  	[spmem:s2] =	stream.indirect.scatter.add.f32 [tilespmem:s8], [sflag:$0x1], $0x8, s11, s9, $0xb8;
	[tilespmem:$0x4390] =	vst v63  }
0x145: {  	_ =	swait.ge [sflag:s6], $0x800  }
0x146: {  	[sflag:s6] =	ssyncset.done $0x0  }
0x147: {  	[sflag:s6] =	ssyncadd.s32 $0xFFFFF800  }
0x148: {  	_ =	swait.ge [sflag:s6], $0x800  }
0x149: {  	[sflag:s6] =	ssyncset.done $0x0  }
0x14a: {  	[sflag:s6] =	ssyncadd.s32 $0xFFFFF800  }
0x14b: {  	_ =	swait.ge [sflag:s6], $0x800  }
0x14c: {  	[sflag:s6] =	ssyncset.done $0x0  }
0x14d: {  	[sflag:s6] =	ssyncadd.s32 $0xFFFFF800  }
0x14e: {  	_ =	swait.ge [sflag:s6], $0x800  }
0x14f: {  	[sflag:s6] =	ssyncset.done $0x0  }
0x150: {  	[sflag:s6] =	ssyncadd.s32 $0xFFFFF800  }
0x151: {  	_ =	swait.ge [sflag:s6], $0x800  }
0x152: {  	[sflag:s6] =	ssyncset.done $0x0  }
0x153: {  	[sflag:s6] =	ssyncadd.s32 $0xFFFFF800  }
0x154: {  	_ =	swait.ge [sflag:s6], $0x800  }
0x155: {  	[sflag:s6] =	ssyncset.done $0x0  }
0x156: {  	[sflag:s6] =	ssyncadd.s32 $0xFFFFF800  }
0x157: {  	_ =	swait.ge [sflag:s6], $0x800  }
0x158: {  	[sflag:s6] =	ssyncset.done $0x0  }
0x159: {  	[sflag:s6] =	ssyncadd.s32 $0xFFFFF800  }
0x15a: {  	_ =	swait.ge [sflag:s6], $0x800  }
0x15b: {  	[sflag:s6] =	ssyncset.done $0x0  }
0x15c: {  	s10 =	rddreg [dreg:$0x16];
	[sflag:s6] =	ssyncadd.s32 $0xFFFFF800  }
0x15d: {  	[spmem:s2] =	stream.indirect.scatter.add.f32 [tilespmem:s8], [sflag:$0x1], $0x8, s10, s9, $0xb8;
	[tilespmem:$0x4390] =	vst v63  }
0x15e: {  	s11 =	rddreg [dreg:$0x17]  }
0x15f: {  	[spmem:s2] =	stream.indirect.scatter.add.f32 [tilespmem:s8], [sflag:$0x1], $0x8, s11, s9, $0xb8;
	[tilespmem:$0x4390] =	vst v63  }
0x160: {  	s10 =	rddreg [dreg:$0x18]  }
0x161: {  	[spmem:s2] =	stream.indirect.scatter.add.f32 [tilespmem:s8], [sflag:$0x1], $0x8, s10, s9, $0xb8;
	[tilespmem:$0x4390] =	vst v63  }
0x162: {  	s11 =	rddreg [dreg:$0x19]  }
0x163: {  	[spmem:s2] =	stream.indirect.scatter.add.f32 [tilespmem:s8], [sflag:$0x1], $0x8, s11, s9, $0xb8;
	[tilespmem:$0x4390] =	vst v63  }
0x164: {  	s10 =	rddreg [dreg:$0x1a]  }
0x165: {  	[spmem:s2] =	stream.indirect.scatter.add.f32 [tilespmem:s8], [sflag:$0x1], $0x8, s10, s9, $0xb8;
	[tilespmem:$0x4390] =	vst v63  }
0x166: {  	s11 =	rddreg [dreg:$0x1b]  }
0x167: {  	[spmem:s2] =	stream.indirect.scatter.add.f32 [tilespmem:s8], [sflag:$0x1], $0x8, s11, s9, $0xb8;
	[tilespmem:$0x4390] =	vst v63  }
0x168: {  	s10 =	rddreg [dreg:$0x1c]  }
0x169: {  	[spmem:s2] =	stream.indirect.scatter.add.f32 [tilespmem:s8], [sflag:$0x1], $0x8, s10, s9, $0xb8;
	[tilespmem:$0x4390] =	vst v63  }
0x16a: {  	s11 =	simm.s32 $0x1700  }
0x16b: {  	[spmem:s2] =	stream.indirect.scatter.add.f32 [tilespmem:s8], [sflag:$0x1], $0x8, s11, s9, $0xb8;
	[tilespmem:$0x4390] =	vst v63  }
0x16c: {  	_ =	swait.ge [sflag:s6], $0x800  }
0x16d: {  	[sflag:s6] =	ssyncset.done $0x0  }
0x16e: {  	[sflag:s6] =	ssyncadd.s32 $0xFFFFF800  }
0x16f: {  	_ =	swait.ge [sflag:s6], $0x800  }
0x170: {  	[sflag:s6] =	ssyncset.done $0x0  }
0x171: {  	[sflag:s6] =	ssyncadd.s32 $0xFFFFF800  }
0x172: {  	_ =	swait.ge [sflag:s6], $0x800  }
0x173: {  	[sflag:s6] =	ssyncset.done $0x0  }
0x174: {  	[sflag:s6] =	ssyncadd.s32 $0xFFFFF800  }
0x175: {  	_ =	swait.ge [sflag:s6], $0x800  }
0x176: {  	[sflag:s6] =	ssyncset.done $0x0  }
0x177: {  	[sflag:s6] =	ssyncadd.s32 $0xFFFFF800  }
0x178: {  	_ =	swait.ge [sflag:s6], $0x800  }
0x179: {  	[sflag:s6] =	ssyncset.done $0x0  }
0x17a: {  	[sflag:s6] =	ssyncadd.s32 $0xFFFFF800  }
0x17b: {  	_ =	swait.ge [sflag:s6], $0x800  }
0x17c: {  	[sflag:s6] =	ssyncset.done $0x0  }
0x17d: {  	[sflag:s6] =	ssyncadd.s32 $0xFFFFF800  }
0x17e: {  	_ =	swait.ge [sflag:s6], $0x800  }
0x17f: {  	[sflag:s6] =	ssyncset.done $0x0  }
0x180: {  	[sflag:s6] =	ssyncadd.s32 $0xFFFFF800  }
0x181: {  	_ =	swait.ge [sflag:s6], $0x800  }
0x182: {  	[sflag:s6] =	ssyncset.done $0x0  }
0x183: {  	[sflag:s6] =	ssyncadd.s32 $0xFFFFF800  }
0x184: {  	[spmem:s2] =	stream.indirect.scatter.add.f32 [tilespmem:s8], [sflag:$0x1], $0x8, s19, s9, $0xb8;
	[tilespmem:$0x4390] =	vst v63  }
0x185: {  	_ = 	snop  }
0x186: {  	[spmem:s2] =	stream.indirect.scatter.add.f32 [tilespmem:s8], [sflag:$0x1], $0x8, s20, s9, $0xb8;
	[tilespmem:$0x4390] =	vst v63  }
0x187: {  	_ = 	snop  }
0x188: {  	[spmem:s2] =	stream.indirect.scatter.add.f32 [tilespmem:s8], [sflag:$0x1], $0x8, s21, s9, $0xb8;
	[tilespmem:$0x4390] =	vst v63  }
0x189: {  	_ = 	snop  }
0x18a: {  	[spmem:s2] =	stream.indirect.scatter.add.f32 [tilespmem:s8], [sflag:$0x1], $0x8, s22, s9, $0xb8;
	[tilespmem:$0x4390] =	vst v63  }
0x18b: {  	_ = 	snop  }
0x18c: {  	[spmem:s2] =	stream.indirect.scatter.add.f32 [tilespmem:s8], [sflag:$0x1], $0x8, s23, s9, $0xb8;
	[tilespmem:$0x4390] =	vst v63  }
0x18d: {  	_ = 	snop  }
0x18e: {  	[spmem:s2] =	stream.indirect.scatter.add.f32 [tilespmem:s8], [sflag:$0x1], $0x8, s24, s9, $0xb8;
	[tilespmem:$0x4390] =	vst v63  }
0x18f: {  	_ = 	snop  }
0x190: {  	[spmem:s2] =	stream.indirect.scatter.add.f32 [tilespmem:s8], [sflag:$0x1], $0x8, s25, s9, $0xb8;
	[tilespmem:$0x4390] =	vst v63  }
0x191: {  	_ = 	snop  }
0x192: {  	[spmem:s2] =	stream.indirect.scatter.add.f32 [tilespmem:s8], [sflag:$0x1], $0x8, s29, s9, $0xb8;
	[tilespmem:$0x4390] =	vst v63  }
0x193: {  	_ =	swait.ge [sflag:s6], $0x800  }
0x194: {  	[sflag:s6] =	ssyncset.done $0x0  }
0x195: {  	[sflag:s6] =	ssyncadd.s32 $0xFFFFF800  }
0x196: {  	_ =	swait.ge [sflag:s6], $0x800  }
0x197: {  	[sflag:s6] =	ssyncset.done $0x0  }
0x198: {  	[sflag:s6] =	ssyncadd.s32 $0xFFFFF800  }
0x199: {  	_ =	swait.ge [sflag:s6], $0x800  }
0x19a: {  	[sflag:s6] =	ssyncset.done $0x0  }
0x19b: {  	[sflag:s6] =	ssyncadd.s32 $0xFFFFF800  }
0x19c: {  	_ =	swait.ge [sflag:s6], $0x800  }
0x19d: {  	[sflag:s6] =	ssyncset.done $0x0  }
0x19e: {  	[sflag:s6] =	ssyncadd.s32 $0xFFFFF800  }
0x19f: {  	_ =	swait.ge [sflag:s6], $0x800  }
0x1a0: {  	[sflag:s6] =	ssyncset.done $0x0  }
0x1a1: {  	[sflag:s6] =	ssyncadd.s32 $0xFFFFF800  }
0x1a2: {  	_ =	swait.ge [sflag:s6], $0x800  }
0x1a3: {  	[sflag:s6] =	ssyncset.done $0x0  }
0x1a4: {  	[sflag:s6] =	ssyncadd.s32 $0xFFFFF800  }
0x1a5: {  	_ =	swait.ge [sflag:s6], $0x800  }
0x1a6: {  	[sflag:s6] =	ssyncset.done $0x0  }
0x1a7: {  	[sflag:s6] =	ssyncadd.s32 $0xFFFFF800  }
0x1a8: {  	_ =	swait.ge [sflag:s6], $0x800  }
0x1a9: {  	[sflag:s6] =	ssyncset.done $0x0  }
0x1aa: {  	[sflag:s6] =	ssyncadd.s32 $0xFFFFF800  }
0x1ab: {  	[spmem:s2] =	stream.indirect.scatter.add.f32 [tilespmem:s8], [sflag:$0x1], $0x8, s12, s9, $0xb8;
	[tilespmem:$0x4390] =	vst v63  }
0x1ac: {  	_ = 	snop  }
0x1ad: {  	[spmem:s2] =	stream.indirect.scatter.add.f32 [tilespmem:s8], [sflag:$0x1], $0x8, s13, s9, $0xb8;
	[tilespmem:$0x4390] =	vst v63  }
0x1ae: {  	_ = 	snop  }
0x1af: {  	[spmem:s2] =	stream.indirect.scatter.add.f32 [tilespmem:s8], [sflag:$0x1], $0x8, s14, s9, $0xb8;
	[tilespmem:$0x4390] =	vst v63  }
0x1b0: {  	_ = 	snop  }
0x1b1: {  	[spmem:s2] =	stream.indirect.scatter.add.f32 [tilespmem:s8], [sflag:$0x1], $0x8, s15, s9, $0xb8;
	[tilespmem:$0x4390] =	vst v63  }
0x1b2: {  	_ = 	snop  }
0x1b3: {  	[spmem:s2] =	stream.indirect.scatter.add.f32 [tilespmem:s8], [sflag:$0x1], $0x8, s16, s9, $0xb8;
	[tilespmem:$0x4390] =	vst v63  }
0x1b4: {  	_ = 	snop  }
0x1b5: {  	[spmem:s2] =	stream.indirect.scatter.add.f32 [tilespmem:s8], [sflag:$0x1], $0x8, s17, s9, $0xb8;
	[tilespmem:$0x4390] =	vst v63  }
0x1b6: {  	_ = 	snop  }
0x1b7: {  	[spmem:s2] =	stream.indirect.scatter.add.f32 [tilespmem:s8], [sflag:$0x1], $0x8, s18, s9, $0xb8;
	[tilespmem:$0x4390] =	vst v63  }
0x1b8: {  	_ =	swait.ge [sflag:s6], $0x800  }
0x1b9: {  	[sflag:s6] =	ssyncset.done $0x0  }
0x1ba: {  	[sflag:s6] =	ssyncadd.s32 $0xFFFFF800  }
0x1bb: {  	_ =	swait.ge [sflag:s6], $0x800  }
0x1bc: {  	[sflag:s6] =	ssyncset.done $0x0  }
0x1bd: {  	[sflag:s6] =	ssyncadd.s32 $0xFFFFF800  }
0x1be: {  	_ =	swait.ge [sflag:s6], $0x800  }
0x1bf: {  	[sflag:s6] =	ssyncset.done $0x0  }
0x1c0: {  	[sflag:s6] =	ssyncadd.s32 $0xFFFFF800  }
0x1c1: {  	_ =	swait.ge [sflag:s6], $0x800  }
0x1c2: {  	[sflag:s6] =	ssyncset.done $0x0  }
0x1c3: {  	[sflag:s6] =	ssyncadd.s32 $0xFFFFF800  }
0x1c4: {  	_ =	swait.ge [sflag:s6], $0x800  }
0x1c5: {  	[sflag:s6] =	ssyncset.done $0x0  }
0x1c6: {  	[sflag:s6] =	ssyncadd.s32 $0xFFFFF800  }
0x1c7: {  	_ =	swait.ge [sflag:s6], $0x800  }
0x1c8: {  	[sflag:s6] =	ssyncset.done $0x0  }
0x1c9: {  	[sflag:s6] =	ssyncadd.s32 $0xFFFFF800  }
0x1ca: {  	_ =	swait.ge [sflag:s6], $0x800  }
0x1cb: {  	[sflag:s6] =	ssyncset.done $0x0  }
0x1cc: {  	[sflag:s6] =	ssyncadd.s32 $0xFFFFF800  }
0x1cd: {  	[spmem:s2] =	stream.indirect.scatter.add.f32 @!p0 [tilespmem:s0], [sflag:$0x2], $0x8, s30, s31, $0xb8;
	[tilespmem:$0x4390] =	vst v63  }
0x1ce: {  	s1 =	sadd.s32 $0xFFFFFFFF, s1;
	_ =	swait.ge @!p0 [sflag:s28], $0x800  }
0x1cf: {  	p2 =	sne.s32 s1, $0x0;
	[sflag:s28] =	ssyncset.done @!p0 $0x0  }
.Ltmp2:
0x1d0: {  	[sflag:s28] =	ssyncadd.s32 @!p0 $0xFFFFF800;
	(pc) =	sbr.rel @p2 .LBB2_4-.Ltmp2, $4  }
0x1d1: {  	[bflag:$0x0] =	sbarrier.arrive $0xFFFF  }
0x1d2: {  	[hbm:s7], [sflag:s4] =	dma.local [spmem:s5], $0x272  }
0x1d3: {  	_ =	swait.ge [sflag:s3], $0x272  }
0x1d4: {  	s10 =	rddreg [dreg:$0x6];
	[sflag:s3] =	ssyncset.done $0x0  }
0x1d5: {  	s30 =	simm.s32 $0x1700;
	s28 =	rddreg [dreg:$0x3];
	s29 =	stileid.u32  }
0x1d6: {  	s12 =	simm.s32 $0x2000;
	s13 =	simm.s32 $0x2100;
	s14 =	simm.s32 $0x2200  }
0x1d7: {  	s15 =	simm.s32 $0x2300;
	s16 =	simm.s32 $0x2400;
	s17 =	simm.s32 $0x2500  }
0x1d8: {  	s18 =	simm.s32 $0x2600;
	s19 =	simm.s32 $0x1800;
	s20 =	simm.s32 $0x1900  }
0x1d9: {  	s21 =	simm.s32 $0x1A00;
	s22 =	simm.s32 $0x1B00;
	s23 =	simm.s32 $0x1C00  }
0x1da: {  	s24 =	simm.s32 $0x1D00;
	s25 =	simm.s32 $0x1E00;
	s31 =	simm.s32 $0x1F00  }
.LBB2_6:
0x1db: {  	[sflag:s3] =	ssyncadd.s32 @p1 $0xFFFFFD8E  }
0x1dc: {  	[tilespmem:s26], [sflag:$0x2] =	stream.linear.gather [hbm4b:s10+s26], $0x2700, $0x38;
	[tilespmem:$0x4390] =	vst v63  }
0x1dd: {  	_ =	swait.ge [sflag:s3], $0x2700  }
0x1de: {  	s1 =	simm.s32 @!p0 $0x2700;
	[sflag:s3] =	ssyncset.done $0x0  }
0x1df: {  	s10 =	simm.s32 @!p0 $0x0;
	s0 =	rddreg [dreg:$0x7];
	[sflag:s3] =	ssyncadd.s32 $0xFFFFD900  }
0x1e0: {  	[tilespmem:s1], [sflag:$0x2] =	stream.linear.gather @!p0 [hbm4b:s0+s10], $0x100, $0x38;
	[tilespmem:$0x4390] =	vst v63  }
0x1e1: {  	s0 =	simm.s32 @!p0 $0x2  }
0x1e2: {  	_ =	swait.ge @!p0 [sflag:s0], $0x100  }
0x1e3: {  	[sflag:s0] =	ssyncset.done @!p0 $0x0  }
0x1e4: {  	s11 =	rddreg [dreg:$0x4];
	[sflag:s0] =	ssyncadd.s32 @!p0 $0xFFFFFF00  }
0x1e5: {  	[tilespmem:s8], [sflag:$0x2] =	stream.linear.gather [hbm4b:s11+s26], $0x800, $0x38;
	[tilespmem:$0x4390] =	vst v63  }
0x1e6: {  	_ =	swait.ge [sflag:s3], $0x800  }
0x1e7: {  	[sflag:s3] =	ssyncset.done $0x0  }
0x1e8: {  	s11 =	rddreg [dreg:$0x5];
	[sflag:s3] =	ssyncadd.s32 $0xFFFFF800  }
0x1e9: {  	[spmem:s5], [sflag:s4] =	dma.local [hbm:s11], $0x272  }
0x1ea: {  	_ =	swait.ge [sflag:s3], $0x272  }
0x1eb: {  	[sflag:s3] =	ssyncset.done $0x0  }
0x1ec: {  	[sflag:s3] =	ssyncadd.s32 $0xFFFFFD8E  }
0x1ed: {  	[bflag:$0x0] =	sbarrier.arrive $0xFFFF  }
0x1ee: {  	[spmem:s2] =	stream.indirect.scatter.add.f32 [tilespmem:s8], [sflag:$0x1], $0x8, s26, s9, $0xb8;
	[tilespmem:$0x4390] =	vst v63  }
0x1ef: {  	_ = 	snop  }
0x1f0: {  	[spmem:s2] =	stream.indirect.scatter.add.f32 [tilespmem:s8], [sflag:$0x1], $0x8, s9, s9, $0xb8;
	[tilespmem:$0x4390] =	vst v63  }
0x1f1: {  	s26 =	rddreg [dreg:$0x8]  }
0x1f2: {  	[spmem:s2] =	stream.indirect.scatter.add.f32 [tilespmem:s8], [sflag:$0x1], $0x8, s26, s9, $0xb8;
	[tilespmem:$0x4390] =	vst v63  }
0x1f3: {  	s11 =	rddreg [dreg:$0x9]  }
0x1f4: {  	[spmem:s2] =	stream.indirect.scatter.add.f32 [tilespmem:s8], [sflag:$0x1], $0x8, s11, s9, $0xb8;
	[tilespmem:$0x4390] =	vst v63  }
0x1f5: {  	s10 =	rddreg [dreg:$0xa]  }
0x1f6: {  	[spmem:s2] =	stream.indirect.scatter.add.f32 [tilespmem:s8], [sflag:$0x1], $0x8, s10, s9, $0xb8;
	[tilespmem:$0x4390] =	vst v63  }
0x1f7: {  	s26 =	rddreg [dreg:$0xb]  }
0x1f8: {  	[spmem:s2] =	stream.indirect.scatter.add.f32 [tilespmem:s8], [sflag:$0x1], $0x8, s26, s9, $0xb8;
	[tilespmem:$0x4390] =	vst v63  }
0x1f9: {  	s10 =	rddreg [dreg:$0xc]  }
0x1fa: {  	[spmem:s2] =	stream.indirect.scatter.add.f32 [tilespmem:s8], [sflag:$0x1], $0x8, s10, s9, $0xb8;
	[tilespmem:$0x4390] =	vst v63  }
0x1fb: {  	s26 =	rddreg [dreg:$0xd]  }
0x1fc: {  	[spmem:s2] =	stream.indirect.scatter.add.f32 [tilespmem:s8], [sflag:$0x1], $0x8, s26, s9, $0xb8;
	[tilespmem:$0x4390] =	vst v63  }
0x1fd: {  	_ =	swait.ge [sflag:s6], $0x800  }
0x1fe: {  	[sflag:s6] =	ssyncset.done $0x0  }
0x1ff: {  	[sflag:s6] =	ssyncadd.s32 $0xFFFFF800  }
0x200: {  	_ =	swait.ge [sflag:s6], $0x800  }
0x201: {  	[sflag:s6] =	ssyncset.done $0x0  }
0x202: {  	[sflag:s6] =	ssyncadd.s32 $0xFFFFF800  }
0x203: {  	_ =	swait.ge [sflag:s6], $0x800  }
0x204: {  	[sflag:s6] =	ssyncset.done $0x0  }
0x205: {  	[sflag:s6] =	ssyncadd.s32 $0xFFFFF800  }
0x206: {  	_ =	swait.ge [sflag:s6], $0x800  }
0x207: {  	[sflag:s6] =	ssyncset.done $0x0  }
0x208: {  	[sflag:s6] =	ssyncadd.s32 $0xFFFFF800  }
0x209: {  	_ =	swait.ge [sflag:s6], $0x800  }
0x20a: {  	[sflag:s6] =	ssyncset.done $0x0  }
0x20b: {  	[sflag:s6] =	ssyncadd.s32 $0xFFFFF800  }
0x20c: {  	_ =	swait.ge [sflag:s6], $0x800  }
0x20d: {  	[sflag:s6] =	ssyncset.done $0x0  }
0x20e: {  	[sflag:s6] =	ssyncadd.s32 $0xFFFFF800  }
0x20f: {  	_ =	swait.ge [sflag:s6], $0x800  }
0x210: {  	[sflag:s6] =	ssyncset.done $0x0  }
0x211: {  	[sflag:s6] =	ssyncadd.s32 $0xFFFFF800  }
0x212: {  	_ =	swait.ge [sflag:s6], $0x800  }
0x213: {  	[sflag:s6] =	ssyncset.done $0x0  }
0x214: {  	s11 =	rddreg [dreg:$0xe];
	[sflag:s6] =	ssyncadd.s32 $0xFFFFF800  }
0x215: {  	[spmem:s2] =	stream.indirect.scatter.add.f32 [tilespmem:s8], [sflag:$0x1], $0x8, s11, s9, $0xb8;
	[tilespmem:$0x4390] =	vst v63  }
0x216: {  	s26 =	rddreg [dreg:$0xf]  }
0x217: {  	[spmem:s2] =	stream.indirect.scatter.add.f32 [tilespmem:s8], [sflag:$0x1], $0x8, s26, s9, $0xb8;
	[tilespmem:$0x4390] =	vst v63  }
0x218: {  	s10 =	rddreg [dreg:$0x10]  }
0x219: {  	[spmem:s2] =	stream.indirect.scatter.add.f32 [tilespmem:s8], [sflag:$0x1], $0x8, s10, s9, $0xb8;
	[tilespmem:$0x4390] =	vst v63  }
0x21a: {  	s26 =	rddreg [dreg:$0x11]  }
0x21b: {  	[spmem:s2] =	stream.indirect.scatter.add.f32 [tilespmem:s8], [sflag:$0x1], $0x8, s26, s9, $0xb8;
	[tilespmem:$0x4390] =	vst v63  }
0x21c: {  	s10 =	rddreg [dreg:$0x12]  }
0x21d: {  	[spmem:s2] =	stream.indirect.scatter.add.f32 [tilespmem:s8], [sflag:$0x1], $0x8, s10, s9, $0xb8;
	[tilespmem:$0x4390] =	vst v63  }
0x21e: {  	s26 =	rddreg [dreg:$0x13]  }
0x21f: {  	[spmem:s2] =	stream.indirect.scatter.add.f32 [tilespmem:s8], [sflag:$0x1], $0x8, s26, s9, $0xb8;
	[tilespmem:$0x4390] =	vst v63  }
0x220: {  	s10 =	rddreg [dreg:$0x14]  }
0x221: {  	[spmem:s2] =	stream.indirect.scatter.add.f32 [tilespmem:s8], [sflag:$0x1], $0x8, s10, s9, $0xb8;
	[tilespmem:$0x4390] =	vst v63  }
0x222: {  	s26 =	rddreg [dreg:$0x15]  }
0x223: {  	[spmem:s2] =	stream.indirect.scatter.add.f32 [tilespmem:s8], [sflag:$0x1], $0x8, s26, s9, $0xb8;
	[tilespmem:$0x4390] =	vst v63  }
0x224: {  	_ =	swait.ge [sflag:s6], $0x800  }
0x225: {  	[sflag:s6] =	ssyncset.done $0x0  }
0x226: {  	[sflag:s6] =	ssyncadd.s32 $0xFFFFF800  }
0x227: {  	_ =	swait.ge [sflag:s6], $0x800  }
0x228: {  	[sflag:s6] =	ssyncset.done $0x0  }
0x229: {  	[sflag:s6] =	ssyncadd.s32 $0xFFFFF800  }
0x22a: {  	_ =	swait.ge [sflag:s6], $0x800  }
0x22b: {  	[sflag:s6] =	ssyncset.done $0x0  }
0x22c: {  	[sflag:s6] =	ssyncadd.s32 $0xFFFFF800  }
0x22d: {  	_ =	swait.ge [sflag:s6], $0x800  }
0x22e: {  	[sflag:s6] =	ssyncset.done $0x0  }
0x22f: {  	[sflag:s6] =	ssyncadd.s32 $0xFFFFF800  }
0x230: {  	_ =	swait.ge [sflag:s6], $0x800  }
0x231: {  	[sflag:s6] =	ssyncset.done $0x0  }
0x232: {  	[sflag:s6] =	ssyncadd.s32 $0xFFFFF800  }
0x233: {  	_ =	swait.ge [sflag:s6], $0x800  }
0x234: {  	[sflag:s6] =	ssyncset.done $0x0  }
0x235: {  	[sflag:s6] =	ssyncadd.s32 $0xFFFFF800  }
0x236: {  	_ =	swait.ge [sflag:s6], $0x800  }
0x237: {  	[sflag:s6] =	ssyncset.done $0x0  }
0x238: {  	[sflag:s6] =	ssyncadd.s32 $0xFFFFF800  }
0x239: {  	_ =	swait.ge [sflag:s6], $0x800  }
0x23a: {  	[sflag:s6] =	ssyncset.done $0x0  }
0x23b: {  	s26 =	rddreg [dreg:$0x16];
	[sflag:s6] =	ssyncadd.s32 $0xFFFFF800  }
0x23c: {  	[spmem:s2] =	stream.indirect.scatter.add.f32 [tilespmem:s8], [sflag:$0x1], $0x8, s26, s9, $0xb8;
	[tilespmem:$0x4390] =	vst v63  }
0x23d: {  	s11 =	rddreg [dreg:$0x17]  }
0x23e: {  	[spmem:s2] =	stream.indirect.scatter.add.f32 [tilespmem:s8], [sflag:$0x1], $0x8, s11, s9, $0xb8;
	[tilespmem:$0x4390] =	vst v63  }
0x23f: {  	s26 =	rddreg [dreg:$0x18]  }
0x240: {  	[spmem:s2] =	stream.indirect.scatter.add.f32 [tilespmem:s8], [sflag:$0x1], $0x8, s26, s9, $0xb8;
	[tilespmem:$0x4390] =	vst v63  }
0x241: {  	s11 =	rddreg [dreg:$0x19]  }
0x242: {  	[spmem:s2] =	stream.indirect.scatter.add.f32 [tilespmem:s8], [sflag:$0x1], $0x8, s11, s9, $0xb8;
	[tilespmem:$0x4390] =	vst v63  }
0x243: {  	s26 =	rddreg [dreg:$0x1a]  }
0x244: {  	[spmem:s2] =	stream.indirect.scatter.add.f32 [tilespmem:s8], [sflag:$0x1], $0x8, s26, s9, $0xb8;
	[tilespmem:$0x4390] =	vst v63  }
0x245: {  	s11 =	rddreg [dreg:$0x1b]  }
0x246: {  	[spmem:s2] =	stream.indirect.scatter.add.f32 [tilespmem:s8], [sflag:$0x1], $0x8, s11, s9, $0xb8;
	[tilespmem:$0x4390] =	vst v63  }
0x247: {  	s26 =	rddreg [dreg:$0x1c]  }
0x248: {  	[spmem:s2] =	stream.indirect.scatter.add.f32 [tilespmem:s8], [sflag:$0x1], $0x8, s26, s9, $0xb8;
	[tilespmem:$0x4390] =	vst v63  }
0x249: {  	_ = 	snop  }
0x24a: {  	[spmem:s2] =	stream.indirect.scatter.add.f32 [tilespmem:s8], [sflag:$0x1], $0x8, s30, s9, $0xb8;
	[tilespmem:$0x4390] =	vst v63  }
0x24b: {  	_ =	swait.ge [sflag:s6], $0x800  }
0x24c: {  	[sflag:s6] =	ssyncset.done $0x0  }
0x24d: {  	[sflag:s6] =	ssyncadd.s32 $0xFFFFF800  }
0x24e: {  	_ =	swait.ge [sflag:s6], $0x800  }
0x24f: {  	[sflag:s6] =	ssyncset.done $0x0  }
0x250: {  	[sflag:s6] =	ssyncadd.s32 $0xFFFFF800  }
0x251: {  	_ =	swait.ge [sflag:s6], $0x800  }
0x252: {  	[sflag:s6] =	ssyncset.done $0x0  }
0x253: {  	[sflag:s6] =	ssyncadd.s32 $0xFFFFF800  }
0x254: {  	_ =	swait.ge [sflag:s6], $0x800  }
0x255: {  	[sflag:s6] =	ssyncset.done $0x0  }
0x256: {  	[sflag:s6] =	ssyncadd.s32 $0xFFFFF800  }
0x257: {  	_ =	swait.ge [sflag:s6], $0x800  }
0x258: {  	[sflag:s6] =	ssyncset.done $0x0  }
0x259: {  	[sflag:s6] =	ssyncadd.s32 $0xFFFFF800  }
0x25a: {  	_ =	swait.ge [sflag:s6], $0x800  }
0x25b: {  	[sflag:s6] =	ssyncset.done $0x0  }
0x25c: {  	[sflag:s6] =	ssyncadd.s32 $0xFFFFF800  }
0x25d: {  	_ =	swait.ge [sflag:s6], $0x800  }
0x25e: {  	[sflag:s6] =	ssyncset.done $0x0  }
0x25f: {  	[sflag:s6] =	ssyncadd.s32 $0xFFFFF800  }
0x260: {  	_ =	swait.ge [sflag:s6], $0x800  }
0x261: {  	[sflag:s6] =	ssyncset.done $0x0  }
0x262: {  	[sflag:s6] =	ssyncadd.s32 $0xFFFFF800  }
0x263: {  	[spmem:s2] =	stream.indirect.scatter.add.f32 [tilespmem:s8], [sflag:$0x1], $0x8, s19, s9, $0xb8;
	[tilespmem:$0x4390] =	vst v63  }
0x264: {  	_ = 	snop  }
0x265: {  	[spmem:s2] =	stream.indirect.scatter.add.f32 [tilespmem:s8], [sflag:$0x1], $0x8, s20, s9, $0xb8;
	[tilespmem:$0x4390] =	vst v63  }
0x266: {  	_ = 	snop  }
0x267: {  	[spmem:s2] =	stream.indirect.scatter.add.f32 [tilespmem:s8], [sflag:$0x1], $0x8, s21, s9, $0xb8;
	[tilespmem:$0x4390] =	vst v63  }
0x268: {  	_ = 	snop  }
0x269: {  	[spmem:s2] =	stream.indirect.scatter.add.f32 [tilespmem:s8], [sflag:$0x1], $0x8, s22, s9, $0xb8;
	[tilespmem:$0x4390] =	vst v63  }
0x26a: {  	_ = 	snop  }
0x26b: {  	[spmem:s2] =	stream.indirect.scatter.add.f32 [tilespmem:s8], [sflag:$0x1], $0x8, s23, s9, $0xb8;
	[tilespmem:$0x4390] =	vst v63  }
0x26c: {  	_ = 	snop  }
0x26d: {  	[spmem:s2] =	stream.indirect.scatter.add.f32 [tilespmem:s8], [sflag:$0x1], $0x8, s24, s9, $0xb8;
	[tilespmem:$0x4390] =	vst v63  }
0x26e: {  	_ = 	snop  }
0x26f: {  	[spmem:s2] =	stream.indirect.scatter.add.f32 [tilespmem:s8], [sflag:$0x1], $0x8, s25, s9, $0xb8;
	[tilespmem:$0x4390] =	vst v63  }
0x270: {  	_ = 	snop  }
0x271: {  	[spmem:s2] =	stream.indirect.scatter.add.f32 [tilespmem:s8], [sflag:$0x1], $0x8, s31, s9, $0xb8;
	[tilespmem:$0x4390] =	vst v63  }
0x272: {  	_ =	swait.ge [sflag:s6], $0x800  }
0x273: {  	[sflag:s6] =	ssyncset.done $0x0  }
0x274: {  	[sflag:s6] =	ssyncadd.s32 $0xFFFFF800  }
0x275: {  	_ =	swait.ge [sflag:s6], $0x800  }
0x276: {  	[sflag:s6] =	ssyncset.done $0x0  }
0x277: {  	[sflag:s6] =	ssyncadd.s32 $0xFFFFF800  }
0x278: {  	_ =	swait.ge [sflag:s6], $0x800  }
0x279: {  	[sflag:s6] =	ssyncset.done $0x0  }
0x27a: {  	[sflag:s6] =	ssyncadd.s32 $0xFFFFF800  }
0x27b: {  	_ =	swait.ge [sflag:s6], $0x800  }
0x27c: {  	[sflag:s6] =	ssyncset.done $0x0  }
0x27d: {  	[sflag:s6] =	ssyncadd.s32 $0xFFFFF800  }
0x27e: {  	_ =	swait.ge [sflag:s6], $0x800  }
0x27f: {  	[sflag:s6] =	ssyncset.done $0x0  }
0x280: {  	[sflag:s6] =	ssyncadd.s32 $0xFFFFF800  }
0x281: {  	_ =	swait.ge [sflag:s6], $0x800  }
0x282: {  	[sflag:s6] =	ssyncset.done $0x0  }
0x283: {  	[sflag:s6] =	ssyncadd.s32 $0xFFFFF800  }
0x284: {  	_ =	swait.ge [sflag:s6], $0x800  }
0x285: {  	[sflag:s6] =	ssyncset.done $0x0  }
0x286: {  	[sflag:s6] =	ssyncadd.s32 $0xFFFFF800  }
0x287: {  	_ =	swait.ge [sflag:s6], $0x800  }
0x288: {  	[sflag:s6] =	ssyncset.done $0x0  }
0x289: {  	[sflag:s6] =	ssyncadd.s32 $0xFFFFF800  }
0x28a: {  	[spmem:s2] =	stream.indirect.scatter.add.f32 [tilespmem:s8], [sflag:$0x1], $0x8, s12, s9, $0xb8;
	[tilespmem:$0x4390] =	vst v63  }
0x28b: {  	_ = 	snop  }
0x28c: {  	[spmem:s2] =	stream.indirect.scatter.add.f32 [tilespmem:s8], [sflag:$0x1], $0x8, s13, s9, $0xb8;
	[tilespmem:$0x4390] =	vst v63  }
0x28d: {  	_ = 	snop  }
0x28e: {  	[spmem:s2] =	stream.indirect.scatter.add.f32 [tilespmem:s8], [sflag:$0x1], $0x8, s14, s9, $0xb8;
	[tilespmem:$0x4390] =	vst v63  }
0x28f: {  	_ = 	snop  }
0x290: {  	[spmem:s2] =	stream.indirect.scatter.add.f32 [tilespmem:s8], [sflag:$0x1], $0x8, s15, s9, $0xb8;
	[tilespmem:$0x4390] =	vst v63  }
0x291: {  	_ = 	snop  }
0x292: {  	[spmem:s2] =	stream.indirect.scatter.add.f32 [tilespmem:s8], [sflag:$0x1], $0x8, s16, s9, $0xb8;
	[tilespmem:$0x4390] =	vst v63  }
0x293: {  	_ = 	snop  }
0x294: {  	[spmem:s2] =	stream.indirect.scatter.add.f32 [tilespmem:s8], [sflag:$0x1], $0x8, s17, s9, $0xb8;
	[tilespmem:$0x4390] =	vst v63  }
0x295: {  	_ = 	snop  }
0x296: {  	[spmem:s2] =	stream.indirect.scatter.add.f32 [tilespmem:s8], [sflag:$0x1], $0x8, s18, s9, $0xb8;
	[tilespmem:$0x4390] =	vst v63  }
0x297: {  	_ =	swait.ge [sflag:s6], $0x800  }
0x298: {  	[sflag:s6] =	ssyncset.done $0x0  }
0x299: {  	[sflag:s6] =	ssyncadd.s32 $0xFFFFF800  }
0x29a: {  	_ =	swait.ge [sflag:s6], $0x800  }
0x29b: {  	[sflag:s6] =	ssyncset.done $0x0  }
0x29c: {  	[sflag:s6] =	ssyncadd.s32 $0xFFFFF800  }
0x29d: {  	_ =	swait.ge [sflag:s6], $0x800  }
0x29e: {  	[sflag:s6] =	ssyncset.done $0x0  }
0x29f: {  	[sflag:s6] =	ssyncadd.s32 $0xFFFFF800  }
0x2a0: {  	_ =	swait.ge [sflag:s6], $0x800  }
0x2a1: {  	[sflag:s6] =	ssyncset.done $0x0  }
0x2a2: {  	[sflag:s6] =	ssyncadd.s32 $0xFFFFF800  }
0x2a3: {  	_ =	swait.ge [sflag:s6], $0x800  }
0x2a4: {  	[sflag:s6] =	ssyncset.done $0x0  }
0x2a5: {  	[sflag:s6] =	ssyncadd.s32 $0xFFFFF800  }
0x2a6: {  	_ =	swait.ge [sflag:s6], $0x800  }
0x2a7: {  	[sflag:s6] =	ssyncset.done $0x0  }
0x2a8: {  	[sflag:s6] =	ssyncadd.s32 $0xFFFFF800  }
0x2a9: {  	_ =	swait.ge [sflag:s6], $0x800  }
0x2aa: {  	[sflag:s6] =	ssyncset.done $0x0  }
0x2ab: {  	s8 =	simm.s32 @!p0 $0x2800;
	[sflag:s6] =	ssyncadd.s32 $0xFFFFF800;
	s6 =	simm.s32 @!p0 $0x100  }
0x2ac: {  	[spmem:s2] =	stream.indirect.scatter.add.f32 @!p0 [tilespmem:s8], [sflag:$0x2], $0x8, s1, s6, $0xb8;
	[tilespmem:$0x4390] =	vst v63  }
0x2ad: {  	_ =	swait.ge @!p0 [sflag:s0], $0x800  }
0x2ae: {  	[sflag:s0] =	ssyncset.done @!p0 $0x0  }
0x2af: {  	[sflag:s0] =	ssyncadd.s32 @!p0 $0xFFFFF800  }
0x2b0: {  	[bflag:$0x0] =	sbarrier.arrive $0xFFFF  }
0x2b1: {  	[hbm:s7], [sflag:s4] =	dma.local [spmem:s5], $0x272  }
0x2b2: {  	_ =	swait.ge [sflag:s3], $0x272  }
0x2b3: {  	[sflag:s3] =	ssyncset.done $0x0  }
0x2b4: {  	[sflag:s3] =	ssyncadd.s32 $0xFFFFFD8E  }
0x2b5: {  	_ =	sfence.sel $0x180000  }
0x2b6: {  	[bflag:$0x0] =	sbarrier.arrive $0xFFFF  }
0x2b7: {  	p0 =	sne.s32 s29, $0x0;
	_ =	strace $0x90000047  }
0x2b8: {  	s0 =	sadd.s32 @!p0 $0x100000, s28;
	[bflag:$0x2] =	sbarrier.arrive $0xFFFF  }
0x2b9: {  	[sflag:s0] =	ssyncadd.tile.s32 @!p0 $0x1;
	_ =	shalt  }
.LBB2_1:
.Ltmp3:
0x2ba: {  	(pc) =	sbr.rel .LBB2_6-.Ltmp3, $2  }
0x2bb: {  	_ =	sdelay $0x2  }
0x2bc: {  	s30 =	simm.s32 $0x1700  }
.LBB2_3:
0x2bd: {  	s30 =	simm.s32 $0x1700  }
0x2be: {  	s28 =	rddreg [dreg:$0x3];
	s29 =	stileid.u32;
	s12 =	simm.s32 $0x2000  }
.Ltmp4:
0x2bf: {  	s13 =	simm.s32 $0x2100;
	s14 =	simm.s32 $0x2200;
	(pc) =	sbr.rel .LBB2_6-.Ltmp4, $4  }
0x2c0: {  	s15 =	simm.s32 $0x2300;
	s16 =	simm.s32 $0x2400;
	s17 =	simm.s32 $0x2500  }
0x2c1: {  	s18 =	simm.s32 $0x2600;
	s19 =	simm.s32 $0x1800;
	s20 =	simm.s32 $0x1900  }
0x2c2: {  	s21 =	simm.s32 $0x1A00;
	s22 =	simm.s32 $0x1B00;
	s23 =	simm.s32 $0x1C00  }
0x2c3: {  	s24 =	simm.s32 $0x1D00;
	s25 =	simm.s32 $0x1E00;
	s31 =	simm.s32 $0x1F00  }
.Lfunc_end2:
_tile_overlayer_lowered:
.L_overlay_start_2:
0x2c4: {  	(tag) =	ssettag $0x2  }
0x2c5: {  	s0 =	rddreg [dreg:$0x0];
	s2 =	stileid.u32  }
0x2c6: {  	s1 =	rddreg [dreg:$0x1];
	p0 =	sne.s32 s2, $0x0  }
0x2c7: {  	s3 =	rddreg [dreg:$0x2];
	[bflag:$0x3] =	sbarrier.arrive $0xFFFF;
	s2 =	simm.s32 @!p0 $0x1C02  }
0x2c8: {  	[timem:s3], [sflag:s2] =	dma.local @!p0 [hbm:s0], s1  }
0x2c9: {  	s0 =	simm.s32 @!p0 $0x2  }
0x2ca: {  	_ =	swait.ge @!p0 [sflag:s0], s1  }
0x2cb: {  	s1 =	ssub.s32 @!p0 $0x0, s1;
	[sflag:s0] =	ssyncset.done @!p0 $0x0  }
0x2cc: {  	[sflag:s0] =	ssyncadd.s32 @!p0 s1  }
0x2cd: {  	[bflag:$0x3] =	sbarrier.arrive $0xFFFF  }
0x2ce: {  	_ =	shalt  }

</sc_bundles>
